<compile_context>
chip_gen: v7x
topology: tpu7x:2x2x1
jax: 0.10.2.dev20260603
libtpu: 0.0.44.dev20260713+nightly
codegen_flags: <defaults>
</compile_context>

<pallas_src>
import functools

import jax
import jax.numpy as jnp
from jax import lax
from jax.experimental import pallas as pl
from jax.experimental.pallas import tpu as pltpu
from jax.experimental.pallas import tpu_sc as plsc

NC = 2
NS = 16
NW = NC * NS
LANES = 16
CH = 80


def _silu(v):
    return v * jax.nn.sigmoid(v)


def _pick_block(total, prefs):
    for b in prefs:
        if b <= total and total % b == 0:
            return b
    return total


def _pre_body(h_ref, w1a_ref, w1b_ref, a_ref, b_ref):
    h = h_ref[...]
    a_ref[...] = jnp.dot(h, w1a_ref[...], preferred_element_type=jnp.float32)
    b_ref[...] = jnp.dot(h, w1b_ref[...], preferred_element_type=jnp.float32)


def _tc_pre(h, w1a, w1b):
    n, d = h.shape
    bn = _pick_block(n, (2000, 1000, 500, 400, 200, 100, 50, 40, 20, 10, 8))
    grid = (n // bn,)
    return pl.pallas_call(
        _pre_body,
        grid=grid,
        in_specs=[
            pl.BlockSpec((bn, d), lambda i: (i, 0)),
            pl.BlockSpec((d, d), lambda i: (0, 0)),
            pl.BlockSpec((d, d), lambda i: (0, 0)),
        ],
        out_specs=[
            pl.BlockSpec((bn, d), lambda i: (i, 0)),
            pl.BlockSpec((bn, d), lambda i: (i, 0)),
        ],
        out_shape=[
            jax.ShapeDtypeStruct((n, d), jnp.float32),
            jax.ShapeDtypeStruct((n, d), jnp.float32),
        ],
    )(h, w1a, w1b)


def _sc_gather_body(epw, ch, dv, dx,
                    a_hbm, b_hbm, xf_hbm, src_hbm, dst_hbm,
                    m1_hbm, df_hbm,
                    src_v, dst_v, xf_v, buf_a0, buf_b0, buf_a1, buf_b1,
                    buf_df, sa0, sb0, sa1, sb1):
    c = lax.axis_index("c")
    s = lax.axis_index("s")
    wid = s * NC + c
    ebase = wid * epw
    nch = epw // ch
    pltpu.sync_copy(src_hbm.at[pl.ds(ebase, epw)], src_v)
    pltpu.sync_copy(dst_hbm.at[pl.ds(ebase, epw)], dst_v)
    pltpu.sync_copy(xf_hbm, xf_v)

    zvec = jnp.zeros((LANES,), jnp.float32)

    def zrow(r, carry):
        buf_df[r, :] = zvec
        return carry

    lax.fori_loop(0, ch, zrow, 0)

    def start_g(j, ba, bb, sa, sb):
        off = j * ch
        pltpu.async_copy(a_hbm.at[src_v.at[pl.ds(off, ch)]], ba, sa)
        pltpu.async_copy(b_hbm.at[dst_v.at[pl.ds(off, ch)]], bb, sb)

    def wait_g(ba, bb, sa, sb):
        pltpu.make_async_copy(a_hbm.at[src_v.at[pl.ds(0, ch)]], ba, sa).wait()
        pltpu.make_async_copy(b_hbm.at[dst_v.at[pl.ds(0, ch)]], bb, sb).wait()

    def process(j, ba, bb):
        off = j * ch
        for g in range(ch // LANES):
            il = lax.iota(jnp.int32, LANES) + g * LANES
            sv = src_v[pl.ds(off + g * LANES, LANES)] * 4
            dvv = dst_v[pl.ds(off + g * LANES, LANES)] * 4
            for comp in range(3):
                xs = plsc.load_gather(xf_v, [sv + comp])
                xd = plsc.load_gather(xf_v, [dvv + comp])
                cv = jnp.full((LANES,), comp, jnp.int32)
                plsc.store_scatter(buf_df, [il, cv], xs - xd)

        def add_row(r, carry2):
            for kk in range(dv):
                ba[r, pl.ds(kk * LANES, LANES)] = (
                    ba[r, pl.ds(kk * LANES, LANES)]
                    + bb[r, pl.ds(kk * LANES, LANES)])
            return carry2

        lax.fori_loop(0, ch, add_row, 0)
        pltpu.sync_copy(ba, m1_hbm.at[pl.ds(ebase + off, ch)])
        pltpu.sync_copy(buf_df, df_hbm.at[pl.ds(ebase + off, ch)])

    start_g(0, buf_a0, buf_b0, sa0, sb0)

    def pair(jj, carry):
        j0 = 2 * jj
        start_g(j0 + 1, buf_a1, buf_b1, sa1, sb1)
        wait_g(buf_a0, buf_b0, sa0, sb0)
        process(j0, buf_a0, buf_b0)
        lax.cond(j0 + 2 < nch,
                 lambda: start_g(j0 + 2, buf_a0, buf_b0, sa0, sb0),
                 lambda: None)
        wait_g(buf_a1, buf_b1, sa1, sb1)
        process(j0 + 1, buf_a1, buf_b1)
        return carry

    lax.fori_loop(0, nch // 2, pair, 0)
    if nch % 2:
        wait_g(buf_a0, buf_b0, sa0, sb0)
        process(nch - 1, buf_a0, buf_b0)


def _sc_gather(a, b, xf, src, dst, dx):
    e = src.shape[0]
    d = a.shape[1]
    n4 = xf.shape[0]
    epw = e // NW
    dv = d // LANES
    mesh = plsc.VectorSubcoreMesh(core_axis_name="c", subcore_axis_name="s",
                                  num_cores=NC, num_subcores=NS)
    body = functools.partial(_sc_gather_body, epw, CH, dv, dx)
    k = pl.kernel(
        body,
        out_type=[
            jax.ShapeDtypeStruct((e, d), jnp.float32),
            jax.ShapeDtypeStruct((e, dx), jnp.float32),
        ],
        mesh=mesh,
        scratch_types=[
            pltpu.VMEM((epw,), jnp.int32),
            pltpu.VMEM((epw,), jnp.int32),
            pltpu.VMEM((n4,), jnp.float32),
            pltpu.VMEM((CH, d), jnp.float32),
            pltpu.VMEM((CH, d), jnp.float32),
            pltpu.VMEM((CH, d), jnp.float32),
            pltpu.VMEM((CH, d), jnp.float32),
            pltpu.VMEM((CH, dx), jnp.float32),
            pltpu.SemaphoreType.DMA,
            pltpu.SemaphoreType.DMA,
            pltpu.SemaphoreType.DMA,
            pltpu.SemaphoreType.DMA,
        ],
        compiler_params=pltpu.CompilerParams(needs_layout_passes=False),
    )
    return k(a, b, xf, src, dst)


def _edge_body(m1p_ref, df_ref, s_ref, w1s_ref, bm1_ref, wm2_ref, bm2_ref,
               wc1_ref, bc1_ref, wc2_ref, bc2_ref, mij_ref, wd_ref):
    s = s_ref[...]
    lane = lax.broadcasted_iota(jnp.int32, s.shape, 1)
    s2 = jnp.where(lane == 0, s * s, s)
    m1 = (m1p_ref[...]
          + jnp.dot(s2, w1s_ref[...], preferred_element_type=jnp.float32)
          + bm1_ref[...])
    hid = _silu(m1)
    mij = _silu(jnp.dot(hid.astype(jnp.bfloat16), wm2_ref[...],
                        preferred_element_type=jnp.float32)
                + bm2_ref[...])
    mij_ref[...] = mij
    c1 = _silu(jnp.dot(mij.astype(jnp.bfloat16), wc1_ref[...],
               preferred_element_type=jnp.float32)
               + bc1_ref[...])
    coef = jnp.tanh(jnp.sum(c1 * wc2_ref[...], axis=1, keepdims=True)
                    + bc2_ref[...])
    wd = df_ref[...] * coef
    lane_wd = lax.broadcasted_iota(jnp.int32, wd.shape, 1)
    wd_ref[...] = jnp.where(lane_wd == 3, 1.0, wd)


def _tc_edge(m1pre, df, s8, w1s, bm1, wm2, bm2, wc1, bc1, wc2t, bc2):
    e, d = m1pre.shape
    dx = df.shape[1]
    be = _pick_block(e, (2560, 2048, 2000, 1600, 1280, 1000, 800, 640, 512,
                         400, 320, 256, 200, 160, 128, 80, 40, 16, 8))
    grid = (e // be,)
    zero = lambda i: (0, 0)
    return pl.pallas_call(
        _edge_body,
        grid=grid,
        in_specs=[
            pl.BlockSpec((be, d), lambda i: (i, 0)),
            pl.BlockSpec((be, dx), lambda i: (i, 0)),
            pl.BlockSpec((be, 8), lambda i: (i, 0)),
            pl.BlockSpec((8, d), zero),
            pl.BlockSpec((1, d), zero),
            pl.BlockSpec((d, d), zero),
            pl.BlockSpec((1, d), zero),
            pl.BlockSpec((d, d), zero),
            pl.BlockSpec((1, d), zero),
            pl.BlockSpec((1, d), zero),
            pl.BlockSpec((1, 1), zero),
        ],
        out_specs=[
            pl.BlockSpec((be, d), lambda i: (i, 0)),
            pl.BlockSpec((be, dx), lambda i: (i, 0)),
        ],
        out_shape=[
            jax.ShapeDtypeStruct((e, d), jnp.float32),
            jax.ShapeDtypeStruct((e, dx), jnp.float32),
        ],
    )(m1pre, df, s8, w1s, bm1, wm2, bm2, wc1, bc1, wc2t, bc2)


def _sc_scatter_body(n, epw, ch, dv,
                     mij_hbm, srcm_hbm, pm_hbm,
                     idx_v, mbuf, mbuf1, macc, sm0, sm1):
    c = lax.axis_index("c")
    s = lax.axis_index("s")
    wid = s * NC + c
    nchw = epw // ch

    zvec = jnp.zeros((LANES,), jnp.float32)

    def zrow_m(i, carry):
        mbuf[i // dv, pl.ds((i % dv) * LANES, LANES)] = zvec
        return carry

    lax.fori_loop(0, ch * dv, zrow_m, 0)

    nps = (n // NS) & ~7
    tail = n - NS * nps

    k = 0
    while k * ch < nps:
        rows = min(ch, nps - k * ch)
        base = s * nps + k * ch
        pltpu.sync_copy(mbuf.at[pl.ds(0, rows)], macc.at[pl.ds(base, rows)])
        k += 1
    if tail:
        @pl.when(s == 0)
        def _():
            pltpu.sync_copy(mbuf.at[pl.ds(0, tail)],
                            macc.at[pl.ds(NS * nps, tail)])
    plsc.subcore_barrier()

    ebase = wid * epw
    pltpu.sync_copy(srcm_hbm.at[wid], idx_v)

    def start_l(j, buf, sem):
        pltpu.async_copy(mij_hbm.at[pl.ds(ebase + j * ch, ch)], buf, sem)

    def wait_l(buf, sem):
        pltpu.make_async_copy(mij_hbm.at[pl.ds(ebase, ch)], buf, sem).wait()

    start_l(0, mbuf, sm0)

    def pair(jj, carry):
        j0 = 2 * jj
        start_l(j0 + 1, mbuf1, sm1)
        wait_l(mbuf, sm0)
        pltpu.sync_copy(mbuf, macc.at[idx_v.at[j0]], add=True)
        lax.cond(j0 + 2 < nchw,
                 lambda: start_l(j0 + 2, mbuf, sm0),
                 lambda: None)
        wait_l(mbuf1, sm1)
        pltpu.sync_copy(mbuf1, macc.at[idx_v.at[j0 + 1]], add=True)
        return carry

    lax.fori_loop(0, nchw // 2, pair, 0)
    if nchw % 2:
        wait_l(mbuf, sm0)
        pltpu.sync_copy(mbuf, macc.at[idx_v.at[nchw - 1]], add=True)
    plsc.subcore_barrier()

    k = 0
    while k * ch < nps:
        rows = min(ch, nps - k * ch)
        base = s * nps + k * ch
        pltpu.sync_copy(macc.at[pl.ds(base, rows)],
                        pm_hbm.at[c].at[pl.ds(base, rows)])
        k += 1
    if tail:
        @pl.when(s == 0)
        def _():
            pltpu.sync_copy(macc.at[pl.ds(NS * nps, tail)],
                            pm_hbm.at[c].at[pl.ds(NS * nps, tail)])


def _sc_scatter(mij, srcm, n):
    e, d = mij.shape
    epw = e // NW
    dv = d // LANES
    mesh = plsc.VectorSubcoreMesh(core_axis_name="c", subcore_axis_name="s", num_cores=NC, num_subcores=NS)
    body = functools.partial(_sc_scatter_body, n, epw, CH, dv)
    k = pl.kernel(
        body,
        out_type=[
            jax.ShapeDtypeStruct((NC, n, d), jnp.float32),
        ],
        mesh=mesh,
        scratch_types=[
            pltpu.VMEM((epw // CH, CH), jnp.int32),
            pltpu.VMEM((CH, d), jnp.float32),
            pltpu.VMEM((CH, d), jnp.float32),
            pltpu.VMEM_SHARED((n, d), jnp.float32),
            pltpu.SemaphoreType.DMA,
            pltpu.SemaphoreType.DMA,
        ],
        compiler_params=pltpu.CompilerParams(needs_layout_passes=False),
    )
    return k(mij, srcm)[0]


def _sc_wd_body(n, epw, ch, dx,
                wd_hbm, src_hbm, pd_hbm,
                src_v, wbuf, wbuf1, dacc4, sw0, sw1):
    c = lax.axis_index("c")
    s = lax.axis_index("s")
    wid = s * NC + c
    ebase = wid * epw
    nch = epw // ch

    zvec = jnp.zeros((LANES,), jnp.float32)

    def zrow(i, carry):
        dacc4[pl.ds(i * LANES, LANES)] = zvec
        return carry

    lax.fori_loop(0, (4 * n) // LANES, zrow, 0)
    pltpu.sync_copy(src_hbm.at[pl.ds(ebase, epw)], src_v)

    il0 = lax.iota(jnp.int32, LANES)

    def start_l(j, buf, sem):
        pltpu.async_copy(wd_hbm.at[pl.ds(ebase + j * ch, ch)], buf, sem)

    def wait_l(buf, sem):
        pltpu.make_async_copy(wd_hbm.at[pl.ds(ebase, ch)], buf, sem).wait()

    def process(j, buf):
        off = j * ch
        for g in range(ch // LANES):
            il = il0 + g * LANES
            sv = src_v[pl.ds(off + g * LANES, LANES)] * 4
            for comp in range(4):
                cv = jnp.full((LANES,), comp, jnp.int32)
                val = plsc.load_gather(buf, [il, cv])
                plsc.addupdate_scatter(dacc4, [sv + cv], val)

    start_l(0, wbuf, sw0)

    def pair(jj, carry):
        j0 = 2 * jj
        start_l(j0 + 1, wbuf1, sw1)
        wait_l(wbuf, sw0)
        process(j0, wbuf)
        lax.cond(j0 + 2 < nch,
                 lambda: start_l(j0 + 2, wbuf, sw0),
                 lambda: None)
        wait_l(wbuf1, sw1)
        process(j0 + 1, wbuf1)
        return carry

    lax.fori_loop(0, nch // 2, pair, 0)
    if nch % 2:
        wait_l(wbuf, sw0)
        process(nch - 1, wbuf)
    pltpu.sync_copy(dacc4, pd_hbm.at[wid])


def _sc_wd(wd, src, n):
    e, dx = wd.shape
    epw = e // NW
    mesh = plsc.VectorSubcoreMesh(core_axis_name="c", subcore_axis_name="s",
                                  num_cores=NC, num_subcores=NS)
    body = functools.partial(_sc_wd_body, n, epw, CH, dx)
    k = pl.kernel(
        body,
        out_type=[
            jax.ShapeDtypeStruct((NW, 4 * n), jnp.float32),
        ],
        mesh=mesh,
        scratch_types=[
            pltpu.VMEM((epw,), jnp.int32),
            pltpu.VMEM((CH, dx), jnp.float32),
            pltpu.VMEM((CH, dx), jnp.float32),
            pltpu.VMEM((4 * n,), jnp.float32),
            pltpu.SemaphoreType.DMA,
            pltpu.SemaphoreType.DMA,
        ],
        compiler_params=pltpu.CompilerParams(needs_layout_passes=False),
    )
    return k(wd, src)[0]


def _psum_body(p_ref, o_ref):
    o_ref[...] = jnp.sum(p_ref[...], axis=0)


def _tc_psum(p):
    nw, m = p.shape
    return pl.pallas_call(
        _psum_body,
        grid=(1,),
        in_specs=[pl.BlockSpec((nw, m), lambda i: (0, 0))],
        out_specs=pl.BlockSpec((m,), lambda i: (0,)),
        out_shape=jax.ShapeDtypeStruct((m,), jnp.float32),
    )(p)


def _node_body(h_ref, xp_ref, pm_ref, pd_ref, wh1a_ref, wh1b_ref, bh1_ref,
               wh2_ref, bh2_ref, hout_ref, xout_ref):
    msum = pm_ref[0] + pm_ref[1]
    dsum = pd_ref[...]
    cnt = jnp.maximum(dsum[:, 3:4], 1.0)
    m_i = msum / cnt
    h = h_ref[...]
    t = _silu(jnp.dot(h, wh1a_ref[...], preferred_element_type=jnp.float32)
              + jnp.dot(m_i, wh1b_ref[...], preferred_element_type=jnp.float32)
              + bh1_ref[...])
    hout_ref[...] = h + jnp.dot(t, wh2_ref[...],
                                preferred_element_type=jnp.float32) + bh2_ref[...]
    pad = jnp.zeros((xp_ref.shape[0], xp_ref.shape[1] - 4), jnp.float32)
    xout_ref[...] = xp_ref[...] + jnp.concatenate([dsum / cnt, pad], axis=1)


def _tc_node(h, xp, pm, pd, wh1a, wh1b, bh1, wh2, bh2):
    n, d = h.shape
    dx = xp.shape[1]
    bn = _pick_block(n, (2000, 1000, 500, 400, 200, 100, 50, 40, 20, 10, 8))
    grid = (n // bn,)
    zero = lambda i: (0, 0)
    return pl.pallas_call(
        _node_body,
        grid=grid,
        in_specs=[
            pl.BlockSpec((bn, d), lambda i: (i, 0)),
            pl.BlockSpec((bn, dx), lambda i: (i, 0)),
            pl.BlockSpec((NC, bn, d), lambda i: (0, i, 0)),
            pl.BlockSpec((bn, 4), lambda i: (i, 0)),
            pl.BlockSpec((d, d), zero),
            pl.BlockSpec((d, d), zero),
            pl.BlockSpec((1, d), zero),
            pl.BlockSpec((d, d), zero),
            pl.BlockSpec((1, d), zero),
        ],
        out_specs=[
            pl.BlockSpec((bn, d), lambda i: (i, 0)),
            pl.BlockSpec((bn, dx), lambda i: (i, 0)),
        ],
        out_shape=[
            jax.ShapeDtypeStruct((n, d), jnp.float32),
            jax.ShapeDtypeStruct((n, dx), jnp.float32),
        ],
    )(h, xp, pm, pd, wh1a, wh1b, bh1, wh2, bh2)


def kernel(h, x, src, dst, distances, bpp_bias, msa_bias, chem_bias,
           relative_offset, chain_break_mask, W_m1, b_m1, W_m2, b_m2,
           W_h1, b_h1, W_h2, b_h2, W_c1, b_c1, W_c2, b_c2):
    n, d = h.shape
    e = src.shape[0]
    dx = 16

    xp = jnp.zeros((n, dx), jnp.float32).at[:, :3].set(x)
    xf = jnp.zeros((n, 4), jnp.float32).at[:, :3].set(x).reshape(-1)
    s8 = jnp.concatenate(
        [jnp.stack([distances, bpp_bias, msa_bias, chem_bias,
                    relative_offset, chain_break_mask], axis=-1),
         jnp.zeros((e, 2), jnp.float32)], axis=-1)
    w1a = W_m1[:d]
    w1b = W_m1[d:2 * d]
    w1s = jnp.concatenate([W_m1[2 * d:], jnp.zeros((8 - (W_m1.shape[0] - 2 * d), d),
                                                   jnp.float32)], axis=0)
    bm1 = b_m1.reshape(1, d)
    bm2 = b_m2.reshape(1, d)
    bc1 = b_c1.reshape(1, d)
    wc2t = W_c2.reshape(1, d)
    bc2 = b_c2.reshape(1, 1)
    wh1a = W_h1[:d]
    wh1b = W_h1[d:]
    bh1 = b_h1.reshape(1, d)
    bh2 = b_h2.reshape(1, d)
    srcm = src.reshape(NW, e // (NW * CH), CH)

    a, b = _tc_pre(h, w1a, w1b)
    m1pre, df = _sc_gather(a, b, xf, src, dst, dx)
    mij, wdw = _tc_edge(m1pre, df, s8, w1s, bm1,
                        W_m2.astype(jnp.bfloat16), bm2,
                        W_c1.astype(jnp.bfloat16), bc1, wc2t, bc2)
    pm = _sc_scatter(mij, srcm, n)
    pd4 = _tc_psum(_sc_wd(wdw, src, n)).reshape(n, 4)
    h_out, x_out_p = _tc_node(h, xp, pm, pd4, wh1a, wh1b, bh1, W_h2, bh2)
    return (h_out, x_out_p[:, :3])

# --- scband reference (transcript-rebuilt; emitter-appended) ---
"""Pipeline reference for scband-egnn-layer-56135222559302 (READ-ONLY COPY).

The authoritative reference and input builder live on the scoring server;
editing this copy changes nothing except your own understanding.
"""

import jax, jax.numpy as jnp
import numpy as np

N = 10000
E = 320000
D = 128

def _silu(v):
    return v * jax.nn.sigmoid(v)

def _init_linear(key, fan_in, fan_out):
    k1, k2 = jax.random.split(key)
    bound = 1.0 / np.sqrt(fan_in)
    W = jax.random.uniform(k1, (fan_in, fan_out), minval=-bound, maxval=bound, dtype=jnp.float32)
    b = jax.random.uniform(k2, (fan_out,), minval=-bound, maxval=bound, dtype=jnp.float32)
    return W, b

def setup_inputs(seed: int = 0):
    key = jax.random.key(seed)
    ks = jax.random.split(key, 16)
    h = jax.random.normal(ks[0], (N, D), dtype=jnp.float32)
    x = jax.random.normal(ks[1], (N, 3), dtype=jnp.float32)
    src = jax.random.randint(ks[2], (E,), 0, N, dtype=jnp.int32)
    dst = jax.random.randint(ks[3], (E,), 0, N, dtype=jnp.int32)
    distances = jax.random.uniform(ks[4], (E,), dtype=jnp.float32)
    bpp_bias = jax.random.uniform(ks[5], (E,), dtype=jnp.float32)
    msa_bias = jax.random.uniform(ks[6], (E,), dtype=jnp.float32)
    chem_bias = jax.random.uniform(ks[7], (E,), dtype=jnp.float32)
    relative_offset = jax.random.uniform(ks[8], (E,), dtype=jnp.float32)
    chain_break_mask = jax.random.uniform(ks[9], (E,), dtype=jnp.float32)
    W_m1, b_m1 = _init_linear(ks[10], 2 * D + 6, D)
    W_m2, b_m2 = _init_linear(ks[11], D, D)
    W_h1, b_h1 = _init_linear(ks[12], 2 * D, D)
    W_h2, b_h2 = _init_linear(ks[13], D, D)
    W_c1, b_c1 = _init_linear(ks[14], D, D)
    W_c2, b_c2 = _init_linear(ks[15], D, 1)
    return {"h": h, "x": x, "src": src, "dst": dst, "distances": distances, "bpp_bias": bpp_bias, "msa_bias": msa_bias, "chem_bias": chem_bias, "relative_offset": relative_offset, "chain_break_mask": chain_break_mask, "W_m1": W_m1, "b_m1": b_m1, "W_m2": W_m2, "b_m2": b_m2, "W_h1": W_h1, "b_h1": b_h1, "W_h2": W_h2, "b_h2": b_h2, "W_c1": W_c1, "b_c1": b_c1, "W_c2": W_c2, "b_c2": b_c2}

def reference(h, x, src, dst, distances, bpp_bias, msa_bias, chem_bias, relative_offset, chain_break_mask, W_m1, b_m1, W_m2, b_m2, W_h1, b_h1, W_h2, b_h2, W_c1, b_c1, W_c2, b_c2):
    node_count = h.shape[0]
    h_src = jnp.take(h, src, axis=0)
    h_dst = jnp.take(h, dst, axis=0)
    diff = jnp.take(x, src, axis=0) - jnp.take(x, dst, axis=0)
    dist2 = (distances * distances)[:, None]
    feats = jnp.concatenate([h_src, h_dst, dist2, bpp_bias[:, None], msa_bias[:, None], chem_bias[:, None], relative_offset[:, None], chain_break_mask[:, None]], axis=-1)
    m_ij = _silu(_silu(feats @ W_m1 + b_m1) @ W_m2 + b_m2)
    counts = jnp.zeros((node_count, 1), dtype=h.dtype).at[src].add(jnp.ones((src.shape[0], 1), dtype=h.dtype))
    m_i = jnp.zeros((node_count, h.shape[-1]), dtype=h.dtype).at[src].add(m_ij)
    m_i = m_i / jnp.maximum(counts, 1.0)
    h_out = h + (_silu(jnp.concatenate([h, m_i], axis=-1) @ W_h1 + b_h1) @ W_h2 + b_h2)
    coef = jnp.tanh(_silu(m_ij @ W_c1 + b_c1) @ W_c2 + b_c2)
    delta = jnp.zeros((node_count, 3), dtype=x.dtype).at[src].add(diff * coef)
    delta = delta / jnp.maximum(counts, 1.0)
    x_out = x + delta
    return (h_out, x_out)

if __name__ == "__main__":
    import jax
    _d = setup_inputs()
    print(jax.jit(kernel)(*tuple(_d.values())))

</pallas_src>

<mosaic_0001>
#map = affine_map<(d0, d1) -> (0, 0)>
#map1 = affine_map<(d0, d1) -> (0, 0, 0)>
module attributes {stable_mosaic.version = 14 : i64} {
  func.func @_sc_scatter_body(%arg0: i32, %arg1: i32, %arg2: memref<320000x128xf32, #tpu.memory_space<hbm>>, %arg3: memref<32x125x80xi32, #tpu.memory_space<hbm>>, %arg4: memref<2x10000x128xf32, #tpu.memory_space<hbm>>, %arg5: memref<125x80xi32, #tpu.memory_space<vmem>>, %arg6: memref<80x128xf32, #tpu.memory_space<vmem>>, %arg7: memref<80x128xf32, #tpu.memory_space<vmem>>, %arg8: memref<10000x128xf32, #tpu.memory_space<vmem_shared>>, %arg9: memref<!tpu.dma_semaphore, #tpu.memory_space<semaphore_mem>>, %arg10: memref<!tpu.dma_semaphore, #tpu.memory_space<semaphore_mem>>) attributes {dimension_semantics = [#tpu.dimension_semantics<core_parallel>, #tpu.dimension_semantics<subcore_parallel>], iteration_bounds = array<i64: 2, 16>, scalar_prefetch = 0 : i64, scratch_operands = 6 : i64, tpu.core_type = #tpu.core_type<sc_vector_subcore>, window_params = [{transform_indices = #map}, {transform_indices = #map1}, {transform_indices = #map1}]} {
    %mul3A = arith.constant 2 : i32
    %mul3A_0 = arith.muli %arg1, %mul3A : i32
    %add3A = arith.addi %mul3A_0, %arg0 : i32
    %broadcast_in_dim3A = arith.constant 0.000000e+00 : f32
    %broadcast_in_dim3A_1 = vector.broadcast %broadcast_in_dim3A : f32 to vector<16xf32>
    %scan3A = arith.constant 0 : i32
    %scan3A_2 = arith.constant 0 : i32
    %scan3A_3 = arith.constant 640 : i32
    %scan3A_4 = arith.addi %scan3A_2, %scan3A_3 : i32
    %scan3A_5 = arith.constant 1 : i32
    scf.for %scan3A_95 = %scan3A_2 to %scan3A_4 step %scan3A_5  : i32 {
      %jit3A = arith.constant 8 : i32
      %div3A = arith.divsi %scan3A_95, %jit3A : i32
      %sign3A = arith.constant 0 : i32
      %sign3A_96 = arith.cmpi sgt, %scan3A_95, %sign3A : i32
      %sign3A_97 = arith.extui %sign3A_96 : i1 to i32
      %sign3A_98 = arith.constant 0 : i32
      %sign3A_99 = arith.cmpi slt, %scan3A_95, %sign3A_98 : i32
      %sign3A_100 = arith.extui %sign3A_99 : i1 to i32
      %sign3A_101 = arith.subi %sign3A_97, %sign3A_100 : i32
      %sign3A_102 = arith.constant 0 : i32
      %sign3A_103 = arith.cmpi sgt, %jit3A, %sign3A_102 : i32
      %sign3A_104 = arith.extui %sign3A_103 : i1 to i32
      %sign3A_105 = arith.constant 0 : i32
      %sign3A_106 = arith.cmpi slt, %jit3A, %sign3A_105 : i32
      %sign3A_107 = arith.extui %sign3A_106 : i1 to i32
      %sign3A_108 = arith.subi %sign3A_104, %sign3A_107 : i32
      %ne3A = arith.cmpi ne, %sign3A_101, %sign3A_108 : i32
      %rem3A = arith.remsi %scan3A_95, %jit3A : i32
      %ne3A_109 = arith.constant 0 : i32
      %ne3A_110 = arith.cmpi ne, %rem3A, %ne3A_109 : i32
      %and3A = arith.andi %ne3A, %ne3A_110 : i1
      %sub3A = arith.constant 1 : i32
      %sub3A_111 = arith.subi %div3A, %sub3A : i32
      %select_n3A = arith.select %and3A, %sub3A_111, %div3A : i32
      %jit3A_112 = arith.constant 8 : i32
      %eq3A_113 = arith.constant 0 : i32
      %eq3A_114 = arith.cmpi eq, %jit3A_112, %eq3A_113 : i32
      %jit3A_115 = arith.constant 1 : i32
      %select_n3A_116 = arith.select %eq3A_114, %jit3A_115, %jit3A_112 : i32
      %rem3A_117 = arith.remsi %scan3A_95, %select_n3A_116 : i32
      %ne3A_118 = arith.constant 0 : i32
      %ne3A_119 = arith.cmpi ne, %rem3A_117, %ne3A_118 : i32
      %lt3A = arith.constant 0 : i32
      %lt3A_120 = arith.cmpi slt, %rem3A_117, %lt3A : i32
      %lt3A_121 = arith.constant 0 : i32
      %lt3A_122 = arith.cmpi slt, %select_n3A_116, %lt3A_121 : i32
      %ne3A_123 = arith.xori %lt3A_120, %lt3A_122 : i1
      %and3A_124 = arith.andi %ne3A_123, %ne3A_119 : i1
      %add3A_125 = arith.addi %rem3A_117, %select_n3A_116 : i32
      %select_n3A_126 = arith.select %and3A_124, %add3A_125, %rem3A_117 : i32
      %mul3A_127 = arith.constant 16 : i32
      %mul3A_128 = arith.muli %select_n3A_126, %mul3A_127 : i32
      %swap3A = arith.index_cast %select_n3A : i32 to index
      %swap3A_129 = arith.index_cast %mul3A_128 : i32 to index
      %swap3A_130 = tpu.vector_load %arg6[%swap3A, %swap3A_129] {strides = array<i32>} : memref<80x128xf32, #tpu.memory_space<vmem>>, vector<16xf32>,
      tpu.vector_store %arg6[%swap3A, %swap3A_129], %broadcast_in_dim3A_1 {strides = array<i32>} : memref<80x128xf32, #tpu.memory_space<vmem>>, vector<16xf32>,
    }
    %scan3A_6 = arith.constant 640 : i32
    %mul3A_7 = arith.constant 624 : i32
    %mul3A_8 = arith.muli %arg1, %mul3A_7 : i32
    %add3A_9 = arith.constant 0 : i32
    %add3A_10 = arith.addi %mul3A_8, %add3A_9 : i32
    "tpu.region"() ({
      %run_scoped3A_95 = tpu.sem_alloc : memref<!tpu.dma_semaphore, #tpu.memory_space<semaphore_mem>>
      %dma_start3A_96 = arith.constant 0 : i32
      %dma_start3A_97 = arith.constant 0 : i32
      %dma_start3A_98 = tpu.memref_slice %arg6[%dma_start3A_96, %dma_start3A_97] : memref<80x128xf32, #tpu.memory_space<vmem>> -> memref<80x128xf32, #tpu.memory_space<vmem>>
      %dma_start3A_99 = arith.constant 0 : i32
      %dma_start3A_100 = tpu.memref_slice %arg8[%add3A_10, %dma_start3A_99] : memref<10000x128xf32, #tpu.memory_space<vmem_shared>> -> memref<80x128xf32, #tpu.memory_space<vmem_shared>>
      %dma_start3A_101 = arith.constant 0 : i32
      %dma_start3A_102 = tpu.memref_slice %arg8[%add3A_10, %dma_start3A_101] : memref<10000x128xf32, #tpu.memory_space<vmem_shared>> -> memref<80x128xf32, #tpu.memory_space<vmem_shared>>
      %dma_start3A_103 = arith.constant 0 : i32
      %dma_start3A_104 = arith.constant 0 : i32
      %dma_start3A_105 = tpu.memref_slice %arg6[%dma_start3A_103, %dma_start3A_104] : memref<80x128xf32, #tpu.memory_space<vmem>> -> memref<80x128xf32, #tpu.memory_space<vmem>>
      tpu.enqueue_dma source(%dma_start3A_105 : memref<80x128xf32, #tpu.memory_space<vmem>>) target(%dma_start3A_102 : memref<80x128xf32, #tpu.memory_space<vmem_shared>>) target_semaphore(%run_scoped3A_95 : memref<!tpu.dma_semaphore, #tpu.memory_space<semaphore_mem>>)
      %dma_wait3A_106 = arith.constant 0 : i32
      %dma_wait3A_107 = arith.constant 0 : i32
      %dma_wait3A_108 = tpu.memref_slice %arg6[%dma_wait3A_106, %dma_wait3A_107] : memref<80x128xf32, #tpu.memory_space<vmem>> -> memref<80x128xf32, #tpu.memory_space<vmem>>
      %dma_wait3A_109 = arith.constant 0 : i32
      %dma_wait3A_110 = tpu.memref_slice %arg8[%add3A_10, %dma_wait3A_109] : memref<10000x128xf32, #tpu.memory_space<vmem_shared>> -> memref<80x128xf32, #tpu.memory_space<vmem_shared>>
      %dma_wait3A_111 = arith.constant 0 : i32
      %dma_wait3A_112 = tpu.memref_slice %arg8[%add3A_10, %dma_wait3A_111] : memref<10000x128xf32, #tpu.memory_space<vmem_shared>> -> memref<80x128xf32, #tpu.memory_space<vmem_shared>>
      %dma_wait3A_113 = arith.constant 0 : i32
      %dma_wait3A_114 = arith.constant 0 : i32
      %dma_wait3A_115 = tpu.memref_slice %arg6[%dma_wait3A_113, %dma_wait3A_114] : memref<80x128xf32, #tpu.memory_space<vmem>> -> memref<80x128xf32, #tpu.memory_space<vmem>>
      tpu.wait_dma2 semaphore(%run_scoped3A_95 : memref<!tpu.dma_semaphore, #tpu.memory_space<semaphore_mem>>) src(%dma_wait3A_115 : memref<80x128xf32, #tpu.memory_space<vmem>>) dst(%dma_wait3A_112 : memref<80x128xf32, #tpu.memory_space<vmem_shared>>)
      tpu.yield
    }) : () -> ()
    %mul3A_11 = arith.constant 624 : i32
    %mul3A_12 = arith.muli %arg1, %mul3A_11 : i32
    %add3A_13 = arith.constant 80 : i32
    %add3A_14 = arith.addi %mul3A_12, %add3A_13 : i32
    "tpu.region"() ({
      %run_scoped3A_95 = tpu.sem_alloc : memref<!tpu.dma_semaphore, #tpu.memory_space<semaphore_mem>>
      %dma_start3A_96 = arith.constant 0 : i32
      %dma_start3A_97 = arith.constant 0 : i32
      %dma_start3A_98 = tpu.memref_slice %arg6[%dma_start3A_96, %dma_start3A_97] : memref<80x128xf32, #tpu.memory_space<vmem>> -> memref<80x128xf32, #tpu.memory_space<vmem>>
      %dma_start3A_99 = arith.constant 0 : i32
      %dma_start3A_100 = tpu.memref_slice %arg8[%add3A_14, %dma_start3A_99] : memref<10000x128xf32, #tpu.memory_space<vmem_shared>> -> memref<80x128xf32, #tpu.memory_space<vmem_shared>>
      %dma_start3A_101 = arith.constant 0 : i32
      %dma_start3A_102 = tpu.memref_slice %arg8[%add3A_14, %dma_start3A_101] : memref<10000x128xf32, #tpu.memory_space<vmem_shared>> -> memref<80x128xf32, #tpu.memory_space<vmem_shared>>
      %dma_start3A_103 = arith.constant 0 : i32
      %dma_start3A_104 = arith.constant 0 : i32
      %dma_start3A_105 = tpu.memref_slice %arg6[%dma_start3A_103, %dma_start3A_104] : memref<80x128xf32, #tpu.memory_space<vmem>> -> memref<80x128xf32, #tpu.memory_space<vmem>>
      tpu.enqueue_dma source(%dma_start3A_105 : memref<80x128xf32, #tpu.memory_space<vmem>>) target(%dma_start3A_102 : memref<80x128xf32, #tpu.memory_space<vmem_shared>>) target_semaphore(%run_scoped3A_95 : memref<!tpu.dma_semaphore, #tpu.memory_space<semaphore_mem>>)
      %dma_wait3A_106 = arith.constant 0 : i32
      %dma_wait3A_107 = arith.constant 0 : i32
      %dma_wait3A_108 = tpu.memref_slice %arg6[%dma_wait3A_106, %dma_wait3A_107] : memref<80x128xf32, #tpu.memory_space<vmem>> -> memref<80x128xf32, #tpu.memory_space<vmem>>
      %dma_wait3A_109 = arith.constant 0 : i32
      %dma_wait3A_110 = tpu.memref_slice %arg8[%add3A_14, %dma_wait3A_109] : memref<10000x128xf32, #tpu.memory_space<vmem_shared>> -> memref<80x128xf32, #tpu.memory_space<vmem_shared>>
      %dma_wait3A_111 = arith.constant 0 : i32
      %dma_wait3A_112 = tpu.memref_slice %arg8[%add3A_14, %dma_wait3A_111] : memref<10000x128xf32, #tpu.memory_space<vmem_shared>> -> memref<80x128xf32, #tpu.memory_space<vmem_shared>>
      %dma_wait3A_113 = arith.constant 0 : i32
      %dma_wait3A_114 = arith.constant 0 : i32
      %dma_wait3A_115 = tpu.memref_slice %arg6[%dma_wait3A_113, %dma_wait3A_114] : memref<80x128xf32, #tpu.memory_space<vmem>> -> memref<80x128xf32, #tpu.memory_space<vmem>>
      tpu.wait_dma2 semaphore(%run_scoped3A_95 : memref<!tpu.dma_semaphore, #tpu.memory_space<semaphore_mem>>) src(%dma_wait3A_115 : memref<80x128xf32, #tpu.memory_space<vmem>>) dst(%dma_wait3A_112 : memref<80x128xf32, #tpu.memory_space<vmem_shared>>)
      tpu.yield
    }) : () -> ()
    %mul3A_15 = arith.constant 624 : i32
    %mul3A_16 = arith.muli %arg1, %mul3A_15 : i32
    %add3A_17 = arith.constant 160 : i32
    %add3A_18 = arith.addi %mul3A_16, %add3A_17 : i32
    "tpu.region"() ({
      %run_scoped3A_95 = tpu.sem_alloc : memref<!tpu.dma_semaphore, #tpu.memory_space<semaphore_mem>>
      %dma_start3A_96 = arith.constant 0 : i32
      %dma_start3A_97 = arith.constant 0 : i32
      %dma_start3A_98 = tpu.memref_slice %arg6[%dma_start3A_96, %dma_start3A_97] : memref<80x128xf32, #tpu.memory_space<vmem>> -> memref<80x128xf32, #tpu.memory_space<vmem>>
      %dma_start3A_99 = arith.constant 0 : i32
      %dma_start3A_100 = tpu.memref_slice %arg8[%add3A_18, %dma_start3A_99] : memref<10000x128xf32, #tpu.memory_space<vmem_shared>> -> memref<80x128xf32, #tpu.memory_space<vmem_shared>>
      %dma_start3A_101 = arith.constant 0 : i32
      %dma_start3A_102 = tpu.memref_slice %arg8[%add3A_18, %dma_start3A_101] : memref<10000x128xf32, #tpu.memory_space<vmem_shared>> -> memref<80x128xf32, #tpu.memory_space<vmem_shared>>
      %dma_start3A_103 = arith.constant 0 : i32
      %dma_start3A_104 = arith.constant 0 : i32
      %dma_start3A_105 = tpu.memref_slice %arg6[%dma_start3A_103, %dma_start3A_104] : memref<80x128xf32, #tpu.memory_space<vmem>> -> memref<80x128xf32, #tpu.memory_space<vmem>>
      tpu.enqueue_dma source(%dma_start3A_105 : memref<80x128xf32, #tpu.memory_space<vmem>>) target(%dma_start3A_102 : memref<80x128xf32, #tpu.memory_space<vmem_shared>>) target_semaphore(%run_scoped3A_95 : memref<!tpu.dma_semaphore, #tpu.memory_space<semaphore_mem>>)
      %dma_wait3A_106 = arith.constant 0 : i32
      %dma_wait3A_107 = arith.constant 0 : i32
      %dma_wait3A_108 = tpu.memref_slice %arg6[%dma_wait3A_106, %dma_wait3A_107] : memref<80x128xf32, #tpu.memory_space<vmem>> -> memref<80x128xf32, #tpu.memory_space<vmem>>
      %dma_wait3A_109 = arith.constant 0 : i32
      %dma_wait3A_110 = tpu.memref_slice %arg8[%add3A_18, %dma_wait3A_109] : memref<10000x128xf32, #tpu.memory_space<vmem_shared>> -> memref<80x128xf32, #tpu.memory_space<vmem_shared>>
      %dma_wait3A_111 = arith.constant 0 : i32
      %dma_wait3A_112 = tpu.memref_slice %arg8[%add3A_18, %dma_wait3A_111] : memref<10000x128xf32, #tpu.memory_space<vmem_shared>> -> memref<80x128xf32, #tpu.memory_space<vmem_shared>>
      %dma_wait3A_113 = arith.constant 0 : i32
      %dma_wait3A_114 = arith.constant 0 : i32
      %dma_wait3A_115 = tpu.memref_slice %arg6[%dma_wait3A_113, %dma_wait3A_114] : memref<80x128xf32, #tpu.memory_space<vmem>> -> memref<80x128xf32, #tpu.memory_space<vmem>>
      tpu.wait_dma2 semaphore(%run_scoped3A_95 : memref<!tpu.dma_semaphore, #tpu.memory_space<semaphore_mem>>) src(%dma_wait3A_115 : memref<80x128xf32, #tpu.memory_space<vmem>>) dst(%dma_wait3A_112 : memref<80x128xf32, #tpu.memory_space<vmem_shared>>)
      tpu.yield
    }) : () -> ()
    %mul3A_19 = arith.constant 624 : i32
    %mul3A_20 = arith.muli %arg1, %mul3A_19 : i32
    %add3A_21 = arith.constant 240 : i32
    %add3A_22 = arith.addi %mul3A_20, %add3A_21 : i32
    "tpu.region"() ({
      %run_scoped3A_95 = tpu.sem_alloc : memref<!tpu.dma_semaphore, #tpu.memory_space<semaphore_mem>>
      %dma_start3A_96 = arith.constant 0 : i32
      %dma_start3A_97 = arith.constant 0 : i32
      %dma_start3A_98 = tpu.memref_slice %arg6[%dma_start3A_96, %dma_start3A_97] : memref<80x128xf32, #tpu.memory_space<vmem>> -> memref<80x128xf32, #tpu.memory_space<vmem>>
      %dma_start3A_99 = arith.constant 0 : i32
      %dma_start3A_100 = tpu.memref_slice %arg8[%add3A_22, %dma_start3A_99] : memref<10000x128xf32, #tpu.memory_space<vmem_shared>> -> memref<80x128xf32, #tpu.memory_space<vmem_shared>>
      %dma_start3A_101 = arith.constant 0 : i32
      %dma_start3A_102 = tpu.memref_slice %arg8[%add3A_22, %dma_start3A_101] : memref<10000x128xf32, #tpu.memory_space<vmem_shared>> -> memref<80x128xf32, #tpu.memory_space<vmem_shared>>
      %dma_start3A_103 = arith.constant 0 : i32
      %dma_start3A_104 = arith.constant 0 : i32
      %dma_start3A_105 = tpu.memref_slice %arg6[%dma_start3A_103, %dma_start3A_104] : memref<80x128xf32, #tpu.memory_space<vmem>> -> memref<80x128xf32, #tpu.memory_space<vmem>>
      tpu.enqueue_dma source(%dma_start3A_105 : memref<80x128xf32, #tpu.memory_space<vmem>>) target(%dma_start3A_102 : memref<80x128xf32, #tpu.memory_space<vmem_shared>>) target_semaphore(%run_scoped3A_95 : memref<!tpu.dma_semaphore, #tpu.memory_space<semaphore_mem>>)
      %dma_wait3A_106 = arith.constant 0 : i32
      %dma_wait3A_107 = arith.constant 0 : i32
      %dma_wait3A_108 = tpu.memref_slice %arg6[%dma_wait3A_106, %dma_wait3A_107] : memref<80x128xf32, #tpu.memory_space<vmem>> -> memref<80x128xf32, #tpu.memory_space<vmem>>
      %dma_wait3A_109 = arith.constant 0 : i32
      %dma_wait3A_110 = tpu.memref_slice %arg8[%add3A_22, %dma_wait3A_109] : memref<10000x128xf32, #tpu.memory_space<vmem_shared>> -> memref<80x128xf32, #tpu.memory_space<vmem_shared>>
      %dma_wait3A_111 = arith.constant 0 : i32
      %dma_wait3A_112 = tpu.memref_slice %arg8[%add3A_22, %dma_wait3A_111] : memref<10000x128xf32, #tpu.memory_space<vmem_shared>> -> memref<80x128xf32, #tpu.memory_space<vmem_shared>>
      %dma_wait3A_113 = arith.constant 0 : i32
      %dma_wait3A_114 = arith.constant 0 : i32
      %dma_wait3A_115 = tpu.memref_slice %arg6[%dma_wait3A_113, %dma_wait3A_114] : memref<80x128xf32, #tpu.memory_space<vmem>> -> memref<80x128xf32, #tpu.memory_space<vmem>>
      tpu.wait_dma2 semaphore(%run_scoped3A_95 : memref<!tpu.dma_semaphore, #tpu.memory_space<semaphore_mem>>) src(%dma_wait3A_115 : memref<80x128xf32, #tpu.memory_space<vmem>>) dst(%dma_wait3A_112 : memref<80x128xf32, #tpu.memory_space<vmem_shared>>)
      tpu.yield
    }) : () -> ()
    %mul3A_23 = arith.constant 624 : i32
    %mul3A_24 = arith.muli %arg1, %mul3A_23 : i32
    %add3A_25 = arith.constant 320 : i32
    %add3A_26 = arith.addi %mul3A_24, %add3A_25 : i32
    "tpu.region"() ({
      %run_scoped3A_95 = tpu.sem_alloc : memref<!tpu.dma_semaphore, #tpu.memory_space<semaphore_mem>>
      %dma_start3A_96 = arith.constant 0 : i32
      %dma_start3A_97 = arith.constant 0 : i32
      %dma_start3A_98 = tpu.memref_slice %arg6[%dma_start3A_96, %dma_start3A_97] : memref<80x128xf32, #tpu.memory_space<vmem>> -> memref<80x128xf32, #tpu.memory_space<vmem>>
      %dma_start3A_99 = arith.constant 0 : i32
      %dma_start3A_100 = tpu.memref_slice %arg8[%add3A_26, %dma_start3A_99] : memref<10000x128xf32, #tpu.memory_space<vmem_shared>> -> memref<80x128xf32, #tpu.memory_space<vmem_shared>>
      %dma_start3A_101 = arith.constant 0 : i32
      %dma_start3A_102 = tpu.memref_slice %arg8[%add3A_26, %dma_start3A_101] : memref<10000x128xf32, #tpu.memory_space<vmem_shared>> -> memref<80x128xf32, #tpu.memory_space<vmem_shared>>
      %dma_start3A_103 = arith.constant 0 : i32
      %dma_start3A_104 = arith.constant 0 : i32
      %dma_start3A_105 = tpu.memref_slice %arg6[%dma_start3A_103, %dma_start3A_104] : memref<80x128xf32, #tpu.memory_space<vmem>> -> memref<80x128xf32, #tpu.memory_space<vmem>>
      tpu.enqueue_dma source(%dma_start3A_105 : memref<80x128xf32, #tpu.memory_space<vmem>>) target(%dma_start3A_102 : memref<80x128xf32, #tpu.memory_space<vmem_shared>>) target_semaphore(%run_scoped3A_95 : memref<!tpu.dma_semaphore, #tpu.memory_space<semaphore_mem>>)
      %dma_wait3A_106 = arith.constant 0 : i32
      %dma_wait3A_107 = arith.constant 0 : i32
      %dma_wait3A_108 = tpu.memref_slice %arg6[%dma_wait3A_106, %dma_wait3A_107] : memref<80x128xf32, #tpu.memory_space<vmem>> -> memref<80x128xf32, #tpu.memory_space<vmem>>
      %dma_wait3A_109 = arith.constant 0 : i32
      %dma_wait3A_110 = tpu.memref_slice %arg8[%add3A_26, %dma_wait3A_109] : memref<10000x128xf32, #tpu.memory_space<vmem_shared>> -> memref<80x128xf32, #tpu.memory_space<vmem_shared>>
      %dma_wait3A_111 = arith.constant 0 : i32
      %dma_wait3A_112 = tpu.memref_slice %arg8[%add3A_26, %dma_wait3A_111] : memref<10000x128xf32, #tpu.memory_space<vmem_shared>> -> memref<80x128xf32, #tpu.memory_space<vmem_shared>>
      %dma_wait3A_113 = arith.constant 0 : i32
      %dma_wait3A_114 = arith.constant 0 : i32
      %dma_wait3A_115 = tpu.memref_slice %arg6[%dma_wait3A_113, %dma_wait3A_114] : memref<80x128xf32, #tpu.memory_space<vmem>> -> memref<80x128xf32, #tpu.memory_space<vmem>>
      tpu.wait_dma2 semaphore(%run_scoped3A_95 : memref<!tpu.dma_semaphore, #tpu.memory_space<semaphore_mem>>) src(%dma_wait3A_115 : memref<80x128xf32, #tpu.memory_space<vmem>>) dst(%dma_wait3A_112 : memref<80x128xf32, #tpu.memory_space<vmem_shared>>)
      tpu.yield
    }) : () -> ()
    %mul3A_27 = arith.constant 624 : i32
    %mul3A_28 = arith.muli %arg1, %mul3A_27 : i32
    %add3A_29 = arith.constant 400 : i32
    %add3A_30 = arith.addi %mul3A_28, %add3A_29 : i32
    "tpu.region"() ({
      %run_scoped3A_95 = tpu.sem_alloc : memref<!tpu.dma_semaphore, #tpu.memory_space<semaphore_mem>>
      %dma_start3A_96 = arith.constant 0 : i32
      %dma_start3A_97 = arith.constant 0 : i32
      %dma_start3A_98 = tpu.memref_slice %arg6[%dma_start3A_96, %dma_start3A_97] : memref<80x128xf32, #tpu.memory_space<vmem>> -> memref<80x128xf32, #tpu.memory_space<vmem>>
      %dma_start3A_99 = arith.constant 0 : i32
      %dma_start3A_100 = tpu.memref_slice %arg8[%add3A_30, %dma_start3A_99] : memref<10000x128xf32, #tpu.memory_space<vmem_shared>> -> memref<80x128xf32, #tpu.memory_space<vmem_shared>>
      %dma_start3A_101 = arith.constant 0 : i32
      %dma_start3A_102 = tpu.memref_slice %arg8[%add3A_30, %dma_start3A_101] : memref<10000x128xf32, #tpu.memory_space<vmem_shared>> -> memref<80x128xf32, #tpu.memory_space<vmem_shared>>
      %dma_start3A_103 = arith.constant 0 : i32
      %dma_start3A_104 = arith.constant 0 : i32
      %dma_start3A_105 = tpu.memref_slice %arg6[%dma_start3A_103, %dma_start3A_104] : memref<80x128xf32, #tpu.memory_space<vmem>> -> memref<80x128xf32, #tpu.memory_space<vmem>>
      tpu.enqueue_dma source(%dma_start3A_105 : memref<80x128xf32, #tpu.memory_space<vmem>>) target(%dma_start3A_102 : memref<80x128xf32, #tpu.memory_space<vmem_shared>>) target_semaphore(%run_scoped3A_95 : memref<!tpu.dma_semaphore, #tpu.memory_space<semaphore_mem>>)
      %dma_wait3A_106 = arith.constant 0 : i32
      %dma_wait3A_107 = arith.constant 0 : i32
      %dma_wait3A_108 = tpu.memref_slice %arg6[%dma_wait3A_106, %dma_wait3A_107] : memref<80x128xf32, #tpu.memory_space<vmem>> -> memref<80x128xf32, #tpu.memory_space<vmem>>
      %dma_wait3A_109 = arith.constant 0 : i32
      %dma_wait3A_110 = tpu.memref_slice %arg8[%add3A_30, %dma_wait3A_109] : memref<10000x128xf32, #tpu.memory_space<vmem_shared>> -> memref<80x128xf32, #tpu.memory_space<vmem_shared>>
      %dma_wait3A_111 = arith.constant 0 : i32
      %dma_wait3A_112 = tpu.memref_slice %arg8[%add3A_30, %dma_wait3A_111] : memref<10000x128xf32, #tpu.memory_space<vmem_shared>> -> memref<80x128xf32, #tpu.memory_space<vmem_shared>>
      %dma_wait3A_113 = arith.constant 0 : i32
      %dma_wait3A_114 = arith.constant 0 : i32
      %dma_wait3A_115 = tpu.memref_slice %arg6[%dma_wait3A_113, %dma_wait3A_114] : memref<80x128xf32, #tpu.memory_space<vmem>> -> memref<80x128xf32, #tpu.memory_space<vmem>>
      tpu.wait_dma2 semaphore(%run_scoped3A_95 : memref<!tpu.dma_semaphore, #tpu.memory_space<semaphore_mem>>) src(%dma_wait3A_115 : memref<80x128xf32, #tpu.memory_space<vmem>>) dst(%dma_wait3A_112 : memref<80x128xf32, #tpu.memory_space<vmem_shared>>)
      tpu.yield
    }) : () -> ()
    %mul3A_31 = arith.constant 624 : i32
    %mul3A_32 = arith.muli %arg1, %mul3A_31 : i32
    %add3A_33 = arith.constant 480 : i32
    %add3A_34 = arith.addi %mul3A_32, %add3A_33 : i32
    "tpu.region"() ({
      %run_scoped3A_95 = tpu.sem_alloc : memref<!tpu.dma_semaphore, #tpu.memory_space<semaphore_mem>>
      %dma_start3A_96 = arith.constant 0 : i32
      %dma_start3A_97 = arith.constant 0 : i32
      %dma_start3A_98 = tpu.memref_slice %arg6[%dma_start3A_96, %dma_start3A_97] : memref<80x128xf32, #tpu.memory_space<vmem>> -> memref<80x128xf32, #tpu.memory_space<vmem>>
      %dma_start3A_99 = arith.constant 0 : i32
      %dma_start3A_100 = tpu.memref_slice %arg8[%add3A_34, %dma_start3A_99] : memref<10000x128xf32, #tpu.memory_space<vmem_shared>> -> memref<80x128xf32, #tpu.memory_space<vmem_shared>>
      %dma_start3A_101 = arith.constant 0 : i32
      %dma_start3A_102 = tpu.memref_slice %arg8[%add3A_34, %dma_start3A_101] : memref<10000x128xf32, #tpu.memory_space<vmem_shared>> -> memref<80x128xf32, #tpu.memory_space<vmem_shared>>
      %dma_start3A_103 = arith.constant 0 : i32
      %dma_start3A_104 = arith.constant 0 : i32
      %dma_start3A_105 = tpu.memref_slice %arg6[%dma_start3A_103, %dma_start3A_104] : memref<80x128xf32, #tpu.memory_space<vmem>> -> memref<80x128xf32, #tpu.memory_space<vmem>>
      tpu.enqueue_dma source(%dma_start3A_105 : memref<80x128xf32, #tpu.memory_space<vmem>>) target(%dma_start3A_102 : memref<80x128xf32, #tpu.memory_space<vmem_shared>>) target_semaphore(%run_scoped3A_95 : memref<!tpu.dma_semaphore, #tpu.memory_space<semaphore_mem>>)
      %dma_wait3A_106 = arith.constant 0 : i32
      %dma_wait3A_107 = arith.constant 0 : i32
      %dma_wait3A_108 = tpu.memref_slice %arg6[%dma_wait3A_106, %dma_wait3A_107] : memref<80x128xf32, #tpu.memory_space<vmem>> -> memref<80x128xf32, #tpu.memory_space<vmem>>
      %dma_wait3A_109 = arith.constant 0 : i32
      %dma_wait3A_110 = tpu.memref_slice %arg8[%add3A_34, %dma_wait3A_109] : memref<10000x128xf32, #tpu.memory_space<vmem_shared>> -> memref<80x128xf32, #tpu.memory_space<vmem_shared>>
      %dma_wait3A_111 = arith.constant 0 : i32
      %dma_wait3A_112 = tpu.memref_slice %arg8[%add3A_34, %dma_wait3A_111] : memref<10000x128xf32, #tpu.memory_space<vmem_shared>> -> memref<80x128xf32, #tpu.memory_space<vmem_shared>>
      %dma_wait3A_113 = arith.constant 0 : i32
      %dma_wait3A_114 = arith.constant 0 : i32
      %dma_wait3A_115 = tpu.memref_slice %arg6[%dma_wait3A_113, %dma_wait3A_114] : memref<80x128xf32, #tpu.memory_space<vmem>> -> memref<80x128xf32, #tpu.memory_space<vmem>>
      tpu.wait_dma2 semaphore(%run_scoped3A_95 : memref<!tpu.dma_semaphore, #tpu.memory_space<semaphore_mem>>) src(%dma_wait3A_115 : memref<80x128xf32, #tpu.memory_space<vmem>>) dst(%dma_wait3A_112 : memref<80x128xf32, #tpu.memory_space<vmem_shared>>)
      tpu.yield
    }) : () -> ()
    %mul3A_35 = arith.constant 624 : i32
    %mul3A_36 = arith.muli %arg1, %mul3A_35 : i32
    %add3A_37 = arith.constant 560 : i32
    %add3A_38 = arith.addi %mul3A_36, %add3A_37 : i32
    "tpu.region"() ({
      %run_scoped3A_95 = tpu.sem_alloc : memref<!tpu.dma_semaphore, #tpu.memory_space<semaphore_mem>>
      %dma_start3A_96 = arith.constant 0 : i32
      %dma_start3A_97 = arith.constant 0 : i32
      %dma_start3A_98 = tpu.memref_slice %arg6[%dma_start3A_96, %dma_start3A_97] : memref<80x128xf32, #tpu.memory_space<vmem>> -> memref<64x128xf32, #tpu.memory_space<vmem>>
      %dma_start3A_99 = arith.constant 0 : i32
      %dma_start3A_100 = tpu.memref_slice %arg8[%add3A_38, %dma_start3A_99] : memref<10000x128xf32, #tpu.memory_space<vmem_shared>> -> memref<64x128xf32, #tpu.memory_space<vmem_shared>>
      %dma_start3A_101 = arith.constant 0 : i32
      %dma_start3A_102 = tpu.memref_slice %arg8[%add3A_38, %dma_start3A_101] : memref<10000x128xf32, #tpu.memory_space<vmem_shared>> -> memref<64x128xf32, #tpu.memory_space<vmem_shared>>
      %dma_start3A_103 = arith.constant 0 : i32
      %dma_start3A_104 = arith.constant 0 : i32
      %dma_start3A_105 = tpu.memref_slice %arg6[%dma_start3A_103, %dma_start3A_104] : memref<80x128xf32, #tpu.memory_space<vmem>> -> memref<64x128xf32, #tpu.memory_space<vmem>>
      tpu.enqueue_dma source(%dma_start3A_105 : memref<64x128xf32, #tpu.memory_space<vmem>>) target(%dma_start3A_102 : memref<64x128xf32, #tpu.memory_space<vmem_shared>>) target_semaphore(%run_scoped3A_95 : memref<!tpu.dma_semaphore, #tpu.memory_space<semaphore_mem>>)
      %dma_wait3A_106 = arith.constant 0 : i32
      %dma_wait3A_107 = arith.constant 0 : i32
      %dma_wait3A_108 = tpu.memref_slice %arg6[%dma_wait3A_106, %dma_wait3A_107] : memref<80x128xf32, #tpu.memory_space<vmem>> -> memref<64x128xf32, #tpu.memory_space<vmem>>
      %dma_wait3A_109 = arith.constant 0 : i32
      %dma_wait3A_110 = tpu.memref_slice %arg8[%add3A_38, %dma_wait3A_109] : memref<10000x128xf32, #tpu.memory_space<vmem_shared>> -> memref<64x128xf32, #tpu.memory_space<vmem_shared>>
      %dma_wait3A_111 = arith.constant 0 : i32
      %dma_wait3A_112 = tpu.memref_slice %arg8[%add3A_38, %dma_wait3A_111] : memref<10000x128xf32, #tpu.memory_space<vmem_shared>> -> memref<64x128xf32, #tpu.memory_space<vmem_shared>>
      %dma_wait3A_113 = arith.constant 0 : i32
      %dma_wait3A_114 = arith.constant 0 : i32
      %dma_wait3A_115 = tpu.memref_slice %arg6[%dma_wait3A_113, %dma_wait3A_114] : memref<80x128xf32, #tpu.memory_space<vmem>> -> memref<64x128xf32, #tpu.memory_space<vmem>>
      tpu.wait_dma2 semaphore(%run_scoped3A_95 : memref<!tpu.dma_semaphore, #tpu.memory_space<semaphore_mem>>) src(%dma_wait3A_115 : memref<64x128xf32, #tpu.memory_space<vmem>>) dst(%dma_wait3A_112 : memref<64x128xf32, #tpu.memory_space<vmem_shared>>)
      tpu.yield
    }) : () -> ()
    %eq3A = arith.constant 0 : i32
    %eq3A_39 = arith.cmpi eq, %arg1, %eq3A : i32
    %convert_element_type3A = arith.extui %eq3A_39 : i1 to i32
    %cond3A = arith.constant 0 : i32
    %cond3A_40 = arith.cmpi ne, %convert_element_type3A, %cond3A : i32
    scf.if %cond3A_40 {
      "tpu.region"() ({
        %run_scoped3A_95 = tpu.sem_alloc : memref<!tpu.dma_semaphore, #tpu.memory_space<semaphore_mem>>
        %dma_start3A_96 = arith.constant 0 : i32
        %dma_start3A_97 = arith.constant 0 : i32
        %dma_start3A_98 = tpu.memref_slice %arg6[%dma_start3A_96, %dma_start3A_97] : memref<80x128xf32, #tpu.memory_space<vmem>> -> memref<16x128xf32, #tpu.memory_space<vmem>>
        %dma_start3A_99 = arith.constant 9984 : i32
        %dma_start3A_100 = arith.constant 0 : i32
        %dma_start3A_101 = tpu.memref_slice %arg8[%dma_start3A_99, %dma_start3A_100] : memref<10000x128xf32, #tpu.memory_space<vmem_shared>> -> memref<16x128xf32, #tpu.memory_space<vmem_shared>>
        %dma_start3A_102 = arith.constant 9984 : i32
        %dma_start3A_103 = arith.constant 0 : i32
        %dma_start3A_104 = tpu.memref_slice %arg8[%dma_start3A_102, %dma_start3A_103] : memref<10000x128xf32, #tpu.memory_space<vmem_shared>> -> memref<16x128xf32, #tpu.memory_space<vmem_shared>>
        %dma_start3A_105 = arith.constant 0 : i32
        %dma_start3A_106 = arith.constant 0 : i32
        %dma_start3A_107 = tpu.memref_slice %arg6[%dma_start3A_105, %dma_start3A_106] : memref<80x128xf32, #tpu.memory_space<vmem>> -> memref<16x128xf32, #tpu.memory_space<vmem>>
        tpu.enqueue_dma source(%dma_start3A_107 : memref<16x128xf32, #tpu.memory_space<vmem>>) target(%dma_start3A_104 : memref<16x128xf32, #tpu.memory_space<vmem_shared>>) target_semaphore(%run_scoped3A_95 : memref<!tpu.dma_semaphore, #tpu.memory_space<semaphore_mem>>)
        %dma_wait3A_108 = arith.constant 0 : i32
        %dma_wait3A_109 = arith.constant 0 : i32
        %dma_wait3A_110 = tpu.memref_slice %arg6[%dma_wait3A_108, %dma_wait3A_109] : memref<80x128xf32, #tpu.memory_space<vmem>> -> memref<16x128xf32, #tpu.memory_space<vmem>>
        %dma_wait3A_111 = arith.constant 9984 : i32
        %dma_wait3A_112 = arith.constant 0 : i32
        %dma_wait3A_113 = tpu.memref_slice %arg8[%dma_wait3A_111, %dma_wait3A_112] : memref<10000x128xf32, #tpu.memory_space<vmem_shared>> -> memref<16x128xf32, #tpu.memory_space<vmem_shared>>
        %dma_wait3A_114 = arith.constant 9984 : i32
        %dma_wait3A_115 = arith.constant 0 : i32
        %dma_wait3A_116 = tpu.memref_slice %arg8[%dma_wait3A_114, %dma_wait3A_115] : memref<10000x128xf32, #tpu.memory_space<vmem_shared>> -> memref<16x128xf32, #tpu.memory_space<vmem_shared>>
        %dma_wait3A_117 = arith.constant 0 : i32
        %dma_wait3A_118 = arith.constant 0 : i32
        %dma_wait3A_119 = tpu.memref_slice %arg6[%dma_wait3A_117, %dma_wait3A_118] : memref<80x128xf32, #tpu.memory_space<vmem>> -> memref<16x128xf32, #tpu.memory_space<vmem>>
        tpu.wait_dma2 semaphore(%run_scoped3A_95 : memref<!tpu.dma_semaphore, #tpu.memory_space<semaphore_mem>>) src(%dma_wait3A_119 : memref<16x128xf32, #tpu.memory_space<vmem>>) dst(%dma_wait3A_116 : memref<16x128xf32, #tpu.memory_space<vmem_shared>>)
        tpu.yield
      }) : () -> ()
    } else {
    }
    %barrier3A = arith.constant 0 : index
    tpu.barrier barrier_id(%barrier3A)
    %mul3A_41 = arith.constant 10000 : i32
    %mul3A_42 = arith.muli %add3A, %mul3A_41 : i32
    "tpu.region"() ({
      %run_scoped3A_95 = tpu.sem_alloc : memref<!tpu.dma_semaphore, #tpu.memory_space<semaphore_mem>>
      %dma_start3A_96 = arith.constant 0 : i32
      %dma_start3A_97 = arith.constant 0 : i32
      %dma_start3A_98 = tpu.memref_slice %arg3[%add3A, %dma_start3A_96, %dma_start3A_97] : memref<32x125x80xi32, #tpu.memory_space<hbm>> -> memref<1x125x80xi32, #tpu.memory_space<hbm>>
      %dma_start3A_99 = tpu.memref_squeeze %dma_start3A_98 : memref<1x125x80xi32, #tpu.memory_space<hbm>> -> memref<125x80xi32, #tpu.memory_space<hbm>>
      %dma_start3A_100 = arith.constant 0 : i32
      %dma_start3A_101 = arith.constant 0 : i32
      %dma_start3A_102 = tpu.memref_slice %arg3[%add3A, %dma_start3A_100, %dma_start3A_101] : memref<32x125x80xi32, #tpu.memory_space<hbm>> -> memref<1x125x80xi32, #tpu.memory_space<hbm>>
      %dma_start3A_103 = tpu.memref_squeeze %dma_start3A_102 : memref<1x125x80xi32, #tpu.memory_space<hbm>> -> memref<125x80xi32, #tpu.memory_space<hbm>>
      tpu.enqueue_dma source(%dma_start3A_103 : memref<125x80xi32, #tpu.memory_space<hbm>>) target(%arg5 : memref<125x80xi32, #tpu.memory_space<vmem>>) target_semaphore(%run_scoped3A_95 : memref<!tpu.dma_semaphore, #tpu.memory_space<semaphore_mem>>)
      %dma_wait3A_104 = arith.constant 0 : i32
      %dma_wait3A_105 = arith.constant 0 : i32
      %dma_wait3A_106 = tpu.memref_slice %arg3[%add3A, %dma_wait3A_104, %dma_wait3A_105] : memref<32x125x80xi32, #tpu.memory_space<hbm>> -> memref<1x125x80xi32, #tpu.memory_space<hbm>>
      %dma_wait3A_107 = tpu.memref_squeeze %dma_wait3A_106 : memref<1x125x80xi32, #tpu.memory_space<hbm>> -> memref<125x80xi32, #tpu.memory_space<hbm>>
      %dma_wait3A_108 = arith.constant 0 : i32
      %dma_wait3A_109 = arith.constant 0 : i32
      %dma_wait3A_110 = tpu.memref_slice %arg3[%add3A, %dma_wait3A_108, %dma_wait3A_109] : memref<32x125x80xi32, #tpu.memory_space<hbm>> -> memref<1x125x80xi32, #tpu.memory_space<hbm>>
      %dma_wait3A_111 = tpu.memref_squeeze %dma_wait3A_110 : memref<1x125x80xi32, #tpu.memory_space<hbm>> -> memref<125x80xi32, #tpu.memory_space<hbm>>
      tpu.wait_dma2 semaphore(%run_scoped3A_95 : memref<!tpu.dma_semaphore, #tpu.memory_space<semaphore_mem>>) src(%dma_wait3A_111 : memref<125x80xi32, #tpu.memory_space<hbm>>) dst(%arg5 : memref<125x80xi32, #tpu.memory_space<vmem>>)
      tpu.yield
    }) : () -> ()
    %add3A_43 = arith.constant 0 : i32
    %add3A_44 = arith.addi %mul3A_42, %add3A_43 : i32
    %dma_start3A = arith.constant 0 : i32
    %dma_start3A_45 = tpu.memref_slice %arg2[%add3A_44, %dma_start3A] : memref<320000x128xf32, #tpu.memory_space<hbm>> -> memref<80x128xf32, #tpu.memory_space<hbm>>
    %dma_start3A_46 = arith.constant 0 : i32
    %dma_start3A_47 = tpu.memref_slice %arg2[%add3A_44, %dma_start3A_46] : memref<320000x128xf32, #tpu.memory_space<hbm>> -> memref<80x128xf32, #tpu.memory_space<hbm>>
    tpu.enqueue_dma source(%dma_start3A_47 : memref<80x128xf32, #tpu.memory_space<hbm>>) target(%arg6 : memref<80x128xf32, #tpu.memory_space<vmem>>) target_semaphore(%arg9 : memref<!tpu.dma_semaphore, #tpu.memory_space<semaphore_mem>>)
    %scan3A_48 = arith.constant 0 : i32
    %scan3A_49 = arith.constant 0 : i32
    %scan3A_50 = arith.constant 62 : i32
    %scan3A_51 = arith.addi %scan3A_49, %scan3A_50 : i32
    %scan3A_52 = arith.constant 1 : i32
    scf.for %scan3A_95 = %scan3A_49 to %scan3A_51 step %scan3A_52  : i32 {
      %mul3A_96 = arith.constant 2 : i32
      %mul3A_97 = arith.muli %mul3A_96, %scan3A_95 : i32
      %add3A_98 = arith.constant 1 : i32
      %add3A_99 = arith.addi %mul3A_97, %add3A_98 : i32
      %mul3A_100 = arith.constant 80 : i32
      %mul3A_101 = arith.muli %add3A_99, %mul3A_100 : i32
      %add3A_102 = arith.addi %mul3A_42, %mul3A_101 : i32
      %dma_start3A_103 = arith.constant 0 : i32
      %dma_start3A_104 = tpu.memref_slice %arg2[%add3A_102, %dma_start3A_103] : memref<320000x128xf32, #tpu.memory_space<hbm>> -> memref<80x128xf32, #tpu.memory_space<hbm>>
      %dma_start3A_105 = arith.constant 0 : i32
      %dma_start3A_106 = tpu.memref_slice %arg2[%add3A_102, %dma_start3A_105] : memref<320000x128xf32, #tpu.memory_space<hbm>> -> memref<80x128xf32, #tpu.memory_space<hbm>>
      tpu.enqueue_dma source(%dma_start3A_106 : memref<80x128xf32, #tpu.memory_space<hbm>>) target(%arg7 : memref<80x128xf32, #tpu.memory_space<vmem>>) target_semaphore(%arg10 : memref<!tpu.dma_semaphore, #tpu.memory_space<semaphore_mem>>)
      %dma_wait3A_107 = arith.constant 0 : i32
      %dma_wait3A_108 = tpu.memref_slice %arg2[%mul3A_42, %dma_wait3A_107] : memref<320000x128xf32, #tpu.memory_space<hbm>> -> memref<80x128xf32, #tpu.memory_space<hbm>>
      %dma_wait3A_109 = arith.constant 0 : i32
      %dma_wait3A_110 = tpu.memref_slice %arg2[%mul3A_42, %dma_wait3A_109] : memref<320000x128xf32, #tpu.memory_space<hbm>> -> memref<80x128xf32, #tpu.memory_space<hbm>>
      tpu.wait_dma2 semaphore(%arg9 : memref<!tpu.dma_semaphore, #tpu.memory_space<semaphore_mem>>) src(%dma_wait3A_110 : memref<80x128xf32, #tpu.memory_space<hbm>>) dst(%arg6 : memref<80x128xf32, #tpu.memory_space<vmem>>)
      "tpu.region"() ({
        %run_scoped3A_123 = tpu.sem_alloc : memref<!tpu.dma_semaphore, #tpu.memory_space<semaphore_mem>>
        %dma_start3A_124 = arith.constant 0 : i32
        %dma_start3A_125 = tpu.memref_slice %arg5[%mul3A_97, %dma_start3A_124] : memref<125x80xi32, #tpu.memory_space<vmem>> -> memref<1x80xi32, #tpu.memory_space<vmem>>
        %dma_start3A_126 = tpu.memref_squeeze %dma_start3A_125 : memref<1x80xi32, #tpu.memory_space<vmem>> -> memref<80xi32, #tpu.memory_space<vmem>>
        %dma_start3A_127 = arith.constant 0 : i32
        %dma_start3A_128 = arith.constant 0 : i32
        %dma_start3A_129 = tpu.memref_slice %arg8[%dma_start3A_127, %dma_start3A_128] : memref<10000x128xf32, #tpu.memory_space<vmem_shared>> -> memref<10000x128xf32, #tpu.memory_space<vmem_shared>>
        tpu.enqueue_indirect_dma source(%arg6 : memref<80x128xf32, #tpu.memory_space<vmem>>) target(%dma_start3A_129 : memref<10000x128xf32, #tpu.memory_space<vmem_shared>>) offsets(%dma_start3A_126 : memref<80xi32, #tpu.memory_space<vmem>>) semaphore(%run_scoped3A_123 : memref<!tpu.dma_semaphore, #tpu.memory_space<semaphore_mem>>) {add = true}
        %dma_wait3A_130 = arith.constant 0 : i32
        %dma_wait3A_131 = tpu.memref_slice %arg5[%mul3A_97, %dma_wait3A_130] : memref<125x80xi32, #tpu.memory_space<vmem>> -> memref<1x80xi32, #tpu.memory_space<vmem>>
        %dma_wait3A_132 = tpu.memref_squeeze %dma_wait3A_131 : memref<1x80xi32, #tpu.memory_space<vmem>> -> memref<80xi32, #tpu.memory_space<vmem>>
        %dma_wait3A_133 = arith.constant 0 : i32
        %dma_wait3A_134 = arith.constant 0 : i32
        %dma_wait3A_135 = tpu.memref_slice %arg8[%dma_wait3A_133, %dma_wait3A_134] : memref<10000x128xf32, #tpu.memory_space<vmem_shared>> -> memref<10000x128xf32, #tpu.memory_space<vmem_shared>>
        tpu.wait_indirect_dma semaphore(%run_scoped3A_123 : memref<!tpu.dma_semaphore, #tpu.memory_space<semaphore_mem>>) src(%arg6 : memref<80x128xf32, #tpu.memory_space<vmem>>) dst(%dma_wait3A_135 : memref<10000x128xf32, #tpu.memory_space<vmem_shared>>)
        tpu.yield
      }) : () -> ()
      %add3A_111 = arith.constant 2 : i32
      %add3A_112 = arith.addi %mul3A_97, %add3A_111 : i32
      %lt3A = arith.constant 125 : i32
      %lt3A_113 = arith.cmpi slt, %add3A_112, %lt3A : i32
      %convert_element_type3A_114 = arith.extui %lt3A_113 : i1 to i32
      %cond3A_115 = arith.constant 0 : i32
      %cond3A_116 = arith.cmpi ne, %convert_element_type3A_114, %cond3A_115 : i32
      scf.if %cond3A_116 {
        %add3A_123 = arith.constant 2 : i32
        %add3A_124 = arith.addi %mul3A_97, %add3A_123 : i32
        %mul3A_125 = arith.constant 80 : i32
        %mul3A_126 = arith.muli %add3A_124, %mul3A_125 : i32
        %add3A_127 = arith.addi %mul3A_42, %mul3A_126 : i32
        %dma_start3A_128 = arith.constant 0 : i32
        %dma_start3A_129 = tpu.memref_slice %arg2[%add3A_127, %dma_start3A_128] : memref<320000x128xf32, #tpu.memory_space<hbm>> -> memref<80x128xf32, #tpu.memory_space<hbm>>
        %dma_start3A_130 = arith.constant 0 : i32
        %dma_start3A_131 = tpu.memref_slice %arg2[%add3A_127, %dma_start3A_130] : memref<320000x128xf32, #tpu.memory_space<hbm>> -> memref<80x128xf32, #tpu.memory_space<hbm>>
        tpu.enqueue_dma source(%dma_start3A_131 : memref<80x128xf32, #tpu.memory_space<hbm>>) target(%arg6 : memref<80x128xf32, #tpu.memory_space<vmem>>) target_semaphore(%arg9 : memref<!tpu.dma_semaphore, #tpu.memory_space<semaphore_mem>>)
      } else {
      }
      %dma_wait3A_117 = arith.constant 0 : i32
      %dma_wait3A_118 = tpu.memref_slice %arg2[%mul3A_42, %dma_wait3A_117] : memref<320000x128xf32, #tpu.memory_space<hbm>> -> memref<80x128xf32, #tpu.memory_space<hbm>>
      %dma_wait3A_119 = arith.constant 0 : i32
      %dma_wait3A_120 = tpu.memref_slice %arg2[%mul3A_42, %dma_wait3A_119] : memref<320000x128xf32, #tpu.memory_space<hbm>> -> memref<80x128xf32, #tpu.memory_space<hbm>>
      tpu.wait_dma2 semaphore(%arg10 : memref<!tpu.dma_semaphore, #tpu.memory_space<semaphore_mem>>) src(%dma_wait3A_120 : memref<80x128xf32, #tpu.memory_space<hbm>>) dst(%arg7 : memref<80x128xf32, #tpu.memory_space<vmem>>)
      %add3A_121 = arith.constant 1 : i32
      %add3A_122 = arith.addi %mul3A_97, %add3A_121 : i32
      "tpu.region"() ({
        %run_scoped3A_123 = tpu.sem_alloc : memref<!tpu.dma_semaphore, #tpu.memory_space<semaphore_mem>>
        %dma_start3A_124 = arith.constant 0 : i32
        %dma_start3A_125 = tpu.memref_slice %arg5[%add3A_122, %dma_start3A_124] : memref<125x80xi32, #tpu.memory_space<vmem>> -> memref<1x80xi32, #tpu.memory_space<vmem>>
        %dma_start3A_126 = tpu.memref_squeeze %dma_start3A_125 : memref<1x80xi32, #tpu.memory_space<vmem>> -> memref<80xi32, #tpu.memory_space<vmem>>
        %dma_start3A_127 = arith.constant 0 : i32
        %dma_start3A_128 = arith.constant 0 : i32
        %dma_start3A_129 = tpu.memref_slice %arg8[%dma_start3A_127, %dma_start3A_128] : memref<10000x128xf32, #tpu.memory_space<vmem_shared>> -> memref<10000x128xf32, #tpu.memory_space<vmem_shared>>
        tpu.enqueue_indirect_dma source(%arg7 : memref<80x128xf32, #tpu.memory_space<vmem>>) target(%dma_start3A_129 : memref<10000x128xf32, #tpu.memory_space<vmem_shared>>) offsets(%dma_start3A_126 : memref<80xi32, #tpu.memory_space<vmem>>) semaphore(%run_scoped3A_123 : memref<!tpu.dma_semaphore, #tpu.memory_space<semaphore_mem>>) {add = true}
        %dma_wait3A_130 = arith.constant 0 : i32
        %dma_wait3A_131 = tpu.memref_slice %arg5[%add3A_122, %dma_wait3A_130] : memref<125x80xi32, #tpu.memory_space<vmem>> -> memref<1x80xi32, #tpu.memory_space<vmem>>
        %dma_wait3A_132 = tpu.memref_squeeze %dma_wait3A_131 : memref<1x80xi32, #tpu.memory_space<vmem>> -> memref<80xi32, #tpu.memory_space<vmem>>
        %dma_wait3A_133 = arith.constant 0 : i32
        %dma_wait3A_134 = arith.constant 0 : i32
        %dma_wait3A_135 = tpu.memref_slice %arg8[%dma_wait3A_133, %dma_wait3A_134] : memref<10000x128xf32, #tpu.memory_space<vmem_shared>> -> memref<10000x128xf32, #tpu.memory_space<vmem_shared>>
        tpu.wait_indirect_dma semaphore(%run_scoped3A_123 : memref<!tpu.dma_semaphore, #tpu.memory_space<semaphore_mem>>) src(%arg7 : memref<80x128xf32, #tpu.memory_space<vmem>>) dst(%dma_wait3A_135 : memref<10000x128xf32, #tpu.memory_space<vmem_shared>>)
        tpu.yield
      }) : () -> ()
    }
    %scan3A_53 = arith.constant 62 : i32
    %dma_wait3A = arith.constant 0 : i32
    %dma_wait3A_54 = tpu.memref_slice %arg2[%mul3A_42, %dma_wait3A] : memref<320000x128xf32, #tpu.memory_space<hbm>> -> memref<80x128xf32, #tpu.memory_space<hbm>>
    %dma_wait3A_55 = arith.constant 0 : i32
    %dma_wait3A_56 = tpu.memref_slice %arg2[%mul3A_42, %dma_wait3A_55] : memref<320000x128xf32, #tpu.memory_space<hbm>> -> memref<80x128xf32, #tpu.memory_space<hbm>>
    tpu.wait_dma2 semaphore(%arg9 : memref<!tpu.dma_semaphore, #tpu.memory_space<semaphore_mem>>) src(%dma_wait3A_56 : memref<80x128xf32, #tpu.memory_space<hbm>>) dst(%arg6 : memref<80x128xf32, #tpu.memory_space<vmem>>)
    %run_scoped3A = arith.constant 124 : i32
    "tpu.region"() ({
      %run_scoped3A_95 = tpu.sem_alloc : memref<!tpu.dma_semaphore, #tpu.memory_space<semaphore_mem>>
      %dma_start3A_96 = arith.constant 0 : i32
      %dma_start3A_97 = tpu.memref_slice %arg5[%run_scoped3A, %dma_start3A_96] : memref<125x80xi32, #tpu.memory_space<vmem>> -> memref<1x80xi32, #tpu.memory_space<vmem>>
      %dma_start3A_98 = tpu.memref_squeeze %dma_start3A_97 : memref<1x80xi32, #tpu.memory_space<vmem>> -> memref<80xi32, #tpu.memory_space<vmem>>
      %dma_start3A_99 = arith.constant 0 : i32
      %dma_start3A_100 = arith.constant 0 : i32
      %dma_start3A_101 = tpu.memref_slice %arg8[%dma_start3A_99, %dma_start3A_100] : memref<10000x128xf32, #tpu.memory_space<vmem_shared>> -> memref<10000x128xf32, #tpu.memory_space<vmem_shared>>
      tpu.enqueue_indirect_dma source(%arg6 : memref<80x128xf32, #tpu.memory_space<vmem>>) target(%dma_start3A_101 : memref<10000x128xf32, #tpu.memory_space<vmem_shared>>) offsets(%dma_start3A_98 : memref<80xi32, #tpu.memory_space<vmem>>) semaphore(%run_scoped3A_95 : memref<!tpu.dma_semaphore, #tpu.memory_space<semaphore_mem>>) {add = true}
      %dma_wait3A_102 = arith.constant 0 : i32
      %dma_wait3A_103 = tpu.memref_slice %arg5[%run_scoped3A, %dma_wait3A_102] : memref<125x80xi32, #tpu.memory_space<vmem>> -> memref<1x80xi32, #tpu.memory_space<vmem>>
      %dma_wait3A_104 = tpu.memref_squeeze %dma_wait3A_103 : memref<1x80xi32, #tpu.memory_space<vmem>> -> memref<80xi32, #tpu.memory_space<vmem>>
      %dma_wait3A_105 = arith.constant 0 : i32
      %dma_wait3A_106 = arith.constant 0 : i32
      %dma_wait3A_107 = tpu.memref_slice %arg8[%dma_wait3A_105, %dma_wait3A_106] : memref<10000x128xf32, #tpu.memory_space<vmem_shared>> -> memref<10000x128xf32, #tpu.memory_space<vmem_shared>>
      tpu.wait_indirect_dma semaphore(%run_scoped3A_95 : memref<!tpu.dma_semaphore, #tpu.memory_space<semaphore_mem>>) src(%arg6 : memref<80x128xf32, #tpu.memory_space<vmem>>) dst(%dma_wait3A_107 : memref<10000x128xf32, #tpu.memory_space<vmem_shared>>)
      tpu.yield
    }) : () -> ()
    %barrier3A_57 = arith.constant 0 : index
    tpu.barrier barrier_id(%barrier3A_57)
    %mul3A_58 = arith.constant 624 : i32
    %mul3A_59 = arith.muli %arg1, %mul3A_58 : i32
    %add3A_60 = arith.constant 0 : i32
    %add3A_61 = arith.addi %mul3A_59, %add3A_60 : i32
    "tpu.region"() ({
      %run_scoped3A_95 = tpu.sem_alloc : memref<!tpu.dma_semaphore, #tpu.memory_space<semaphore_mem>>
      %dma_start3A_96 = arith.constant 0 : i32
      %dma_start3A_97 = arith.constant 0 : i32
      %dma_start3A_98 = tpu.memref_slice %arg4[%arg0, %dma_start3A_96, %dma_start3A_97] : memref<2x10000x128xf32, #tpu.memory_space<hbm>> -> memref<1x10000x128xf32, #tpu.memory_space<hbm>>
      %dma_start3A_99 = tpu.memref_squeeze %dma_start3A_98 : memref<1x10000x128xf32, #tpu.memory_space<hbm>> -> memref<10000x128xf32, #tpu.memory_space<hbm>>
      %dma_start3A_100 = arith.constant 0 : i32
      %dma_start3A_101 = tpu.memref_slice %dma_start3A_99[%add3A_61, %dma_start3A_100] : memref<10000x128xf32, #tpu.memory_space<hbm>> -> memref<80x128xf32, #tpu.memory_space<hbm>>
      %dma_start3A_102 = arith.constant 0 : i32
      %dma_start3A_103 = tpu.memref_slice %arg8[%add3A_61, %dma_start3A_102] : memref<10000x128xf32, #tpu.memory_space<vmem_shared>> -> memref<80x128xf32, #tpu.memory_space<vmem_shared>>
      tpu.enqueue_dma source(%dma_start3A_103 : memref<80x128xf32, #tpu.memory_space<vmem_shared>>) target(%dma_start3A_101 : memref<80x128xf32, #tpu.memory_space<hbm>>) target_semaphore(%run_scoped3A_95 : memref<!tpu.dma_semaphore, #tpu.memory_space<semaphore_mem>>)
      %dma_wait3A_104 = arith.constant 0 : i32
      %dma_wait3A_105 = arith.constant 0 : i32
      %dma_wait3A_106 = tpu.memref_slice %arg4[%arg0, %dma_wait3A_104, %dma_wait3A_105] : memref<2x10000x128xf32, #tpu.memory_space<hbm>> -> memref<1x10000x128xf32, #tpu.memory_space<hbm>>
      %dma_wait3A_107 = tpu.memref_squeeze %dma_wait3A_106 : memref<1x10000x128xf32, #tpu.memory_space<hbm>> -> memref<10000x128xf32, #tpu.memory_space<hbm>>
      %dma_wait3A_108 = arith.constant 0 : i32
      %dma_wait3A_109 = tpu.memref_slice %dma_wait3A_107[%add3A_61, %dma_wait3A_108] : memref<10000x128xf32, #tpu.memory_space<hbm>> -> memref<80x128xf32, #tpu.memory_space<hbm>>
      %dma_wait3A_110 = arith.constant 0 : i32
      %dma_wait3A_111 = tpu.memref_slice %arg8[%add3A_61, %dma_wait3A_110] : memref<10000x128xf32, #tpu.memory_space<vmem_shared>> -> memref<80x128xf32, #tpu.memory_space<vmem_shared>>
      tpu.wait_dma2 semaphore(%run_scoped3A_95 : memref<!tpu.dma_semaphore, #tpu.memory_space<semaphore_mem>>) src(%dma_wait3A_111 : memref<80x128xf32, #tpu.memory_space<vmem_shared>>) dst(%dma_wait3A_109 : memref<80x128xf32, #tpu.memory_space<hbm>>)
      tpu.yield
    }) : () -> ()
    %mul3A_62 = arith.constant 624 : i32
    %mul3A_63 = arith.muli %arg1, %mul3A_62 : i32
    %add3A_64 = arith.constant 80 : i32
    %add3A_65 = arith.addi %mul3A_63, %add3A_64 : i32
    "tpu.region"() ({
      %run_scoped3A_95 = tpu.sem_alloc : memref<!tpu.dma_semaphore, #tpu.memory_space<semaphore_mem>>
      %dma_start3A_96 = arith.constant 0 : i32
      %dma_start3A_97 = arith.constant 0 : i32
      %dma_start3A_98 = tpu.memref_slice %arg4[%arg0, %dma_start3A_96, %dma_start3A_97] : memref<2x10000x128xf32, #tpu.memory_space<hbm>> -> memref<1x10000x128xf32, #tpu.memory_space<hbm>>
      %dma_start3A_99 = tpu.memref_squeeze %dma_start3A_98 : memref<1x10000x128xf32, #tpu.memory_space<hbm>> -> memref<10000x128xf32, #tpu.memory_space<hbm>>
      %dma_start3A_100 = arith.constant 0 : i32
      %dma_start3A_101 = tpu.memref_slice %dma_start3A_99[%add3A_65, %dma_start3A_100] : memref<10000x128xf32, #tpu.memory_space<hbm>> -> memref<80x128xf32, #tpu.memory_space<hbm>>
      %dma_start3A_102 = arith.constant 0 : i32
      %dma_start3A_103 = tpu.memref_slice %arg8[%add3A_65, %dma_start3A_102] : memref<10000x128xf32, #tpu.memory_space<vmem_shared>> -> memref<80x128xf32, #tpu.memory_space<vmem_shared>>
      tpu.enqueue_dma source(%dma_start3A_103 : memref<80x128xf32, #tpu.memory_space<vmem_shared>>) target(%dma_start3A_101 : memref<80x128xf32, #tpu.memory_space<hbm>>) target_semaphore(%run_scoped3A_95 : memref<!tpu.dma_semaphore, #tpu.memory_space<semaphore_mem>>)
      %dma_wait3A_104 = arith.constant 0 : i32
      %dma_wait3A_105 = arith.constant 0 : i32
      %dma_wait3A_106 = tpu.memref_slice %arg4[%arg0, %dma_wait3A_104, %dma_wait3A_105] : memref<2x10000x128xf32, #tpu.memory_space<hbm>> -> memref<1x10000x128xf32, #tpu.memory_space<hbm>>
      %dma_wait3A_107 = tpu.memref_squeeze %dma_wait3A_106 : memref<1x10000x128xf32, #tpu.memory_space<hbm>> -> memref<10000x128xf32, #tpu.memory_space<hbm>>
      %dma_wait3A_108 = arith.constant 0 : i32
      %dma_wait3A_109 = tpu.memref_slice %dma_wait3A_107[%add3A_65, %dma_wait3A_108] : memref<10000x128xf32, #tpu.memory_space<hbm>> -> memref<80x128xf32, #tpu.memory_space<hbm>>
      %dma_wait3A_110 = arith.constant 0 : i32
      %dma_wait3A_111 = tpu.memref_slice %arg8[%add3A_65, %dma_wait3A_110] : memref<10000x128xf32, #tpu.memory_space<vmem_shared>> -> memref<80x128xf32, #tpu.memory_space<vmem_shared>>
      tpu.wait_dma2 semaphore(%run_scoped3A_95 : memref<!tpu.dma_semaphore, #tpu.memory_space<semaphore_mem>>) src(%dma_wait3A_111 : memref<80x128xf32, #tpu.memory_space<vmem_shared>>) dst(%dma_wait3A_109 : memref<80x128xf32, #tpu.memory_space<hbm>>)
      tpu.yield
    }) : () -> ()
    %mul3A_66 = arith.constant 624 : i32
    %mul3A_67 = arith.muli %arg1, %mul3A_66 : i32
    %add3A_68 = arith.constant 160 : i32
    %add3A_69 = arith.addi %mul3A_67, %add3A_68 : i32
    "tpu.region"() ({
      %run_scoped3A_95 = tpu.sem_alloc : memref<!tpu.dma_semaphore, #tpu.memory_space<semaphore_mem>>
      %dma_start3A_96 = arith.constant 0 : i32
      %dma_start3A_97 = arith.constant 0 : i32
      %dma_start3A_98 = tpu.memref_slice %arg4[%arg0, %dma_start3A_96, %dma_start3A_97] : memref<2x10000x128xf32, #tpu.memory_space<hbm>> -> memref<1x10000x128xf32, #tpu.memory_space<hbm>>
      %dma_start3A_99 = tpu.memref_squeeze %dma_start3A_98 : memref<1x10000x128xf32, #tpu.memory_space<hbm>> -> memref<10000x128xf32, #tpu.memory_space<hbm>>
      %dma_start3A_100 = arith.constant 0 : i32
      %dma_start3A_101 = tpu.memref_slice %dma_start3A_99[%add3A_69, %dma_start3A_100] : memref<10000x128xf32, #tpu.memory_space<hbm>> -> memref<80x128xf32, #tpu.memory_space<hbm>>
      %dma_start3A_102 = arith.constant 0 : i32
      %dma_start3A_103 = tpu.memref_slice %arg8[%add3A_69, %dma_start3A_102] : memref<10000x128xf32, #tpu.memory_space<vmem_shared>> -> memref<80x128xf32, #tpu.memory_space<vmem_shared>>
      tpu.enqueue_dma source(%dma_start3A_103 : memref<80x128xf32, #tpu.memory_space<vmem_shared>>) target(%dma_start3A_101 : memref<80x128xf32, #tpu.memory_space<hbm>>) target_semaphore(%run_scoped3A_95 : memref<!tpu.dma_semaphore, #tpu.memory_space<semaphore_mem>>)
      %dma_wait3A_104 = arith.constant 0 : i32
      %dma_wait3A_105 = arith.constant 0 : i32
      %dma_wait3A_106 = tpu.memref_slice %arg4[%arg0, %dma_wait3A_104, %dma_wait3A_105] : memref<2x10000x128xf32, #tpu.memory_space<hbm>> -> memref<1x10000x128xf32, #tpu.memory_space<hbm>>
      %dma_wait3A_107 = tpu.memref_squeeze %dma_wait3A_106 : memref<1x10000x128xf32, #tpu.memory_space<hbm>> -> memref<10000x128xf32, #tpu.memory_space<hbm>>
      %dma_wait3A_108 = arith.constant 0 : i32
      %dma_wait3A_109 = tpu.memref_slice %dma_wait3A_107[%add3A_69, %dma_wait3A_108] : memref<10000x128xf32, #tpu.memory_space<hbm>> -> memref<80x128xf32, #tpu.memory_space<hbm>>
      %dma_wait3A_110 = arith.constant 0 : i32
      %dma_wait3A_111 = tpu.memref_slice %arg8[%add3A_69, %dma_wait3A_110] : memref<10000x128xf32, #tpu.memory_space<vmem_shared>> -> memref<80x128xf32, #tpu.memory_space<vmem_shared>>
      tpu.wait_dma2 semaphore(%run_scoped3A_95 : memref<!tpu.dma_semaphore, #tpu.memory_space<semaphore_mem>>) src(%dma_wait3A_111 : memref<80x128xf32, #tpu.memory_space<vmem_shared>>) dst(%dma_wait3A_109 : memref<80x128xf32, #tpu.memory_space<hbm>>)
      tpu.yield
    }) : () -> ()
    %mul3A_70 = arith.constant 624 : i32
    %mul3A_71 = arith.muli %arg1, %mul3A_70 : i32
    %add3A_72 = arith.constant 240 : i32
    %add3A_73 = arith.addi %mul3A_71, %add3A_72 : i32
    "tpu.region"() ({
      %run_scoped3A_95 = tpu.sem_alloc : memref<!tpu.dma_semaphore, #tpu.memory_space<semaphore_mem>>
      %dma_start3A_96 = arith.constant 0 : i32
      %dma_start3A_97 = arith.constant 0 : i32
      %dma_start3A_98 = tpu.memref_slice %arg4[%arg0, %dma_start3A_96, %dma_start3A_97] : memref<2x10000x128xf32, #tpu.memory_space<hbm>> -> memref<1x10000x128xf32, #tpu.memory_space<hbm>>
      %dma_start3A_99 = tpu.memref_squeeze %dma_start3A_98 : memref<1x10000x128xf32, #tpu.memory_space<hbm>> -> memref<10000x128xf32, #tpu.memory_space<hbm>>
      %dma_start3A_100 = arith.constant 0 : i32
      %dma_start3A_101 = tpu.memref_slice %dma_start3A_99[%add3A_73, %dma_start3A_100] : memref<10000x128xf32, #tpu.memory_space<hbm>> -> memref<80x128xf32, #tpu.memory_space<hbm>>
      %dma_start3A_102 = arith.constant 0 : i32
      %dma_start3A_103 = tpu.memref_slice %arg8[%add3A_73, %dma_start3A_102] : memref<10000x128xf32, #tpu.memory_space<vmem_shared>> -> memref<80x128xf32, #tpu.memory_space<vmem_shared>>
      tpu.enqueue_dma source(%dma_start3A_103 : memref<80x128xf32, #tpu.memory_space<vmem_shared>>) target(%dma_start3A_101 : memref<80x128xf32, #tpu.memory_space<hbm>>) target_semaphore(%run_scoped3A_95 : memref<!tpu.dma_semaphore, #tpu.memory_space<semaphore_mem>>)
      %dma_wait3A_104 = arith.constant 0 : i32
      %dma_wait3A_105 = arith.constant 0 : i32
      %dma_wait3A_106 = tpu.memref_slice %arg4[%arg0, %dma_wait3A_104, %dma_wait3A_105] : memref<2x10000x128xf32, #tpu.memory_space<hbm>> -> memref<1x10000x128xf32, #tpu.memory_space<hbm>>
      %dma_wait3A_107 = tpu.memref_squeeze %dma_wait3A_106 : memref<1x10000x128xf32, #tpu.memory_space<hbm>> -> memref<10000x128xf32, #tpu.memory_space<hbm>>
      %dma_wait3A_108 = arith.constant 0 : i32
      %dma_wait3A_109 = tpu.memref_slice %dma_wait3A_107[%add3A_73, %dma_wait3A_108] : memref<10000x128xf32, #tpu.memory_space<hbm>> -> memref<80x128xf32, #tpu.memory_space<hbm>>
      %dma_wait3A_110 = arith.constant 0 : i32
      %dma_wait3A_111 = tpu.memref_slice %arg8[%add3A_73, %dma_wait3A_110] : memref<10000x128xf32, #tpu.memory_space<vmem_shared>> -> memref<80x128xf32, #tpu.memory_space<vmem_shared>>
      tpu.wait_dma2 semaphore(%run_scoped3A_95 : memref<!tpu.dma_semaphore, #tpu.memory_space<semaphore_mem>>) src(%dma_wait3A_111 : memref<80x128xf32, #tpu.memory_space<vmem_shared>>) dst(%dma_wait3A_109 : memref<80x128xf32, #tpu.memory_space<hbm>>)
      tpu.yield
    }) : () -> ()
    %mul3A_74 = arith.constant 624 : i32
    %mul3A_75 = arith.muli %arg1, %mul3A_74 : i32
    %add3A_76 = arith.constant 320 : i32
    %add3A_77 = arith.addi %mul3A_75, %add3A_76 : i32
    "tpu.region"() ({
      %run_scoped3A_95 = tpu.sem_alloc : memref<!tpu.dma_semaphore, #tpu.memory_space<semaphore_mem>>
      %dma_start3A_96 = arith.constant 0 : i32
      %dma_start3A_97 = arith.constant 0 : i32
      %dma_start3A_98 = tpu.memref_slice %arg4[%arg0, %dma_start3A_96, %dma_start3A_97] : memref<2x10000x128xf32, #tpu.memory_space<hbm>> -> memref<1x10000x128xf32, #tpu.memory_space<hbm>>
      %dma_start3A_99 = tpu.memref_squeeze %dma_start3A_98 : memref<1x10000x128xf32, #tpu.memory_space<hbm>> -> memref<10000x128xf32, #tpu.memory_space<hbm>>
      %dma_start3A_100 = arith.constant 0 : i32
      %dma_start3A_101 = tpu.memref_slice %dma_start3A_99[%add3A_77, %dma_start3A_100] : memref<10000x128xf32, #tpu.memory_space<hbm>> -> memref<80x128xf32, #tpu.memory_space<hbm>>
      %dma_start3A_102 = arith.constant 0 : i32
      %dma_start3A_103 = tpu.memref_slice %arg8[%add3A_77, %dma_start3A_102] : memref<10000x128xf32, #tpu.memory_space<vmem_shared>> -> memref<80x128xf32, #tpu.memory_space<vmem_shared>>
      tpu.enqueue_dma source(%dma_start3A_103 : memref<80x128xf32, #tpu.memory_space<vmem_shared>>) target(%dma_start3A_101 : memref<80x128xf32, #tpu.memory_space<hbm>>) target_semaphore(%run_scoped3A_95 : memref<!tpu.dma_semaphore, #tpu.memory_space<semaphore_mem>>)
      %dma_wait3A_104 = arith.constant 0 : i32
      %dma_wait3A_105 = arith.constant 0 : i32
      %dma_wait3A_106 = tpu.memref_slice %arg4[%arg0, %dma_wait3A_104, %dma_wait3A_105] : memref<2x10000x128xf32, #tpu.memory_space<hbm>> -> memref<1x10000x128xf32, #tpu.memory_space<hbm>>
      %dma_wait3A_107 = tpu.memref_squeeze %dma_wait3A_106 : memref<1x10000x128xf32, #tpu.memory_space<hbm>> -> memref<10000x128xf32, #tpu.memory_space<hbm>>
      %dma_wait3A_108 = arith.constant 0 : i32
      %dma_wait3A_109 = tpu.memref_slice %dma_wait3A_107[%add3A_77, %dma_wait3A_108] : memref<10000x128xf32, #tpu.memory_space<hbm>> -> memref<80x128xf32, #tpu.memory_space<hbm>>
      %dma_wait3A_110 = arith.constant 0 : i32
      %dma_wait3A_111 = tpu.memref_slice %arg8[%add3A_77, %dma_wait3A_110] : memref<10000x128xf32, #tpu.memory_space<vmem_shared>> -> memref<80x128xf32, #tpu.memory_space<vmem_shared>>
      tpu.wait_dma2 semaphore(%run_scoped3A_95 : memref<!tpu.dma_semaphore, #tpu.memory_space<semaphore_mem>>) src(%dma_wait3A_111 : memref<80x128xf32, #tpu.memory_space<vmem_shared>>) dst(%dma_wait3A_109 : memref<80x128xf32, #tpu.memory_space<hbm>>)
      tpu.yield
    }) : () -> ()
    %mul3A_78 = arith.constant 624 : i32
    %mul3A_79 = arith.muli %arg1, %mul3A_78 : i32
    %add3A_80 = arith.constant 400 : i32
    %add3A_81 = arith.addi %mul3A_79, %add3A_80 : i32
    "tpu.region"() ({
      %run_scoped3A_95 = tpu.sem_alloc : memref<!tpu.dma_semaphore, #tpu.memory_space<semaphore_mem>>
      %dma_start3A_96 = arith.constant 0 : i32
      %dma_start3A_97 = arith.constant 0 : i32
      %dma_start3A_98 = tpu.memref_slice %arg4[%arg0, %dma_start3A_96, %dma_start3A_97] : memref<2x10000x128xf32, #tpu.memory_space<hbm>> -> memref<1x10000x128xf32, #tpu.memory_space<hbm>>
      %dma_start3A_99 = tpu.memref_squeeze %dma_start3A_98 : memref<1x10000x128xf32, #tpu.memory_space<hbm>> -> memref<10000x128xf32, #tpu.memory_space<hbm>>
      %dma_start3A_100 = arith.constant 0 : i32
      %dma_start3A_101 = tpu.memref_slice %dma_start3A_99[%add3A_81, %dma_start3A_100] : memref<10000x128xf32, #tpu.memory_space<hbm>> -> memref<80x128xf32, #tpu.memory_space<hbm>>
      %dma_start3A_102 = arith.constant 0 : i32
      %dma_start3A_103 = tpu.memref_slice %arg8[%add3A_81, %dma_start3A_102] : memref<10000x128xf32, #tpu.memory_space<vmem_shared>> -> memref<80x128xf32, #tpu.memory_space<vmem_shared>>
      tpu.enqueue_dma source(%dma_start3A_103 : memref<80x128xf32, #tpu.memory_space<vmem_shared>>) target(%dma_start3A_101 : memref<80x128xf32, #tpu.memory_space<hbm>>) target_semaphore(%run_scoped3A_95 : memref<!tpu.dma_semaphore, #tpu.memory_space<semaphore_mem>>)
      %dma_wait3A_104 = arith.constant 0 : i32
      %dma_wait3A_105 = arith.constant 0 : i32
      %dma_wait3A_106 = tpu.memref_slice %arg4[%arg0, %dma_wait3A_104, %dma_wait3A_105] : memref<2x10000x128xf32, #tpu.memory_space<hbm>> -> memref<1x10000x128xf32, #tpu.memory_space<hbm>>
      %dma_wait3A_107 = tpu.memref_squeeze %dma_wait3A_106 : memref<1x10000x128xf32, #tpu.memory_space<hbm>> -> memref<10000x128xf32, #tpu.memory_space<hbm>>
      %dma_wait3A_108 = arith.constant 0 : i32
      %dma_wait3A_109 = tpu.memref_slice %dma_wait3A_107[%add3A_81, %dma_wait3A_108] : memref<10000x128xf32, #tpu.memory_space<hbm>> -> memref<80x128xf32, #tpu.memory_space<hbm>>
      %dma_wait3A_110 = arith.constant 0 : i32
      %dma_wait3A_111 = tpu.memref_slice %arg8[%add3A_81, %dma_wait3A_110] : memref<10000x128xf32, #tpu.memory_space<vmem_shared>> -> memref<80x128xf32, #tpu.memory_space<vmem_shared>>
      tpu.wait_dma2 semaphore(%run_scoped3A_95 : memref<!tpu.dma_semaphore, #tpu.memory_space<semaphore_mem>>) src(%dma_wait3A_111 : memref<80x128xf32, #tpu.memory_space<vmem_shared>>) dst(%dma_wait3A_109 : memref<80x128xf32, #tpu.memory_space<hbm>>)
      tpu.yield
    }) : () -> ()
    %mul3A_82 = arith.constant 624 : i32
    %mul3A_83 = arith.muli %arg1, %mul3A_82 : i32
    %add3A_84 = arith.constant 480 : i32
    %add3A_85 = arith.addi %mul3A_83, %add3A_84 : i32
    "tpu.region"() ({
      %run_scoped3A_95 = tpu.sem_alloc : memref<!tpu.dma_semaphore, #tpu.memory_space<semaphore_mem>>
      %dma_start3A_96 = arith.constant 0 : i32
      %dma_start3A_97 = arith.constant 0 : i32
      %dma_start3A_98 = tpu.memref_slice %arg4[%arg0, %dma_start3A_96, %dma_start3A_97] : memref<2x10000x128xf32, #tpu.memory_space<hbm>> -> memref<1x10000x128xf32, #tpu.memory_space<hbm>>
      %dma_start3A_99 = tpu.memref_squeeze %dma_start3A_98 : memref<1x10000x128xf32, #tpu.memory_space<hbm>> -> memref<10000x128xf32, #tpu.memory_space<hbm>>
      %dma_start3A_100 = arith.constant 0 : i32
      %dma_start3A_101 = tpu.memref_slice %dma_start3A_99[%add3A_85, %dma_start3A_100] : memref<10000x128xf32, #tpu.memory_space<hbm>> -> memref<80x128xf32, #tpu.memory_space<hbm>>
      %dma_start3A_102 = arith.constant 0 : i32
      %dma_start3A_103 = tpu.memref_slice %arg8[%add3A_85, %dma_start3A_102] : memref<10000x128xf32, #tpu.memory_space<vmem_shared>> -> memref<80x128xf32, #tpu.memory_space<vmem_shared>>
      tpu.enqueue_dma source(%dma_start3A_103 : memref<80x128xf32, #tpu.memory_space<vmem_shared>>) target(%dma_start3A_101 : memref<80x128xf32, #tpu.memory_space<hbm>>) target_semaphore(%run_scoped3A_95 : memref<!tpu.dma_semaphore, #tpu.memory_space<semaphore_mem>>)
      %dma_wait3A_104 = arith.constant 0 : i32
      %dma_wait3A_105 = arith.constant 0 : i32
      %dma_wait3A_106 = tpu.memref_slice %arg4[%arg0, %dma_wait3A_104, %dma_wait3A_105] : memref<2x10000x128xf32, #tpu.memory_space<hbm>> -> memref<1x10000x128xf32, #tpu.memory_space<hbm>>
      %dma_wait3A_107 = tpu.memref_squeeze %dma_wait3A_106 : memref<1x10000x128xf32, #tpu.memory_space<hbm>> -> memref<10000x128xf32, #tpu.memory_space<hbm>>
      %dma_wait3A_108 = arith.constant 0 : i32
      %dma_wait3A_109 = tpu.memref_slice %dma_wait3A_107[%add3A_85, %dma_wait3A_108] : memref<10000x128xf32, #tpu.memory_space<hbm>> -> memref<80x128xf32, #tpu.memory_space<hbm>>
      %dma_wait3A_110 = arith.constant 0 : i32
      %dma_wait3A_111 = tpu.memref_slice %arg8[%add3A_85, %dma_wait3A_110] : memref<10000x128xf32, #tpu.memory_space<vmem_shared>> -> memref<80x128xf32, #tpu.memory_space<vmem_shared>>
      tpu.wait_dma2 semaphore(%run_scoped3A_95 : memref<!tpu.dma_semaphore, #tpu.memory_space<semaphore_mem>>) src(%dma_wait3A_111 : memref<80x128xf32, #tpu.memory_space<vmem_shared>>) dst(%dma_wait3A_109 : memref<80x128xf32, #tpu.memory_space<hbm>>)
      tpu.yield
    }) : () -> ()
    %mul3A_86 = arith.constant 624 : i32
    %mul3A_87 = arith.muli %arg1, %mul3A_86 : i32
    %add3A_88 = arith.constant 560 : i32
    %add3A_89 = arith.addi %mul3A_87, %add3A_88 : i32
    "tpu.region"() ({
      %run_scoped3A_95 = tpu.sem_alloc : memref<!tpu.dma_semaphore, #tpu.memory_space<semaphore_mem>>
      %dma_start3A_96 = arith.constant 0 : i32
      %dma_start3A_97 = arith.constant 0 : i32
      %dma_start3A_98 = tpu.memref_slice %arg4[%arg0, %dma_start3A_96, %dma_start3A_97] : memref<2x10000x128xf32, #tpu.memory_space<hbm>> -> memref<1x10000x128xf32, #tpu.memory_space<hbm>>
      %dma_start3A_99 = tpu.memref_squeeze %dma_start3A_98 : memref<1x10000x128xf32, #tpu.memory_space<hbm>> -> memref<10000x128xf32, #tpu.memory_space<hbm>>
      %dma_start3A_100 = arith.constant 0 : i32
      %dma_start3A_101 = tpu.memref_slice %dma_start3A_99[%add3A_89, %dma_start3A_100] : memref<10000x128xf32, #tpu.memory_space<hbm>> -> memref<64x128xf32, #tpu.memory_space<hbm>>
      %dma_start3A_102 = arith.constant 0 : i32
      %dma_start3A_103 = tpu.memref_slice %arg8[%add3A_89, %dma_start3A_102] : memref<10000x128xf32, #tpu.memory_space<vmem_shared>> -> memref<64x128xf32, #tpu.memory_space<vmem_shared>>
      tpu.enqueue_dma source(%dma_start3A_103 : memref<64x128xf32, #tpu.memory_space<vmem_shared>>) target(%dma_start3A_101 : memref<64x128xf32, #tpu.memory_space<hbm>>) target_semaphore(%run_scoped3A_95 : memref<!tpu.dma_semaphore, #tpu.memory_space<semaphore_mem>>)
      %dma_wait3A_104 = arith.constant 0 : i32
      %dma_wait3A_105 = arith.constant 0 : i32
      %dma_wait3A_106 = tpu.memref_slice %arg4[%arg0, %dma_wait3A_104, %dma_wait3A_105] : memref<2x10000x128xf32, #tpu.memory_space<hbm>> -> memref<1x10000x128xf32, #tpu.memory_space<hbm>>
      %dma_wait3A_107 = tpu.memref_squeeze %dma_wait3A_106 : memref<1x10000x128xf32, #tpu.memory_space<hbm>> -> memref<10000x128xf32, #tpu.memory_space<hbm>>
      %dma_wait3A_108 = arith.constant 0 : i32
      %dma_wait3A_109 = tpu.memref_slice %dma_wait3A_107[%add3A_89, %dma_wait3A_108] : memref<10000x128xf32, #tpu.memory_space<hbm>> -> memref<64x128xf32, #tpu.memory_space<hbm>>
      %dma_wait3A_110 = arith.constant 0 : i32
      %dma_wait3A_111 = tpu.memref_slice %arg8[%add3A_89, %dma_wait3A_110] : memref<10000x128xf32, #tpu.memory_space<vmem_shared>> -> memref<64x128xf32, #tpu.memory_space<vmem_shared>>
      tpu.wait_dma2 semaphore(%run_scoped3A_95 : memref<!tpu.dma_semaphore, #tpu.memory_space<semaphore_mem>>) src(%dma_wait3A_111 : memref<64x128xf32, #tpu.memory_space<vmem_shared>>) dst(%dma_wait3A_109 : memref<64x128xf32, #tpu.memory_space<hbm>>)
      tpu.yield
    }) : () -> ()
    %eq3A_90 = arith.constant 0 : i32
    %eq3A_91 = arith.cmpi eq, %arg1, %eq3A_90 : i32
    %convert_element_type3A_92 = arith.extui %eq3A_91 : i1 to i32
    %cond3A_93 = arith.constant 0 : i32
    %cond3A_94 = arith.cmpi ne, %convert_element_type3A_92, %cond3A_93 : i32
    scf.if %cond3A_94 {
      "tpu.region"() ({
        %run_scoped3A_95 = tpu.sem_alloc : memref<!tpu.dma_semaphore, #tpu.memory_space<semaphore_mem>>
        %dma_start3A_96 = arith.constant 0 : i32
        %dma_start3A_97 = arith.constant 0 : i32
        %dma_start3A_98 = tpu.memref_slice %arg4[%arg0, %dma_start3A_96, %dma_start3A_97] : memref<2x10000x128xf32, #tpu.memory_space<hbm>> -> memref<1x10000x128xf32, #tpu.memory_space<hbm>>
        %dma_start3A_99 = tpu.memref_squeeze %dma_start3A_98 : memref<1x10000x128xf32, #tpu.memory_space<hbm>> -> memref<10000x128xf32, #tpu.memory_space<hbm>>
        %dma_start3A_100 = arith.constant 9984 : i32
        %dma_start3A_101 = arith.constant 0 : i32
        %dma_start3A_102 = tpu.memref_slice %dma_start3A_99[%dma_start3A_100, %dma_start3A_101] : memref<10000x128xf32, #tpu.memory_space<hbm>> -> memref<16x128xf32, #tpu.memory_space<hbm>>
        %dma_start3A_103 = arith.constant 9984 : i32
        %dma_start3A_104 = arith.constant 0 : i32
        %dma_start3A_105 = tpu.memref_slice %arg8[%dma_start3A_103, %dma_start3A_104] : memref<10000x128xf32, #tpu.memory_space<vmem_shared>> -> memref<16x128xf32, #tpu.memory_space<vmem_shared>>
        tpu.enqueue_dma source(%dma_start3A_105 : memref<16x128xf32, #tpu.memory_space<vmem_shared>>) target(%dma_start3A_102 : memref<16x128xf32, #tpu.memory_space<hbm>>) target_semaphore(%run_scoped3A_95 : memref<!tpu.dma_semaphore, #tpu.memory_space<semaphore_mem>>)
        %dma_wait3A_106 = arith.constant 0 : i32
        %dma_wait3A_107 = arith.constant 0 : i32
        %dma_wait3A_108 = tpu.memref_slice %arg4[%arg0, %dma_wait3A_106, %dma_wait3A_107] : memref<2x10000x128xf32, #tpu.memory_space<hbm>> -> memref<1x10000x128xf32, #tpu.memory_space<hbm>>
        %dma_wait3A_109 = tpu.memref_squeeze %dma_wait3A_108 : memref<1x10000x128xf32, #tpu.memory_space<hbm>> -> memref<10000x128xf32, #tpu.memory_space<hbm>>
        %dma_wait3A_110 = arith.constant 9984 : i32
        %dma_wait3A_111 = arith.constant 0 : i32
        %dma_wait3A_112 = tpu.memref_slice %dma_wait3A_109[%dma_wait3A_110, %dma_wait3A_111] : memref<10000x128xf32, #tpu.memory_space<hbm>> -> memref<16x128xf32, #tpu.memory_space<hbm>>
        %dma_wait3A_113 = arith.constant 9984 : i32
        %dma_wait3A_114 = arith.constant 0 : i32
        %dma_wait3A_115 = tpu.memref_slice %arg8[%dma_wait3A_113, %dma_wait3A_114] : memref<10000x128xf32, #tpu.memory_space<vmem_shared>> -> memref<16x128xf32, #tpu.memory_space<vmem_shared>>
        tpu.wait_dma2 semaphore(%run_scoped3A_95 : memref<!tpu.dma_semaphore, #tpu.memory_space<semaphore_mem>>) src(%dma_wait3A_115 : memref<16x128xf32, #tpu.memory_space<vmem_shared>>) dst(%dma_wait3A_112 : memref<16x128xf32, #tpu.memory_space<hbm>>)
        tpu.yield
      }) : () -> ()
    } else {
    }
    return
  }
}

#map = affine_map<(d0, d1) -> (0, 0)>
#map1 = affine_map<(d0, d1) -> (0)>
module attributes {stable_mosaic.version = 14 : i64} {
  func.func @_sc_wd_body(%arg0: i32, %arg1: i32, %arg2: memref<320000x16xf32, #tpu.memory_space<hbm>>, %arg3: memref<320000xi32, #tpu.memory_space<hbm>>, %arg4: memref<32x40000xf32, #tpu.memory_space<hbm>>, %arg5: memref<10000xi32, #tpu.memory_space<vmem>>, %arg6: memref<80x16xf32, #tpu.memory_space<vmem>>, %arg7: memref<80x16xf32, #tpu.memory_space<vmem>>, %arg8: memref<40000xf32, #tpu.memory_space<vmem>>, %arg9: memref<!tpu.dma_semaphore, #tpu.memory_space<semaphore_mem>>, %arg10: memref<!tpu.dma_semaphore, #tpu.memory_space<semaphore_mem>>) attributes {dimension_semantics = [#tpu.dimension_semantics<core_parallel>, #tpu.dimension_semantics<subcore_parallel>], iteration_bounds = array<i64: 2, 16>, scalar_prefetch = 0 : i64, scratch_operands = 6 : i64, tpu.core_type = #tpu.core_type<sc_vector_subcore>, window_params = [{transform_indices = #map}, {transform_indices = #map1}, {transform_indices = #map}]} {
    %mul3A = arith.constant 2 : i32
    %mul3A_0 = arith.muli %arg1, %mul3A : i32
    %add3A = arith.addi %mul3A_0, %arg0 : i32
    %mul3A_1 = arith.constant 10000 : i32
    %mul3A_2 = arith.muli %add3A, %mul3A_1 : i32
    %broadcast_in_dim3A = arith.constant 0.000000e+00 : f32
    %broadcast_in_dim3A_3 = vector.broadcast %broadcast_in_dim3A : f32 to vector<16xf32>
    %scan3A = arith.constant 0 : i32
    %scan3A_4 = arith.constant 0 : i32
    %scan3A_5 = arith.constant 2500 : i32
    %scan3A_6 = arith.addi %scan3A_4, %scan3A_5 : i32
    %scan3A_7 = arith.constant 1 : i32
    scf.for %scan3A_141 = %scan3A_4 to %scan3A_6 step %scan3A_7  : i32 {
      %mul3A_142 = arith.constant 16 : i32
      %mul3A_143 = arith.muli %scan3A_141, %mul3A_142 : i32
      %swap3A = arith.index_cast %mul3A_143 : i32 to index
      %swap3A_144 = tpu.vector_load %arg8[%swap3A] {strides = array<i32>} : memref<40000xf32, #tpu.memory_space<vmem>>, vector<16xf32>,
      tpu.vector_store %arg8[%swap3A], %broadcast_in_dim3A_3 {strides = array<i32>} : memref<40000xf32, #tpu.memory_space<vmem>>, vector<16xf32>,
    }
    %scan3A_8 = arith.constant 2500 : i32
    "tpu.region"() ({
      %run_scoped3A = tpu.sem_alloc : memref<!tpu.dma_semaphore, #tpu.memory_space<semaphore_mem>>
      %dma_start3A_141 = tpu.memref_slice %arg3[%mul3A_2] : memref<320000xi32, #tpu.memory_space<hbm>> -> memref<10000xi32, #tpu.memory_space<hbm>>
      %dma_start3A_142 = tpu.memref_slice %arg3[%mul3A_2] : memref<320000xi32, #tpu.memory_space<hbm>> -> memref<10000xi32, #tpu.memory_space<hbm>>
      tpu.enqueue_dma source(%dma_start3A_142 : memref<10000xi32, #tpu.memory_space<hbm>>) target(%arg5 : memref<10000xi32, #tpu.memory_space<vmem>>) target_semaphore(%run_scoped3A : memref<!tpu.dma_semaphore, #tpu.memory_space<semaphore_mem>>)
      %dma_wait3A_143 = tpu.memref_slice %arg3[%mul3A_2] : memref<320000xi32, #tpu.memory_space<hbm>> -> memref<10000xi32, #tpu.memory_space<hbm>>
      %dma_wait3A_144 = tpu.memref_slice %arg3[%mul3A_2] : memref<320000xi32, #tpu.memory_space<hbm>> -> memref<10000xi32, #tpu.memory_space<hbm>>
      tpu.wait_dma2 semaphore(%run_scoped3A : memref<!tpu.dma_semaphore, #tpu.memory_space<semaphore_mem>>) src(%dma_wait3A_144 : memref<10000xi32, #tpu.memory_space<hbm>>) dst(%arg5 : memref<10000xi32, #tpu.memory_space<vmem>>)
      tpu.yield
    }) : () -> ()
    %iota3A = tpu.iota {dimensions = array<i32: 0>} : vector<16xi32>
    %add3A_9 = arith.constant 0 : i32
    %add3A_10 = arith.addi %mul3A_2, %add3A_9 : i32
    %dma_start3A = arith.constant 0 : i32
    %dma_start3A_11 = tpu.memref_slice %arg2[%add3A_10, %dma_start3A] : memref<320000x16xf32, #tpu.memory_space<hbm>> -> memref<80x16xf32, #tpu.memory_space<hbm>>
    %dma_start3A_12 = arith.constant 0 : i32
    %dma_start3A_13 = tpu.memref_slice %arg2[%add3A_10, %dma_start3A_12] : memref<320000x16xf32, #tpu.memory_space<hbm>> -> memref<80x16xf32, #tpu.memory_space<hbm>>
    tpu.enqueue_dma source(%dma_start3A_13 : memref<80x16xf32, #tpu.memory_space<hbm>>) target(%arg6 : memref<80x16xf32, #tpu.memory_space<vmem>>) target_semaphore(%arg9 : memref<!tpu.dma_semaphore, #tpu.memory_space<semaphore_mem>>)
    %scan3A_14 = arith.constant 0 : i32
    %scan3A_15 = arith.constant 0 : i32
    %scan3A_16 = arith.constant 62 : i32
    %scan3A_17 = arith.addi %scan3A_15, %scan3A_16 : i32
    %scan3A_18 = arith.constant 1 : i32
    scf.for %scan3A_141 = %scan3A_15 to %scan3A_17 step %scan3A_18  : i32 {
      %mul3A_142 = arith.constant 2 : i32
      %mul3A_143 = arith.muli %mul3A_142, %scan3A_141 : i32
      %add3A_144 = arith.constant 1 : i32
      %add3A_145 = arith.addi %mul3A_143, %add3A_144 : i32
      %mul3A_146 = arith.constant 80 : i32
      %mul3A_147 = arith.muli %add3A_145, %mul3A_146 : i32
      %add3A_148 = arith.addi %mul3A_2, %mul3A_147 : i32
      %dma_start3A_149 = arith.constant 0 : i32
      %dma_start3A_150 = tpu.memref_slice %arg2[%add3A_148, %dma_start3A_149] : memref<320000x16xf32, #tpu.memory_space<hbm>> -> memref<80x16xf32, #tpu.memory_space<hbm>>
      %dma_start3A_151 = arith.constant 0 : i32
      %dma_start3A_152 = tpu.memref_slice %arg2[%add3A_148, %dma_start3A_151] : memref<320000x16xf32, #tpu.memory_space<hbm>> -> memref<80x16xf32, #tpu.memory_space<hbm>>
      tpu.enqueue_dma source(%dma_start3A_152 : memref<80x16xf32, #tpu.memory_space<hbm>>) target(%arg7 : memref<80x16xf32, #tpu.memory_space<vmem>>) target_semaphore(%arg10 : memref<!tpu.dma_semaphore, #tpu.memory_space<semaphore_mem>>)
      %dma_wait3A_153 = arith.constant 0 : i32
      %dma_wait3A_154 = tpu.memref_slice %arg2[%mul3A_2, %dma_wait3A_153] : memref<320000x16xf32, #tpu.memory_space<hbm>> -> memref<80x16xf32, #tpu.memory_space<hbm>>
      %dma_wait3A_155 = arith.constant 0 : i32
      %dma_wait3A_156 = tpu.memref_slice %arg2[%mul3A_2, %dma_wait3A_155] : memref<320000x16xf32, #tpu.memory_space<hbm>> -> memref<80x16xf32, #tpu.memory_space<hbm>>
      tpu.wait_dma2 semaphore(%arg9 : memref<!tpu.dma_semaphore, #tpu.memory_space<semaphore_mem>>) src(%dma_wait3A_156 : memref<80x16xf32, #tpu.memory_space<hbm>>) dst(%arg6 : memref<80x16xf32, #tpu.memory_space<vmem>>)
      %mul3A_157 = arith.constant 80 : i32
      %mul3A_158 = arith.muli %mul3A_143, %mul3A_157 : i32
      %add3A_159 = arith.constant 0 : i32
      %add3A_160 = vector.broadcast %add3A_159 : i32 to vector<16xi32>
      %add3A_161 = arith.addi %iota3A, %add3A_160 : vector<16xi32>
      %add3A_162 = arith.constant 0 : i32
      %add3A_163 = arith.addi %mul3A_158, %add3A_162 : i32
      %get3A_164 = arith.index_cast %add3A_163 : i32 to index
      %get3A_165 = tpu.vector_load %arg5[%get3A_164] {strides = array<i32>} : memref<10000xi32, #tpu.memory_space<vmem>>, vector<16xi32>,
      %mul3A_166 = arith.constant 4 : i32
      %mul3A_167 = vector.broadcast %mul3A_166 : i32 to vector<16xi32>
      %mul3A_168 = arith.muli %get3A_165, %mul3A_167 : vector<16xi32>
      %broadcast_in_dim3A_169 = arith.constant 0 : i32
      %broadcast_in_dim3A_170 = vector.broadcast %broadcast_in_dim3A_169 : i32 to vector<16xi32>
      %gather3A_171 = tpu.vector_load_idx %arg6[%add3A_161, %broadcast_in_dim3A_170] : memref<80x16xf32, #tpu.memory_space<vmem>>[vector<16xi32>, vector<16xi32>], vector<16xf32>,
      %add3A_172 = arith.addi %mul3A_168, %broadcast_in_dim3A_170 : vector<16xi32>
      tpu.vector_store_idx %arg8[%add3A_172], %gather3A_171 {add = true} : memref<40000xf32, #tpu.memory_space<vmem>>[vector<16xi32>], vector<16xf32>,
      %broadcast_in_dim3A_173 = arith.constant 1 : i32
      %broadcast_in_dim3A_174 = vector.broadcast %broadcast_in_dim3A_173 : i32 to vector<16xi32>
      %gather3A_175 = tpu.vector_load_idx %arg6[%add3A_161, %broadcast_in_dim3A_174] : memref<80x16xf32, #tpu.memory_space<vmem>>[vector<16xi32>, vector<16xi32>], vector<16xf32>,
      %add3A_176 = arith.addi %mul3A_168, %broadcast_in_dim3A_174 : vector<16xi32>
      tpu.vector_store_idx %arg8[%add3A_176], %gather3A_175 {add = true} : memref<40000xf32, #tpu.memory_space<vmem>>[vector<16xi32>], vector<16xf32>,
      %broadcast_in_dim3A_177 = arith.constant 2 : i32
      %broadcast_in_dim3A_178 = vector.broadcast %broadcast_in_dim3A_177 : i32 to vector<16xi32>
      %gather3A_179 = tpu.vector_load_idx %arg6[%add3A_161, %broadcast_in_dim3A_178] : memref<80x16xf32, #tpu.memory_space<vmem>>[vector<16xi32>, vector<16xi32>], vector<16xf32>,
      %add3A_180 = arith.addi %mul3A_168, %broadcast_in_dim3A_178 : vector<16xi32>
      tpu.vector_store_idx %arg8[%add3A_180], %gather3A_179 {add = true} : memref<40000xf32, #tpu.memory_space<vmem>>[vector<16xi32>], vector<16xf32>,
      %broadcast_in_dim3A_181 = arith.constant 3 : i32
      %broadcast_in_dim3A_182 = vector.broadcast %broadcast_in_dim3A_181 : i32 to vector<16xi32>
      %gather3A_183 = tpu.vector_load_idx %arg6[%add3A_161, %broadcast_in_dim3A_182] : memref<80x16xf32, #tpu.memory_space<vmem>>[vector<16xi32>, vector<16xi32>], vector<16xf32>,
      %add3A_184 = arith.addi %mul3A_168, %broadcast_in_dim3A_182 : vector<16xi32>
      tpu.vector_store_idx %arg8[%add3A_184], %gather3A_183 {add = true} : memref<40000xf32, #tpu.memory_space<vmem>>[vector<16xi32>], vector<16xf32>,
      %add3A_185 = arith.constant 16 : i32
      %add3A_186 = vector.broadcast %add3A_185 : i32 to vector<16xi32>
      %add3A_187 = arith.addi %iota3A, %add3A_186 : vector<16xi32>
      %add3A_188 = arith.constant 16 : i32
      %add3A_189 = arith.addi %mul3A_158, %add3A_188 : i32
      %get3A_190 = arith.index_cast %add3A_189 : i32 to index
      %get3A_191 = tpu.vector_load %arg5[%get3A_190] {strides = array<i32>} : memref<10000xi32, #tpu.memory_space<vmem>>, vector<16xi32>,
      %mul3A_192 = arith.constant 4 : i32
      %mul3A_193 = vector.broadcast %mul3A_192 : i32 to vector<16xi32>
      %mul3A_194 = arith.muli %get3A_191, %mul3A_193 : vector<16xi32>
      %broadcast_in_dim3A_195 = arith.constant 0 : i32
      %broadcast_in_dim3A_196 = vector.broadcast %broadcast_in_dim3A_195 : i32 to vector<16xi32>
      %gather3A_197 = tpu.vector_load_idx %arg6[%add3A_187, %broadcast_in_dim3A_196] : memref<80x16xf32, #tpu.memory_space<vmem>>[vector<16xi32>, vector<16xi32>], vector<16xf32>,
      %add3A_198 = arith.addi %mul3A_194, %broadcast_in_dim3A_196 : vector<16xi32>
      tpu.vector_store_idx %arg8[%add3A_198], %gather3A_197 {add = true} : memref<40000xf32, #tpu.memory_space<vmem>>[vector<16xi32>], vector<16xf32>,
      %broadcast_in_dim3A_199 = arith.constant 1 : i32
      %broadcast_in_dim3A_200 = vector.broadcast %broadcast_in_dim3A_199 : i32 to vector<16xi32>
      %gather3A_201 = tpu.vector_load_idx %arg6[%add3A_187, %broadcast_in_dim3A_200] : memref<80x16xf32, #tpu.memory_space<vmem>>[vector<16xi32>, vector<16xi32>], vector<16xf32>,
      %add3A_202 = arith.addi %mul3A_194, %broadcast_in_dim3A_200 : vector<16xi32>
      tpu.vector_store_idx %arg8[%add3A_202], %gather3A_201 {add = true} : memref<40000xf32, #tpu.memory_space<vmem>>[vector<16xi32>], vector<16xf32>,
      %broadcast_in_dim3A_203 = arith.constant 2 : i32
      %broadcast_in_dim3A_204 = vector.broadcast %broadcast_in_dim3A_203 : i32 to vector<16xi32>
      %gather3A_205 = tpu.vector_load_idx %arg6[%add3A_187, %broadcast_in_dim3A_204] : memref<80x16xf32, #tpu.memory_space<vmem>>[vector<16xi32>, vector<16xi32>], vector<16xf32>,
      %add3A_206 = arith.addi %mul3A_194, %broadcast_in_dim3A_204 : vector<16xi32>
      tpu.vector_store_idx %arg8[%add3A_206], %gather3A_205 {add = true} : memref<40000xf32, #tpu.memory_space<vmem>>[vector<16xi32>], vector<16xf32>,
      %broadcast_in_dim3A_207 = arith.constant 3 : i32
      %broadcast_in_dim3A_208 = vector.broadcast %broadcast_in_dim3A_207 : i32 to vector<16xi32>
      %gather3A_209 = tpu.vector_load_idx %arg6[%add3A_187, %broadcast_in_dim3A_208] : memref<80x16xf32, #tpu.memory_space<vmem>>[vector<16xi32>, vector<16xi32>], vector<16xf32>,
      %add3A_210 = arith.addi %mul3A_194, %broadcast_in_dim3A_208 : vector<16xi32>
      tpu.vector_store_idx %arg8[%add3A_210], %gather3A_209 {add = true} : memref<40000xf32, #tpu.memory_space<vmem>>[vector<16xi32>], vector<16xf32>,
      %add3A_211 = arith.constant 32 : i32
      %add3A_212 = vector.broadcast %add3A_211 : i32 to vector<16xi32>
      %add3A_213 = arith.addi %iota3A, %add3A_212 : vector<16xi32>
      %add3A_214 = arith.constant 32 : i32
      %add3A_215 = arith.addi %mul3A_158, %add3A_214 : i32
      %get3A_216 = arith.index_cast %add3A_215 : i32 to index
      %get3A_217 = tpu.vector_load %arg5[%get3A_216] {strides = array<i32>} : memref<10000xi32, #tpu.memory_space<vmem>>, vector<16xi32>,
      %mul3A_218 = arith.constant 4 : i32
      %mul3A_219 = vector.broadcast %mul3A_218 : i32 to vector<16xi32>
      %mul3A_220 = arith.muli %get3A_217, %mul3A_219 : vector<16xi32>
      %broadcast_in_dim3A_221 = arith.constant 0 : i32
      %broadcast_in_dim3A_222 = vector.broadcast %broadcast_in_dim3A_221 : i32 to vector<16xi32>
      %gather3A_223 = tpu.vector_load_idx %arg6[%add3A_213, %broadcast_in_dim3A_222] : memref<80x16xf32, #tpu.memory_space<vmem>>[vector<16xi32>, vector<16xi32>], vector<16xf32>,
      %add3A_224 = arith.addi %mul3A_220, %broadcast_in_dim3A_222 : vector<16xi32>
      tpu.vector_store_idx %arg8[%add3A_224], %gather3A_223 {add = true} : memref<40000xf32, #tpu.memory_space<vmem>>[vector<16xi32>], vector<16xf32>,
      %broadcast_in_dim3A_225 = arith.constant 1 : i32
      %broadcast_in_dim3A_226 = vector.broadcast %broadcast_in_dim3A_225 : i32 to vector<16xi32>
      %gather3A_227 = tpu.vector_load_idx %arg6[%add3A_213, %broadcast_in_dim3A_226] : memref<80x16xf32, #tpu.memory_space<vmem>>[vector<16xi32>, vector<16xi32>], vector<16xf32>,
      %add3A_228 = arith.addi %mul3A_220, %broadcast_in_dim3A_226 : vector<16xi32>
      tpu.vector_store_idx %arg8[%add3A_228], %gather3A_227 {add = true} : memref<40000xf32, #tpu.memory_space<vmem>>[vector<16xi32>], vector<16xf32>,
      %broadcast_in_dim3A_229 = arith.constant 2 : i32
      %broadcast_in_dim3A_230 = vector.broadcast %broadcast_in_dim3A_229 : i32 to vector<16xi32>
      %gather3A_231 = tpu.vector_load_idx %arg6[%add3A_213, %broadcast_in_dim3A_230] : memref<80x16xf32, #tpu.memory_space<vmem>>[vector<16xi32>, vector<16xi32>], vector<16xf32>,
      %add3A_232 = arith.addi %mul3A_220, %broadcast_in_dim3A_230 : vector<16xi32>
      tpu.vector_store_idx %arg8[%add3A_232], %gather3A_231 {add = true} : memref<40000xf32, #tpu.memory_space<vmem>>[vector<16xi32>], vector<16xf32>,
      %broadcast_in_dim3A_233 = arith.constant 3 : i32
      %broadcast_in_dim3A_234 = vector.broadcast %broadcast_in_dim3A_233 : i32 to vector<16xi32>
      %gather3A_235 = tpu.vector_load_idx %arg6[%add3A_213, %broadcast_in_dim3A_234] : memref<80x16xf32, #tpu.memory_space<vmem>>[vector<16xi32>, vector<16xi32>], vector<16xf32>,
      %add3A_236 = arith.addi %mul3A_220, %broadcast_in_dim3A_234 : vector<16xi32>
      tpu.vector_store_idx %arg8[%add3A_236], %gather3A_235 {add = true} : memref<40000xf32, #tpu.memory_space<vmem>>[vector<16xi32>], vector<16xf32>,
      %add3A_237 = arith.constant 48 : i32
      %add3A_238 = vector.broadcast %add3A_237 : i32 to vector<16xi32>
      %add3A_239 = arith.addi %iota3A, %add3A_238 : vector<16xi32>
      %add3A_240 = arith.constant 48 : i32
      %add3A_241 = arith.addi %mul3A_158, %add3A_240 : i32
      %get3A_242 = arith.index_cast %add3A_241 : i32 to index
      %get3A_243 = tpu.vector_load %arg5[%get3A_242] {strides = array<i32>} : memref<10000xi32, #tpu.memory_space<vmem>>, vector<16xi32>,
      %mul3A_244 = arith.constant 4 : i32
      %mul3A_245 = vector.broadcast %mul3A_244 : i32 to vector<16xi32>
      %mul3A_246 = arith.muli %get3A_243, %mul3A_245 : vector<16xi32>
      %broadcast_in_dim3A_247 = arith.constant 0 : i32
      %broadcast_in_dim3A_248 = vector.broadcast %broadcast_in_dim3A_247 : i32 to vector<16xi32>
      %gather3A_249 = tpu.vector_load_idx %arg6[%add3A_239, %broadcast_in_dim3A_248] : memref<80x16xf32, #tpu.memory_space<vmem>>[vector<16xi32>, vector<16xi32>], vector<16xf32>,
      %add3A_250 = arith.addi %mul3A_246, %broadcast_in_dim3A_248 : vector<16xi32>
      tpu.vector_store_idx %arg8[%add3A_250], %gather3A_249 {add = true} : memref<40000xf32, #tpu.memory_space<vmem>>[vector<16xi32>], vector<16xf32>,
      %broadcast_in_dim3A_251 = arith.constant 1 : i32
      %broadcast_in_dim3A_252 = vector.broadcast %broadcast_in_dim3A_251 : i32 to vector<16xi32>
      %gather3A_253 = tpu.vector_load_idx %arg6[%add3A_239, %broadcast_in_dim3A_252] : memref<80x16xf32, #tpu.memory_space<vmem>>[vector<16xi32>, vector<16xi32>], vector<16xf32>,
      %add3A_254 = arith.addi %mul3A_246, %broadcast_in_dim3A_252 : vector<16xi32>
      tpu.vector_store_idx %arg8[%add3A_254], %gather3A_253 {add = true} : memref<40000xf32, #tpu.memory_space<vmem>>[vector<16xi32>], vector<16xf32>,
      %broadcast_in_dim3A_255 = arith.constant 2 : i32
      %broadcast_in_dim3A_256 = vector.broadcast %broadcast_in_dim3A_255 : i32 to vector<16xi32>
      %gather3A_257 = tpu.vector_load_idx %arg6[%add3A_239, %broadcast_in_dim3A_256] : memref<80x16xf32, #tpu.memory_space<vmem>>[vector<16xi32>, vector<16xi32>], vector<16xf32>,
      %add3A_258 = arith.addi %mul3A_246, %broadcast_in_dim3A_256 : vector<16xi32>
      tpu.vector_store_idx %arg8[%add3A_258], %gather3A_257 {add = true} : memref<40000xf32, #tpu.memory_space<vmem>>[vector<16xi32>], vector<16xf32>,
      %broadcast_in_dim3A_259 = arith.constant 3 : i32
      %broadcast_in_dim3A_260 = vector.broadcast %broadcast_in_dim3A_259 : i32 to vector<16xi32>
      %gather3A_261 = tpu.vector_load_idx %arg6[%add3A_239, %broadcast_in_dim3A_260] : memref<80x16xf32, #tpu.memory_space<vmem>>[vector<16xi32>, vector<16xi32>], vector<16xf32>,
      %add3A_262 = arith.addi %mul3A_246, %broadcast_in_dim3A_260 : vector<16xi32>
      tpu.vector_store_idx %arg8[%add3A_262], %gather3A_261 {add = true} : memref<40000xf32, #tpu.memory_space<vmem>>[vector<16xi32>], vector<16xf32>,
      %add3A_263 = arith.constant 64 : i32
      %add3A_264 = vector.broadcast %add3A_263 : i32 to vector<16xi32>
      %add3A_265 = arith.addi %iota3A, %add3A_264 : vector<16xi32>
      %add3A_266 = arith.constant 64 : i32
      %add3A_267 = arith.addi %mul3A_158, %add3A_266 : i32
      %get3A_268 = arith.index_cast %add3A_267 : i32 to index
      %get3A_269 = tpu.vector_load %arg5[%get3A_268] {strides = array<i32>} : memref<10000xi32, #tpu.memory_space<vmem>>, vector<16xi32>,
      %mul3A_270 = arith.constant 4 : i32
      %mul3A_271 = vector.broadcast %mul3A_270 : i32 to vector<16xi32>
      %mul3A_272 = arith.muli %get3A_269, %mul3A_271 : vector<16xi32>
      %broadcast_in_dim3A_273 = arith.constant 0 : i32
      %broadcast_in_dim3A_274 = vector.broadcast %broadcast_in_dim3A_273 : i32 to vector<16xi32>
      %gather3A_275 = tpu.vector_load_idx %arg6[%add3A_265, %broadcast_in_dim3A_274] : memref<80x16xf32, #tpu.memory_space<vmem>>[vector<16xi32>, vector<16xi32>], vector<16xf32>,
      %add3A_276 = arith.addi %mul3A_272, %broadcast_in_dim3A_274 : vector<16xi32>
      tpu.vector_store_idx %arg8[%add3A_276], %gather3A_275 {add = true} : memref<40000xf32, #tpu.memory_space<vmem>>[vector<16xi32>], vector<16xf32>,
      %broadcast_in_dim3A_277 = arith.constant 1 : i32
      %broadcast_in_dim3A_278 = vector.broadcast %broadcast_in_dim3A_277 : i32 to vector<16xi32>
      %gather3A_279 = tpu.vector_load_idx %arg6[%add3A_265, %broadcast_in_dim3A_278] : memref<80x16xf32, #tpu.memory_space<vmem>>[vector<16xi32>, vector<16xi32>], vector<16xf32>,
      %add3A_280 = arith.addi %mul3A_272, %broadcast_in_dim3A_278 : vector<16xi32>
      tpu.vector_store_idx %arg8[%add3A_280], %gather3A_279 {add = true} : memref<40000xf32, #tpu.memory_space<vmem>>[vector<16xi32>], vector<16xf32>,
      %broadcast_in_dim3A_281 = arith.constant 2 : i32
      %broadcast_in_dim3A_282 = vector.broadcast %broadcast_in_dim3A_281 : i32 to vector<16xi32>
      %gather3A_283 = tpu.vector_load_idx %arg6[%add3A_265, %broadcast_in_dim3A_282] : memref<80x16xf32, #tpu.memory_space<vmem>>[vector<16xi32>, vector<16xi32>], vector<16xf32>,
      %add3A_284 = arith.addi %mul3A_272, %broadcast_in_dim3A_282 : vector<16xi32>
      tpu.vector_store_idx %arg8[%add3A_284], %gather3A_283 {add = true} : memref<40000xf32, #tpu.memory_space<vmem>>[vector<16xi32>], vector<16xf32>,
      %broadcast_in_dim3A_285 = arith.constant 3 : i32
      %broadcast_in_dim3A_286 = vector.broadcast %broadcast_in_dim3A_285 : i32 to vector<16xi32>
      %gather3A_287 = tpu.vector_load_idx %arg6[%add3A_265, %broadcast_in_dim3A_286] : memref<80x16xf32, #tpu.memory_space<vmem>>[vector<16xi32>, vector<16xi32>], vector<16xf32>,
      %add3A_288 = arith.addi %mul3A_272, %broadcast_in_dim3A_286 : vector<16xi32>
      tpu.vector_store_idx %arg8[%add3A_288], %gather3A_287 {add = true} : memref<40000xf32, #tpu.memory_space<vmem>>[vector<16xi32>], vector<16xf32>,
      %add3A_289 = arith.constant 2 : i32
      %add3A_290 = arith.addi %mul3A_143, %add3A_289 : i32
      %lt3A = arith.constant 125 : i32
      %lt3A_291 = arith.cmpi slt, %add3A_290, %lt3A : i32
      %convert_element_type3A = arith.extui %lt3A_291 : i1 to i32
      %cond3A = arith.constant 0 : i32
      %cond3A_292 = arith.cmpi ne, %convert_element_type3A, %cond3A : i32
      scf.if %cond3A_292 {
        %add3A_431 = arith.constant 2 : i32
        %add3A_432 = arith.addi %mul3A_143, %add3A_431 : i32
        %mul3A_433 = arith.constant 80 : i32
        %mul3A_434 = arith.muli %add3A_432, %mul3A_433 : i32
        %add3A_435 = arith.addi %mul3A_2, %mul3A_434 : i32
        %dma_start3A_436 = arith.constant 0 : i32
        %dma_start3A_437 = tpu.memref_slice %arg2[%add3A_435, %dma_start3A_436] : memref<320000x16xf32, #tpu.memory_space<hbm>> -> memref<80x16xf32, #tpu.memory_space<hbm>>
        %dma_start3A_438 = arith.constant 0 : i32
        %dma_start3A_439 = tpu.memref_slice %arg2[%add3A_435, %dma_start3A_438] : memref<320000x16xf32, #tpu.memory_space<hbm>> -> memref<80x16xf32, #tpu.memory_space<hbm>>
        tpu.enqueue_dma source(%dma_start3A_439 : memref<80x16xf32, #tpu.memory_space<hbm>>) target(%arg6 : memref<80x16xf32, #tpu.memory_space<vmem>>) target_semaphore(%arg9 : memref<!tpu.dma_semaphore, #tpu.memory_space<semaphore_mem>>)
      } else {
      }
      %dma_wait3A_293 = arith.constant 0 : i32
      %dma_wait3A_294 = tpu.memref_slice %arg2[%mul3A_2, %dma_wait3A_293] : memref<320000x16xf32, #tpu.memory_space<hbm>> -> memref<80x16xf32, #tpu.memory_space<hbm>>
      %dma_wait3A_295 = arith.constant 0 : i32
      %dma_wait3A_296 = tpu.memref_slice %arg2[%mul3A_2, %dma_wait3A_295] : memref<320000x16xf32, #tpu.memory_space<hbm>> -> memref<80x16xf32, #tpu.memory_space<hbm>>
      tpu.wait_dma2 semaphore(%arg10 : memref<!tpu.dma_semaphore, #tpu.memory_space<semaphore_mem>>) src(%dma_wait3A_296 : memref<80x16xf32, #tpu.memory_space<hbm>>) dst(%arg7 : memref<80x16xf32, #tpu.memory_space<vmem>>)
      %add3A_297 = arith.constant 1 : i32
      %add3A_298 = arith.addi %mul3A_143, %add3A_297 : i32
      %mul3A_299 = arith.constant 80 : i32
      %mul3A_300 = arith.muli %add3A_298, %mul3A_299 : i32
      %add3A_301 = arith.constant 0 : i32
      %add3A_302 = vector.broadcast %add3A_301 : i32 to vector<16xi32>
      %add3A_303 = arith.addi %iota3A, %add3A_302 : vector<16xi32>
      %add3A_304 = arith.constant 0 : i32
      %add3A_305 = arith.addi %mul3A_300, %add3A_304 : i32
      %get3A_306 = arith.index_cast %add3A_305 : i32 to index
      %get3A_307 = tpu.vector_load %arg5[%get3A_306] {strides = array<i32>} : memref<10000xi32, #tpu.memory_space<vmem>>, vector<16xi32>,
      %mul3A_308 = arith.constant 4 : i32
      %mul3A_309 = vector.broadcast %mul3A_308 : i32 to vector<16xi32>
      %mul3A_310 = arith.muli %get3A_307, %mul3A_309 : vector<16xi32>
      %broadcast_in_dim3A_311 = arith.constant 0 : i32
      %broadcast_in_dim3A_312 = vector.broadcast %broadcast_in_dim3A_311 : i32 to vector<16xi32>
      %gather3A_313 = tpu.vector_load_idx %arg7[%add3A_303, %broadcast_in_dim3A_312] : memref<80x16xf32, #tpu.memory_space<vmem>>[vector<16xi32>, vector<16xi32>], vector<16xf32>,
      %add3A_314 = arith.addi %mul3A_310, %broadcast_in_dim3A_312 : vector<16xi32>
      tpu.vector_store_idx %arg8[%add3A_314], %gather3A_313 {add = true} : memref<40000xf32, #tpu.memory_space<vmem>>[vector<16xi32>], vector<16xf32>,
      %broadcast_in_dim3A_315 = arith.constant 1 : i32
      %broadcast_in_dim3A_316 = vector.broadcast %broadcast_in_dim3A_315 : i32 to vector<16xi32>
      %gather3A_317 = tpu.vector_load_idx %arg7[%add3A_303, %broadcast_in_dim3A_316] : memref<80x16xf32, #tpu.memory_space<vmem>>[vector<16xi32>, vector<16xi32>], vector<16xf32>,
      %add3A_318 = arith.addi %mul3A_310, %broadcast_in_dim3A_316 : vector<16xi32>
      tpu.vector_store_idx %arg8[%add3A_318], %gather3A_317 {add = true} : memref<40000xf32, #tpu.memory_space<vmem>>[vector<16xi32>], vector<16xf32>,
      %broadcast_in_dim3A_319 = arith.constant 2 : i32
      %broadcast_in_dim3A_320 = vector.broadcast %broadcast_in_dim3A_319 : i32 to vector<16xi32>
      %gather3A_321 = tpu.vector_load_idx %arg7[%add3A_303, %broadcast_in_dim3A_320] : memref<80x16xf32, #tpu.memory_space<vmem>>[vector<16xi32>, vector<16xi32>], vector<16xf32>,
      %add3A_322 = arith.addi %mul3A_310, %broadcast_in_dim3A_320 : vector<16xi32>
      tpu.vector_store_idx %arg8[%add3A_322], %gather3A_321 {add = true} : memref<40000xf32, #tpu.memory_space<vmem>>[vector<16xi32>], vector<16xf32>,
      %broadcast_in_dim3A_323 = arith.constant 3 : i32
      %broadcast_in_dim3A_324 = vector.broadcast %broadcast_in_dim3A_323 : i32 to vector<16xi32>
      %gather3A_325 = tpu.vector_load_idx %arg7[%add3A_303, %broadcast_in_dim3A_324] : memref<80x16xf32, #tpu.memory_space<vmem>>[vector<16xi32>, vector<16xi32>], vector<16xf32>,
      %add3A_326 = arith.addi %mul3A_310, %broadcast_in_dim3A_324 : vector<16xi32>
      tpu.vector_store_idx %arg8[%add3A_326], %gather3A_325 {add = true} : memref<40000xf32, #tpu.memory_space<vmem>>[vector<16xi32>], vector<16xf32>,
      %add3A_327 = arith.constant 16 : i32
      %add3A_328 = vector.broadcast %add3A_327 : i32 to vector<16xi32>
      %add3A_329 = arith.addi %iota3A, %add3A_328 : vector<16xi32>
      %add3A_330 = arith.constant 16 : i32
      %add3A_331 = arith.addi %mul3A_300, %add3A_330 : i32
      %get3A_332 = arith.index_cast %add3A_331 : i32 to index
      %get3A_333 = tpu.vector_load %arg5[%get3A_332] {strides = array<i32>} : memref<10000xi32, #tpu.memory_space<vmem>>, vector<16xi32>,
      %mul3A_334 = arith.constant 4 : i32
      %mul3A_335 = vector.broadcast %mul3A_334 : i32 to vector<16xi32>
      %mul3A_336 = arith.muli %get3A_333, %mul3A_335 : vector<16xi32>
      %broadcast_in_dim3A_337 = arith.constant 0 : i32
      %broadcast_in_dim3A_338 = vector.broadcast %broadcast_in_dim3A_337 : i32 to vector<16xi32>
      %gather3A_339 = tpu.vector_load_idx %arg7[%add3A_329, %broadcast_in_dim3A_338] : memref<80x16xf32, #tpu.memory_space<vmem>>[vector<16xi32>, vector<16xi32>], vector<16xf32>,
      %add3A_340 = arith.addi %mul3A_336, %broadcast_in_dim3A_338 : vector<16xi32>
      tpu.vector_store_idx %arg8[%add3A_340], %gather3A_339 {add = true} : memref<40000xf32, #tpu.memory_space<vmem>>[vector<16xi32>], vector<16xf32>,
      %broadcast_in_dim3A_341 = arith.constant 1 : i32
      %broadcast_in_dim3A_342 = vector.broadcast %broadcast_in_dim3A_341 : i32 to vector<16xi32>
      %gather3A_343 = tpu.vector_load_idx %arg7[%add3A_329, %broadcast_in_dim3A_342] : memref<80x16xf32, #tpu.memory_space<vmem>>[vector<16xi32>, vector<16xi32>], vector<16xf32>,
      %add3A_344 = arith.addi %mul3A_336, %broadcast_in_dim3A_342 : vector<16xi32>
      tpu.vector_store_idx %arg8[%add3A_344], %gather3A_343 {add = true} : memref<40000xf32, #tpu.memory_space<vmem>>[vector<16xi32>], vector<16xf32>,
      %broadcast_in_dim3A_345 = arith.constant 2 : i32
      %broadcast_in_dim3A_346 = vector.broadcast %broadcast_in_dim3A_345 : i32 to vector<16xi32>
      %gather3A_347 = tpu.vector_load_idx %arg7[%add3A_329, %broadcast_in_dim3A_346] : memref<80x16xf32, #tpu.memory_space<vmem>>[vector<16xi32>, vector<16xi32>], vector<16xf32>,
      %add3A_348 = arith.addi %mul3A_336, %broadcast_in_dim3A_346 : vector<16xi32>
      tpu.vector_store_idx %arg8[%add3A_348], %gather3A_347 {add = true} : memref<40000xf32, #tpu.memory_space<vmem>>[vector<16xi32>], vector<16xf32>,
      %broadcast_in_dim3A_349 = arith.constant 3 : i32
      %broadcast_in_dim3A_350 = vector.broadcast %broadcast_in_dim3A_349 : i32 to vector<16xi32>
      %gather3A_351 = tpu.vector_load_idx %arg7[%add3A_329, %broadcast_in_dim3A_350] : memref<80x16xf32, #tpu.memory_space<vmem>>[vector<16xi32>, vector<16xi32>], vector<16xf32>,
      %add3A_352 = arith.addi %mul3A_336, %broadcast_in_dim3A_350 : vector<16xi32>
      tpu.vector_store_idx %arg8[%add3A_352], %gather3A_351 {add = true} : memref<40000xf32, #tpu.memory_space<vmem>>[vector<16xi32>], vector<16xf32>,
      %add3A_353 = arith.constant 32 : i32
      %add3A_354 = vector.broadcast %add3A_353 : i32 to vector<16xi32>
      %add3A_355 = arith.addi %iota3A, %add3A_354 : vector<16xi32>
      %add3A_356 = arith.constant 32 : i32
      %add3A_357 = arith.addi %mul3A_300, %add3A_356 : i32
      %get3A_358 = arith.index_cast %add3A_357 : i32 to index
      %get3A_359 = tpu.vector_load %arg5[%get3A_358] {strides = array<i32>} : memref<10000xi32, #tpu.memory_space<vmem>>, vector<16xi32>,
      %mul3A_360 = arith.constant 4 : i32
      %mul3A_361 = vector.broadcast %mul3A_360 : i32 to vector<16xi32>
      %mul3A_362 = arith.muli %get3A_359, %mul3A_361 : vector<16xi32>
      %broadcast_in_dim3A_363 = arith.constant 0 : i32
      %broadcast_in_dim3A_364 = vector.broadcast %broadcast_in_dim3A_363 : i32 to vector<16xi32>
      %gather3A_365 = tpu.vector_load_idx %arg7[%add3A_355, %broadcast_in_dim3A_364] : memref<80x16xf32, #tpu.memory_space<vmem>>[vector<16xi32>, vector<16xi32>], vector<16xf32>,
      %add3A_366 = arith.addi %mul3A_362, %broadcast_in_dim3A_364 : vector<16xi32>
      tpu.vector_store_idx %arg8[%add3A_366], %gather3A_365 {add = true} : memref<40000xf32, #tpu.memory_space<vmem>>[vector<16xi32>], vector<16xf32>,
      %broadcast_in_dim3A_367 = arith.constant 1 : i32
      %broadcast_in_dim3A_368 = vector.broadcast %broadcast_in_dim3A_367 : i32 to vector<16xi32>
      %gather3A_369 = tpu.vector_load_idx %arg7[%add3A_355, %broadcast_in_dim3A_368] : memref<80x16xf32, #tpu.memory_space<vmem>>[vector<16xi32>, vector<16xi32>], vector<16xf32>,
      %add3A_370 = arith.addi %mul3A_362, %broadcast_in_dim3A_368 : vector<16xi32>
      tpu.vector_store_idx %arg8[%add3A_370], %gather3A_369 {add = true} : memref<40000xf32, #tpu.memory_space<vmem>>[vector<16xi32>], vector<16xf32>,
      %broadcast_in_dim3A_371 = arith.constant 2 : i32
      %broadcast_in_dim3A_372 = vector.broadcast %broadcast_in_dim3A_371 : i32 to vector<16xi32>
      %gather3A_373 = tpu.vector_load_idx %arg7[%add3A_355, %broadcast_in_dim3A_372] : memref<80x16xf32, #tpu.memory_space<vmem>>[vector<16xi32>, vector<16xi32>], vector<16xf32>,
      %add3A_374 = arith.addi %mul3A_362, %broadcast_in_dim3A_372 : vector<16xi32>
      tpu.vector_store_idx %arg8[%add3A_374], %gather3A_373 {add = true} : memref<40000xf32, #tpu.memory_space<vmem>>[vector<16xi32>], vector<16xf32>,
      %broadcast_in_dim3A_375 = arith.constant 3 : i32
      %broadcast_in_dim3A_376 = vector.broadcast %broadcast_in_dim3A_375 : i32 to vector<16xi32>
      %gather3A_377 = tpu.vector_load_idx %arg7[%add3A_355, %broadcast_in_dim3A_376] : memref<80x16xf32, #tpu.memory_space<vmem>>[vector<16xi32>, vector<16xi32>], vector<16xf32>,
      %add3A_378 = arith.addi %mul3A_362, %broadcast_in_dim3A_376 : vector<16xi32>
      tpu.vector_store_idx %arg8[%add3A_378], %gather3A_377 {add = true} : memref<40000xf32, #tpu.memory_space<vmem>>[vector<16xi32>], vector<16xf32>,
      %add3A_379 = arith.constant 48 : i32
      %add3A_380 = vector.broadcast %add3A_379 : i32 to vector<16xi32>
      %add3A_381 = arith.addi %iota3A, %add3A_380 : vector<16xi32>
      %add3A_382 = arith.constant 48 : i32
      %add3A_383 = arith.addi %mul3A_300, %add3A_382 : i32
      %get3A_384 = arith.index_cast %add3A_383 : i32 to index
      %get3A_385 = tpu.vector_load %arg5[%get3A_384] {strides = array<i32>} : memref<10000xi32, #tpu.memory_space<vmem>>, vector<16xi32>,
      %mul3A_386 = arith.constant 4 : i32
      %mul3A_387 = vector.broadcast %mul3A_386 : i32 to vector<16xi32>
      %mul3A_388 = arith.muli %get3A_385, %mul3A_387 : vector<16xi32>
      %broadcast_in_dim3A_389 = arith.constant 0 : i32
      %broadcast_in_dim3A_390 = vector.broadcast %broadcast_in_dim3A_389 : i32 to vector<16xi32>
      %gather3A_391 = tpu.vector_load_idx %arg7[%add3A_381, %broadcast_in_dim3A_390] : memref<80x16xf32, #tpu.memory_space<vmem>>[vector<16xi32>, vector<16xi32>], vector<16xf32>,
      %add3A_392 = arith.addi %mul3A_388, %broadcast_in_dim3A_390 : vector<16xi32>
      tpu.vector_store_idx %arg8[%add3A_392], %gather3A_391 {add = true} : memref<40000xf32, #tpu.memory_space<vmem>>[vector<16xi32>], vector<16xf32>,
      %broadcast_in_dim3A_393 = arith.constant 1 : i32
      %broadcast_in_dim3A_394 = vector.broadcast %broadcast_in_dim3A_393 : i32 to vector<16xi32>
      %gather3A_395 = tpu.vector_load_idx %arg7[%add3A_381, %broadcast_in_dim3A_394] : memref<80x16xf32, #tpu.memory_space<vmem>>[vector<16xi32>, vector<16xi32>], vector<16xf32>,
      %add3A_396 = arith.addi %mul3A_388, %broadcast_in_dim3A_394 : vector<16xi32>
      tpu.vector_store_idx %arg8[%add3A_396], %gather3A_395 {add = true} : memref<40000xf32, #tpu.memory_space<vmem>>[vector<16xi32>], vector<16xf32>,
      %broadcast_in_dim3A_397 = arith.constant 2 : i32
      %broadcast_in_dim3A_398 = vector.broadcast %broadcast_in_dim3A_397 : i32 to vector<16xi32>
      %gather3A_399 = tpu.vector_load_idx %arg7[%add3A_381, %broadcast_in_dim3A_398] : memref<80x16xf32, #tpu.memory_space<vmem>>[vector<16xi32>, vector<16xi32>], vector<16xf32>,
      %add3A_400 = arith.addi %mul3A_388, %broadcast_in_dim3A_398 : vector<16xi32>
      tpu.vector_store_idx %arg8[%add3A_400], %gather3A_399 {add = true} : memref<40000xf32, #tpu.memory_space<vmem>>[vector<16xi32>], vector<16xf32>,
      %broadcast_in_dim3A_401 = arith.constant 3 : i32
      %broadcast_in_dim3A_402 = vector.broadcast %broadcast_in_dim3A_401 : i32 to vector<16xi32>
      %gather3A_403 = tpu.vector_load_idx %arg7[%add3A_381, %broadcast_in_dim3A_402] : memref<80x16xf32, #tpu.memory_space<vmem>>[vector<16xi32>, vector<16xi32>], vector<16xf32>,
      %add3A_404 = arith.addi %mul3A_388, %broadcast_in_dim3A_402 : vector<16xi32>
      tpu.vector_store_idx %arg8[%add3A_404], %gather3A_403 {add = true} : memref<40000xf32, #tpu.memory_space<vmem>>[vector<16xi32>], vector<16xf32>,
      %add3A_405 = arith.constant 64 : i32
      %add3A_406 = vector.broadcast %add3A_405 : i32 to vector<16xi32>
      %add3A_407 = arith.addi %iota3A, %add3A_406 : vector<16xi32>
      %add3A_408 = arith.constant 64 : i32
      %add3A_409 = arith.addi %mul3A_300, %add3A_408 : i32
      %get3A_410 = arith.index_cast %add3A_409 : i32 to index
      %get3A_411 = tpu.vector_load %arg5[%get3A_410] {strides = array<i32>} : memref<10000xi32, #tpu.memory_space<vmem>>, vector<16xi32>,
      %mul3A_412 = arith.constant 4 : i32
      %mul3A_413 = vector.broadcast %mul3A_412 : i32 to vector<16xi32>
      %mul3A_414 = arith.muli %get3A_411, %mul3A_413 : vector<16xi32>
      %broadcast_in_dim3A_415 = arith.constant 0 : i32
      %broadcast_in_dim3A_416 = vector.broadcast %broadcast_in_dim3A_415 : i32 to vector<16xi32>
      %gather3A_417 = tpu.vector_load_idx %arg7[%add3A_407, %broadcast_in_dim3A_416] : memref<80x16xf32, #tpu.memory_space<vmem>>[vector<16xi32>, vector<16xi32>], vector<16xf32>,
      %add3A_418 = arith.addi %mul3A_414, %broadcast_in_dim3A_416 : vector<16xi32>
      tpu.vector_store_idx %arg8[%add3A_418], %gather3A_417 {add = true} : memref<40000xf32, #tpu.memory_space<vmem>>[vector<16xi32>], vector<16xf32>,
      %broadcast_in_dim3A_419 = arith.constant 1 : i32
      %broadcast_in_dim3A_420 = vector.broadcast %broadcast_in_dim3A_419 : i32 to vector<16xi32>
      %gather3A_421 = tpu.vector_load_idx %arg7[%add3A_407, %broadcast_in_dim3A_420] : memref<80x16xf32, #tpu.memory_space<vmem>>[vector<16xi32>, vector<16xi32>], vector<16xf32>,
      %add3A_422 = arith.addi %mul3A_414, %broadcast_in_dim3A_420 : vector<16xi32>
      tpu.vector_store_idx %arg8[%add3A_422], %gather3A_421 {add = true} : memref<40000xf32, #tpu.memory_space<vmem>>[vector<16xi32>], vector<16xf32>,
      %broadcast_in_dim3A_423 = arith.constant 2 : i32
      %broadcast_in_dim3A_424 = vector.broadcast %broadcast_in_dim3A_423 : i32 to vector<16xi32>
      %gather3A_425 = tpu.vector_load_idx %arg7[%add3A_407, %broadcast_in_dim3A_424] : memref<80x16xf32, #tpu.memory_space<vmem>>[vector<16xi32>, vector<16xi32>], vector<16xf32>,
      %add3A_426 = arith.addi %mul3A_414, %broadcast_in_dim3A_424 : vector<16xi32>
      tpu.vector_store_idx %arg8[%add3A_426], %gather3A_425 {add = true} : memref<40000xf32, #tpu.memory_space<vmem>>[vector<16xi32>], vector<16xf32>,
      %broadcast_in_dim3A_427 = arith.constant 3 : i32
      %broadcast_in_dim3A_428 = vector.broadcast %broadcast_in_dim3A_427 : i32 to vector<16xi32>
      %gather3A_429 = tpu.vector_load_idx %arg7[%add3A_407, %broadcast_in_dim3A_428] : memref<80x16xf32, #tpu.memory_space<vmem>>[vector<16xi32>, vector<16xi32>], vector<16xf32>,
      %add3A_430 = arith.addi %mul3A_414, %broadcast_in_dim3A_428 : vector<16xi32>
      tpu.vector_store_idx %arg8[%add3A_430], %gather3A_429 {add = true} : memref<40000xf32, #tpu.memory_space<vmem>>[vector<16xi32>], vector<16xf32>,
    }
    %scan3A_19 = arith.constant 62 : i32
    %dma_wait3A = arith.constant 0 : i32
    %dma_wait3A_20 = tpu.memref_slice %arg2[%mul3A_2, %dma_wait3A] : memref<320000x16xf32, #tpu.memory_space<hbm>> -> memref<80x16xf32, #tpu.memory_space<hbm>>
    %dma_wait3A_21 = arith.constant 0 : i32
    %dma_wait3A_22 = tpu.memref_slice %arg2[%mul3A_2, %dma_wait3A_21] : memref<320000x16xf32, #tpu.memory_space<hbm>> -> memref<80x16xf32, #tpu.memory_space<hbm>>
    tpu.wait_dma2 semaphore(%arg9 : memref<!tpu.dma_semaphore, #tpu.memory_space<semaphore_mem>>) src(%dma_wait3A_22 : memref<80x16xf32, #tpu.memory_space<hbm>>) dst(%arg6 : memref<80x16xf32, #tpu.memory_space<vmem>>)
    %add3A_23 = arith.constant 0 : i32
    %add3A_24 = vector.broadcast %add3A_23 : i32 to vector<16xi32>
    %add3A_25 = arith.addi %iota3A, %add3A_24 : vector<16xi32>
    %get3A = arith.constant 9920 : index
    %get3A_26 = tpu.vector_load %arg5[%get3A] {strides = array<i32>} : memref<10000xi32, #tpu.memory_space<vmem>>, vector<16xi32>,
    %mul3A_27 = arith.constant 4 : i32
    %mul3A_28 = vector.broadcast %mul3A_27 : i32 to vector<16xi32>
    %mul3A_29 = arith.muli %get3A_26, %mul3A_28 : vector<16xi32>
    %broadcast_in_dim3A_30 = arith.constant 0 : i32
    %broadcast_in_dim3A_31 = vector.broadcast %broadcast_in_dim3A_30 : i32 to vector<16xi32>
    %gather3A = tpu.vector_load_idx %arg6[%add3A_25, %broadcast_in_dim3A_31] : memref<80x16xf32, #tpu.memory_space<vmem>>[vector<16xi32>, vector<16xi32>], vector<16xf32>,
    %add3A_32 = arith.addi %mul3A_29, %broadcast_in_dim3A_31 : vector<16xi32>
    tpu.vector_store_idx %arg8[%add3A_32], %gather3A {add = true} : memref<40000xf32, #tpu.memory_space<vmem>>[vector<16xi32>], vector<16xf32>,
    %broadcast_in_dim3A_33 = arith.constant 1 : i32
    %broadcast_in_dim3A_34 = vector.broadcast %broadcast_in_dim3A_33 : i32 to vector<16xi32>
    %gather3A_35 = tpu.vector_load_idx %arg6[%add3A_25, %broadcast_in_dim3A_34] : memref<80x16xf32, #tpu.memory_space<vmem>>[vector<16xi32>, vector<16xi32>], vector<16xf32>,
    %add3A_36 = arith.addi %mul3A_29, %broadcast_in_dim3A_34 : vector<16xi32>
    tpu.vector_store_idx %arg8[%add3A_36], %gather3A_35 {add = true} : memref<40000xf32, #tpu.memory_space<vmem>>[vector<16xi32>], vector<16xf32>,
    %broadcast_in_dim3A_37 = arith.constant 2 : i32
    %broadcast_in_dim3A_38 = vector.broadcast %broadcast_in_dim3A_37 : i32 to vector<16xi32>
    %gather3A_39 = tpu.vector_load_idx %arg6[%add3A_25, %broadcast_in_dim3A_38] : memref<80x16xf32, #tpu.memory_space<vmem>>[vector<16xi32>, vector<16xi32>], vector<16xf32>,
    %add3A_40 = arith.addi %mul3A_29, %broadcast_in_dim3A_38 : vector<16xi32>
    tpu.vector_store_idx %arg8[%add3A_40], %gather3A_39 {add = true} : memref<40000xf32, #tpu.memory_space<vmem>>[vector<16xi32>], vector<16xf32>,
    %broadcast_in_dim3A_41 = arith.constant 3 : i32
    %broadcast_in_dim3A_42 = vector.broadcast %broadcast_in_dim3A_41 : i32 to vector<16xi32>
    %gather3A_43 = tpu.vector_load_idx %arg6[%add3A_25, %broadcast_in_dim3A_42] : memref<80x16xf32, #tpu.memory_space<vmem>>[vector<16xi32>, vector<16xi32>], vector<16xf32>,
    %add3A_44 = arith.addi %mul3A_29, %broadcast_in_dim3A_42 : vector<16xi32>
    tpu.vector_store_idx %arg8[%add3A_44], %gather3A_43 {add = true} : memref<40000xf32, #tpu.memory_space<vmem>>[vector<16xi32>], vector<16xf32>,
    %add3A_45 = arith.constant 16 : i32
    %add3A_46 = vector.broadcast %add3A_45 : i32 to vector<16xi32>
    %add3A_47 = arith.addi %iota3A, %add3A_46 : vector<16xi32>
    %get3A_48 = arith.constant 9936 : index
    %get3A_49 = tpu.vector_load %arg5[%get3A_48] {strides = array<i32>} : memref<10000xi32, #tpu.memory_space<vmem>>, vector<16xi32>,
    %mul3A_50 = arith.constant 4 : i32
    %mul3A_51 = vector.broadcast %mul3A_50 : i32 to vector<16xi32>
    %mul3A_52 = arith.muli %get3A_49, %mul3A_51 : vector<16xi32>
    %broadcast_in_dim3A_53 = arith.constant 0 : i32
    %broadcast_in_dim3A_54 = vector.broadcast %broadcast_in_dim3A_53 : i32 to vector<16xi32>
    %gather3A_55 = tpu.vector_load_idx %arg6[%add3A_47, %broadcast_in_dim3A_54] : memref<80x16xf32, #tpu.memory_space<vmem>>[vector<16xi32>, vector<16xi32>], vector<16xf32>,
    %add3A_56 = arith.addi %mul3A_52, %broadcast_in_dim3A_54 : vector<16xi32>
    tpu.vector_store_idx %arg8[%add3A_56], %gather3A_55 {add = true} : memref<40000xf32, #tpu.memory_space<vmem>>[vector<16xi32>], vector<16xf32>,
    %broadcast_in_dim3A_57 = arith.constant 1 : i32
    %broadcast_in_dim3A_58 = vector.broadcast %broadcast_in_dim3A_57 : i32 to vector<16xi32>
    %gather3A_59 = tpu.vector_load_idx %arg6[%add3A_47, %broadcast_in_dim3A_58] : memref<80x16xf32, #tpu.memory_space<vmem>>[vector<16xi32>, vector<16xi32>], vector<16xf32>,
    %add3A_60 = arith.addi %mul3A_52, %broadcast_in_dim3A_58 : vector<16xi32>
    tpu.vector_store_idx %arg8[%add3A_60], %gather3A_59 {add = true} : memref<40000xf32, #tpu.memory_space<vmem>>[vector<16xi32>], vector<16xf32>,
    %broadcast_in_dim3A_61 = arith.constant 2 : i32
    %broadcast_in_dim3A_62 = vector.broadcast %broadcast_in_dim3A_61 : i32 to vector<16xi32>
    %gather3A_63 = tpu.vector_load_idx %arg6[%add3A_47, %broadcast_in_dim3A_62] : memref<80x16xf32, #tpu.memory_space<vmem>>[vector<16xi32>, vector<16xi32>], vector<16xf32>,
    %add3A_64 = arith.addi %mul3A_52, %broadcast_in_dim3A_62 : vector<16xi32>
    tpu.vector_store_idx %arg8[%add3A_64], %gather3A_63 {add = true} : memref<40000xf32, #tpu.memory_space<vmem>>[vector<16xi32>], vector<16xf32>,
    %broadcast_in_dim3A_65 = arith.constant 3 : i32
    %broadcast_in_dim3A_66 = vector.broadcast %broadcast_in_dim3A_65 : i32 to vector<16xi32>
    %gather3A_67 = tpu.vector_load_idx %arg6[%add3A_47, %broadcast_in_dim3A_66] : memref<80x16xf32, #tpu.memory_space<vmem>>[vector<16xi32>, vector<16xi32>], vector<16xf32>,
    %add3A_68 = arith.addi %mul3A_52, %broadcast_in_dim3A_66 : vector<16xi32>
    tpu.vector_store_idx %arg8[%add3A_68], %gather3A_67 {add = true} : memref<40000xf32, #tpu.memory_space<vmem>>[vector<16xi32>], vector<16xf32>,
    %add3A_69 = arith.constant 32 : i32
    %add3A_70 = vector.broadcast %add3A_69 : i32 to vector<16xi32>
    %add3A_71 = arith.addi %iota3A, %add3A_70 : vector<16xi32>
    %get3A_72 = arith.constant 9952 : index
    %get3A_73 = tpu.vector_load %arg5[%get3A_72] {strides = array<i32>} : memref<10000xi32, #tpu.memory_space<vmem>>, vector<16xi32>,
    %mul3A_74 = arith.constant 4 : i32
    %mul3A_75 = vector.broadcast %mul3A_74 : i32 to vector<16xi32>
    %mul3A_76 = arith.muli %get3A_73, %mul3A_75 : vector<16xi32>
    %broadcast_in_dim3A_77 = arith.constant 0 : i32
    %broadcast_in_dim3A_78 = vector.broadcast %broadcast_in_dim3A_77 : i32 to vector<16xi32>
    %gather3A_79 = tpu.vector_load_idx %arg6[%add3A_71, %broadcast_in_dim3A_78] : memref<80x16xf32, #tpu.memory_space<vmem>>[vector<16xi32>, vector<16xi32>], vector<16xf32>,
    %add3A_80 = arith.addi %mul3A_76, %broadcast_in_dim3A_78 : vector<16xi32>
    tpu.vector_store_idx %arg8[%add3A_80], %gather3A_79 {add = true} : memref<40000xf32, #tpu.memory_space<vmem>>[vector<16xi32>], vector<16xf32>,
    %broadcast_in_dim3A_81 = arith.constant 1 : i32
    %broadcast_in_dim3A_82 = vector.broadcast %broadcast_in_dim3A_81 : i32 to vector<16xi32>
    %gather3A_83 = tpu.vector_load_idx %arg6[%add3A_71, %broadcast_in_dim3A_82] : memref<80x16xf32, #tpu.memory_space<vmem>>[vector<16xi32>, vector<16xi32>], vector<16xf32>,
    %add3A_84 = arith.addi %mul3A_76, %broadcast_in_dim3A_82 : vector<16xi32>
    tpu.vector_store_idx %arg8[%add3A_84], %gather3A_83 {add = true} : memref<40000xf32, #tpu.memory_space<vmem>>[vector<16xi32>], vector<16xf32>,
    %broadcast_in_dim3A_85 = arith.constant 2 : i32
    %broadcast_in_dim3A_86 = vector.broadcast %broadcast_in_dim3A_85 : i32 to vector<16xi32>
    %gather3A_87 = tpu.vector_load_idx %arg6[%add3A_71, %broadcast_in_dim3A_86] : memref<80x16xf32, #tpu.memory_space<vmem>>[vector<16xi32>, vector<16xi32>], vector<16xf32>,
    %add3A_88 = arith.addi %mul3A_76, %broadcast_in_dim3A_86 : vector<16xi32>
    tpu.vector_store_idx %arg8[%add3A_88], %gather3A_87 {add = true} : memref<40000xf32, #tpu.memory_space<vmem>>[vector<16xi32>], vector<16xf32>,
    %broadcast_in_dim3A_89 = arith.constant 3 : i32
    %broadcast_in_dim3A_90 = vector.broadcast %broadcast_in_dim3A_89 : i32 to vector<16xi32>
    %gather3A_91 = tpu.vector_load_idx %arg6[%add3A_71, %broadcast_in_dim3A_90] : memref<80x16xf32, #tpu.memory_space<vmem>>[vector<16xi32>, vector<16xi32>], vector<16xf32>,
    %add3A_92 = arith.addi %mul3A_76, %broadcast_in_dim3A_90 : vector<16xi32>
    tpu.vector_store_idx %arg8[%add3A_92], %gather3A_91 {add = true} : memref<40000xf32, #tpu.memory_space<vmem>>[vector<16xi32>], vector<16xf32>,
    %add3A_93 = arith.constant 48 : i32
    %add3A_94 = vector.broadcast %add3A_93 : i32 to vector<16xi32>
    %add3A_95 = arith.addi %iota3A, %add3A_94 : vector<16xi32>
    %get3A_96 = arith.constant 9968 : index
    %get3A_97 = tpu.vector_load %arg5[%get3A_96] {strides = array<i32>} : memref<10000xi32, #tpu.memory_space<vmem>>, vector<16xi32>,
    %mul3A_98 = arith.constant 4 : i32
    %mul3A_99 = vector.broadcast %mul3A_98 : i32 to vector<16xi32>
    %mul3A_100 = arith.muli %get3A_97, %mul3A_99 : vector<16xi32>
    %broadcast_in_dim3A_101 = arith.constant 0 : i32
    %broadcast_in_dim3A_102 = vector.broadcast %broadcast_in_dim3A_101 : i32 to vector<16xi32>
    %gather3A_103 = tpu.vector_load_idx %arg6[%add3A_95, %broadcast_in_dim3A_102] : memref<80x16xf32, #tpu.memory_space<vmem>>[vector<16xi32>, vector<16xi32>], vector<16xf32>,
    %add3A_104 = arith.addi %mul3A_100, %broadcast_in_dim3A_102 : vector<16xi32>
    tpu.vector_store_idx %arg8[%add3A_104], %gather3A_103 {add = true} : memref<40000xf32, #tpu.memory_space<vmem>>[vector<16xi32>], vector<16xf32>,
    %broadcast_in_dim3A_105 = arith.constant 1 : i32
    %broadcast_in_dim3A_106 = vector.broadcast %broadcast_in_dim3A_105 : i32 to vector<16xi32>
    %gather3A_107 = tpu.vector_load_idx %arg6[%add3A_95, %broadcast_in_dim3A_106] : memref<80x16xf32, #tpu.memory_space<vmem>>[vector<16xi32>, vector<16xi32>], vector<16xf32>,
    %add3A_108 = arith.addi %mul3A_100, %broadcast_in_dim3A_106 : vector<16xi32>
    tpu.vector_store_idx %arg8[%add3A_108], %gather3A_107 {add = true} : memref<40000xf32, #tpu.memory_space<vmem>>[vector<16xi32>], vector<16xf32>,
    %broadcast_in_dim3A_109 = arith.constant 2 : i32
    %broadcast_in_dim3A_110 = vector.broadcast %broadcast_in_dim3A_109 : i32 to vector<16xi32>
    %gather3A_111 = tpu.vector_load_idx %arg6[%add3A_95, %broadcast_in_dim3A_110] : memref<80x16xf32, #tpu.memory_space<vmem>>[vector<16xi32>, vector<16xi32>], vector<16xf32>,
    %add3A_112 = arith.addi %mul3A_100, %broadcast_in_dim3A_110 : vector<16xi32>
    tpu.vector_store_idx %arg8[%add3A_112], %gather3A_111 {add = true} : memref<40000xf32, #tpu.memory_space<vmem>>[vector<16xi32>], vector<16xf32>,
    %broadcast_in_dim3A_113 = arith.constant 3 : i32
    %broadcast_in_dim3A_114 = vector.broadcast %broadcast_in_dim3A_113 : i32 to vector<16xi32>
    %gather3A_115 = tpu.vector_load_idx %arg6[%add3A_95, %broadcast_in_dim3A_114] : memref<80x16xf32, #tpu.memory_space<vmem>>[vector<16xi32>, vector<16xi32>], vector<16xf32>,
    %add3A_116 = arith.addi %mul3A_100, %broadcast_in_dim3A_114 : vector<16xi32>
    tpu.vector_store_idx %arg8[%add3A_116], %gather3A_115 {add = true} : memref<40000xf32, #tpu.memory_space<vmem>>[vector<16xi32>], vector<16xf32>,
    %add3A_117 = arith.constant 64 : i32
    %add3A_118 = vector.broadcast %add3A_117 : i32 to vector<16xi32>
    %add3A_119 = arith.addi %iota3A, %add3A_118 : vector<16xi32>
    %get3A_120 = arith.constant 9984 : index
    %get3A_121 = tpu.vector_load %arg5[%get3A_120] {strides = array<i32>} : memref<10000xi32, #tpu.memory_space<vmem>>, vector<16xi32>,
    %mul3A_122 = arith.constant 4 : i32
    %mul3A_123 = vector.broadcast %mul3A_122 : i32 to vector<16xi32>
    %mul3A_124 = arith.muli %get3A_121, %mul3A_123 : vector<16xi32>
    %broadcast_in_dim3A_125 = arith.constant 0 : i32
    %broadcast_in_dim3A_126 = vector.broadcast %broadcast_in_dim3A_125 : i32 to vector<16xi32>
    %gather3A_127 = tpu.vector_load_idx %arg6[%add3A_119, %broadcast_in_dim3A_126] : memref<80x16xf32, #tpu.memory_space<vmem>>[vector<16xi32>, vector<16xi32>], vector<16xf32>,
    %add3A_128 = arith.addi %mul3A_124, %broadcast_in_dim3A_126 : vector<16xi32>
    tpu.vector_store_idx %arg8[%add3A_128], %gather3A_127 {add = true} : memref<40000xf32, #tpu.memory_space<vmem>>[vector<16xi32>], vector<16xf32>,
    %broadcast_in_dim3A_129 = arith.constant 1 : i32
    %broadcast_in_dim3A_130 = vector.broadcast %broadcast_in_dim3A_129 : i32 to vector<16xi32>
    %gather3A_131 = tpu.vector_load_idx %arg6[%add3A_119, %broadcast_in_dim3A_130] : memref<80x16xf32, #tpu.memory_space<vmem>>[vector<16xi32>, vector<16xi32>], vector<16xf32>,
    %add3A_132 = arith.addi %mul3A_124, %broadcast_in_dim3A_130 : vector<16xi32>
    tpu.vector_store_idx %arg8[%add3A_132], %gather3A_131 {add = true} : memref<40000xf32, #tpu.memory_space<vmem>>[vector<16xi32>], vector<16xf32>,
    %broadcast_in_dim3A_133 = arith.constant 2 : i32
    %broadcast_in_dim3A_134 = vector.broadcast %broadcast_in_dim3A_133 : i32 to vector<16xi32>
    %gather3A_135 = tpu.vector_load_idx %arg6[%add3A_119, %broadcast_in_dim3A_134] : memref<80x16xf32, #tpu.memory_space<vmem>>[vector<16xi32>, vector<16xi32>], vector<16xf32>,
    %add3A_136 = arith.addi %mul3A_124, %broadcast_in_dim3A_134 : vector<16xi32>
    tpu.vector_store_idx %arg8[%add3A_136], %gather3A_135 {add = true} : memref<40000xf32, #tpu.memory_space<vmem>>[vector<16xi32>], vector<16xf32>,
    %broadcast_in_dim3A_137 = arith.constant 3 : i32
    %broadcast_in_dim3A_138 = vector.broadcast %broadcast_in_dim3A_137 : i32 to vector<16xi32>
    %gather3A_139 = tpu.vector_load_idx %arg6[%add3A_119, %broadcast_in_dim3A_138] : memref<80x16xf32, #tpu.memory_space<vmem>>[vector<16xi32>, vector<16xi32>], vector<16xf32>,
    %add3A_140 = arith.addi %mul3A_124, %broadcast_in_dim3A_138 : vector<16xi32>
    tpu.vector_store_idx %arg8[%add3A_140], %gather3A_139 {add = true} : memref<40000xf32, #tpu.memory_space<vmem>>[vector<16xi32>], vector<16xf32>,
    "tpu.region"() ({
      %run_scoped3A = tpu.sem_alloc : memref<!tpu.dma_semaphore, #tpu.memory_space<semaphore_mem>>
      %dma_start3A_141 = arith.constant 0 : i32
      %dma_start3A_142 = tpu.memref_slice %arg4[%add3A, %dma_start3A_141] : memref<32x40000xf32, #tpu.memory_space<hbm>> -> memref<1x40000xf32, #tpu.memory_space<hbm>>
      %dma_start3A_143 = tpu.memref_squeeze %dma_start3A_142 : memref<1x40000xf32, #tpu.memory_space<hbm>> -> memref<40000xf32, #tpu.memory_space<hbm>>
      %dma_start3A_144 = arith.constant 0 : i32
      %dma_start3A_145 = tpu.memref_slice %arg4[%add3A, %dma_start3A_144] : memref<32x40000xf32, #tpu.memory_space<hbm>> -> memref<1x40000xf32, #tpu.memory_space<hbm>>
      %dma_start3A_146 = tpu.memref_squeeze %dma_start3A_145 : memref<1x40000xf32, #tpu.memory_space<hbm>> -> memref<40000xf32, #tpu.memory_space<hbm>>
      tpu.enqueue_dma source(%arg8 : memref<40000xf32, #tpu.memory_space<vmem>>) target(%dma_start3A_146 : memref<40000xf32, #tpu.memory_space<hbm>>) target_semaphore(%run_scoped3A : memref<!tpu.dma_semaphore, #tpu.memory_space<semaphore_mem>>)
      %dma_wait3A_147 = arith.constant 0 : i32
      %dma_wait3A_148 = tpu.memref_slice %arg4[%add3A, %dma_wait3A_147] : memref<32x40000xf32, #tpu.memory_space<hbm>> -> memref<1x40000xf32, #tpu.memory_space<hbm>>
      %dma_wait3A_149 = tpu.memref_squeeze %dma_wait3A_148 : memref<1x40000xf32, #tpu.memory_space<hbm>> -> memref<40000xf32, #tpu.memory_space<hbm>>
      %dma_wait3A_150 = arith.constant 0 : i32
      %dma_wait3A_151 = tpu.memref_slice %arg4[%add3A, %dma_wait3A_150] : memref<32x40000xf32, #tpu.memory_space<hbm>> -> memref<1x40000xf32, #tpu.memory_space<hbm>>
      %dma_wait3A_152 = tpu.memref_squeeze %dma_wait3A_151 : memref<1x40000xf32, #tpu.memory_space<hbm>> -> memref<40000xf32, #tpu.memory_space<hbm>>
      tpu.wait_dma2 semaphore(%run_scoped3A : memref<!tpu.dma_semaphore, #tpu.memory_space<semaphore_mem>>) src(%arg8 : memref<40000xf32, #tpu.memory_space<vmem>>) dst(%dma_wait3A_152 : memref<40000xf32, #tpu.memory_space<hbm>>)
      tpu.yield
    }) : () -> ()
    return
  }
}

#map = affine_map<(d0, d1) -> (0, 0)>
#map1 = affine_map<(d0, d1) -> (0)>
module attributes {stable_mosaic.version = 14 : i64} {
  func.func @_sc_gather_body(%arg0: i32, %arg1: i32, %arg2: memref<10000x128xf32, #tpu.memory_space<hbm>>, %arg3: memref<10000x128xf32, #tpu.memory_space<hbm>>, %arg4: memref<40000xf32, #tpu.memory_space<hbm>>, %arg5: memref<320000xi32, #tpu.memory_space<hbm>>, %arg6: memref<320000xi32, #tpu.memory_space<hbm>>, %arg7: memref<320000x128xf32, #tpu.memory_space<hbm>>, %arg8: memref<320000x16xf32, #tpu.memory_space<hbm>>, %arg9: memref<10000xi32, #tpu.memory_space<vmem>>, %arg10: memref<10000xi32, #tpu.memory_space<vmem>>, %arg11: memref<40000xf32, #tpu.memory_space<vmem>>, %arg12: memref<80x128xf32, #tpu.memory_space<vmem>>, %arg13: memref<80x128xf32, #tpu.memory_space<vmem>>, %arg14: memref<80x128xf32, #tpu.memory_space<vmem>>, %arg15: memref<80x128xf32, #tpu.memory_space<vmem>>, %arg16: memref<80x16xf32, #tpu.memory_space<vmem>>, %arg17: memref<!tpu.dma_semaphore, #tpu.memory_space<semaphore_mem>>, %arg18: memref<!tpu.dma_semaphore, #tpu.memory_space<semaphore_mem>>, %arg19: memref<!tpu.dma_semaphore, #tpu.memory_space<semaphore_mem>>, %arg20: memref<!tpu.dma_semaphore, #tpu.memory_space<semaphore_mem>>) attributes {dimension_semantics = [#tpu.dimension_semantics<core_parallel>, #tpu.dimension_semantics<subcore_parallel>], iteration_bounds = array<i64: 2, 16>, scalar_prefetch = 0 : i64, scratch_operands = 12 : i64, tpu.core_type = #tpu.core_type<sc_vector_subcore>, window_params = [{transform_indices = #map}, {transform_indices = #map}, {transform_indices = #map1}, {transform_indices = #map1}, {transform_indices = #map1}, {transform_indices = #map}, {transform_indices = #map}]} {
    %mul3A = arith.constant 2 : i32
    %mul3A_0 = arith.muli %arg1, %mul3A : i32
    %add3A = arith.addi %mul3A_0, %arg0 : i32
    %mul3A_1 = arith.constant 10000 : i32
    %mul3A_2 = arith.muli %add3A, %mul3A_1 : i32
    "tpu.region"() ({
      %run_scoped3A = tpu.sem_alloc : memref<!tpu.dma_semaphore, #tpu.memory_space<semaphore_mem>>
      %dma_start3A_274 = tpu.memref_slice %arg5[%mul3A_2] : memref<320000xi32, #tpu.memory_space<hbm>> -> memref<10000xi32, #tpu.memory_space<hbm>>
      %dma_start3A_275 = tpu.memref_slice %arg5[%mul3A_2] : memref<320000xi32, #tpu.memory_space<hbm>> -> memref<10000xi32, #tpu.memory_space<hbm>>
      tpu.enqueue_dma source(%dma_start3A_275 : memref<10000xi32, #tpu.memory_space<hbm>>) target(%arg9 : memref<10000xi32, #tpu.memory_space<vmem>>) target_semaphore(%run_scoped3A : memref<!tpu.dma_semaphore, #tpu.memory_space<semaphore_mem>>)
      %dma_wait3A_276 = tpu.memref_slice %arg5[%mul3A_2] : memref<320000xi32, #tpu.memory_space<hbm>> -> memref<10000xi32, #tpu.memory_space<hbm>>
      %dma_wait3A_277 = tpu.memref_slice %arg5[%mul3A_2] : memref<320000xi32, #tpu.memory_space<hbm>> -> memref<10000xi32, #tpu.memory_space<hbm>>
      tpu.wait_dma2 semaphore(%run_scoped3A : memref<!tpu.dma_semaphore, #tpu.memory_space<semaphore_mem>>) src(%dma_wait3A_277 : memref<10000xi32, #tpu.memory_space<hbm>>) dst(%arg9 : memref<10000xi32, #tpu.memory_space<vmem>>)
      tpu.yield
    }) : () -> ()
    "tpu.region"() ({
      %run_scoped3A = tpu.sem_alloc : memref<!tpu.dma_semaphore, #tpu.memory_space<semaphore_mem>>
      %dma_start3A_274 = tpu.memref_slice %arg6[%mul3A_2] : memref<320000xi32, #tpu.memory_space<hbm>> -> memref<10000xi32, #tpu.memory_space<hbm>>
      %dma_start3A_275 = tpu.memref_slice %arg6[%mul3A_2] : memref<320000xi32, #tpu.memory_space<hbm>> -> memref<10000xi32, #tpu.memory_space<hbm>>
      tpu.enqueue_dma source(%dma_start3A_275 : memref<10000xi32, #tpu.memory_space<hbm>>) target(%arg10 : memref<10000xi32, #tpu.memory_space<vmem>>) target_semaphore(%run_scoped3A : memref<!tpu.dma_semaphore, #tpu.memory_space<semaphore_mem>>)
      %dma_wait3A_276 = tpu.memref_slice %arg6[%mul3A_2] : memref<320000xi32, #tpu.memory_space<hbm>> -> memref<10000xi32, #tpu.memory_space<hbm>>
      %dma_wait3A_277 = tpu.memref_slice %arg6[%mul3A_2] : memref<320000xi32, #tpu.memory_space<hbm>> -> memref<10000xi32, #tpu.memory_space<hbm>>
      tpu.wait_dma2 semaphore(%run_scoped3A : memref<!tpu.dma_semaphore, #tpu.memory_space<semaphore_mem>>) src(%dma_wait3A_277 : memref<10000xi32, #tpu.memory_space<hbm>>) dst(%arg10 : memref<10000xi32, #tpu.memory_space<vmem>>)
      tpu.yield
    }) : () -> ()
    "tpu.region"() ({
      %run_scoped3A = tpu.sem_alloc : memref<!tpu.dma_semaphore, #tpu.memory_space<semaphore_mem>>
      tpu.enqueue_dma source(%arg4 : memref<40000xf32, #tpu.memory_space<hbm>>) target(%arg11 : memref<40000xf32, #tpu.memory_space<vmem>>) target_semaphore(%run_scoped3A : memref<!tpu.dma_semaphore, #tpu.memory_space<semaphore_mem>>)
      tpu.wait_dma2 semaphore(%run_scoped3A : memref<!tpu.dma_semaphore, #tpu.memory_space<semaphore_mem>>) src(%arg4 : memref<40000xf32, #tpu.memory_space<hbm>>) dst(%arg11 : memref<40000xf32, #tpu.memory_space<vmem>>)
      tpu.yield
    }) : () -> ()
    %broadcast_in_dim3A = arith.constant 0.000000e+00 : f32
    %broadcast_in_dim3A_3 = vector.broadcast %broadcast_in_dim3A : f32 to vector<16xf32>
    %scan3A = arith.constant 0 : i32
    %scan3A_4 = arith.constant 0 : i32
    %scan3A_5 = arith.constant 80 : i32
    %scan3A_6 = arith.addi %scan3A_4, %scan3A_5 : i32
    %scan3A_7 = arith.constant 1 : i32
    scf.for %scan3A_274 = %scan3A_4 to %scan3A_6 step %scan3A_7  : i32 {
      %swap3A = arith.index_cast %scan3A_274 : i32 to index
      %swap3A_275 = arith.constant 0 : index
      %swap3A_276 = tpu.vector_load %arg16[%swap3A, %swap3A_275] {strides = array<i32>} : memref<80x16xf32, #tpu.memory_space<vmem>>, vector<16xf32>,
      tpu.vector_store %arg16[%swap3A, %swap3A_275], %broadcast_in_dim3A_3 {strides = array<i32>} : memref<80x16xf32, #tpu.memory_space<vmem>>, vector<16xf32>,
    }
    %scan3A_8 = arith.constant 80 : i32
    %dma_start3A = arith.constant 0 : i32
    %dma_start3A_9 = tpu.memref_slice %arg9[%dma_start3A] : memref<10000xi32, #tpu.memory_space<vmem>> -> memref<80xi32, #tpu.memory_space<vmem>>
    %dma_start3A_10 = arith.constant 0 : i32
    %dma_start3A_11 = arith.constant 0 : i32
    %dma_start3A_12 = tpu.memref_slice %arg2[%dma_start3A_10, %dma_start3A_11] : memref<10000x128xf32, #tpu.memory_space<hbm>> -> memref<10000x128xf32, #tpu.memory_space<hbm>>
    tpu.enqueue_indirect_dma source(%dma_start3A_12 : memref<10000x128xf32, #tpu.memory_space<hbm>>) target(%arg12 : memref<80x128xf32, #tpu.memory_space<vmem>>) offsets(%dma_start3A_9 : memref<80xi32, #tpu.memory_space<vmem>>) semaphore(%arg17 : memref<!tpu.dma_semaphore, #tpu.memory_space<semaphore_mem>>)
    %dma_start3A_13 = arith.constant 0 : i32
    %dma_start3A_14 = tpu.memref_slice %arg10[%dma_start3A_13] : memref<10000xi32, #tpu.memory_space<vmem>> -> memref<80xi32, #tpu.memory_space<vmem>>
    %dma_start3A_15 = arith.constant 0 : i32
    %dma_start3A_16 = arith.constant 0 : i32
    %dma_start3A_17 = tpu.memref_slice %arg3[%dma_start3A_15, %dma_start3A_16] : memref<10000x128xf32, #tpu.memory_space<hbm>> -> memref<10000x128xf32, #tpu.memory_space<hbm>>
    tpu.enqueue_indirect_dma source(%dma_start3A_17 : memref<10000x128xf32, #tpu.memory_space<hbm>>) target(%arg13 : memref<80x128xf32, #tpu.memory_space<vmem>>) offsets(%dma_start3A_14 : memref<80xi32, #tpu.memory_space<vmem>>) semaphore(%arg18 : memref<!tpu.dma_semaphore, #tpu.memory_space<semaphore_mem>>)
    %scan3A_18 = arith.constant 0 : i32
    %scan3A_19 = arith.constant 0 : i32
    %scan3A_20 = arith.constant 62 : i32
    %scan3A_21 = arith.addi %scan3A_19, %scan3A_20 : i32
    %scan3A_22 = arith.constant 1 : i32
    scf.for %scan3A_274 = %scan3A_19 to %scan3A_21 step %scan3A_22  : i32 {
      %mul3A_275 = arith.constant 2 : i32
      %mul3A_276 = arith.muli %mul3A_275, %scan3A_274 : i32
      %add3A_277 = arith.constant 1 : i32
      %add3A_278 = arith.addi %mul3A_276, %add3A_277 : i32
      %mul3A_279 = arith.constant 80 : i32
      %mul3A_280 = arith.muli %add3A_278, %mul3A_279 : i32
      %dma_start3A_281 = tpu.memref_slice %arg9[%mul3A_280] : memref<10000xi32, #tpu.memory_space<vmem>> -> memref<80xi32, #tpu.memory_space<vmem>>
      %dma_start3A_282 = arith.constant 0 : i32
      %dma_start3A_283 = arith.constant 0 : i32
      %dma_start3A_284 = tpu.memref_slice %arg2[%dma_start3A_282, %dma_start3A_283] : memref<10000x128xf32, #tpu.memory_space<hbm>> -> memref<10000x128xf32, #tpu.memory_space<hbm>>
      tpu.enqueue_indirect_dma source(%dma_start3A_284 : memref<10000x128xf32, #tpu.memory_space<hbm>>) target(%arg14 : memref<80x128xf32, #tpu.memory_space<vmem>>) offsets(%dma_start3A_281 : memref<80xi32, #tpu.memory_space<vmem>>) semaphore(%arg19 : memref<!tpu.dma_semaphore, #tpu.memory_space<semaphore_mem>>)
      %dma_start3A_285 = tpu.memref_slice %arg10[%mul3A_280] : memref<10000xi32, #tpu.memory_space<vmem>> -> memref<80xi32, #tpu.memory_space<vmem>>
      %dma_start3A_286 = arith.constant 0 : i32
      %dma_start3A_287 = arith.constant 0 : i32
      %dma_start3A_288 = tpu.memref_slice %arg3[%dma_start3A_286, %dma_start3A_287] : memref<10000x128xf32, #tpu.memory_space<hbm>> -> memref<10000x128xf32, #tpu.memory_space<hbm>>
      tpu.enqueue_indirect_dma source(%dma_start3A_288 : memref<10000x128xf32, #tpu.memory_space<hbm>>) target(%arg15 : memref<80x128xf32, #tpu.memory_space<vmem>>) offsets(%dma_start3A_285 : memref<80xi32, #tpu.memory_space<vmem>>) semaphore(%arg20 : memref<!tpu.dma_semaphore, #tpu.memory_space<semaphore_mem>>)
      %dma_wait3A_289 = arith.constant 0 : i32
      %dma_wait3A_290 = tpu.memref_slice %arg9[%dma_wait3A_289] : memref<10000xi32, #tpu.memory_space<vmem>> -> memref<80xi32, #tpu.memory_space<vmem>>
      %dma_wait3A_291 = arith.constant 0 : i32
      %dma_wait3A_292 = arith.constant 0 : i32
      %dma_wait3A_293 = tpu.memref_slice %arg2[%dma_wait3A_291, %dma_wait3A_292] : memref<10000x128xf32, #tpu.memory_space<hbm>> -> memref<10000x128xf32, #tpu.memory_space<hbm>>
      tpu.wait_indirect_dma semaphore(%arg17 : memref<!tpu.dma_semaphore, #tpu.memory_space<semaphore_mem>>) src(%dma_wait3A_293 : memref<10000x128xf32, #tpu.memory_space<hbm>>) dst(%arg12 : memref<80x128xf32, #tpu.memory_space<vmem>>)
      %dma_wait3A_294 = arith.constant 0 : i32
      %dma_wait3A_295 = tpu.memref_slice %arg10[%dma_wait3A_294] : memref<10000xi32, #tpu.memory_space<vmem>> -> memref<80xi32, #tpu.memory_space<vmem>>
      %dma_wait3A_296 = arith.constant 0 : i32
      %dma_wait3A_297 = arith.constant 0 : i32
      %dma_wait3A_298 = tpu.memref_slice %arg3[%dma_wait3A_296, %dma_wait3A_297] : memref<10000x128xf32, #tpu.memory_space<hbm>> -> memref<10000x128xf32, #tpu.memory_space<hbm>>
      tpu.wait_indirect_dma semaphore(%arg18 : memref<!tpu.dma_semaphore, #tpu.memory_space<semaphore_mem>>) src(%dma_wait3A_298 : memref<10000x128xf32, #tpu.memory_space<hbm>>) dst(%arg13 : memref<80x128xf32, #tpu.memory_space<vmem>>)
      %mul3A_299 = arith.constant 80 : i32
      %mul3A_300 = arith.muli %mul3A_276, %mul3A_299 : i32
      %iota3A_301 = tpu.iota {dimensions = array<i32: 0>} : vector<16xi32>
      %add3A_302 = arith.constant 0 : i32
      %add3A_303 = vector.broadcast %add3A_302 : i32 to vector<16xi32>
      %add3A_304 = arith.addi %iota3A_301, %add3A_303 : vector<16xi32>
      %add3A_305 = arith.constant 0 : i32
      %add3A_306 = arith.addi %mul3A_300, %add3A_305 : i32
      %get3A_307 = arith.index_cast %add3A_306 : i32 to index
      %get3A_308 = tpu.vector_load %arg9[%get3A_307] {strides = array<i32>} : memref<10000xi32, #tpu.memory_space<vmem>>, vector<16xi32>,
      %mul3A_309 = arith.constant 4 : i32
      %mul3A_310 = vector.broadcast %mul3A_309 : i32 to vector<16xi32>
      %mul3A_311 = arith.muli %get3A_308, %mul3A_310 : vector<16xi32>
      %add3A_312 = arith.constant 0 : i32
      %add3A_313 = arith.addi %mul3A_300, %add3A_312 : i32
      %get3A_314 = arith.index_cast %add3A_313 : i32 to index
      %get3A_315 = tpu.vector_load %arg10[%get3A_314] {strides = array<i32>} : memref<10000xi32, #tpu.memory_space<vmem>>, vector<16xi32>,
      %mul3A_316 = arith.constant 4 : i32
      %mul3A_317 = vector.broadcast %mul3A_316 : i32 to vector<16xi32>
      %mul3A_318 = arith.muli %get3A_315, %mul3A_317 : vector<16xi32>
      %add3A_319 = arith.constant 0 : i32
      %add3A_320 = vector.broadcast %add3A_319 : i32 to vector<16xi32>
      %add3A_321 = arith.addi %mul3A_311, %add3A_320 : vector<16xi32>
      %gather3A_322 = tpu.vector_load_idx %arg11[%add3A_321] : memref<40000xf32, #tpu.memory_space<vmem>>[vector<16xi32>], vector<16xf32>,
      %add3A_323 = arith.constant 0 : i32
      %add3A_324 = vector.broadcast %add3A_323 : i32 to vector<16xi32>
      %add3A_325 = arith.addi %mul3A_318, %add3A_324 : vector<16xi32>
      %gather3A_326 = tpu.vector_load_idx %arg11[%add3A_325] : memref<40000xf32, #tpu.memory_space<vmem>>[vector<16xi32>], vector<16xf32>,
      %broadcast_in_dim3A_327 = arith.constant 0 : i32
      %broadcast_in_dim3A_328 = vector.broadcast %broadcast_in_dim3A_327 : i32 to vector<16xi32>
      %sub3A_329 = arith.subf %gather3A_322, %gather3A_326 : vector<16xf32>
      tpu.vector_store_idx %arg16[%add3A_304, %broadcast_in_dim3A_328], %sub3A_329 : memref<80x16xf32, #tpu.memory_space<vmem>>[vector<16xi32>, vector<16xi32>], vector<16xf32>,
      %add3A_330 = arith.constant 1 : i32
      %add3A_331 = vector.broadcast %add3A_330 : i32 to vector<16xi32>
      %add3A_332 = arith.addi %mul3A_311, %add3A_331 : vector<16xi32>
      %gather3A_333 = tpu.vector_load_idx %arg11[%add3A_332] : memref<40000xf32, #tpu.memory_space<vmem>>[vector<16xi32>], vector<16xf32>,
      %add3A_334 = arith.constant 1 : i32
      %add3A_335 = vector.broadcast %add3A_334 : i32 to vector<16xi32>
      %add3A_336 = arith.addi %mul3A_318, %add3A_335 : vector<16xi32>
      %gather3A_337 = tpu.vector_load_idx %arg11[%add3A_336] : memref<40000xf32, #tpu.memory_space<vmem>>[vector<16xi32>], vector<16xf32>,
      %broadcast_in_dim3A_338 = arith.constant 1 : i32
      %broadcast_in_dim3A_339 = vector.broadcast %broadcast_in_dim3A_338 : i32 to vector<16xi32>
      %sub3A_340 = arith.subf %gather3A_333, %gather3A_337 : vector<16xf32>
      tpu.vector_store_idx %arg16[%add3A_304, %broadcast_in_dim3A_339], %sub3A_340 : memref<80x16xf32, #tpu.memory_space<vmem>>[vector<16xi32>, vector<16xi32>], vector<16xf32>,
      %add3A_341 = arith.constant 2 : i32
      %add3A_342 = vector.broadcast %add3A_341 : i32 to vector<16xi32>
      %add3A_343 = arith.addi %mul3A_311, %add3A_342 : vector<16xi32>
      %gather3A_344 = tpu.vector_load_idx %arg11[%add3A_343] : memref<40000xf32, #tpu.memory_space<vmem>>[vector<16xi32>], vector<16xf32>,
      %add3A_345 = arith.constant 2 : i32
      %add3A_346 = vector.broadcast %add3A_345 : i32 to vector<16xi32>
      %add3A_347 = arith.addi %mul3A_318, %add3A_346 : vector<16xi32>
      %gather3A_348 = tpu.vector_load_idx %arg11[%add3A_347] : memref<40000xf32, #tpu.memory_space<vmem>>[vector<16xi32>], vector<16xf32>,
      %broadcast_in_dim3A_349 = arith.constant 2 : i32
      %broadcast_in_dim3A_350 = vector.broadcast %broadcast_in_dim3A_349 : i32 to vector<16xi32>
      %sub3A_351 = arith.subf %gather3A_344, %gather3A_348 : vector<16xf32>
      tpu.vector_store_idx %arg16[%add3A_304, %broadcast_in_dim3A_350], %sub3A_351 : memref<80x16xf32, #tpu.memory_space<vmem>>[vector<16xi32>, vector<16xi32>], vector<16xf32>,
      %iota3A_352 = tpu.iota {dimensions = array<i32: 0>} : vector<16xi32>
      %add3A_353 = arith.constant 16 : i32
      %add3A_354 = vector.broadcast %add3A_353 : i32 to vector<16xi32>
      %add3A_355 = arith.addi %iota3A_352, %add3A_354 : vector<16xi32>
      %add3A_356 = arith.constant 16 : i32
      %add3A_357 = arith.addi %mul3A_300, %add3A_356 : i32
      %get3A_358 = arith.index_cast %add3A_357 : i32 to index
      %get3A_359 = tpu.vector_load %arg9[%get3A_358] {strides = array<i32>} : memref<10000xi32, #tpu.memory_space<vmem>>, vector<16xi32>,
      %mul3A_360 = arith.constant 4 : i32
      %mul3A_361 = vector.broadcast %mul3A_360 : i32 to vector<16xi32>
      %mul3A_362 = arith.muli %get3A_359, %mul3A_361 : vector<16xi32>
      %add3A_363 = arith.constant 16 : i32
      %add3A_364 = arith.addi %mul3A_300, %add3A_363 : i32
      %get3A_365 = arith.index_cast %add3A_364 : i32 to index
      %get3A_366 = tpu.vector_load %arg10[%get3A_365] {strides = array<i32>} : memref<10000xi32, #tpu.memory_space<vmem>>, vector<16xi32>,
      %mul3A_367 = arith.constant 4 : i32
      %mul3A_368 = vector.broadcast %mul3A_367 : i32 to vector<16xi32>
      %mul3A_369 = arith.muli %get3A_366, %mul3A_368 : vector<16xi32>
      %add3A_370 = arith.constant 0 : i32
      %add3A_371 = vector.broadcast %add3A_370 : i32 to vector<16xi32>
      %add3A_372 = arith.addi %mul3A_362, %add3A_371 : vector<16xi32>
      %gather3A_373 = tpu.vector_load_idx %arg11[%add3A_372] : memref<40000xf32, #tpu.memory_space<vmem>>[vector<16xi32>], vector<16xf32>,
      %add3A_374 = arith.constant 0 : i32
      %add3A_375 = vector.broadcast %add3A_374 : i32 to vector<16xi32>
      %add3A_376 = arith.addi %mul3A_369, %add3A_375 : vector<16xi32>
      %gather3A_377 = tpu.vector_load_idx %arg11[%add3A_376] : memref<40000xf32, #tpu.memory_space<vmem>>[vector<16xi32>], vector<16xf32>,
      %broadcast_in_dim3A_378 = arith.constant 0 : i32
      %broadcast_in_dim3A_379 = vector.broadcast %broadcast_in_dim3A_378 : i32 to vector<16xi32>
      %sub3A_380 = arith.subf %gather3A_373, %gather3A_377 : vector<16xf32>
      tpu.vector_store_idx %arg16[%add3A_355, %broadcast_in_dim3A_379], %sub3A_380 : memref<80x16xf32, #tpu.memory_space<vmem>>[vector<16xi32>, vector<16xi32>], vector<16xf32>,
      %add3A_381 = arith.constant 1 : i32
      %add3A_382 = vector.broadcast %add3A_381 : i32 to vector<16xi32>
      %add3A_383 = arith.addi %mul3A_362, %add3A_382 : vector<16xi32>
      %gather3A_384 = tpu.vector_load_idx %arg11[%add3A_383] : memref<40000xf32, #tpu.memory_space<vmem>>[vector<16xi32>], vector<16xf32>,
      %add3A_385 = arith.constant 1 : i32
      %add3A_386 = vector.broadcast %add3A_385 : i32 to vector<16xi32>
      %add3A_387 = arith.addi %mul3A_369, %add3A_386 : vector<16xi32>
      %gather3A_388 = tpu.vector_load_idx %arg11[%add3A_387] : memref<40000xf32, #tpu.memory_space<vmem>>[vector<16xi32>], vector<16xf32>,
      %broadcast_in_dim3A_389 = arith.constant 1 : i32
      %broadcast_in_dim3A_390 = vector.broadcast %broadcast_in_dim3A_389 : i32 to vector<16xi32>
      %sub3A_391 = arith.subf %gather3A_384, %gather3A_388 : vector<16xf32>
      tpu.vector_store_idx %arg16[%add3A_355, %broadcast_in_dim3A_390], %sub3A_391 : memref<80x16xf32, #tpu.memory_space<vmem>>[vector<16xi32>, vector<16xi32>], vector<16xf32>,
      %add3A_392 = arith.constant 2 : i32
      %add3A_393 = vector.broadcast %add3A_392 : i32 to vector<16xi32>
      %add3A_394 = arith.addi %mul3A_362, %add3A_393 : vector<16xi32>
      %gather3A_395 = tpu.vector_load_idx %arg11[%add3A_394] : memref<40000xf32, #tpu.memory_space<vmem>>[vector<16xi32>], vector<16xf32>,
      %add3A_396 = arith.constant 2 : i32
      %add3A_397 = vector.broadcast %add3A_396 : i32 to vector<16xi32>
      %add3A_398 = arith.addi %mul3A_369, %add3A_397 : vector<16xi32>
      %gather3A_399 = tpu.vector_load_idx %arg11[%add3A_398] : memref<40000xf32, #tpu.memory_space<vmem>>[vector<16xi32>], vector<16xf32>,
      %broadcast_in_dim3A_400 = arith.constant 2 : i32
      %broadcast_in_dim3A_401 = vector.broadcast %broadcast_in_dim3A_400 : i32 to vector<16xi32>
      %sub3A_402 = arith.subf %gather3A_395, %gather3A_399 : vector<16xf32>
      tpu.vector_store_idx %arg16[%add3A_355, %broadcast_in_dim3A_401], %sub3A_402 : memref<80x16xf32, #tpu.memory_space<vmem>>[vector<16xi32>, vector<16xi32>], vector<16xf32>,
      %iota3A_403 = tpu.iota {dimensions = array<i32: 0>} : vector<16xi32>
      %add3A_404 = arith.constant 32 : i32
      %add3A_405 = vector.broadcast %add3A_404 : i32 to vector<16xi32>
      %add3A_406 = arith.addi %iota3A_403, %add3A_405 : vector<16xi32>
      %add3A_407 = arith.constant 32 : i32
      %add3A_408 = arith.addi %mul3A_300, %add3A_407 : i32
      %get3A_409 = arith.index_cast %add3A_408 : i32 to index
      %get3A_410 = tpu.vector_load %arg9[%get3A_409] {strides = array<i32>} : memref<10000xi32, #tpu.memory_space<vmem>>, vector<16xi32>,
      %mul3A_411 = arith.constant 4 : i32
      %mul3A_412 = vector.broadcast %mul3A_411 : i32 to vector<16xi32>
      %mul3A_413 = arith.muli %get3A_410, %mul3A_412 : vector<16xi32>
      %add3A_414 = arith.constant 32 : i32
      %add3A_415 = arith.addi %mul3A_300, %add3A_414 : i32
      %get3A_416 = arith.index_cast %add3A_415 : i32 to index
      %get3A_417 = tpu.vector_load %arg10[%get3A_416] {strides = array<i32>} : memref<10000xi32, #tpu.memory_space<vmem>>, vector<16xi32>,
      %mul3A_418 = arith.constant 4 : i32
      %mul3A_419 = vector.broadcast %mul3A_418 : i32 to vector<16xi32>
      %mul3A_420 = arith.muli %get3A_417, %mul3A_419 : vector<16xi32>
      %add3A_421 = arith.constant 0 : i32
      %add3A_422 = vector.broadcast %add3A_421 : i32 to vector<16xi32>
      %add3A_423 = arith.addi %mul3A_413, %add3A_422 : vector<16xi32>
      %gather3A_424 = tpu.vector_load_idx %arg11[%add3A_423] : memref<40000xf32, #tpu.memory_space<vmem>>[vector<16xi32>], vector<16xf32>,
      %add3A_425 = arith.constant 0 : i32
      %add3A_426 = vector.broadcast %add3A_425 : i32 to vector<16xi32>
      %add3A_427 = arith.addi %mul3A_420, %add3A_426 : vector<16xi32>
      %gather3A_428 = tpu.vector_load_idx %arg11[%add3A_427] : memref<40000xf32, #tpu.memory_space<vmem>>[vector<16xi32>], vector<16xf32>,
      %broadcast_in_dim3A_429 = arith.constant 0 : i32
      %broadcast_in_dim3A_430 = vector.broadcast %broadcast_in_dim3A_429 : i32 to vector<16xi32>
      %sub3A_431 = arith.subf %gather3A_424, %gather3A_428 : vector<16xf32>
      tpu.vector_store_idx %arg16[%add3A_406, %broadcast_in_dim3A_430], %sub3A_431 : memref<80x16xf32, #tpu.memory_space<vmem>>[vector<16xi32>, vector<16xi32>], vector<16xf32>,
      %add3A_432 = arith.constant 1 : i32
      %add3A_433 = vector.broadcast %add3A_432 : i32 to vector<16xi32>
      %add3A_434 = arith.addi %mul3A_413, %add3A_433 : vector<16xi32>
      %gather3A_435 = tpu.vector_load_idx %arg11[%add3A_434] : memref<40000xf32, #tpu.memory_space<vmem>>[vector<16xi32>], vector<16xf32>,
      %add3A_436 = arith.constant 1 : i32
      %add3A_437 = vector.broadcast %add3A_436 : i32 to vector<16xi32>
      %add3A_438 = arith.addi %mul3A_420, %add3A_437 : vector<16xi32>
      %gather3A_439 = tpu.vector_load_idx %arg11[%add3A_438] : memref<40000xf32, #tpu.memory_space<vmem>>[vector<16xi32>], vector<16xf32>,
      %broadcast_in_dim3A_440 = arith.constant 1 : i32
      %broadcast_in_dim3A_441 = vector.broadcast %broadcast_in_dim3A_440 : i32 to vector<16xi32>
      %sub3A_442 = arith.subf %gather3A_435, %gather3A_439 : vector<16xf32>
      tpu.vector_store_idx %arg16[%add3A_406, %broadcast_in_dim3A_441], %sub3A_442 : memref<80x16xf32, #tpu.memory_space<vmem>>[vector<16xi32>, vector<16xi32>], vector<16xf32>,
      %add3A_443 = arith.constant 2 : i32
      %add3A_444 = vector.broadcast %add3A_443 : i32 to vector<16xi32>
      %add3A_445 = arith.addi %mul3A_413, %add3A_444 : vector<16xi32>
      %gather3A_446 = tpu.vector_load_idx %arg11[%add3A_445] : memref<40000xf32, #tpu.memory_space<vmem>>[vector<16xi32>], vector<16xf32>,
      %add3A_447 = arith.constant 2 : i32
      %add3A_448 = vector.broadcast %add3A_447 : i32 to vector<16xi32>
      %add3A_449 = arith.addi %mul3A_420, %add3A_448 : vector<16xi32>
      %gather3A_450 = tpu.vector_load_idx %arg11[%add3A_449] : memref<40000xf32, #tpu.memory_space<vmem>>[vector<16xi32>], vector<16xf32>,
      %broadcast_in_dim3A_451 = arith.constant 2 : i32
      %broadcast_in_dim3A_452 = vector.broadcast %broadcast_in_dim3A_451 : i32 to vector<16xi32>
      %sub3A_453 = arith.subf %gather3A_446, %gather3A_450 : vector<16xf32>
      tpu.vector_store_idx %arg16[%add3A_406, %broadcast_in_dim3A_452], %sub3A_453 : memref<80x16xf32, #tpu.memory_space<vmem>>[vector<16xi32>, vector<16xi32>], vector<16xf32>,
      %iota3A_454 = tpu.iota {dimensions = array<i32: 0>} : vector<16xi32>
      %add3A_455 = arith.constant 48 : i32
      %add3A_456 = vector.broadcast %add3A_455 : i32 to vector<16xi32>
      %add3A_457 = arith.addi %iota3A_454, %add3A_456 : vector<16xi32>
      %add3A_458 = arith.constant 48 : i32
      %add3A_459 = arith.addi %mul3A_300, %add3A_458 : i32
      %get3A_460 = arith.index_cast %add3A_459 : i32 to index
      %get3A_461 = tpu.vector_load %arg9[%get3A_460] {strides = array<i32>} : memref<10000xi32, #tpu.memory_space<vmem>>, vector<16xi32>,
      %mul3A_462 = arith.constant 4 : i32
      %mul3A_463 = vector.broadcast %mul3A_462 : i32 to vector<16xi32>
      %mul3A_464 = arith.muli %get3A_461, %mul3A_463 : vector<16xi32>
      %add3A_465 = arith.constant 48 : i32
      %add3A_466 = arith.addi %mul3A_300, %add3A_465 : i32
      %get3A_467 = arith.index_cast %add3A_466 : i32 to index
      %get3A_468 = tpu.vector_load %arg10[%get3A_467] {strides = array<i32>} : memref<10000xi32, #tpu.memory_space<vmem>>, vector<16xi32>,
      %mul3A_469 = arith.constant 4 : i32
      %mul3A_470 = vector.broadcast %mul3A_469 : i32 to vector<16xi32>
      %mul3A_471 = arith.muli %get3A_468, %mul3A_470 : vector<16xi32>
      %add3A_472 = arith.constant 0 : i32
      %add3A_473 = vector.broadcast %add3A_472 : i32 to vector<16xi32>
      %add3A_474 = arith.addi %mul3A_464, %add3A_473 : vector<16xi32>
      %gather3A_475 = tpu.vector_load_idx %arg11[%add3A_474] : memref<40000xf32, #tpu.memory_space<vmem>>[vector<16xi32>], vector<16xf32>,
      %add3A_476 = arith.constant 0 : i32
      %add3A_477 = vector.broadcast %add3A_476 : i32 to vector<16xi32>
      %add3A_478 = arith.addi %mul3A_471, %add3A_477 : vector<16xi32>
      %gather3A_479 = tpu.vector_load_idx %arg11[%add3A_478] : memref<40000xf32, #tpu.memory_space<vmem>>[vector<16xi32>], vector<16xf32>,
      %broadcast_in_dim3A_480 = arith.constant 0 : i32
      %broadcast_in_dim3A_481 = vector.broadcast %broadcast_in_dim3A_480 : i32 to vector<16xi32>
      %sub3A_482 = arith.subf %gather3A_475, %gather3A_479 : vector<16xf32>
      tpu.vector_store_idx %arg16[%add3A_457, %broadcast_in_dim3A_481], %sub3A_482 : memref<80x16xf32, #tpu.memory_space<vmem>>[vector<16xi32>, vector<16xi32>], vector<16xf32>,
      %add3A_483 = arith.constant 1 : i32
      %add3A_484 = vector.broadcast %add3A_483 : i32 to vector<16xi32>
      %add3A_485 = arith.addi %mul3A_464, %add3A_484 : vector<16xi32>
      %gather3A_486 = tpu.vector_load_idx %arg11[%add3A_485] : memref<40000xf32, #tpu.memory_space<vmem>>[vector<16xi32>], vector<16xf32>,
      %add3A_487 = arith.constant 1 : i32
      %add3A_488 = vector.broadcast %add3A_487 : i32 to vector<16xi32>
      %add3A_489 = arith.addi %mul3A_471, %add3A_488 : vector<16xi32>
      %gather3A_490 = tpu.vector_load_idx %arg11[%add3A_489] : memref<40000xf32, #tpu.memory_space<vmem>>[vector<16xi32>], vector<16xf32>,
      %broadcast_in_dim3A_491 = arith.constant 1 : i32
      %broadcast_in_dim3A_492 = vector.broadcast %broadcast_in_dim3A_491 : i32 to vector<16xi32>
      %sub3A_493 = arith.subf %gather3A_486, %gather3A_490 : vector<16xf32>
      tpu.vector_store_idx %arg16[%add3A_457, %broadcast_in_dim3A_492], %sub3A_493 : memref<80x16xf32, #tpu.memory_space<vmem>>[vector<16xi32>, vector<16xi32>], vector<16xf32>,
      %add3A_494 = arith.constant 2 : i32
      %add3A_495 = vector.broadcast %add3A_494 : i32 to vector<16xi32>
      %add3A_496 = arith.addi %mul3A_464, %add3A_495 : vector<16xi32>
      %gather3A_497 = tpu.vector_load_idx %arg11[%add3A_496] : memref<40000xf32, #tpu.memory_space<vmem>>[vector<16xi32>], vector<16xf32>,
      %add3A_498 = arith.constant 2 : i32
      %add3A_499 = vector.broadcast %add3A_498 : i32 to vector<16xi32>
      %add3A_500 = arith.addi %mul3A_471, %add3A_499 : vector<16xi32>
      %gather3A_501 = tpu.vector_load_idx %arg11[%add3A_500] : memref<40000xf32, #tpu.memory_space<vmem>>[vector<16xi32>], vector<16xf32>,
      %broadcast_in_dim3A_502 = arith.constant 2 : i32
      %broadcast_in_dim3A_503 = vector.broadcast %broadcast_in_dim3A_502 : i32 to vector<16xi32>
      %sub3A_504 = arith.subf %gather3A_497, %gather3A_501 : vector<16xf32>
      tpu.vector_store_idx %arg16[%add3A_457, %broadcast_in_dim3A_503], %sub3A_504 : memref<80x16xf32, #tpu.memory_space<vmem>>[vector<16xi32>, vector<16xi32>], vector<16xf32>,
      %iota3A_505 = tpu.iota {dimensions = array<i32: 0>} : vector<16xi32>
      %add3A_506 = arith.constant 64 : i32
      %add3A_507 = vector.broadcast %add3A_506 : i32 to vector<16xi32>
      %add3A_508 = arith.addi %iota3A_505, %add3A_507 : vector<16xi32>
      %add3A_509 = arith.constant 64 : i32
      %add3A_510 = arith.addi %mul3A_300, %add3A_509 : i32
      %get3A_511 = arith.index_cast %add3A_510 : i32 to index
      %get3A_512 = tpu.vector_load %arg9[%get3A_511] {strides = array<i32>} : memref<10000xi32, #tpu.memory_space<vmem>>, vector<16xi32>,
      %mul3A_513 = arith.constant 4 : i32
      %mul3A_514 = vector.broadcast %mul3A_513 : i32 to vector<16xi32>
      %mul3A_515 = arith.muli %get3A_512, %mul3A_514 : vector<16xi32>
      %add3A_516 = arith.constant 64 : i32
      %add3A_517 = arith.addi %mul3A_300, %add3A_516 : i32
      %get3A_518 = arith.index_cast %add3A_517 : i32 to index
      %get3A_519 = tpu.vector_load %arg10[%get3A_518] {strides = array<i32>} : memref<10000xi32, #tpu.memory_space<vmem>>, vector<16xi32>,
      %mul3A_520 = arith.constant 4 : i32
      %mul3A_521 = vector.broadcast %mul3A_520 : i32 to vector<16xi32>
      %mul3A_522 = arith.muli %get3A_519, %mul3A_521 : vector<16xi32>
      %add3A_523 = arith.constant 0 : i32
      %add3A_524 = vector.broadcast %add3A_523 : i32 to vector<16xi32>
      %add3A_525 = arith.addi %mul3A_515, %add3A_524 : vector<16xi32>
      %gather3A_526 = tpu.vector_load_idx %arg11[%add3A_525] : memref<40000xf32, #tpu.memory_space<vmem>>[vector<16xi32>], vector<16xf32>,
      %add3A_527 = arith.constant 0 : i32
      %add3A_528 = vector.broadcast %add3A_527 : i32 to vector<16xi32>
      %add3A_529 = arith.addi %mul3A_522, %add3A_528 : vector<16xi32>
      %gather3A_530 = tpu.vector_load_idx %arg11[%add3A_529] : memref<40000xf32, #tpu.memory_space<vmem>>[vector<16xi32>], vector<16xf32>,
      %broadcast_in_dim3A_531 = arith.constant 0 : i32
      %broadcast_in_dim3A_532 = vector.broadcast %broadcast_in_dim3A_531 : i32 to vector<16xi32>
      %sub3A_533 = arith.subf %gather3A_526, %gather3A_530 : vector<16xf32>
      tpu.vector_store_idx %arg16[%add3A_508, %broadcast_in_dim3A_532], %sub3A_533 : memref<80x16xf32, #tpu.memory_space<vmem>>[vector<16xi32>, vector<16xi32>], vector<16xf32>,
      %add3A_534 = arith.constant 1 : i32
      %add3A_535 = vector.broadcast %add3A_534 : i32 to vector<16xi32>
      %add3A_536 = arith.addi %mul3A_515, %add3A_535 : vector<16xi32>
      %gather3A_537 = tpu.vector_load_idx %arg11[%add3A_536] : memref<40000xf32, #tpu.memory_space<vmem>>[vector<16xi32>], vector<16xf32>,
      %add3A_538 = arith.constant 1 : i32
      %add3A_539 = vector.broadcast %add3A_538 : i32 to vector<16xi32>
      %add3A_540 = arith.addi %mul3A_522, %add3A_539 : vector<16xi32>
      %gather3A_541 = tpu.vector_load_idx %arg11[%add3A_540] : memref<40000xf32, #tpu.memory_space<vmem>>[vector<16xi32>], vector<16xf32>,
      %broadcast_in_dim3A_542 = arith.constant 1 : i32
      %broadcast_in_dim3A_543 = vector.broadcast %broadcast_in_dim3A_542 : i32 to vector<16xi32>
      %sub3A_544 = arith.subf %gather3A_537, %gather3A_541 : vector<16xf32>
      tpu.vector_store_idx %arg16[%add3A_508, %broadcast_in_dim3A_543], %sub3A_544 : memref<80x16xf32, #tpu.memory_space<vmem>>[vector<16xi32>, vector<16xi32>], vector<16xf32>,
      %add3A_545 = arith.constant 2 : i32
      %add3A_546 = vector.broadcast %add3A_545 : i32 to vector<16xi32>
      %add3A_547 = arith.addi %mul3A_515, %add3A_546 : vector<16xi32>
      %gather3A_548 = tpu.vector_load_idx %arg11[%add3A_547] : memref<40000xf32, #tpu.memory_space<vmem>>[vector<16xi32>], vector<16xf32>,
      %add3A_549 = arith.constant 2 : i32
      %add3A_550 = vector.broadcast %add3A_549 : i32 to vector<16xi32>
      %add3A_551 = arith.addi %mul3A_522, %add3A_550 : vector<16xi32>
      %gather3A_552 = tpu.vector_load_idx %arg11[%add3A_551] : memref<40000xf32, #tpu.memory_space<vmem>>[vector<16xi32>], vector<16xf32>,
      %broadcast_in_dim3A_553 = arith.constant 2 : i32
      %broadcast_in_dim3A_554 = vector.broadcast %broadcast_in_dim3A_553 : i32 to vector<16xi32>
      %sub3A_555 = arith.subf %gather3A_548, %gather3A_552 : vector<16xf32>
      tpu.vector_store_idx %arg16[%add3A_508, %broadcast_in_dim3A_554], %sub3A_555 : memref<80x16xf32, #tpu.memory_space<vmem>>[vector<16xi32>, vector<16xi32>], vector<16xf32>,
      %scan3A_556 = arith.constant 0 : i32
      %scan3A_557 = arith.constant 0 : i32
      %scan3A_558 = arith.constant 80 : i32
      %scan3A_559 = arith.addi %scan3A_557, %scan3A_558 : i32
      %scan3A_560 = arith.constant 1 : i32
      scf.for %scan3A_845 = %scan3A_557 to %scan3A_559 step %scan3A_560  : i32 {
        %get3A_846 = arith.index_cast %scan3A_845 : i32 to index
        %get3A_847 = arith.constant 0 : index
        %get3A_848 = tpu.vector_load %arg12[%get3A_846, %get3A_847] {strides = array<i32>} : memref<80x128xf32, #tpu.memory_space<vmem>>, vector<16xf32>,
        %get3A_849 = arith.index_cast %scan3A_845 : i32 to index
        %get3A_850 = arith.constant 0 : index
        %get3A_851 = tpu.vector_load %arg13[%get3A_849, %get3A_850] {strides = array<i32>} : memref<80x128xf32, #tpu.memory_space<vmem>>, vector<16xf32>,
        %add3A_852 = arith.addf %get3A_848, %get3A_851 : vector<16xf32>
        %swap3A = arith.index_cast %scan3A_845 : i32 to index
        %swap3A_853 = arith.constant 0 : index
        %swap3A_854 = tpu.vector_load %arg12[%swap3A, %swap3A_853] {strides = array<i32>} : memref<80x128xf32, #tpu.memory_space<vmem>>, vector<16xf32>,
        tpu.vector_store %arg12[%swap3A, %swap3A_853], %add3A_852 {strides = array<i32>} : memref<80x128xf32, #tpu.memory_space<vmem>>, vector<16xf32>,
        %get3A_855 = arith.index_cast %scan3A_845 : i32 to index
        %get3A_856 = arith.constant 16 : index
        %get3A_857 = tpu.vector_load %arg12[%get3A_855, %get3A_856] {strides = array<i32>} : memref<80x128xf32, #tpu.memory_space<vmem>>, vector<16xf32>,
        %get3A_858 = arith.index_cast %scan3A_845 : i32 to index
        %get3A_859 = arith.constant 16 : index
        %get3A_860 = tpu.vector_load %arg13[%get3A_858, %get3A_859] {strides = array<i32>} : memref<80x128xf32, #tpu.memory_space<vmem>>, vector<16xf32>,
        %add3A_861 = arith.addf %get3A_857, %get3A_860 : vector<16xf32>
        %swap3A_862 = arith.index_cast %scan3A_845 : i32 to index
        %swap3A_863 = arith.constant 16 : index
        %swap3A_864 = tpu.vector_load %arg12[%swap3A_862, %swap3A_863] {strides = array<i32>} : memref<80x128xf32, #tpu.memory_space<vmem>>, vector<16xf32>,
        tpu.vector_store %arg12[%swap3A_862, %swap3A_863], %add3A_861 {strides = array<i32>} : memref<80x128xf32, #tpu.memory_space<vmem>>, vector<16xf32>,
        %get3A_865 = arith.index_cast %scan3A_845 : i32 to index
        %get3A_866 = arith.constant 32 : index
        %get3A_867 = tpu.vector_load %arg12[%get3A_865, %get3A_866] {strides = array<i32>} : memref<80x128xf32, #tpu.memory_space<vmem>>, vector<16xf32>,
        %get3A_868 = arith.index_cast %scan3A_845 : i32 to index
        %get3A_869 = arith.constant 32 : index
        %get3A_870 = tpu.vector_load %arg13[%get3A_868, %get3A_869] {strides = array<i32>} : memref<80x128xf32, #tpu.memory_space<vmem>>, vector<16xf32>,
        %add3A_871 = arith.addf %get3A_867, %get3A_870 : vector<16xf32>
        %swap3A_872 = arith.index_cast %scan3A_845 : i32 to index
        %swap3A_873 = arith.constant 32 : index
        %swap3A_874 = tpu.vector_load %arg12[%swap3A_872, %swap3A_873] {strides = array<i32>} : memref<80x128xf32, #tpu.memory_space<vmem>>, vector<16xf32>,
        tpu.vector_store %arg12[%swap3A_872, %swap3A_873], %add3A_871 {strides = array<i32>} : memref<80x128xf32, #tpu.memory_space<vmem>>, vector<16xf32>,
        %get3A_875 = arith.index_cast %scan3A_845 : i32 to index
        %get3A_876 = arith.constant 48 : index
        %get3A_877 = tpu.vector_load %arg12[%get3A_875, %get3A_876] {strides = array<i32>} : memref<80x128xf32, #tpu.memory_space<vmem>>, vector<16xf32>,
        %get3A_878 = arith.index_cast %scan3A_845 : i32 to index
        %get3A_879 = arith.constant 48 : index
        %get3A_880 = tpu.vector_load %arg13[%get3A_878, %get3A_879] {strides = array<i32>} : memref<80x128xf32, #tpu.memory_space<vmem>>, vector<16xf32>,
        %add3A_881 = arith.addf %get3A_877, %get3A_880 : vector<16xf32>
        %swap3A_882 = arith.index_cast %scan3A_845 : i32 to index
        %swap3A_883 = arith.constant 48 : index
        %swap3A_884 = tpu.vector_load %arg12[%swap3A_882, %swap3A_883] {strides = array<i32>} : memref<80x128xf32, #tpu.memory_space<vmem>>, vector<16xf32>,
        tpu.vector_store %arg12[%swap3A_882, %swap3A_883], %add3A_881 {strides = array<i32>} : memref<80x128xf32, #tpu.memory_space<vmem>>, vector<16xf32>,
        %get3A_885 = arith.index_cast %scan3A_845 : i32 to index
        %get3A_886 = arith.constant 64 : index
        %get3A_887 = tpu.vector_load %arg12[%get3A_885, %get3A_886] {strides = array<i32>} : memref<80x128xf32, #tpu.memory_space<vmem>>, vector<16xf32>,
        %get3A_888 = arith.index_cast %scan3A_845 : i32 to index
        %get3A_889 = arith.constant 64 : index
        %get3A_890 = tpu.vector_load %arg13[%get3A_888, %get3A_889] {strides = array<i32>} : memref<80x128xf32, #tpu.memory_space<vmem>>, vector<16xf32>,
        %add3A_891 = arith.addf %get3A_887, %get3A_890 : vector<16xf32>
        %swap3A_892 = arith.index_cast %scan3A_845 : i32 to index
        %swap3A_893 = arith.constant 64 : index
        %swap3A_894 = tpu.vector_load %arg12[%swap3A_892, %swap3A_893] {strides = array<i32>} : memref<80x128xf32, #tpu.memory_space<vmem>>, vector<16xf32>,
        tpu.vector_store %arg12[%swap3A_892, %swap3A_893], %add3A_891 {strides = array<i32>} : memref<80x128xf32, #tpu.memory_space<vmem>>, vector<16xf32>,
        %get3A_895 = arith.index_cast %scan3A_845 : i32 to index
        %get3A_896 = arith.constant 80 : index
        %get3A_897 = tpu.vector_load %arg12[%get3A_895, %get3A_896] {strides = array<i32>} : memref<80x128xf32, #tpu.memory_space<vmem>>, vector<16xf32>,
        %get3A_898 = arith.index_cast %scan3A_845 : i32 to index
        %get3A_899 = arith.constant 80 : index
        %get3A_900 = tpu.vector_load %arg13[%get3A_898, %get3A_899] {strides = array<i32>} : memref<80x128xf32, #tpu.memory_space<vmem>>, vector<16xf32>,
        %add3A_901 = arith.addf %get3A_897, %get3A_900 : vector<16xf32>
        %swap3A_902 = arith.index_cast %scan3A_845 : i32 to index
        %swap3A_903 = arith.constant 80 : index
        %swap3A_904 = tpu.vector_load %arg12[%swap3A_902, %swap3A_903] {strides = array<i32>} : memref<80x128xf32, #tpu.memory_space<vmem>>, vector<16xf32>,
        tpu.vector_store %arg12[%swap3A_902, %swap3A_903], %add3A_901 {strides = array<i32>} : memref<80x128xf32, #tpu.memory_space<vmem>>, vector<16xf32>,
        %get3A_905 = arith.index_cast %scan3A_845 : i32 to index
        %get3A_906 = arith.constant 96 : index
        %get3A_907 = tpu.vector_load %arg12[%get3A_905, %get3A_906] {strides = array<i32>} : memref<80x128xf32, #tpu.memory_space<vmem>>, vector<16xf32>,
        %get3A_908 = arith.index_cast %scan3A_845 : i32 to index
        %get3A_909 = arith.constant 96 : index
        %get3A_910 = tpu.vector_load %arg13[%get3A_908, %get3A_909] {strides = array<i32>} : memref<80x128xf32, #tpu.memory_space<vmem>>, vector<16xf32>,
        %add3A_911 = arith.addf %get3A_907, %get3A_910 : vector<16xf32>
        %swap3A_912 = arith.index_cast %scan3A_845 : i32 to index
        %swap3A_913 = arith.constant 96 : index
        %swap3A_914 = tpu.vector_load %arg12[%swap3A_912, %swap3A_913] {strides = array<i32>} : memref<80x128xf32, #tpu.memory_space<vmem>>, vector<16xf32>,
        tpu.vector_store %arg12[%swap3A_912, %swap3A_913], %add3A_911 {strides = array<i32>} : memref<80x128xf32, #tpu.memory_space<vmem>>, vector<16xf32>,
        %get3A_915 = arith.index_cast %scan3A_845 : i32 to index
        %get3A_916 = arith.constant 112 : index
        %get3A_917 = tpu.vector_load %arg12[%get3A_915, %get3A_916] {strides = array<i32>} : memref<80x128xf32, #tpu.memory_space<vmem>>, vector<16xf32>,
        %get3A_918 = arith.index_cast %scan3A_845 : i32 to index
        %get3A_919 = arith.constant 112 : index
        %get3A_920 = tpu.vector_load %arg13[%get3A_918, %get3A_919] {strides = array<i32>} : memref<80x128xf32, #tpu.memory_space<vmem>>, vector<16xf32>,
        %add3A_921 = arith.addf %get3A_917, %get3A_920 : vector<16xf32>
        %swap3A_922 = arith.index_cast %scan3A_845 : i32 to index
        %swap3A_923 = arith.constant 112 : index
        %swap3A_924 = tpu.vector_load %arg12[%swap3A_922, %swap3A_923] {strides = array<i32>} : memref<80x128xf32, #tpu.memory_space<vmem>>, vector<16xf32>,
        tpu.vector_store %arg12[%swap3A_922, %swap3A_923], %add3A_921 {strides = array<i32>} : memref<80x128xf32, #tpu.memory_space<vmem>>, vector<16xf32>,
      }
      %scan3A_561 = arith.constant 80 : i32
      %add3A_562 = arith.addi %mul3A_2, %mul3A_300 : i32
      "tpu.region"() ({
        %run_scoped3A = tpu.sem_alloc : memref<!tpu.dma_semaphore, #tpu.memory_space<semaphore_mem>>
        %dma_start3A_845 = arith.constant 0 : i32
        %dma_start3A_846 = tpu.memref_slice %arg7[%add3A_562, %dma_start3A_845] : memref<320000x128xf32, #tpu.memory_space<hbm>> -> memref<80x128xf32, #tpu.memory_space<hbm>>
        %dma_start3A_847 = arith.constant 0 : i32
        %dma_start3A_848 = tpu.memref_slice %arg7[%add3A_562, %dma_start3A_847] : memref<320000x128xf32, #tpu.memory_space<hbm>> -> memref<80x128xf32, #tpu.memory_space<hbm>>
        tpu.enqueue_dma source(%arg12 : memref<80x128xf32, #tpu.memory_space<vmem>>) target(%dma_start3A_848 : memref<80x128xf32, #tpu.memory_space<hbm>>) target_semaphore(%run_scoped3A : memref<!tpu.dma_semaphore, #tpu.memory_space<semaphore_mem>>)
        %dma_wait3A_849 = arith.constant 0 : i32
        %dma_wait3A_850 = tpu.memref_slice %arg7[%add3A_562, %dma_wait3A_849] : memref<320000x128xf32, #tpu.memory_space<hbm>> -> memref<80x128xf32, #tpu.memory_space<hbm>>
        %dma_wait3A_851 = arith.constant 0 : i32
        %dma_wait3A_852 = tpu.memref_slice %arg7[%add3A_562, %dma_wait3A_851] : memref<320000x128xf32, #tpu.memory_space<hbm>> -> memref<80x128xf32, #tpu.memory_space<hbm>>
        tpu.wait_dma2 semaphore(%run_scoped3A : memref<!tpu.dma_semaphore, #tpu.memory_space<semaphore_mem>>) src(%arg12 : memref<80x128xf32, #tpu.memory_space<vmem>>) dst(%dma_wait3A_852 : memref<80x128xf32, #tpu.memory_space<hbm>>)
        tpu.yield
      }) : () -> ()
      %add3A_563 = arith.addi %mul3A_2, %mul3A_300 : i32
      "tpu.region"() ({
        %run_scoped3A = tpu.sem_alloc : memref<!tpu.dma_semaphore, #tpu.memory_space<semaphore_mem>>
        %dma_start3A_845 = arith.constant 0 : i32
        %dma_start3A_846 = tpu.memref_slice %arg8[%add3A_563, %dma_start3A_845] : memref<320000x16xf32, #tpu.memory_space<hbm>> -> memref<80x16xf32, #tpu.memory_space<hbm>>
        %dma_start3A_847 = arith.constant 0 : i32
        %dma_start3A_848 = tpu.memref_slice %arg8[%add3A_563, %dma_start3A_847] : memref<320000x16xf32, #tpu.memory_space<hbm>> -> memref<80x16xf32, #tpu.memory_space<hbm>>
        tpu.enqueue_dma source(%arg16 : memref<80x16xf32, #tpu.memory_space<vmem>>) target(%dma_start3A_848 : memref<80x16xf32, #tpu.memory_space<hbm>>) target_semaphore(%run_scoped3A : memref<!tpu.dma_semaphore, #tpu.memory_space<semaphore_mem>>)
        %dma_wait3A_849 = arith.constant 0 : i32
        %dma_wait3A_850 = tpu.memref_slice %arg8[%add3A_563, %dma_wait3A_849] : memref<320000x16xf32, #tpu.memory_space<hbm>> -> memref<80x16xf32, #tpu.memory_space<hbm>>
        %dma_wait3A_851 = arith.constant 0 : i32
        %dma_wait3A_852 = tpu.memref_slice %arg8[%add3A_563, %dma_wait3A_851] : memref<320000x16xf32, #tpu.memory_space<hbm>> -> memref<80x16xf32, #tpu.memory_space<hbm>>
        tpu.wait_dma2 semaphore(%run_scoped3A : memref<!tpu.dma_semaphore, #tpu.memory_space<semaphore_mem>>) src(%arg16 : memref<80x16xf32, #tpu.memory_space<vmem>>) dst(%dma_wait3A_852 : memref<80x16xf32, #tpu.memory_space<hbm>>)
        tpu.yield
      }) : () -> ()
      %add3A_564 = arith.constant 2 : i32
      %add3A_565 = arith.addi %mul3A_276, %add3A_564 : i32
      %lt3A = arith.constant 125 : i32
      %lt3A_566 = arith.cmpi slt, %add3A_565, %lt3A : i32
      %convert_element_type3A = arith.extui %lt3A_566 : i1 to i32
      %cond3A = arith.constant 0 : i32
      %cond3A_567 = arith.cmpi ne, %convert_element_type3A, %cond3A : i32
      scf.if %cond3A_567 {
        %add3A_845 = arith.constant 2 : i32
        %add3A_846 = arith.addi %mul3A_276, %add3A_845 : i32
        %mul3A_847 = arith.constant 80 : i32
        %mul3A_848 = arith.muli %add3A_846, %mul3A_847 : i32
        %dma_start3A_849 = tpu.memref_slice %arg9[%mul3A_848] : memref<10000xi32, #tpu.memory_space<vmem>> -> memref<80xi32, #tpu.memory_space<vmem>>
        %dma_start3A_850 = arith.constant 0 : i32
        %dma_start3A_851 = arith.constant 0 : i32
        %dma_start3A_852 = tpu.memref_slice %arg2[%dma_start3A_850, %dma_start3A_851] : memref<10000x128xf32, #tpu.memory_space<hbm>> -> memref<10000x128xf32, #tpu.memory_space<hbm>>
        tpu.enqueue_indirect_dma source(%dma_start3A_852 : memref<10000x128xf32, #tpu.memory_space<hbm>>) target(%arg12 : memref<80x128xf32, #tpu.memory_space<vmem>>) offsets(%dma_start3A_849 : memref<80xi32, #tpu.memory_space<vmem>>) semaphore(%arg17 : memref<!tpu.dma_semaphore, #tpu.memory_space<semaphore_mem>>)
        %dma_start3A_853 = tpu.memref_slice %arg10[%mul3A_848] : memref<10000xi32, #tpu.memory_space<vmem>> -> memref<80xi32, #tpu.memory_space<vmem>>
        %dma_start3A_854 = arith.constant 0 : i32
        %dma_start3A_855 = arith.constant 0 : i32
        %dma_start3A_856 = tpu.memref_slice %arg3[%dma_start3A_854, %dma_start3A_855] : memref<10000x128xf32, #tpu.memory_space<hbm>> -> memref<10000x128xf32, #tpu.memory_space<hbm>>
        tpu.enqueue_indirect_dma source(%dma_start3A_856 : memref<10000x128xf32, #tpu.memory_space<hbm>>) target(%arg13 : memref<80x128xf32, #tpu.memory_space<vmem>>) offsets(%dma_start3A_853 : memref<80xi32, #tpu.memory_space<vmem>>) semaphore(%arg18 : memref<!tpu.dma_semaphore, #tpu.memory_space<semaphore_mem>>)
      } else {
      }
      %dma_wait3A_568 = arith.constant 0 : i32
      %dma_wait3A_569 = tpu.memref_slice %arg9[%dma_wait3A_568] : memref<10000xi32, #tpu.memory_space<vmem>> -> memref<80xi32, #tpu.memory_space<vmem>>
      %dma_wait3A_570 = arith.constant 0 : i32
      %dma_wait3A_571 = arith.constant 0 : i32
      %dma_wait3A_572 = tpu.memref_slice %arg2[%dma_wait3A_570, %dma_wait3A_571] : memref<10000x128xf32, #tpu.memory_space<hbm>> -> memref<10000x128xf32, #tpu.memory_space<hbm>>
      tpu.wait_indirect_dma semaphore(%arg19 : memref<!tpu.dma_semaphore, #tpu.memory_space<semaphore_mem>>) src(%dma_wait3A_572 : memref<10000x128xf32, #tpu.memory_space<hbm>>) dst(%arg14 : memref<80x128xf32, #tpu.memory_space<vmem>>)
      %dma_wait3A_573 = arith.constant 0 : i32
      %dma_wait3A_574 = tpu.memref_slice %arg10[%dma_wait3A_573] : memref<10000xi32, #tpu.memory_space<vmem>> -> memref<80xi32, #tpu.memory_space<vmem>>
      %dma_wait3A_575 = arith.constant 0 : i32
      %dma_wait3A_576 = arith.constant 0 : i32
      %dma_wait3A_577 = tpu.memref_slice %arg3[%dma_wait3A_575, %dma_wait3A_576] : memref<10000x128xf32, #tpu.memory_space<hbm>> -> memref<10000x128xf32, #tpu.memory_space<hbm>>
      tpu.wait_indirect_dma semaphore(%arg20 : memref<!tpu.dma_semaphore, #tpu.memory_space<semaphore_mem>>) src(%dma_wait3A_577 : memref<10000x128xf32, #tpu.memory_space<hbm>>) dst(%arg15 : memref<80x128xf32, #tpu.memory_space<vmem>>)
      %add3A_578 = arith.constant 1 : i32
      %add3A_579 = arith.addi %mul3A_276, %add3A_578 : i32
      %mul3A_580 = arith.constant 80 : i32
      %mul3A_581 = arith.muli %add3A_579, %mul3A_580 : i32
      %iota3A_582 = tpu.iota {dimensions = array<i32: 0>} : vector<16xi32>
      %add3A_583 = arith.constant 0 : i32
      %add3A_584 = vector.broadcast %add3A_583 : i32 to vector<16xi32>
      %add3A_585 = arith.addi %iota3A_582, %add3A_584 : vector<16xi32>
      %add3A_586 = arith.constant 0 : i32
      %add3A_587 = arith.addi %mul3A_581, %add3A_586 : i32
      %get3A_588 = arith.index_cast %add3A_587 : i32 to index
      %get3A_589 = tpu.vector_load %arg9[%get3A_588] {strides = array<i32>} : memref<10000xi32, #tpu.memory_space<vmem>>, vector<16xi32>,
      %mul3A_590 = arith.constant 4 : i32
      %mul3A_591 = vector.broadcast %mul3A_590 : i32 to vector<16xi32>
      %mul3A_592 = arith.muli %get3A_589, %mul3A_591 : vector<16xi32>
      %add3A_593 = arith.constant 0 : i32
      %add3A_594 = arith.addi %mul3A_581, %add3A_593 : i32
      %get3A_595 = arith.index_cast %add3A_594 : i32 to index
      %get3A_596 = tpu.vector_load %arg10[%get3A_595] {strides = array<i32>} : memref<10000xi32, #tpu.memory_space<vmem>>, vector<16xi32>,
      %mul3A_597 = arith.constant 4 : i32
      %mul3A_598 = vector.broadcast %mul3A_597 : i32 to vector<16xi32>
      %mul3A_599 = arith.muli %get3A_596, %mul3A_598 : vector<16xi32>
      %add3A_600 = arith.constant 0 : i32
      %add3A_601 = vector.broadcast %add3A_600 : i32 to vector<16xi32>
      %add3A_602 = arith.addi %mul3A_592, %add3A_601 : vector<16xi32>
      %gather3A_603 = tpu.vector_load_idx %arg11[%add3A_602] : memref<40000xf32, #tpu.memory_space<vmem>>[vector<16xi32>], vector<16xf32>,
      %add3A_604 = arith.constant 0 : i32
      %add3A_605 = vector.broadcast %add3A_604 : i32 to vector<16xi32>
      %add3A_606 = arith.addi %mul3A_599, %add3A_605 : vector<16xi32>
      %gather3A_607 = tpu.vector_load_idx %arg11[%add3A_606] : memref<40000xf32, #tpu.memory_space<vmem>>[vector<16xi32>], vector<16xf32>,
      %broadcast_in_dim3A_608 = arith.constant 0 : i32
      %broadcast_in_dim3A_609 = vector.broadcast %broadcast_in_dim3A_608 : i32 to vector<16xi32>
      %sub3A_610 = arith.subf %gather3A_603, %gather3A_607 : vector<16xf32>
      tpu.vector_store_idx %arg16[%add3A_585, %broadcast_in_dim3A_609], %sub3A_610 : memref<80x16xf32, #tpu.memory_space<vmem>>[vector<16xi32>, vector<16xi32>], vector<16xf32>,
      %add3A_611 = arith.constant 1 : i32
      %add3A_612 = vector.broadcast %add3A_611 : i32 to vector<16xi32>
      %add3A_613 = arith.addi %mul3A_592, %add3A_612 : vector<16xi32>
      %gather3A_614 = tpu.vector_load_idx %arg11[%add3A_613] : memref<40000xf32, #tpu.memory_space<vmem>>[vector<16xi32>], vector<16xf32>,
      %add3A_615 = arith.constant 1 : i32
      %add3A_616 = vector.broadcast %add3A_615 : i32 to vector<16xi32>
      %add3A_617 = arith.addi %mul3A_599, %add3A_616 : vector<16xi32>
      %gather3A_618 = tpu.vector_load_idx %arg11[%add3A_617] : memref<40000xf32, #tpu.memory_space<vmem>>[vector<16xi32>], vector<16xf32>,
      %broadcast_in_dim3A_619 = arith.constant 1 : i32
      %broadcast_in_dim3A_620 = vector.broadcast %broadcast_in_dim3A_619 : i32 to vector<16xi32>
      %sub3A_621 = arith.subf %gather3A_614, %gather3A_618 : vector<16xf32>
      tpu.vector_store_idx %arg16[%add3A_585, %broadcast_in_dim3A_620], %sub3A_621 : memref<80x16xf32, #tpu.memory_space<vmem>>[vector<16xi32>, vector<16xi32>], vector<16xf32>,
      %add3A_622 = arith.constant 2 : i32
      %add3A_623 = vector.broadcast %add3A_622 : i32 to vector<16xi32>
      %add3A_624 = arith.addi %mul3A_592, %add3A_623 : vector<16xi32>
      %gather3A_625 = tpu.vector_load_idx %arg11[%add3A_624] : memref<40000xf32, #tpu.memory_space<vmem>>[vector<16xi32>], vector<16xf32>,
      %add3A_626 = arith.constant 2 : i32
      %add3A_627 = vector.broadcast %add3A_626 : i32 to vector<16xi32>
      %add3A_628 = arith.addi %mul3A_599, %add3A_627 : vector<16xi32>
      %gather3A_629 = tpu.vector_load_idx %arg11[%add3A_628] : memref<40000xf32, #tpu.memory_space<vmem>>[vector<16xi32>], vector<16xf32>,
      %broadcast_in_dim3A_630 = arith.constant 2 : i32
      %broadcast_in_dim3A_631 = vector.broadcast %broadcast_in_dim3A_630 : i32 to vector<16xi32>
      %sub3A_632 = arith.subf %gather3A_625, %gather3A_629 : vector<16xf32>
      tpu.vector_store_idx %arg16[%add3A_585, %broadcast_in_dim3A_631], %sub3A_632 : memref<80x16xf32, #tpu.memory_space<vmem>>[vector<16xi32>, vector<16xi32>], vector<16xf32>,
      %iota3A_633 = tpu.iota {dimensions = array<i32: 0>} : vector<16xi32>
      %add3A_634 = arith.constant 16 : i32
      %add3A_635 = vector.broadcast %add3A_634 : i32 to vector<16xi32>
      %add3A_636 = arith.addi %iota3A_633, %add3A_635 : vector<16xi32>
      %add3A_637 = arith.constant 16 : i32
      %add3A_638 = arith.addi %mul3A_581, %add3A_637 : i32
      %get3A_639 = arith.index_cast %add3A_638 : i32 to index
      %get3A_640 = tpu.vector_load %arg9[%get3A_639] {strides = array<i32>} : memref<10000xi32, #tpu.memory_space<vmem>>, vector<16xi32>,
      %mul3A_641 = arith.constant 4 : i32
      %mul3A_642 = vector.broadcast %mul3A_641 : i32 to vector<16xi32>
      %mul3A_643 = arith.muli %get3A_640, %mul3A_642 : vector<16xi32>
      %add3A_644 = arith.constant 16 : i32
      %add3A_645 = arith.addi %mul3A_581, %add3A_644 : i32
      %get3A_646 = arith.index_cast %add3A_645 : i32 to index
      %get3A_647 = tpu.vector_load %arg10[%get3A_646] {strides = array<i32>} : memref<10000xi32, #tpu.memory_space<vmem>>, vector<16xi32>,
      %mul3A_648 = arith.constant 4 : i32
      %mul3A_649 = vector.broadcast %mul3A_648 : i32 to vector<16xi32>
      %mul3A_650 = arith.muli %get3A_647, %mul3A_649 : vector<16xi32>
      %add3A_651 = arith.constant 0 : i32
      %add3A_652 = vector.broadcast %add3A_651 : i32 to vector<16xi32>
      %add3A_653 = arith.addi %mul3A_643, %add3A_652 : vector<16xi32>
      %gather3A_654 = tpu.vector_load_idx %arg11[%add3A_653] : memref<40000xf32, #tpu.memory_space<vmem>>[vector<16xi32>], vector<16xf32>,
      %add3A_655 = arith.constant 0 : i32
      %add3A_656 = vector.broadcast %add3A_655 : i32 to vector<16xi32>
      %add3A_657 = arith.addi %mul3A_650, %add3A_656 : vector<16xi32>
      %gather3A_658 = tpu.vector_load_idx %arg11[%add3A_657] : memref<40000xf32, #tpu.memory_space<vmem>>[vector<16xi32>], vector<16xf32>,
      %broadcast_in_dim3A_659 = arith.constant 0 : i32
      %broadcast_in_dim3A_660 = vector.broadcast %broadcast_in_dim3A_659 : i32 to vector<16xi32>
      %sub3A_661 = arith.subf %gather3A_654, %gather3A_658 : vector<16xf32>
      tpu.vector_store_idx %arg16[%add3A_636, %broadcast_in_dim3A_660], %sub3A_661 : memref<80x16xf32, #tpu.memory_space<vmem>>[vector<16xi32>, vector<16xi32>], vector<16xf32>,
      %add3A_662 = arith.constant 1 : i32
      %add3A_663 = vector.broadcast %add3A_662 : i32 to vector<16xi32>
      %add3A_664 = arith.addi %mul3A_643, %add3A_663 : vector<16xi32>
      %gather3A_665 = tpu.vector_load_idx %arg11[%add3A_664] : memref<40000xf32, #tpu.memory_space<vmem>>[vector<16xi32>], vector<16xf32>,
      %add3A_666 = arith.constant 1 : i32
      %add3A_667 = vector.broadcast %add3A_666 : i32 to vector<16xi32>
      %add3A_668 = arith.addi %mul3A_650, %add3A_667 : vector<16xi32>
      %gather3A_669 = tpu.vector_load_idx %arg11[%add3A_668] : memref<40000xf32, #tpu.memory_space<vmem>>[vector<16xi32>], vector<16xf32>,
      %broadcast_in_dim3A_670 = arith.constant 1 : i32
      %broadcast_in_dim3A_671 = vector.broadcast %broadcast_in_dim3A_670 : i32 to vector<16xi32>
      %sub3A_672 = arith.subf %gather3A_665, %gather3A_669 : vector<16xf32>
      tpu.vector_store_idx %arg16[%add3A_636, %broadcast_in_dim3A_671], %sub3A_672 : memref<80x16xf32, #tpu.memory_space<vmem>>[vector<16xi32>, vector<16xi32>], vector<16xf32>,
      %add3A_673 = arith.constant 2 : i32
      %add3A_674 = vector.broadcast %add3A_673 : i32 to vector<16xi32>
      %add3A_675 = arith.addi %mul3A_643, %add3A_674 : vector<16xi32>
      %gather3A_676 = tpu.vector_load_idx %arg11[%add3A_675] : memref<40000xf32, #tpu.memory_space<vmem>>[vector<16xi32>], vector<16xf32>,
      %add3A_677 = arith.constant 2 : i32
      %add3A_678 = vector.broadcast %add3A_677 : i32 to vector<16xi32>
      %add3A_679 = arith.addi %mul3A_650, %add3A_678 : vector<16xi32>
      %gather3A_680 = tpu.vector_load_idx %arg11[%add3A_679] : memref<40000xf32, #tpu.memory_space<vmem>>[vector<16xi32>], vector<16xf32>,
      %broadcast_in_dim3A_681 = arith.constant 2 : i32
      %broadcast_in_dim3A_682 = vector.broadcast %broadcast_in_dim3A_681 : i32 to vector<16xi32>
      %sub3A_683 = arith.subf %gather3A_676, %gather3A_680 : vector<16xf32>
      tpu.vector_store_idx %arg16[%add3A_636, %broadcast_in_dim3A_682], %sub3A_683 : memref<80x16xf32, #tpu.memory_space<vmem>>[vector<16xi32>, vector<16xi32>], vector<16xf32>,
      %iota3A_684 = tpu.iota {dimensions = array<i32: 0>} : vector<16xi32>
      %add3A_685 = arith.constant 32 : i32
      %add3A_686 = vector.broadcast %add3A_685 : i32 to vector<16xi32>
      %add3A_687 = arith.addi %iota3A_684, %add3A_686 : vector<16xi32>
      %add3A_688 = arith.constant 32 : i32
      %add3A_689 = arith.addi %mul3A_581, %add3A_688 : i32
      %get3A_690 = arith.index_cast %add3A_689 : i32 to index
      %get3A_691 = tpu.vector_load %arg9[%get3A_690] {strides = array<i32>} : memref<10000xi32, #tpu.memory_space<vmem>>, vector<16xi32>,
      %mul3A_692 = arith.constant 4 : i32
      %mul3A_693 = vector.broadcast %mul3A_692 : i32 to vector<16xi32>
      %mul3A_694 = arith.muli %get3A_691, %mul3A_693 : vector<16xi32>
      %add3A_695 = arith.constant 32 : i32
      %add3A_696 = arith.addi %mul3A_581, %add3A_695 : i32
      %get3A_697 = arith.index_cast %add3A_696 : i32 to index
      %get3A_698 = tpu.vector_load %arg10[%get3A_697] {strides = array<i32>} : memref<10000xi32, #tpu.memory_space<vmem>>, vector<16xi32>,
      %mul3A_699 = arith.constant 4 : i32
      %mul3A_700 = vector.broadcast %mul3A_699 : i32 to vector<16xi32>
      %mul3A_701 = arith.muli %get3A_698, %mul3A_700 : vector<16xi32>
      %add3A_702 = arith.constant 0 : i32
      %add3A_703 = vector.broadcast %add3A_702 : i32 to vector<16xi32>
      %add3A_704 = arith.addi %mul3A_694, %add3A_703 : vector<16xi32>
      %gather3A_705 = tpu.vector_load_idx %arg11[%add3A_704] : memref<40000xf32, #tpu.memory_space<vmem>>[vector<16xi32>], vector<16xf32>,
      %add3A_706 = arith.constant 0 : i32
      %add3A_707 = vector.broadcast %add3A_706 : i32 to vector<16xi32>
      %add3A_708 = arith.addi %mul3A_701, %add3A_707 : vector<16xi32>
      %gather3A_709 = tpu.vector_load_idx %arg11[%add3A_708] : memref<40000xf32, #tpu.memory_space<vmem>>[vector<16xi32>], vector<16xf32>,
      %broadcast_in_dim3A_710 = arith.constant 0 : i32
      %broadcast_in_dim3A_711 = vector.broadcast %broadcast_in_dim3A_710 : i32 to vector<16xi32>
      %sub3A_712 = arith.subf %gather3A_705, %gather3A_709 : vector<16xf32>
      tpu.vector_store_idx %arg16[%add3A_687, %broadcast_in_dim3A_711], %sub3A_712 : memref<80x16xf32, #tpu.memory_space<vmem>>[vector<16xi32>, vector<16xi32>], vector<16xf32>,
      %add3A_713 = arith.constant 1 : i32
      %add3A_714 = vector.broadcast %add3A_713 : i32 to vector<16xi32>
      %add3A_715 = arith.addi %mul3A_694, %add3A_714 : vector<16xi32>
      %gather3A_716 = tpu.vector_load_idx %arg11[%add3A_715] : memref<40000xf32, #tpu.memory_space<vmem>>[vector<16xi32>], vector<16xf32>,
      %add3A_717 = arith.constant 1 : i32
      %add3A_718 = vector.broadcast %add3A_717 : i32 to vector<16xi32>
      %add3A_719 = arith.addi %mul3A_701, %add3A_718 : vector<16xi32>
      %gather3A_720 = tpu.vector_load_idx %arg11[%add3A_719] : memref<40000xf32, #tpu.memory_space<vmem>>[vector<16xi32>], vector<16xf32>,
      %broadcast_in_dim3A_721 = arith.constant 1 : i32
      %broadcast_in_dim3A_722 = vector.broadcast %broadcast_in_dim3A_721 : i32 to vector<16xi32>
      %sub3A_723 = arith.subf %gather3A_716, %gather3A_720 : vector<16xf32>
      tpu.vector_store_idx %arg16[%add3A_687, %broadcast_in_dim3A_722], %sub3A_723 : memref<80x16xf32, #tpu.memory_space<vmem>>[vector<16xi32>, vector<16xi32>], vector<16xf32>,
      %add3A_724 = arith.constant 2 : i32
      %add3A_725 = vector.broadcast %add3A_724 : i32 to vector<16xi32>
      %add3A_726 = arith.addi %mul3A_694, %add3A_725 : vector<16xi32>
      %gather3A_727 = tpu.vector_load_idx %arg11[%add3A_726] : memref<40000xf32, #tpu.memory_space<vmem>>[vector<16xi32>], vector<16xf32>,
      %add3A_728 = arith.constant 2 : i32
      %add3A_729 = vector.broadcast %add3A_728 : i32 to vector<16xi32>
      %add3A_730 = arith.addi %mul3A_701, %add3A_729 : vector<16xi32>
      %gather3A_731 = tpu.vector_load_idx %arg11[%add3A_730] : memref<40000xf32, #tpu.memory_space<vmem>>[vector<16xi32>], vector<16xf32>,
      %broadcast_in_dim3A_732 = arith.constant 2 : i32
      %broadcast_in_dim3A_733 = vector.broadcast %broadcast_in_dim3A_732 : i32 to vector<16xi32>
      %sub3A_734 = arith.subf %gather3A_727, %gather3A_731 : vector<16xf32>
      tpu.vector_store_idx %arg16[%add3A_687, %broadcast_in_dim3A_733], %sub3A_734 : memref<80x16xf32, #tpu.memory_space<vmem>>[vector<16xi32>, vector<16xi32>], vector<16xf32>,
      %iota3A_735 = tpu.iota {dimensions = array<i32: 0>} : vector<16xi32>
      %add3A_736 = arith.constant 48 : i32
      %add3A_737 = vector.broadcast %add3A_736 : i32 to vector<16xi32>
      %add3A_738 = arith.addi %iota3A_735, %add3A_737 : vector<16xi32>
      %add3A_739 = arith.constant 48 : i32
      %add3A_740 = arith.addi %mul3A_581, %add3A_739 : i32
      %get3A_741 = arith.index_cast %add3A_740 : i32 to index
      %get3A_742 = tpu.vector_load %arg9[%get3A_741] {strides = array<i32>} : memref<10000xi32, #tpu.memory_space<vmem>>, vector<16xi32>,
      %mul3A_743 = arith.constant 4 : i32
      %mul3A_744 = vector.broadcast %mul3A_743 : i32 to vector<16xi32>
      %mul3A_745 = arith.muli %get3A_742, %mul3A_744 : vector<16xi32>
      %add3A_746 = arith.constant 48 : i32
      %add3A_747 = arith.addi %mul3A_581, %add3A_746 : i32
      %get3A_748 = arith.index_cast %add3A_747 : i32 to index
      %get3A_749 = tpu.vector_load %arg10[%get3A_748] {strides = array<i32>} : memref<10000xi32, #tpu.memory_space<vmem>>, vector<16xi32>,
      %mul3A_750 = arith.constant 4 : i32
      %mul3A_751 = vector.broadcast %mul3A_750 : i32 to vector<16xi32>
      %mul3A_752 = arith.muli %get3A_749, %mul3A_751 : vector<16xi32>
      %add3A_753 = arith.constant 0 : i32
      %add3A_754 = vector.broadcast %add3A_753 : i32 to vector<16xi32>
      %add3A_755 = arith.addi %mul3A_745, %add3A_754 : vector<16xi32>
      %gather3A_756 = tpu.vector_load_idx %arg11[%add3A_755] : memref<40000xf32, #tpu.memory_space<vmem>>[vector<16xi32>], vector<16xf32>,
      %add3A_757 = arith.constant 0 : i32
      %add3A_758 = vector.broadcast %add3A_757 : i32 to vector<16xi32>
      %add3A_759 = arith.addi %mul3A_752, %add3A_758 : vector<16xi32>
      %gather3A_760 = tpu.vector_load_idx %arg11[%add3A_759] : memref<40000xf32, #tpu.memory_space<vmem>>[vector<16xi32>], vector<16xf32>,
      %broadcast_in_dim3A_761 = arith.constant 0 : i32
      %broadcast_in_dim3A_762 = vector.broadcast %broadcast_in_dim3A_761 : i32 to vector<16xi32>
      %sub3A_763 = arith.subf %gather3A_756, %gather3A_760 : vector<16xf32>
      tpu.vector_store_idx %arg16[%add3A_738, %broadcast_in_dim3A_762], %sub3A_763 : memref<80x16xf32, #tpu.memory_space<vmem>>[vector<16xi32>, vector<16xi32>], vector<16xf32>,
      %add3A_764 = arith.constant 1 : i32
      %add3A_765 = vector.broadcast %add3A_764 : i32 to vector<16xi32>
      %add3A_766 = arith.addi %mul3A_745, %add3A_765 : vector<16xi32>
      %gather3A_767 = tpu.vector_load_idx %arg11[%add3A_766] : memref<40000xf32, #tpu.memory_space<vmem>>[vector<16xi32>], vector<16xf32>,
      %add3A_768 = arith.constant 1 : i32
      %add3A_769 = vector.broadcast %add3A_768 : i32 to vector<16xi32>
      %add3A_770 = arith.addi %mul3A_752, %add3A_769 : vector<16xi32>
      %gather3A_771 = tpu.vector_load_idx %arg11[%add3A_770] : memref<40000xf32, #tpu.memory_space<vmem>>[vector<16xi32>], vector<16xf32>,
      %broadcast_in_dim3A_772 = arith.constant 1 : i32
      %broadcast_in_dim3A_773 = vector.broadcast %broadcast_in_dim3A_772 : i32 to vector<16xi32>
      %sub3A_774 = arith.subf %gather3A_767, %gather3A_771 : vector<16xf32>
      tpu.vector_store_idx %arg16[%add3A_738, %broadcast_in_dim3A_773], %sub3A_774 : memref<80x16xf32, #tpu.memory_space<vmem>>[vector<16xi32>, vector<16xi32>], vector<16xf32>,
      %add3A_775 = arith.constant 2 : i32
      %add3A_776 = vector.broadcast %add3A_775 : i32 to vector<16xi32>
      %add3A_777 = arith.addi %mul3A_745, %add3A_776 : vector<16xi32>
      %gather3A_778 = tpu.vector_load_idx %arg11[%add3A_777] : memref<40000xf32, #tpu.memory_space<vmem>>[vector<16xi32>], vector<16xf32>,
      %add3A_779 = arith.constant 2 : i32
      %add3A_780 = vector.broadcast %add3A_779 : i32 to vector<16xi32>
      %add3A_781 = arith.addi %mul3A_752, %add3A_780 : vector<16xi32>
      %gather3A_782 = tpu.vector_load_idx %arg11[%add3A_781] : memref<40000xf32, #tpu.memory_space<vmem>>[vector<16xi32>], vector<16xf32>,
      %broadcast_in_dim3A_783 = arith.constant 2 : i32
      %broadcast_in_dim3A_784 = vector.broadcast %broadcast_in_dim3A_783 : i32 to vector<16xi32>
      %sub3A_785 = arith.subf %gather3A_778, %gather3A_782 : vector<16xf32>
      tpu.vector_store_idx %arg16[%add3A_738, %broadcast_in_dim3A_784], %sub3A_785 : memref<80x16xf32, #tpu.memory_space<vmem>>[vector<16xi32>, vector<16xi32>], vector<16xf32>,
      %iota3A_786 = tpu.iota {dimensions = array<i32: 0>} : vector<16xi32>
      %add3A_787 = arith.constant 64 : i32
      %add3A_788 = vector.broadcast %add3A_787 : i32 to vector<16xi32>
      %add3A_789 = arith.addi %iota3A_786, %add3A_788 : vector<16xi32>
      %add3A_790 = arith.constant 64 : i32
      %add3A_791 = arith.addi %mul3A_581, %add3A_790 : i32
      %get3A_792 = arith.index_cast %add3A_791 : i32 to index
      %get3A_793 = tpu.vector_load %arg9[%get3A_792] {strides = array<i32>} : memref<10000xi32, #tpu.memory_space<vmem>>, vector<16xi32>,
      %mul3A_794 = arith.constant 4 : i32
      %mul3A_795 = vector.broadcast %mul3A_794 : i32 to vector<16xi32>
      %mul3A_796 = arith.muli %get3A_793, %mul3A_795 : vector<16xi32>
      %add3A_797 = arith.constant 64 : i32
      %add3A_798 = arith.addi %mul3A_581, %add3A_797 : i32
      %get3A_799 = arith.index_cast %add3A_798 : i32 to index
      %get3A_800 = tpu.vector_load %arg10[%get3A_799] {strides = array<i32>} : memref<10000xi32, #tpu.memory_space<vmem>>, vector<16xi32>,
      %mul3A_801 = arith.constant 4 : i32
      %mul3A_802 = vector.broadcast %mul3A_801 : i32 to vector<16xi32>
      %mul3A_803 = arith.muli %get3A_800, %mul3A_802 : vector<16xi32>
      %add3A_804 = arith.constant 0 : i32
      %add3A_805 = vector.broadcast %add3A_804 : i32 to vector<16xi32>
      %add3A_806 = arith.addi %mul3A_796, %add3A_805 : vector<16xi32>
      %gather3A_807 = tpu.vector_load_idx %arg11[%add3A_806] : memref<40000xf32, #tpu.memory_space<vmem>>[vector<16xi32>], vector<16xf32>,
      %add3A_808 = arith.constant 0 : i32
      %add3A_809 = vector.broadcast %add3A_808 : i32 to vector<16xi32>
      %add3A_810 = arith.addi %mul3A_803, %add3A_809 : vector<16xi32>
      %gather3A_811 = tpu.vector_load_idx %arg11[%add3A_810] : memref<40000xf32, #tpu.memory_space<vmem>>[vector<16xi32>], vector<16xf32>,
      %broadcast_in_dim3A_812 = arith.constant 0 : i32
      %broadcast_in_dim3A_813 = vector.broadcast %broadcast_in_dim3A_812 : i32 to vector<16xi32>
      %sub3A_814 = arith.subf %gather3A_807, %gather3A_811 : vector<16xf32>
      tpu.vector_store_idx %arg16[%add3A_789, %broadcast_in_dim3A_813], %sub3A_814 : memref<80x16xf32, #tpu.memory_space<vmem>>[vector<16xi32>, vector<16xi32>], vector<16xf32>,
      %add3A_815 = arith.constant 1 : i32
      %add3A_816 = vector.broadcast %add3A_815 : i32 to vector<16xi32>
      %add3A_817 = arith.addi %mul3A_796, %add3A_816 : vector<16xi32>
      %gather3A_818 = tpu.vector_load_idx %arg11[%add3A_817] : memref<40000xf32, #tpu.memory_space<vmem>>[vector<16xi32>], vector<16xf32>,
      %add3A_819 = arith.constant 1 : i32
      %add3A_820 = vector.broadcast %add3A_819 : i32 to vector<16xi32>
      %add3A_821 = arith.addi %mul3A_803, %add3A_820 : vector<16xi32>
      %gather3A_822 = tpu.vector_load_idx %arg11[%add3A_821] : memref<40000xf32, #tpu.memory_space<vmem>>[vector<16xi32>], vector<16xf32>,
      %broadcast_in_dim3A_823 = arith.constant 1 : i32
      %broadcast_in_dim3A_824 = vector.broadcast %broadcast_in_dim3A_823 : i32 to vector<16xi32>
      %sub3A_825 = arith.subf %gather3A_818, %gather3A_822 : vector<16xf32>
      tpu.vector_store_idx %arg16[%add3A_789, %broadcast_in_dim3A_824], %sub3A_825 : memref<80x16xf32, #tpu.memory_space<vmem>>[vector<16xi32>, vector<16xi32>], vector<16xf32>,
      %add3A_826 = arith.constant 2 : i32
      %add3A_827 = vector.broadcast %add3A_826 : i32 to vector<16xi32>
      %add3A_828 = arith.addi %mul3A_796, %add3A_827 : vector<16xi32>
      %gather3A_829 = tpu.vector_load_idx %arg11[%add3A_828] : memref<40000xf32, #tpu.memory_space<vmem>>[vector<16xi32>], vector<16xf32>,
      %add3A_830 = arith.constant 2 : i32
      %add3A_831 = vector.broadcast %add3A_830 : i32 to vector<16xi32>
      %add3A_832 = arith.addi %mul3A_803, %add3A_831 : vector<16xi32>
      %gather3A_833 = tpu.vector_load_idx %arg11[%add3A_832] : memref<40000xf32, #tpu.memory_space<vmem>>[vector<16xi32>], vector<16xf32>,
      %broadcast_in_dim3A_834 = arith.constant 2 : i32
      %broadcast_in_dim3A_835 = vector.broadcast %broadcast_in_dim3A_834 : i32 to vector<16xi32>
      %sub3A_836 = arith.subf %gather3A_829, %gather3A_833 : vector<16xf32>
      tpu.vector_store_idx %arg16[%add3A_789, %broadcast_in_dim3A_835], %sub3A_836 : memref<80x16xf32, #tpu.memory_space<vmem>>[vector<16xi32>, vector<16xi32>], vector<16xf32>,
      %scan3A_837 = arith.constant 0 : i32
      %scan3A_838 = arith.constant 0 : i32
      %scan3A_839 = arith.constant 80 : i32
      %scan3A_840 = arith.addi %scan3A_838, %scan3A_839 : i32
      %scan3A_841 = arith.constant 1 : i32
      scf.for %scan3A_845 = %scan3A_838 to %scan3A_840 step %scan3A_841  : i32 {
        %get3A_846 = arith.index_cast %scan3A_845 : i32 to index
        %get3A_847 = arith.constant 0 : index
        %get3A_848 = tpu.vector_load %arg14[%get3A_846, %get3A_847] {strides = array<i32>} : memref<80x128xf32, #tpu.memory_space<vmem>>, vector<16xf32>,
        %get3A_849 = arith.index_cast %scan3A_845 : i32 to index
        %get3A_850 = arith.constant 0 : index
        %get3A_851 = tpu.vector_load %arg15[%get3A_849, %get3A_850] {strides = array<i32>} : memref<80x128xf32, #tpu.memory_space<vmem>>, vector<16xf32>,
        %add3A_852 = arith.addf %get3A_848, %get3A_851 : vector<16xf32>
        %swap3A = arith.index_cast %scan3A_845 : i32 to index
        %swap3A_853 = arith.constant 0 : index
        %swap3A_854 = tpu.vector_load %arg14[%swap3A, %swap3A_853] {strides = array<i32>} : memref<80x128xf32, #tpu.memory_space<vmem>>, vector<16xf32>,
        tpu.vector_store %arg14[%swap3A, %swap3A_853], %add3A_852 {strides = array<i32>} : memref<80x128xf32, #tpu.memory_space<vmem>>, vector<16xf32>,
        %get3A_855 = arith.index_cast %scan3A_845 : i32 to index
        %get3A_856 = arith.constant 16 : index
        %get3A_857 = tpu.vector_load %arg14[%get3A_855, %get3A_856] {strides = array<i32>} : memref<80x128xf32, #tpu.memory_space<vmem>>, vector<16xf32>,
        %get3A_858 = arith.index_cast %scan3A_845 : i32 to index
        %get3A_859 = arith.constant 16 : index
        %get3A_860 = tpu.vector_load %arg15[%get3A_858, %get3A_859] {strides = array<i32>} : memref<80x128xf32, #tpu.memory_space<vmem>>, vector<16xf32>,
        %add3A_861 = arith.addf %get3A_857, %get3A_860 : vector<16xf32>
        %swap3A_862 = arith.index_cast %scan3A_845 : i32 to index
        %swap3A_863 = arith.constant 16 : index
        %swap3A_864 = tpu.vector_load %arg14[%swap3A_862, %swap3A_863] {strides = array<i32>} : memref<80x128xf32, #tpu.memory_space<vmem>>, vector<16xf32>,
        tpu.vector_store %arg14[%swap3A_862, %swap3A_863], %add3A_861 {strides = array<i32>} : memref<80x128xf32, #tpu.memory_space<vmem>>, vector<16xf32>,
        %get3A_865 = arith.index_cast %scan3A_845 : i32 to index
        %get3A_866 = arith.constant 32 : index
        %get3A_867 = tpu.vector_load %arg14[%get3A_865, %get3A_866] {strides = array<i32>} : memref<80x128xf32, #tpu.memory_space<vmem>>, vector<16xf32>,
        %get3A_868 = arith.index_cast %scan3A_845 : i32 to index
        %get3A_869 = arith.constant 32 : index
        %get3A_870 = tpu.vector_load %arg15[%get3A_868, %get3A_869] {strides = array<i32>} : memref<80x128xf32, #tpu.memory_space<vmem>>, vector<16xf32>,
        %add3A_871 = arith.addf %get3A_867, %get3A_870 : vector<16xf32>
        %swap3A_872 = arith.index_cast %scan3A_845 : i32 to index
        %swap3A_873 = arith.constant 32 : index
        %swap3A_874 = tpu.vector_load %arg14[%swap3A_872, %swap3A_873] {strides = array<i32>} : memref<80x128xf32, #tpu.memory_space<vmem>>, vector<16xf32>,
        tpu.vector_store %arg14[%swap3A_872, %swap3A_873], %add3A_871 {strides = array<i32>} : memref<80x128xf32, #tpu.memory_space<vmem>>, vector<16xf32>,
        %get3A_875 = arith.index_cast %scan3A_845 : i32 to index
        %get3A_876 = arith.constant 48 : index
        %get3A_877 = tpu.vector_load %arg14[%get3A_875, %get3A_876] {strides = array<i32>} : memref<80x128xf32, #tpu.memory_space<vmem>>, vector<16xf32>,
        %get3A_878 = arith.index_cast %scan3A_845 : i32 to index
        %get3A_879 = arith.constant 48 : index
        %get3A_880 = tpu.vector_load %arg15[%get3A_878, %get3A_879] {strides = array<i32>} : memref<80x128xf32, #tpu.memory_space<vmem>>, vector<16xf32>,
        %add3A_881 = arith.addf %get3A_877, %get3A_880 : vector<16xf32>
        %swap3A_882 = arith.index_cast %scan3A_845 : i32 to index
        %swap3A_883 = arith.constant 48 : index
        %swap3A_884 = tpu.vector_load %arg14[%swap3A_882, %swap3A_883] {strides = array<i32>} : memref<80x128xf32, #tpu.memory_space<vmem>>, vector<16xf32>,
        tpu.vector_store %arg14[%swap3A_882, %swap3A_883], %add3A_881 {strides = array<i32>} : memref<80x128xf32, #tpu.memory_space<vmem>>, vector<16xf32>,
        %get3A_885 = arith.index_cast %scan3A_845 : i32 to index
        %get3A_886 = arith.constant 64 : index
        %get3A_887 = tpu.vector_load %arg14[%get3A_885, %get3A_886] {strides = array<i32>} : memref<80x128xf32, #tpu.memory_space<vmem>>, vector<16xf32>,
        %get3A_888 = arith.index_cast %scan3A_845 : i32 to index
        %get3A_889 = arith.constant 64 : index
        %get3A_890 = tpu.vector_load %arg15[%get3A_888, %get3A_889] {strides = array<i32>} : memref<80x128xf32, #tpu.memory_space<vmem>>, vector<16xf32>,
        %add3A_891 = arith.addf %get3A_887, %get3A_890 : vector<16xf32>
        %swap3A_892 = arith.index_cast %scan3A_845 : i32 to index
        %swap3A_893 = arith.constant 64 : index
        %swap3A_894 = tpu.vector_load %arg14[%swap3A_892, %swap3A_893] {strides = array<i32>} : memref<80x128xf32, #tpu.memory_space<vmem>>, vector<16xf32>,
        tpu.vector_store %arg14[%swap3A_892, %swap3A_893], %add3A_891 {strides = array<i32>} : memref<80x128xf32, #tpu.memory_space<vmem>>, vector<16xf32>,
        %get3A_895 = arith.index_cast %scan3A_845 : i32 to index
        %get3A_896 = arith.constant 80 : index
        %get3A_897 = tpu.vector_load %arg14[%get3A_895, %get3A_896] {strides = array<i32>} : memref<80x128xf32, #tpu.memory_space<vmem>>, vector<16xf32>,
        %get3A_898 = arith.index_cast %scan3A_845 : i32 to index
        %get3A_899 = arith.constant 80 : index
        %get3A_900 = tpu.vector_load %arg15[%get3A_898, %get3A_899] {strides = array<i32>} : memref<80x128xf32, #tpu.memory_space<vmem>>, vector<16xf32>,
        %add3A_901 = arith.addf %get3A_897, %get3A_900 : vector<16xf32>
        %swap3A_902 = arith.index_cast %scan3A_845 : i32 to index
        %swap3A_903 = arith.constant 80 : index
        %swap3A_904 = tpu.vector_load %arg14[%swap3A_902, %swap3A_903] {strides = array<i32>} : memref<80x128xf32, #tpu.memory_space<vmem>>, vector<16xf32>,
        tpu.vector_store %arg14[%swap3A_902, %swap3A_903], %add3A_901 {strides = array<i32>} : memref<80x128xf32, #tpu.memory_space<vmem>>, vector<16xf32>,
        %get3A_905 = arith.index_cast %scan3A_845 : i32 to index
        %get3A_906 = arith.constant 96 : index
        %get3A_907 = tpu.vector_load %arg14[%get3A_905, %get3A_906] {strides = array<i32>} : memref<80x128xf32, #tpu.memory_space<vmem>>, vector<16xf32>,
        %get3A_908 = arith.index_cast %scan3A_845 : i32 to index
        %get3A_909 = arith.constant 96 : index
        %get3A_910 = tpu.vector_load %arg15[%get3A_908, %get3A_909] {strides = array<i32>} : memref<80x128xf32, #tpu.memory_space<vmem>>, vector<16xf32>,
        %add3A_911 = arith.addf %get3A_907, %get3A_910 : vector<16xf32>
        %swap3A_912 = arith.index_cast %scan3A_845 : i32 to index
        %swap3A_913 = arith.constant 96 : index
        %swap3A_914 = tpu.vector_load %arg14[%swap3A_912, %swap3A_913] {strides = array<i32>} : memref<80x128xf32, #tpu.memory_space<vmem>>, vector<16xf32>,
        tpu.vector_store %arg14[%swap3A_912, %swap3A_913], %add3A_911 {strides = array<i32>} : memref<80x128xf32, #tpu.memory_space<vmem>>, vector<16xf32>,
        %get3A_915 = arith.index_cast %scan3A_845 : i32 to index
        %get3A_916 = arith.constant 112 : index
        %get3A_917 = tpu.vector_load %arg14[%get3A_915, %get3A_916] {strides = array<i32>} : memref<80x128xf32, #tpu.memory_space<vmem>>, vector<16xf32>,
        %get3A_918 = arith.index_cast %scan3A_845 : i32 to index
        %get3A_919 = arith.constant 112 : index
        %get3A_920 = tpu.vector_load %arg15[%get3A_918, %get3A_919] {strides = array<i32>} : memref<80x128xf32, #tpu.memory_space<vmem>>, vector<16xf32>,
        %add3A_921 = arith.addf %get3A_917, %get3A_920 : vector<16xf32>
        %swap3A_922 = arith.index_cast %scan3A_845 : i32 to index
        %swap3A_923 = arith.constant 112 : index
        %swap3A_924 = tpu.vector_load %arg14[%swap3A_922, %swap3A_923] {strides = array<i32>} : memref<80x128xf32, #tpu.memory_space<vmem>>, vector<16xf32>,
        tpu.vector_store %arg14[%swap3A_922, %swap3A_923], %add3A_921 {strides = array<i32>} : memref<80x128xf32, #tpu.memory_space<vmem>>, vector<16xf32>,
      }
      %scan3A_842 = arith.constant 80 : i32
      %add3A_843 = arith.addi %mul3A_2, %mul3A_581 : i32
      "tpu.region"() ({
        %run_scoped3A = tpu.sem_alloc : memref<!tpu.dma_semaphore, #tpu.memory_space<semaphore_mem>>
        %dma_start3A_845 = arith.constant 0 : i32
        %dma_start3A_846 = tpu.memref_slice %arg7[%add3A_843, %dma_start3A_845] : memref<320000x128xf32, #tpu.memory_space<hbm>> -> memref<80x128xf32, #tpu.memory_space<hbm>>
        %dma_start3A_847 = arith.constant 0 : i32
        %dma_start3A_848 = tpu.memref_slice %arg7[%add3A_843, %dma_start3A_847] : memref<320000x128xf32, #tpu.memory_space<hbm>> -> memref<80x128xf32, #tpu.memory_space<hbm>>
        tpu.enqueue_dma source(%arg14 : memref<80x128xf32, #tpu.memory_space<vmem>>) target(%dma_start3A_848 : memref<80x128xf32, #tpu.memory_space<hbm>>) target_semaphore(%run_scoped3A : memref<!tpu.dma_semaphore, #tpu.memory_space<semaphore_mem>>)
        %dma_wait3A_849 = arith.constant 0 : i32
        %dma_wait3A_850 = tpu.memref_slice %arg7[%add3A_843, %dma_wait3A_849] : memref<320000x128xf32, #tpu.memory_space<hbm>> -> memref<80x128xf32, #tpu.memory_space<hbm>>
        %dma_wait3A_851 = arith.constant 0 : i32
        %dma_wait3A_852 = tpu.memref_slice %arg7[%add3A_843, %dma_wait3A_851] : memref<320000x128xf32, #tpu.memory_space<hbm>> -> memref<80x128xf32, #tpu.memory_space<hbm>>
        tpu.wait_dma2 semaphore(%run_scoped3A : memref<!tpu.dma_semaphore, #tpu.memory_space<semaphore_mem>>) src(%arg14 : memref<80x128xf32, #tpu.memory_space<vmem>>) dst(%dma_wait3A_852 : memref<80x128xf32, #tpu.memory_space<hbm>>)
        tpu.yield
      }) : () -> ()
      %add3A_844 = arith.addi %mul3A_2, %mul3A_581 : i32
      "tpu.region"() ({
        %run_scoped3A = tpu.sem_alloc : memref<!tpu.dma_semaphore, #tpu.memory_space<semaphore_mem>>
        %dma_start3A_845 = arith.constant 0 : i32
        %dma_start3A_846 = tpu.memref_slice %arg8[%add3A_844, %dma_start3A_845] : memref<320000x16xf32, #tpu.memory_space<hbm>> -> memref<80x16xf32, #tpu.memory_space<hbm>>
        %dma_start3A_847 = arith.constant 0 : i32
        %dma_start3A_848 = tpu.memref_slice %arg8[%add3A_844, %dma_start3A_847] : memref<320000x16xf32, #tpu.memory_space<hbm>> -> memref<80x16xf32, #tpu.memory_space<hbm>>
        tpu.enqueue_dma source(%arg16 : memref<80x16xf32, #tpu.memory_space<vmem>>) target(%dma_start3A_848 : memref<80x16xf32, #tpu.memory_space<hbm>>) target_semaphore(%run_scoped3A : memref<!tpu.dma_semaphore, #tpu.memory_space<semaphore_mem>>)
        %dma_wait3A_849 = arith.constant 0 : i32
        %dma_wait3A_850 = tpu.memref_slice %arg8[%add3A_844, %dma_wait3A_849] : memref<320000x16xf32, #tpu.memory_space<hbm>> -> memref<80x16xf32, #tpu.memory_space<hbm>>
        %dma_wait3A_851 = arith.constant 0 : i32
        %dma_wait3A_852 = tpu.memref_slice %arg8[%add3A_844, %dma_wait3A_851] : memref<320000x16xf32, #tpu.memory_space<hbm>> -> memref<80x16xf32, #tpu.memory_space<hbm>>
        tpu.wait_dma2 semaphore(%run_scoped3A : memref<!tpu.dma_semaphore, #tpu.memory_space<semaphore_mem>>) src(%arg16 : memref<80x16xf32, #tpu.memory_space<vmem>>) dst(%dma_wait3A_852 : memref<80x16xf32, #tpu.memory_space<hbm>>)
        tpu.yield
      }) : () -> ()
    }
    %scan3A_23 = arith.constant 62 : i32
    %dma_wait3A = arith.constant 0 : i32
    %dma_wait3A_24 = tpu.memref_slice %arg9[%dma_wait3A] : memref<10000xi32, #tpu.memory_space<vmem>> -> memref<80xi32, #tpu.memory_space<vmem>>
    %dma_wait3A_25 = arith.constant 0 : i32
    %dma_wait3A_26 = arith.constant 0 : i32
    %dma_wait3A_27 = tpu.memref_slice %arg2[%dma_wait3A_25, %dma_wait3A_26] : memref<10000x128xf32, #tpu.memory_space<hbm>> -> memref<10000x128xf32, #tpu.memory_space<hbm>>
    tpu.wait_indirect_dma semaphore(%arg17 : memref<!tpu.dma_semaphore, #tpu.memory_space<semaphore_mem>>) src(%dma_wait3A_27 : memref<10000x128xf32, #tpu.memory_space<hbm>>) dst(%arg12 : memref<80x128xf32, #tpu.memory_space<vmem>>)
    %dma_wait3A_28 = arith.constant 0 : i32
    %dma_wait3A_29 = tpu.memref_slice %arg10[%dma_wait3A_28] : memref<10000xi32, #tpu.memory_space<vmem>> -> memref<80xi32, #tpu.memory_space<vmem>>
    %dma_wait3A_30 = arith.constant 0 : i32
    %dma_wait3A_31 = arith.constant 0 : i32
    %dma_wait3A_32 = tpu.memref_slice %arg3[%dma_wait3A_30, %dma_wait3A_31] : memref<10000x128xf32, #tpu.memory_space<hbm>> -> memref<10000x128xf32, #tpu.memory_space<hbm>>
    tpu.wait_indirect_dma semaphore(%arg18 : memref<!tpu.dma_semaphore, #tpu.memory_space<semaphore_mem>>) src(%dma_wait3A_32 : memref<10000x128xf32, #tpu.memory_space<hbm>>) dst(%arg13 : memref<80x128xf32, #tpu.memory_space<vmem>>)
    %iota3A = tpu.iota {dimensions = array<i32: 0>} : vector<16xi32>
    %add3A_33 = arith.constant 0 : i32
    %add3A_34 = vector.broadcast %add3A_33 : i32 to vector<16xi32>
    %add3A_35 = arith.addi %iota3A, %add3A_34 : vector<16xi32>
    %get3A = arith.constant 9920 : index
    %get3A_36 = tpu.vector_load %arg9[%get3A] {strides = array<i32>} : memref<10000xi32, #tpu.memory_space<vmem>>, vector<16xi32>,
    %mul3A_37 = arith.constant 4 : i32
    %mul3A_38 = vector.broadcast %mul3A_37 : i32 to vector<16xi32>
    %mul3A_39 = arith.muli %get3A_36, %mul3A_38 : vector<16xi32>
    %get3A_40 = arith.constant 9920 : index
    %get3A_41 = tpu.vector_load %arg10[%get3A_40] {strides = array<i32>} : memref<10000xi32, #tpu.memory_space<vmem>>, vector<16xi32>,
    %mul3A_42 = arith.constant 4 : i32
    %mul3A_43 = vector.broadcast %mul3A_42 : i32 to vector<16xi32>
    %mul3A_44 = arith.muli %get3A_41, %mul3A_43 : vector<16xi32>
    %add3A_45 = arith.constant 0 : i32
    %add3A_46 = vector.broadcast %add3A_45 : i32 to vector<16xi32>
    %add3A_47 = arith.addi %mul3A_39, %add3A_46 : vector<16xi32>
    %gather3A = tpu.vector_load_idx %arg11[%add3A_47] : memref<40000xf32, #tpu.memory_space<vmem>>[vector<16xi32>], vector<16xf32>,
    %add3A_48 = arith.constant 0 : i32
    %add3A_49 = vector.broadcast %add3A_48 : i32 to vector<16xi32>
    %add3A_50 = arith.addi %mul3A_44, %add3A_49 : vector<16xi32>
    %gather3A_51 = tpu.vector_load_idx %arg11[%add3A_50] : memref<40000xf32, #tpu.memory_space<vmem>>[vector<16xi32>], vector<16xf32>,
    %broadcast_in_dim3A_52 = arith.constant 0 : i32
    %broadcast_in_dim3A_53 = vector.broadcast %broadcast_in_dim3A_52 : i32 to vector<16xi32>
    %sub3A = arith.subf %gather3A, %gather3A_51 : vector<16xf32>
    tpu.vector_store_idx %arg16[%add3A_35, %broadcast_in_dim3A_53], %sub3A : memref<80x16xf32, #tpu.memory_space<vmem>>[vector<16xi32>, vector<16xi32>], vector<16xf32>,
    %add3A_54 = arith.constant 1 : i32
    %add3A_55 = vector.broadcast %add3A_54 : i32 to vector<16xi32>
    %add3A_56 = arith.addi %mul3A_39, %add3A_55 : vector<16xi32>
    %gather3A_57 = tpu.vector_load_idx %arg11[%add3A_56] : memref<40000xf32, #tpu.memory_space<vmem>>[vector<16xi32>], vector<16xf32>,
    %add3A_58 = arith.constant 1 : i32
    %add3A_59 = vector.broadcast %add3A_58 : i32 to vector<16xi32>
    %add3A_60 = arith.addi %mul3A_44, %add3A_59 : vector<16xi32>
    %gather3A_61 = tpu.vector_load_idx %arg11[%add3A_60] : memref<40000xf32, #tpu.memory_space<vmem>>[vector<16xi32>], vector<16xf32>,
    %broadcast_in_dim3A_62 = arith.constant 1 : i32
    %broadcast_in_dim3A_63 = vector.broadcast %broadcast_in_dim3A_62 : i32 to vector<16xi32>
    %sub3A_64 = arith.subf %gather3A_57, %gather3A_61 : vector<16xf32>
    tpu.vector_store_idx %arg16[%add3A_35, %broadcast_in_dim3A_63], %sub3A_64 : memref<80x16xf32, #tpu.memory_space<vmem>>[vector<16xi32>, vector<16xi32>], vector<16xf32>,
    %add3A_65 = arith.constant 2 : i32
    %add3A_66 = vector.broadcast %add3A_65 : i32 to vector<16xi32>
    %add3A_67 = arith.addi %mul3A_39, %add3A_66 : vector<16xi32>
    %gather3A_68 = tpu.vector_load_idx %arg11[%add3A_67] : memref<40000xf32, #tpu.memory_space<vmem>>[vector<16xi32>], vector<16xf32>,
    %add3A_69 = arith.constant 2 : i32
    %add3A_70 = vector.broadcast %add3A_69 : i32 to vector<16xi32>
    %add3A_71 = arith.addi %mul3A_44, %add3A_70 : vector<16xi32>
    %gather3A_72 = tpu.vector_load_idx %arg11[%add3A_71] : memref<40000xf32, #tpu.memory_space<vmem>>[vector<16xi32>], vector<16xf32>,
    %broadcast_in_dim3A_73 = arith.constant 2 : i32
    %broadcast_in_dim3A_74 = vector.broadcast %broadcast_in_dim3A_73 : i32 to vector<16xi32>
    %sub3A_75 = arith.subf %gather3A_68, %gather3A_72 : vector<16xf32>
    tpu.vector_store_idx %arg16[%add3A_35, %broadcast_in_dim3A_74], %sub3A_75 : memref<80x16xf32, #tpu.memory_space<vmem>>[vector<16xi32>, vector<16xi32>], vector<16xf32>,
    %iota3A_76 = tpu.iota {dimensions = array<i32: 0>} : vector<16xi32>
    %add3A_77 = arith.constant 16 : i32
    %add3A_78 = vector.broadcast %add3A_77 : i32 to vector<16xi32>
    %add3A_79 = arith.addi %iota3A_76, %add3A_78 : vector<16xi32>
    %get3A_80 = arith.constant 9936 : index
    %get3A_81 = tpu.vector_load %arg9[%get3A_80] {strides = array<i32>} : memref<10000xi32, #tpu.memory_space<vmem>>, vector<16xi32>,
    %mul3A_82 = arith.constant 4 : i32
    %mul3A_83 = vector.broadcast %mul3A_82 : i32 to vector<16xi32>
    %mul3A_84 = arith.muli %get3A_81, %mul3A_83 : vector<16xi32>
    %get3A_85 = arith.constant 9936 : index
    %get3A_86 = tpu.vector_load %arg10[%get3A_85] {strides = array<i32>} : memref<10000xi32, #tpu.memory_space<vmem>>, vector<16xi32>,
    %mul3A_87 = arith.constant 4 : i32
    %mul3A_88 = vector.broadcast %mul3A_87 : i32 to vector<16xi32>
    %mul3A_89 = arith.muli %get3A_86, %mul3A_88 : vector<16xi32>
    %add3A_90 = arith.constant 0 : i32
    %add3A_91 = vector.broadcast %add3A_90 : i32 to vector<16xi32>
    %add3A_92 = arith.addi %mul3A_84, %add3A_91 : vector<16xi32>
    %gather3A_93 = tpu.vector_load_idx %arg11[%add3A_92] : memref<40000xf32, #tpu.memory_space<vmem>>[vector<16xi32>], vector<16xf32>,
    %add3A_94 = arith.constant 0 : i32
    %add3A_95 = vector.broadcast %add3A_94 : i32 to vector<16xi32>
    %add3A_96 = arith.addi %mul3A_89, %add3A_95 : vector<16xi32>
    %gather3A_97 = tpu.vector_load_idx %arg11[%add3A_96] : memref<40000xf32, #tpu.memory_space<vmem>>[vector<16xi32>], vector<16xf32>,
    %broadcast_in_dim3A_98 = arith.constant 0 : i32
    %broadcast_in_dim3A_99 = vector.broadcast %broadcast_in_dim3A_98 : i32 to vector<16xi32>
    %sub3A_100 = arith.subf %gather3A_93, %gather3A_97 : vector<16xf32>
    tpu.vector_store_idx %arg16[%add3A_79, %broadcast_in_dim3A_99], %sub3A_100 : memref<80x16xf32, #tpu.memory_space<vmem>>[vector<16xi32>, vector<16xi32>], vector<16xf32>,
    %add3A_101 = arith.constant 1 : i32
    %add3A_102 = vector.broadcast %add3A_101 : i32 to vector<16xi32>
    %add3A_103 = arith.addi %mul3A_84, %add3A_102 : vector<16xi32>
    %gather3A_104 = tpu.vector_load_idx %arg11[%add3A_103] : memref<40000xf32, #tpu.memory_space<vmem>>[vector<16xi32>], vector<16xf32>,
    %add3A_105 = arith.constant 1 : i32
    %add3A_106 = vector.broadcast %add3A_105 : i32 to vector<16xi32>
    %add3A_107 = arith.addi %mul3A_89, %add3A_106 : vector<16xi32>
    %gather3A_108 = tpu.vector_load_idx %arg11[%add3A_107] : memref<40000xf32, #tpu.memory_space<vmem>>[vector<16xi32>], vector<16xf32>,
    %broadcast_in_dim3A_109 = arith.constant 1 : i32
    %broadcast_in_dim3A_110 = vector.broadcast %broadcast_in_dim3A_109 : i32 to vector<16xi32>
    %sub3A_111 = arith.subf %gather3A_104, %gather3A_108 : vector<16xf32>
    tpu.vector_store_idx %arg16[%add3A_79, %broadcast_in_dim3A_110], %sub3A_111 : memref<80x16xf32, #tpu.memory_space<vmem>>[vector<16xi32>, vector<16xi32>], vector<16xf32>,
    %add3A_112 = arith.constant 2 : i32
    %add3A_113 = vector.broadcast %add3A_112 : i32 to vector<16xi32>
    %add3A_114 = arith.addi %mul3A_84, %add3A_113 : vector<16xi32>
    %gather3A_115 = tpu.vector_load_idx %arg11[%add3A_114] : memref<40000xf32, #tpu.memory_space<vmem>>[vector<16xi32>], vector<16xf32>,
    %add3A_116 = arith.constant 2 : i32
    %add3A_117 = vector.broadcast %add3A_116 : i32 to vector<16xi32>
    %add3A_118 = arith.addi %mul3A_89, %add3A_117 : vector<16xi32>
    %gather3A_119 = tpu.vector_load_idx %arg11[%add3A_118] : memref<40000xf32, #tpu.memory_space<vmem>>[vector<16xi32>], vector<16xf32>,
    %broadcast_in_dim3A_120 = arith.constant 2 : i32
    %broadcast_in_dim3A_121 = vector.broadcast %broadcast_in_dim3A_120 : i32 to vector<16xi32>
    %sub3A_122 = arith.subf %gather3A_115, %gather3A_119 : vector<16xf32>
    tpu.vector_store_idx %arg16[%add3A_79, %broadcast_in_dim3A_121], %sub3A_122 : memref<80x16xf32, #tpu.memory_space<vmem>>[vector<16xi32>, vector<16xi32>], vector<16xf32>,
    %iota3A_123 = tpu.iota {dimensions = array<i32: 0>} : vector<16xi32>
    %add3A_124 = arith.constant 32 : i32
    %add3A_125 = vector.broadcast %add3A_124 : i32 to vector<16xi32>
    %add3A_126 = arith.addi %iota3A_123, %add3A_125 : vector<16xi32>
    %get3A_127 = arith.constant 9952 : index
    %get3A_128 = tpu.vector_load %arg9[%get3A_127] {strides = array<i32>} : memref<10000xi32, #tpu.memory_space<vmem>>, vector<16xi32>,
    %mul3A_129 = arith.constant 4 : i32
    %mul3A_130 = vector.broadcast %mul3A_129 : i32 to vector<16xi32>
    %mul3A_131 = arith.muli %get3A_128, %mul3A_130 : vector<16xi32>
    %get3A_132 = arith.constant 9952 : index
    %get3A_133 = tpu.vector_load %arg10[%get3A_132] {strides = array<i32>} : memref<10000xi32, #tpu.memory_space<vmem>>, vector<16xi32>,
    %mul3A_134 = arith.constant 4 : i32
    %mul3A_135 = vector.broadcast %mul3A_134 : i32 to vector<16xi32>
    %mul3A_136 = arith.muli %get3A_133, %mul3A_135 : vector<16xi32>
    %add3A_137 = arith.constant 0 : i32
    %add3A_138 = vector.broadcast %add3A_137 : i32 to vector<16xi32>
    %add3A_139 = arith.addi %mul3A_131, %add3A_138 : vector<16xi32>
    %gather3A_140 = tpu.vector_load_idx %arg11[%add3A_139] : memref<40000xf32, #tpu.memory_space<vmem>>[vector<16xi32>], vector<16xf32>,
    %add3A_141 = arith.constant 0 : i32
    %add3A_142 = vector.broadcast %add3A_141 : i32 to vector<16xi32>
    %add3A_143 = arith.addi %mul3A_136, %add3A_142 : vector<16xi32>
    %gather3A_144 = tpu.vector_load_idx %arg11[%add3A_143] : memref<40000xf32, #tpu.memory_space<vmem>>[vector<16xi32>], vector<16xf32>,
    %broadcast_in_dim3A_145 = arith.constant 0 : i32
    %broadcast_in_dim3A_146 = vector.broadcast %broadcast_in_dim3A_145 : i32 to vector<16xi32>
    %sub3A_147 = arith.subf %gather3A_140, %gather3A_144 : vector<16xf32>
    tpu.vector_store_idx %arg16[%add3A_126, %broadcast_in_dim3A_146], %sub3A_147 : memref<80x16xf32, #tpu.memory_space<vmem>>[vector<16xi32>, vector<16xi32>], vector<16xf32>,
    %add3A_148 = arith.constant 1 : i32
    %add3A_149 = vector.broadcast %add3A_148 : i32 to vector<16xi32>
    %add3A_150 = arith.addi %mul3A_131, %add3A_149 : vector<16xi32>
    %gather3A_151 = tpu.vector_load_idx %arg11[%add3A_150] : memref<40000xf32, #tpu.memory_space<vmem>>[vector<16xi32>], vector<16xf32>,
    %add3A_152 = arith.constant 1 : i32
    %add3A_153 = vector.broadcast %add3A_152 : i32 to vector<16xi32>
    %add3A_154 = arith.addi %mul3A_136, %add3A_153 : vector<16xi32>
    %gather3A_155 = tpu.vector_load_idx %arg11[%add3A_154] : memref<40000xf32, #tpu.memory_space<vmem>>[vector<16xi32>], vector<16xf32>,
    %broadcast_in_dim3A_156 = arith.constant 1 : i32
    %broadcast_in_dim3A_157 = vector.broadcast %broadcast_in_dim3A_156 : i32 to vector<16xi32>
    %sub3A_158 = arith.subf %gather3A_151, %gather3A_155 : vector<16xf32>
    tpu.vector_store_idx %arg16[%add3A_126, %broadcast_in_dim3A_157], %sub3A_158 : memref<80x16xf32, #tpu.memory_space<vmem>>[vector<16xi32>, vector<16xi32>], vector<16xf32>,
    %add3A_159 = arith.constant 2 : i32
    %add3A_160 = vector.broadcast %add3A_159 : i32 to vector<16xi32>
    %add3A_161 = arith.addi %mul3A_131, %add3A_160 : vector<16xi32>
    %gather3A_162 = tpu.vector_load_idx %arg11[%add3A_161] : memref<40000xf32, #tpu.memory_space<vmem>>[vector<16xi32>], vector<16xf32>,
    %add3A_163 = arith.constant 2 : i32
    %add3A_164 = vector.broadcast %add3A_163 : i32 to vector<16xi32>
    %add3A_165 = arith.addi %mul3A_136, %add3A_164 : vector<16xi32>
    %gather3A_166 = tpu.vector_load_idx %arg11[%add3A_165] : memref<40000xf32, #tpu.memory_space<vmem>>[vector<16xi32>], vector<16xf32>,
    %broadcast_in_dim3A_167 = arith.constant 2 : i32
    %broadcast_in_dim3A_168 = vector.broadcast %broadcast_in_dim3A_167 : i32 to vector<16xi32>
    %sub3A_169 = arith.subf %gather3A_162, %gather3A_166 : vector<16xf32>
    tpu.vector_store_idx %arg16[%add3A_126, %broadcast_in_dim3A_168], %sub3A_169 : memref<80x16xf32, #tpu.memory_space<vmem>>[vector<16xi32>, vector<16xi32>], vector<16xf32>,
    %iota3A_170 = tpu.iota {dimensions = array<i32: 0>} : vector<16xi32>
    %add3A_171 = arith.constant 48 : i32
    %add3A_172 = vector.broadcast %add3A_171 : i32 to vector<16xi32>
    %add3A_173 = arith.addi %iota3A_170, %add3A_172 : vector<16xi32>
    %get3A_174 = arith.constant 9968 : index
    %get3A_175 = tpu.vector_load %arg9[%get3A_174] {strides = array<i32>} : memref<10000xi32, #tpu.memory_space<vmem>>, vector<16xi32>,
    %mul3A_176 = arith.constant 4 : i32
    %mul3A_177 = vector.broadcast %mul3A_176 : i32 to vector<16xi32>
    %mul3A_178 = arith.muli %get3A_175, %mul3A_177 : vector<16xi32>
    %get3A_179 = arith.constant 9968 : index
    %get3A_180 = tpu.vector_load %arg10[%get3A_179] {strides = array<i32>} : memref<10000xi32, #tpu.memory_space<vmem>>, vector<16xi32>,
    %mul3A_181 = arith.constant 4 : i32
    %mul3A_182 = vector.broadcast %mul3A_181 : i32 to vector<16xi32>
    %mul3A_183 = arith.muli %get3A_180, %mul3A_182 : vector<16xi32>
    %add3A_184 = arith.constant 0 : i32
    %add3A_185 = vector.broadcast %add3A_184 : i32 to vector<16xi32>
    %add3A_186 = arith.addi %mul3A_178, %add3A_185 : vector<16xi32>
    %gather3A_187 = tpu.vector_load_idx %arg11[%add3A_186] : memref<40000xf32, #tpu.memory_space<vmem>>[vector<16xi32>], vector<16xf32>,
    %add3A_188 = arith.constant 0 : i32
    %add3A_189 = vector.broadcast %add3A_188 : i32 to vector<16xi32>
    %add3A_190 = arith.addi %mul3A_183, %add3A_189 : vector<16xi32>
    %gather3A_191 = tpu.vector_load_idx %arg11[%add3A_190] : memref<40000xf32, #tpu.memory_space<vmem>>[vector<16xi32>], vector<16xf32>,
    %broadcast_in_dim3A_192 = arith.constant 0 : i32
    %broadcast_in_dim3A_193 = vector.broadcast %broadcast_in_dim3A_192 : i32 to vector<16xi32>
    %sub3A_194 = arith.subf %gather3A_187, %gather3A_191 : vector<16xf32>
    tpu.vector_store_idx %arg16[%add3A_173, %broadcast_in_dim3A_193], %sub3A_194 : memref<80x16xf32, #tpu.memory_space<vmem>>[vector<16xi32>, vector<16xi32>], vector<16xf32>,
    %add3A_195 = arith.constant 1 : i32
    %add3A_196 = vector.broadcast %add3A_195 : i32 to vector<16xi32>
    %add3A_197 = arith.addi %mul3A_178, %add3A_196 : vector<16xi32>
    %gather3A_198 = tpu.vector_load_idx %arg11[%add3A_197] : memref<40000xf32, #tpu.memory_space<vmem>>[vector<16xi32>], vector<16xf32>,
    %add3A_199 = arith.constant 1 : i32
    %add3A_200 = vector.broadcast %add3A_199 : i32 to vector<16xi32>
    %add3A_201 = arith.addi %mul3A_183, %add3A_200 : vector<16xi32>
    %gather3A_202 = tpu.vector_load_idx %arg11[%add3A_201] : memref<40000xf32, #tpu.memory_space<vmem>>[vector<16xi32>], vector<16xf32>,
    %broadcast_in_dim3A_203 = arith.constant 1 : i32
    %broadcast_in_dim3A_204 = vector.broadcast %broadcast_in_dim3A_203 : i32 to vector<16xi32>
    %sub3A_205 = arith.subf %gather3A_198, %gather3A_202 : vector<16xf32>
    tpu.vector_store_idx %arg16[%add3A_173, %broadcast_in_dim3A_204], %sub3A_205 : memref<80x16xf32, #tpu.memory_space<vmem>>[vector<16xi32>, vector<16xi32>], vector<16xf32>,
    %add3A_206 = arith.constant 2 : i32
    %add3A_207 = vector.broadcast %add3A_206 : i32 to vector<16xi32>
    %add3A_208 = arith.addi %mul3A_178, %add3A_207 : vector<16xi32>
    %gather3A_209 = tpu.vector_load_idx %arg11[%add3A_208] : memref<40000xf32, #tpu.memory_space<vmem>>[vector<16xi32>], vector<16xf32>,
    %add3A_210 = arith.constant 2 : i32
    %add3A_211 = vector.broadcast %add3A_210 : i32 to vector<16xi32>
    %add3A_212 = arith.addi %mul3A_183, %add3A_211 : vector<16xi32>
    %gather3A_213 = tpu.vector_load_idx %arg11[%add3A_212] : memref<40000xf32, #tpu.memory_space<vmem>>[vector<16xi32>], vector<16xf32>,
    %broadcast_in_dim3A_214 = arith.constant 2 : i32
    %broadcast_in_dim3A_215 = vector.broadcast %broadcast_in_dim3A_214 : i32 to vector<16xi32>
    %sub3A_216 = arith.subf %gather3A_209, %gather3A_213 : vector<16xf32>
    tpu.vector_store_idx %arg16[%add3A_173, %broadcast_in_dim3A_215], %sub3A_216 : memref<80x16xf32, #tpu.memory_space<vmem>>[vector<16xi32>, vector<16xi32>], vector<16xf32>,
    %iota3A_217 = tpu.iota {dimensions = array<i32: 0>} : vector<16xi32>
    %add3A_218 = arith.constant 64 : i32
    %add3A_219 = vector.broadcast %add3A_218 : i32 to vector<16xi32>
    %add3A_220 = arith.addi %iota3A_217, %add3A_219 : vector<16xi32>
    %get3A_221 = arith.constant 9984 : index
    %get3A_222 = tpu.vector_load %arg9[%get3A_221] {strides = array<i32>} : memref<10000xi32, #tpu.memory_space<vmem>>, vector<16xi32>,
    %mul3A_223 = arith.constant 4 : i32
    %mul3A_224 = vector.broadcast %mul3A_223 : i32 to vector<16xi32>
    %mul3A_225 = arith.muli %get3A_222, %mul3A_224 : vector<16xi32>
    %get3A_226 = arith.constant 9984 : index
    %get3A_227 = tpu.vector_load %arg10[%get3A_226] {strides = array<i32>} : memref<10000xi32, #tpu.memory_space<vmem>>, vector<16xi32>,
    %mul3A_228 = arith.constant 4 : i32
    %mul3A_229 = vector.broadcast %mul3A_228 : i32 to vector<16xi32>
    %mul3A_230 = arith.muli %get3A_227, %mul3A_229 : vector<16xi32>
    %add3A_231 = arith.constant 0 : i32
    %add3A_232 = vector.broadcast %add3A_231 : i32 to vector<16xi32>
    %add3A_233 = arith.addi %mul3A_225, %add3A_232 : vector<16xi32>
    %gather3A_234 = tpu.vector_load_idx %arg11[%add3A_233] : memref<40000xf32, #tpu.memory_space<vmem>>[vector<16xi32>], vector<16xf32>,
    %add3A_235 = arith.constant 0 : i32
    %add3A_236 = vector.broadcast %add3A_235 : i32 to vector<16xi32>
    %add3A_237 = arith.addi %mul3A_230, %add3A_236 : vector<16xi32>
    %gather3A_238 = tpu.vector_load_idx %arg11[%add3A_237] : memref<40000xf32, #tpu.memory_space<vmem>>[vector<16xi32>], vector<16xf32>,
    %broadcast_in_dim3A_239 = arith.constant 0 : i32
    %broadcast_in_dim3A_240 = vector.broadcast %broadcast_in_dim3A_239 : i32 to vector<16xi32>
    %sub3A_241 = arith.subf %gather3A_234, %gather3A_238 : vector<16xf32>
    tpu.vector_store_idx %arg16[%add3A_220, %broadcast_in_dim3A_240], %sub3A_241 : memref<80x16xf32, #tpu.memory_space<vmem>>[vector<16xi32>, vector<16xi32>], vector<16xf32>,
    %add3A_242 = arith.constant 1 : i32
    %add3A_243 = vector.broadcast %add3A_242 : i32 to vector<16xi32>
    %add3A_244 = arith.addi %mul3A_225, %add3A_243 : vector<16xi32>
    %gather3A_245 = tpu.vector_load_idx %arg11[%add3A_244] : memref<40000xf32, #tpu.memory_space<vmem>>[vector<16xi32>], vector<16xf32>,
    %add3A_246 = arith.constant 1 : i32
    %add3A_247 = vector.broadcast %add3A_246 : i32 to vector<16xi32>
    %add3A_248 = arith.addi %mul3A_230, %add3A_247 : vector<16xi32>
    %gather3A_249 = tpu.vector_load_idx %arg11[%add3A_248] : memref<40000xf32, #tpu.memory_space<vmem>>[vector<16xi32>], vector<16xf32>,
    %broadcast_in_dim3A_250 = arith.constant 1 : i32
    %broadcast_in_dim3A_251 = vector.broadcast %broadcast_in_dim3A_250 : i32 to vector<16xi32>
    %sub3A_252 = arith.subf %gather3A_245, %gather3A_249 : vector<16xf32>
    tpu.vector_store_idx %arg16[%add3A_220, %broadcast_in_dim3A_251], %sub3A_252 : memref<80x16xf32, #tpu.memory_space<vmem>>[vector<16xi32>, vector<16xi32>], vector<16xf32>,
    %add3A_253 = arith.constant 2 : i32
    %add3A_254 = vector.broadcast %add3A_253 : i32 to vector<16xi32>
    %add3A_255 = arith.addi %mul3A_225, %add3A_254 : vector<16xi32>
    %gather3A_256 = tpu.vector_load_idx %arg11[%add3A_255] : memref<40000xf32, #tpu.memory_space<vmem>>[vector<16xi32>], vector<16xf32>,
    %add3A_257 = arith.constant 2 : i32
    %add3A_258 = vector.broadcast %add3A_257 : i32 to vector<16xi32>
    %add3A_259 = arith.addi %mul3A_230, %add3A_258 : vector<16xi32>
    %gather3A_260 = tpu.vector_load_idx %arg11[%add3A_259] : memref<40000xf32, #tpu.memory_space<vmem>>[vector<16xi32>], vector<16xf32>,
    %broadcast_in_dim3A_261 = arith.constant 2 : i32
    %broadcast_in_dim3A_262 = vector.broadcast %broadcast_in_dim3A_261 : i32 to vector<16xi32>
    %sub3A_263 = arith.subf %gather3A_256, %gather3A_260 : vector<16xf32>
    tpu.vector_store_idx %arg16[%add3A_220, %broadcast_in_dim3A_262], %sub3A_263 : memref<80x16xf32, #tpu.memory_space<vmem>>[vector<16xi32>, vector<16xi32>], vector<16xf32>,
    %scan3A_264 = arith.constant 0 : i32
    %scan3A_265 = arith.constant 0 : i32
    %scan3A_266 = arith.constant 80 : i32
    %scan3A_267 = arith.addi %scan3A_265, %scan3A_266 : i32
    %scan3A_268 = arith.constant 1 : i32
    scf.for %scan3A_274 = %scan3A_265 to %scan3A_267 step %scan3A_268  : i32 {
      %get3A_275 = arith.index_cast %scan3A_274 : i32 to index
      %get3A_276 = arith.constant 0 : index
      %get3A_277 = tpu.vector_load %arg12[%get3A_275, %get3A_276] {strides = array<i32>} : memref<80x128xf32, #tpu.memory_space<vmem>>, vector<16xf32>,
      %get3A_278 = arith.index_cast %scan3A_274 : i32 to index
      %get3A_279 = arith.constant 0 : index
      %get3A_280 = tpu.vector_load %arg13[%get3A_278, %get3A_279] {strides = array<i32>} : memref<80x128xf32, #tpu.memory_space<vmem>>, vector<16xf32>,
      %add3A_281 = arith.addf %get3A_277, %get3A_280 : vector<16xf32>
      %swap3A = arith.index_cast %scan3A_274 : i32 to index
      %swap3A_282 = arith.constant 0 : index
      %swap3A_283 = tpu.vector_load %arg12[%swap3A, %swap3A_282] {strides = array<i32>} : memref<80x128xf32, #tpu.memory_space<vmem>>, vector<16xf32>,
      tpu.vector_store %arg12[%swap3A, %swap3A_282], %add3A_281 {strides = array<i32>} : memref<80x128xf32, #tpu.memory_space<vmem>>, vector<16xf32>,
      %get3A_284 = arith.index_cast %scan3A_274 : i32 to index
      %get3A_285 = arith.constant 16 : index
      %get3A_286 = tpu.vector_load %arg12[%get3A_284, %get3A_285] {strides = array<i32>} : memref<80x128xf32, #tpu.memory_space<vmem>>, vector<16xf32>,
      %get3A_287 = arith.index_cast %scan3A_274 : i32 to index
      %get3A_288 = arith.constant 16 : index
      %get3A_289 = tpu.vector_load %arg13[%get3A_287, %get3A_288] {strides = array<i32>} : memref<80x128xf32, #tpu.memory_space<vmem>>, vector<16xf32>,
      %add3A_290 = arith.addf %get3A_286, %get3A_289 : vector<16xf32>
      %swap3A_291 = arith.index_cast %scan3A_274 : i32 to index
      %swap3A_292 = arith.constant 16 : index
      %swap3A_293 = tpu.vector_load %arg12[%swap3A_291, %swap3A_292] {strides = array<i32>} : memref<80x128xf32, #tpu.memory_space<vmem>>, vector<16xf32>,
      tpu.vector_store %arg12[%swap3A_291, %swap3A_292], %add3A_290 {strides = array<i32>} : memref<80x128xf32, #tpu.memory_space<vmem>>, vector<16xf32>,
      %get3A_294 = arith.index_cast %scan3A_274 : i32 to index
      %get3A_295 = arith.constant 32 : index
      %get3A_296 = tpu.vector_load %arg12[%get3A_294, %get3A_295] {strides = array<i32>} : memref<80x128xf32, #tpu.memory_space<vmem>>, vector<16xf32>,
      %get3A_297 = arith.index_cast %scan3A_274 : i32 to index
      %get3A_298 = arith.constant 32 : index
      %get3A_299 = tpu.vector_load %arg13[%get3A_297, %get3A_298] {strides = array<i32>} : memref<80x128xf32, #tpu.memory_space<vmem>>, vector<16xf32>,
      %add3A_300 = arith.addf %get3A_296, %get3A_299 : vector<16xf32>
      %swap3A_301 = arith.index_cast %scan3A_274 : i32 to index
      %swap3A_302 = arith.constant 32 : index
      %swap3A_303 = tpu.vector_load %arg12[%swap3A_301, %swap3A_302] {strides = array<i32>} : memref<80x128xf32, #tpu.memory_space<vmem>>, vector<16xf32>,
      tpu.vector_store %arg12[%swap3A_301, %swap3A_302], %add3A_300 {strides = array<i32>} : memref<80x128xf32, #tpu.memory_space<vmem>>, vector<16xf32>,
      %get3A_304 = arith.index_cast %scan3A_274 : i32 to index
      %get3A_305 = arith.constant 48 : index
      %get3A_306 = tpu.vector_load %arg12[%get3A_304, %get3A_305] {strides = array<i32>} : memref<80x128xf32, #tpu.memory_space<vmem>>, vector<16xf32>,
      %get3A_307 = arith.index_cast %scan3A_274 : i32 to index
      %get3A_308 = arith.constant 48 : index
      %get3A_309 = tpu.vector_load %arg13[%get3A_307, %get3A_308] {strides = array<i32>} : memref<80x128xf32, #tpu.memory_space<vmem>>, vector<16xf32>,
      %add3A_310 = arith.addf %get3A_306, %get3A_309 : vector<16xf32>
      %swap3A_311 = arith.index_cast %scan3A_274 : i32 to index
      %swap3A_312 = arith.constant 48 : index
      %swap3A_313 = tpu.vector_load %arg12[%swap3A_311, %swap3A_312] {strides = array<i32>} : memref<80x128xf32, #tpu.memory_space<vmem>>, vector<16xf32>,
      tpu.vector_store %arg12[%swap3A_311, %swap3A_312], %add3A_310 {strides = array<i32>} : memref<80x128xf32, #tpu.memory_space<vmem>>, vector<16xf32>,
      %get3A_314 = arith.index_cast %scan3A_274 : i32 to index
      %get3A_315 = arith.constant 64 : index
      %get3A_316 = tpu.vector_load %arg12[%get3A_314, %get3A_315] {strides = array<i32>} : memref<80x128xf32, #tpu.memory_space<vmem>>, vector<16xf32>,
      %get3A_317 = arith.index_cast %scan3A_274 : i32 to index
      %get3A_318 = arith.constant 64 : index
      %get3A_319 = tpu.vector_load %arg13[%get3A_317, %get3A_318] {strides = array<i32>} : memref<80x128xf32, #tpu.memory_space<vmem>>, vector<16xf32>,
      %add3A_320 = arith.addf %get3A_316, %get3A_319 : vector<16xf32>
      %swap3A_321 = arith.index_cast %scan3A_274 : i32 to index
      %swap3A_322 = arith.constant 64 : index
      %swap3A_323 = tpu.vector_load %arg12[%swap3A_321, %swap3A_322] {strides = array<i32>} : memref<80x128xf32, #tpu.memory_space<vmem>>, vector<16xf32>,
      tpu.vector_store %arg12[%swap3A_321, %swap3A_322], %add3A_320 {strides = array<i32>} : memref<80x128xf32, #tpu.memory_space<vmem>>, vector<16xf32>,
      %get3A_324 = arith.index_cast %scan3A_274 : i32 to index
      %get3A_325 = arith.constant 80 : index
      %get3A_326 = tpu.vector_load %arg12[%get3A_324, %get3A_325] {strides = array<i32>} : memref<80x128xf32, #tpu.memory_space<vmem>>, vector<16xf32>,
      %get3A_327 = arith.index_cast %scan3A_274 : i32 to index
      %get3A_328 = arith.constant 80 : index
      %get3A_329 = tpu.vector_load %arg13[%get3A_327, %get3A_328] {strides = array<i32>} : memref<80x128xf32, #tpu.memory_space<vmem>>, vector<16xf32>,
      %add3A_330 = arith.addf %get3A_326, %get3A_329 : vector<16xf32>
      %swap3A_331 = arith.index_cast %scan3A_274 : i32 to index
      %swap3A_332 = arith.constant 80 : index
      %swap3A_333 = tpu.vector_load %arg12[%swap3A_331, %swap3A_332] {strides = array<i32>} : memref<80x128xf32, #tpu.memory_space<vmem>>, vector<16xf32>,
      tpu.vector_store %arg12[%swap3A_331, %swap3A_332], %add3A_330 {strides = array<i32>} : memref<80x128xf32, #tpu.memory_space<vmem>>, vector<16xf32>,
      %get3A_334 = arith.index_cast %scan3A_274 : i32 to index
      %get3A_335 = arith.constant 96 : index
      %get3A_336 = tpu.vector_load %arg12[%get3A_334, %get3A_335] {strides = array<i32>} : memref<80x128xf32, #tpu.memory_space<vmem>>, vector<16xf32>,
      %get3A_337 = arith.index_cast %scan3A_274 : i32 to index
      %get3A_338 = arith.constant 96 : index
      %get3A_339 = tpu.vector_load %arg13[%get3A_337, %get3A_338] {strides = array<i32>} : memref<80x128xf32, #tpu.memory_space<vmem>>, vector<16xf32>,
      %add3A_340 = arith.addf %get3A_336, %get3A_339 : vector<16xf32>
      %swap3A_341 = arith.index_cast %scan3A_274 : i32 to index
      %swap3A_342 = arith.constant 96 : index
      %swap3A_343 = tpu.vector_load %arg12[%swap3A_341, %swap3A_342] {strides = array<i32>} : memref<80x128xf32, #tpu.memory_space<vmem>>, vector<16xf32>,
      tpu.vector_store %arg12[%swap3A_341, %swap3A_342], %add3A_340 {strides = array<i32>} : memref<80x128xf32, #tpu.memory_space<vmem>>, vector<16xf32>,
      %get3A_344 = arith.index_cast %scan3A_274 : i32 to index
      %get3A_345 = arith.constant 112 : index
      %get3A_346 = tpu.vector_load %arg12[%get3A_344, %get3A_345] {strides = array<i32>} : memref<80x128xf32, #tpu.memory_space<vmem>>, vector<16xf32>,
      %get3A_347 = arith.index_cast %scan3A_274 : i32 to index
      %get3A_348 = arith.constant 112 : index
      %get3A_349 = tpu.vector_load %arg13[%get3A_347, %get3A_348] {strides = array<i32>} : memref<80x128xf32, #tpu.memory_space<vmem>>, vector<16xf32>,
      %add3A_350 = arith.addf %get3A_346, %get3A_349 : vector<16xf32>
      %swap3A_351 = arith.index_cast %scan3A_274 : i32 to index
      %swap3A_352 = arith.constant 112 : index
      %swap3A_353 = tpu.vector_load %arg12[%swap3A_351, %swap3A_352] {strides = array<i32>} : memref<80x128xf32, #tpu.memory_space<vmem>>, vector<16xf32>,
      tpu.vector_store %arg12[%swap3A_351, %swap3A_352], %add3A_350 {strides = array<i32>} : memref<80x128xf32, #tpu.memory_space<vmem>>, vector<16xf32>,
    }
    %scan3A_269 = arith.constant 80 : i32
    %add3A_270 = arith.constant 9920 : i32
    %add3A_271 = arith.addi %mul3A_2, %add3A_270 : i32
    "tpu.region"() ({
      %run_scoped3A = tpu.sem_alloc : memref<!tpu.dma_semaphore, #tpu.memory_space<semaphore_mem>>
      %dma_start3A_274 = arith.constant 0 : i32
      %dma_start3A_275 = tpu.memref_slice %arg7[%add3A_271, %dma_start3A_274] : memref<320000x128xf32, #tpu.memory_space<hbm>> -> memref<80x128xf32, #tpu.memory_space<hbm>>
      %dma_start3A_276 = arith.constant 0 : i32
      %dma_start3A_277 = tpu.memref_slice %arg7[%add3A_271, %dma_start3A_276] : memref<320000x128xf32, #tpu.memory_space<hbm>> -> memref<80x128xf32, #tpu.memory_space<hbm>>
      tpu.enqueue_dma source(%arg12 : memref<80x128xf32, #tpu.memory_space<vmem>>) target(%dma_start3A_277 : memref<80x128xf32, #tpu.memory_space<hbm>>) target_semaphore(%run_scoped3A : memref<!tpu.dma_semaphore, #tpu.memory_space<semaphore_mem>>)
      %dma_wait3A_278 = arith.constant 0 : i32
      %dma_wait3A_279 = tpu.memref_slice %arg7[%add3A_271, %dma_wait3A_278] : memref<320000x128xf32, #tpu.memory_space<hbm>> -> memref<80x128xf32, #tpu.memory_space<hbm>>
      %dma_wait3A_280 = arith.constant 0 : i32
      %dma_wait3A_281 = tpu.memref_slice %arg7[%add3A_271, %dma_wait3A_280] : memref<320000x128xf32, #tpu.memory_space<hbm>> -> memref<80x128xf32, #tpu.memory_space<hbm>>
      tpu.wait_dma2 semaphore(%run_scoped3A : memref<!tpu.dma_semaphore, #tpu.memory_space<semaphore_mem>>) src(%arg12 : memref<80x128xf32, #tpu.memory_space<vmem>>) dst(%dma_wait3A_281 : memref<80x128xf32, #tpu.memory_space<hbm>>)
      tpu.yield
    }) : () -> ()
    %add3A_272 = arith.constant 9920 : i32
    %add3A_273 = arith.addi %mul3A_2, %add3A_272 : i32
    "tpu.region"() ({
      %run_scoped3A = tpu.sem_alloc : memref<!tpu.dma_semaphore, #tpu.memory_space<semaphore_mem>>
      %dma_start3A_274 = arith.constant 0 : i32
      %dma_start3A_275 = tpu.memref_slice %arg8[%add3A_273, %dma_start3A_274] : memref<320000x16xf32, #tpu.memory_space<hbm>> -> memref<80x16xf32, #tpu.memory_space<hbm>>
      %dma_start3A_276 = arith.constant 0 : i32
      %dma_start3A_277 = tpu.memref_slice %arg8[%add3A_273, %dma_start3A_276] : memref<320000x16xf32, #tpu.memory_space<hbm>> -> memref<80x16xf32, #tpu.memory_space<hbm>>
      tpu.enqueue_dma source(%arg16 : memref<80x16xf32, #tpu.memory_space<vmem>>) target(%dma_start3A_277 : memref<80x16xf32, #tpu.memory_space<hbm>>) target_semaphore(%run_scoped3A : memref<!tpu.dma_semaphore, #tpu.memory_space<semaphore_mem>>)
      %dma_wait3A_278 = arith.constant 0 : i32
      %dma_wait3A_279 = tpu.memref_slice %arg8[%add3A_273, %dma_wait3A_278] : memref<320000x16xf32, #tpu.memory_space<hbm>> -> memref<80x16xf32, #tpu.memory_space<hbm>>
      %dma_wait3A_280 = arith.constant 0 : i32
      %dma_wait3A_281 = tpu.memref_slice %arg8[%add3A_273, %dma_wait3A_280] : memref<320000x16xf32, #tpu.memory_space<hbm>> -> memref<80x16xf32, #tpu.memory_space<hbm>>
      tpu.wait_dma2 semaphore(%run_scoped3A : memref<!tpu.dma_semaphore, #tpu.memory_space<semaphore_mem>>) src(%arg16 : memref<80x16xf32, #tpu.memory_space<vmem>>) dst(%dma_wait3A_281 : memref<80x16xf32, #tpu.memory_space<hbm>>)
      tpu.yield
    }) : () -> ()
    return
  }
}

module attributes {stable_mosaic.version = 14 : i64} {
  func.func @_pre_body(%arg0: i32, %arg1: memref<2000x128xf32, #tpu.memory_space<vmem>>, %arg2: memref<128x128xf32, #tpu.memory_space<vmem>>, %arg3: memref<128x128xf32, #tpu.memory_space<vmem>>, %arg4: memref<2000x128xf32, #tpu.memory_space<vmem>>, %arg5: memref<2000x128xf32, #tpu.memory_space<vmem>>) attributes {dimension_semantics = [#tpu.dimension_semantics<arbitrary>], iteration_bounds = array<i64: 5>, scalar_prefetch = 0 : i64, scratch_operands = 0 : i64, tpu.core_type = #tpu.core_type<tc>, window_params = [{transform_indices = @transform_0, window_bounds = array<i64: 2000, 128>}, {pipeline_mode = #tpu.pipeline_mode<synchronous>, transform_indices = @transform_1, window_bounds = array<i64: 128, 128>}, {pipeline_mode = #tpu.pipeline_mode<synchronous>, transform_indices = @transform_2, window_bounds = array<i64: 128, 128>}, {transform_indices = @transform_3, window_bounds = array<i64: 2000, 128>}, {transform_indices = @transform_4, window_bounds = array<i64: 2000, 128>}]} {
    %get3A = arith.constant 0 : index
    %get3A_0 = arith.constant 0 : index
    %get3A_1 = vector.load %arg1[%get3A, %get3A_0] : memref<2000x128xf32, #tpu.memory_space<vmem>>, vector<2000x128xf32>
    %get3A_2 = arith.constant 0 : index
    %get3A_3 = arith.constant 0 : index
    %get3A_4 = vector.load %arg2[%get3A_2, %get3A_3] : memref<128x128xf32, #tpu.memory_space<vmem>>, vector<128x128xf32>
    %dot_general3A = arith.constant dense<0.000000e+00> : vector<2000x128xf32>
    %dot_general3A_5 = tpu.matmul %get3A_1, %get3A_4, %dot_general3A {dimension_numbers = #tpu.dot_dimension_numbers<[1], [0], [0], [1], [0, 0, 1, 1], [], []>, transpose_lhs_hint = false} : vector<2000x128xf32>, vector<128x128xf32>, vector<2000x128xf32> -> vector<2000x128xf32>
    %swap3A = arith.constant 0 : index
    %swap3A_6 = arith.constant 0 : index
    %swap3A_7 = vector.load %arg4[%swap3A, %swap3A_6] : memref<2000x128xf32, #tpu.memory_space<vmem>>, vector<2000x128xf32>
    tpu.vector_store %arg4[%swap3A, %swap3A_6], %dot_general3A_5 {strides = array<i32>} : memref<2000x128xf32, #tpu.memory_space<vmem>>, vector<2000x128xf32>,
    %get3A_8 = arith.constant 0 : index
    %get3A_9 = arith.constant 0 : index
    %get3A_10 = vector.load %arg3[%get3A_8, %get3A_9] : memref<128x128xf32, #tpu.memory_space<vmem>>, vector<128x128xf32>
    %dot_general3A_11 = arith.constant dense<0.000000e+00> : vector<2000x128xf32>
    %dot_general3A_12 = tpu.matmul %get3A_1, %get3A_10, %dot_general3A_11 {dimension_numbers = #tpu.dot_dimension_numbers<[1], [0], [0], [1], [0, 0, 1, 1], [], []>, transpose_lhs_hint = false} : vector<2000x128xf32>, vector<128x128xf32>, vector<2000x128xf32> -> vector<2000x128xf32>
    %swap3A_13 = arith.constant 0 : index
    %swap3A_14 = arith.constant 0 : index
    %swap3A_15 = vector.load %arg5[%swap3A_13, %swap3A_14] : memref<2000x128xf32, #tpu.memory_space<vmem>>, vector<2000x128xf32>
    tpu.vector_store %arg5[%swap3A_13, %swap3A_14], %dot_general3A_12 {strides = array<i32>} : memref<2000x128xf32, #tpu.memory_space<vmem>>, vector<2000x128xf32>,
    return
  }
  func.func @transform_0(%arg0: i32) -> (i32, i32) {
    %c0_i32 = arith.constant 0 : i32
    %c0_i32_0 = arith.constant 0 : i32
    return %arg0, %c0_i32 : i32, i32
  }
  func.func @transform_1(%arg0: i32) -> (i32, i32) {
    %c0_i32 = arith.constant 0 : i32
    %c0_i32_0 = arith.constant 0 : i32
    %c0_i32_1 = arith.constant 0 : i32
    return %c0_i32, %c0_i32_0 : i32, i32
  }
  func.func @transform_2(%arg0: i32) -> (i32, i32) {
    %c0_i32 = arith.constant 0 : i32
    %c0_i32_0 = arith.constant 0 : i32
    %c0_i32_1 = arith.constant 0 : i32
    return %c0_i32, %c0_i32_0 : i32, i32
  }
  func.func @transform_3(%arg0: i32) -> (i32, i32) {
    %c0_i32 = arith.constant 0 : i32
    %c0_i32_0 = arith.constant 0 : i32
    return %arg0, %c0_i32 : i32, i32
  }
  func.func @transform_4(%arg0: i32) -> (i32, i32) {
    %c0_i32 = arith.constant 0 : i32
    %c0_i32_0 = arith.constant 0 : i32
    return %arg0, %c0_i32 : i32, i32
  }
}

module attributes {stable_mosaic.version = 14 : i64} {
  func.func @_edge_body(%arg0: i32, %arg1: memref<2560x128xf32, #tpu.memory_space<vmem>>, %arg2: memref<2560x16xf32, #tpu.memory_space<vmem>>, %arg3: memref<2560x8xf32, #tpu.memory_space<vmem>>, %arg4: memref<8x128xf32, #tpu.memory_space<vmem>>, %arg5: memref<1x128xf32, #tpu.memory_space<vmem>>, %arg6: memref<128x128xbf16, #tpu.memory_space<vmem>>, %arg7: memref<1x128xf32, #tpu.memory_space<vmem>>, %arg8: memref<128x128xbf16, #tpu.memory_space<vmem>>, %arg9: memref<1x128xf32, #tpu.memory_space<vmem>>, %arg10: memref<1x128xf32, #tpu.memory_space<vmem>>, %arg11: memref<1x1xf32, #tpu.memory_space<vmem>>, %arg12: memref<2560x128xf32, #tpu.memory_space<vmem>>, %arg13: memref<2560x16xf32, #tpu.memory_space<vmem>>) attributes {dimension_semantics = [#tpu.dimension_semantics<arbitrary>], iteration_bounds = array<i64: 125>, scalar_prefetch = 0 : i64, scratch_operands = 0 : i64, tpu.core_type = #tpu.core_type<tc>, window_params = [{transform_indices = @transform_0, window_bounds = array<i64: 2560, 128>}, {transform_indices = @transform_1, window_bounds = array<i64: 2560, 16>}, {transform_indices = @transform_2, window_bounds = array<i64: 2560, 8>}, {pipeline_mode = #tpu.pipeline_mode<synchronous>, transform_indices = @transform_3, window_bounds = array<i64: 8, 128>}, {pipeline_mode = #tpu.pipeline_mode<synchronous>, transform_indices = @transform_4, window_bounds = array<i64: 1, 128>}, {pipeline_mode = #tpu.pipeline_mode<synchronous>, transform_indices = @transform_5, window_bounds = array<i64: 128, 128>}, {pipeline_mode = #tpu.pipeline_mode<synchronous>, transform_indices = @transform_6, window_bounds = array<i64: 1, 128>}, {pipeline_mode = #tpu.pipeline_mode<synchronous>, transform_indices = @transform_7, window_bounds = array<i64: 128, 128>}, {pipeline_mode = #tpu.pipeline_mode<synchronous>, transform_indices = @transform_8, window_bounds = array<i64: 1, 128>}, {pipeline_mode = #tpu.pipeline_mode<synchronous>, transform_indices = @transform_9, window_bounds = array<i64: 1, 128>}, {pipeline_mode = #tpu.pipeline_mode<synchronous>, transform_indices = @transform_10, window_bounds = array<i64: 1, 1>}, {transform_indices = @transform_11, window_bounds = array<i64: 2560, 128>}, {transform_indices = @transform_12, window_bounds = array<i64: 2560, 16>}]} {
    %get3A = arith.constant 0 : index
    %get3A_0 = arith.constant 0 : index
    %get3A_1 = vector.load %arg3[%get3A, %get3A_0] : memref<2560x8xf32, #tpu.memory_space<vmem>>, vector<2560x8xf32>
    %iota3A = tpu.iota {dimensions = array<i32: 1>} : vector<2560x8xi32>
    %eq3A = arith.constant 0 : i32
    %eq3A_2 = vector.broadcast %eq3A : i32 to vector<2560x8xi32>
    %eq3A_3 = arith.cmpi eq, %iota3A, %eq3A_2 : vector<2560x8xi32>
    %mul3A = arith.mulf %get3A_1, %get3A_1 : vector<2560x8xf32>
    %select_n3A = arith.select %eq3A_3, %mul3A, %get3A_1 : vector<2560x8xi1>, vector<2560x8xf32>
    %get3A_4 = arith.constant 0 : index
    %get3A_5 = arith.constant 0 : index
    %get3A_6 = vector.load %arg1[%get3A_4, %get3A_5] : memref<2560x128xf32, #tpu.memory_space<vmem>>, vector<2560x128xf32>
    %get3A_7 = arith.constant 0 : index
    %get3A_8 = arith.constant 0 : index
    %get3A_9 = vector.load %arg4[%get3A_7, %get3A_8] : memref<8x128xf32, #tpu.memory_space<vmem>>, vector<8x128xf32>
    %dot_general3A = arith.constant dense<0.000000e+00> : vector<2560x128xf32>
    %dot_general3A_10 = tpu.matmul %select_n3A, %get3A_9, %dot_general3A {dimension_numbers = #tpu.dot_dimension_numbers<[1], [0], [0], [1], [0, 0, 1, 1], [], []>, transpose_lhs_hint = false} : vector<2560x8xf32>, vector<8x128xf32>, vector<2560x128xf32> -> vector<2560x128xf32>
    %add3A = arith.addf %get3A_6, %dot_general3A_10 : vector<2560x128xf32>
    %get3A_11 = arith.constant 0 : index
    %get3A_12 = arith.constant 0 : index
    %get3A_13 = vector.load %arg5[%get3A_11, %get3A_12] : memref<1x128xf32, #tpu.memory_space<vmem>>, vector<1x128xf32>
    %add3A_14 = vector.broadcast %get3A_13 : vector<1x128xf32> to vector<2560x128xf32>
    %add3A_15 = arith.addf %add3A, %add3A_14 : vector<2560x128xf32>
    %logistic3A = arith.negf %add3A_15 : vector<2560x128xf32>
    %logistic3A_16 = math.exp %logistic3A : vector<2560x128xf32>
    %logistic3A_17 = arith.constant 1.000000e+00 : f32
    %logistic3A_18 = vector.broadcast %logistic3A_17 : f32 to vector<2560x128xf32>
    %logistic3A_19 = arith.addf %logistic3A_18, %logistic3A_16 : vector<2560x128xf32>
    %logistic3A_20 = arith.divf %logistic3A_18, %logistic3A_19 : vector<2560x128xf32>
    %mul3A_21 = arith.mulf %add3A_15, %logistic3A_20 : vector<2560x128xf32>
    %convert_element_type3A = arith.truncf %mul3A_21 : vector<2560x128xf32> to vector<2560x128xbf16>
    %get3A_22 = arith.constant 0 : index
    %get3A_23 = arith.constant 0 : index
    %get3A_24 = vector.load %arg6[%get3A_22, %get3A_23] : memref<128x128xbf16, #tpu.memory_space<vmem>>, vector<128x128xbf16>
    %dot_general3A_25 = arith.constant dense<0.000000e+00> : vector<2560x128xf32>
    %dot_general3A_26 = tpu.matmul %convert_element_type3A, %get3A_24, %dot_general3A_25 {dimension_numbers = #tpu.dot_dimension_numbers<[1], [0], [0], [1], [0, 0, 1, 1], [], []>, transpose_lhs_hint = false} : vector<2560x128xbf16>, vector<128x128xbf16>, vector<2560x128xf32> -> vector<2560x128xf32>
    %get3A_27 = arith.constant 0 : index
    %get3A_28 = arith.constant 0 : index
    %get3A_29 = vector.load %arg7[%get3A_27, %get3A_28] : memref<1x128xf32, #tpu.memory_space<vmem>>, vector<1x128xf32>
    %add3A_30 = vector.broadcast %get3A_29 : vector<1x128xf32> to vector<2560x128xf32>
    %add3A_31 = arith.addf %dot_general3A_26, %add3A_30 : vector<2560x128xf32>
    %logistic3A_32 = arith.negf %add3A_31 : vector<2560x128xf32>
    %logistic3A_33 = math.exp %logistic3A_32 : vector<2560x128xf32>
    %logistic3A_34 = arith.constant 1.000000e+00 : f32
    %logistic3A_35 = vector.broadcast %logistic3A_34 : f32 to vector<2560x128xf32>
    %logistic3A_36 = arith.addf %logistic3A_35, %logistic3A_33 : vector<2560x128xf32>
    %logistic3A_37 = arith.divf %logistic3A_35, %logistic3A_36 : vector<2560x128xf32>
    %mul3A_38 = arith.mulf %add3A_31, %logistic3A_37 : vector<2560x128xf32>
    %swap3A = arith.constant 0 : index
    %swap3A_39 = arith.constant 0 : index
    %swap3A_40 = vector.load %arg12[%swap3A, %swap3A_39] : memref<2560x128xf32, #tpu.memory_space<vmem>>, vector<2560x128xf32>
    tpu.vector_store %arg12[%swap3A, %swap3A_39], %mul3A_38 {strides = array<i32>} : memref<2560x128xf32, #tpu.memory_space<vmem>>, vector<2560x128xf32>,
    %convert_element_type3A_41 = arith.truncf %mul3A_38 : vector<2560x128xf32> to vector<2560x128xbf16>
    %get3A_42 = arith.constant 0 : index
    %get3A_43 = arith.constant 0 : index
    %get3A_44 = vector.load %arg8[%get3A_42, %get3A_43] : memref<128x128xbf16, #tpu.memory_space<vmem>>, vector<128x128xbf16>
    %dot_general3A_45 = arith.constant dense<0.000000e+00> : vector<2560x128xf32>
    %dot_general3A_46 = tpu.matmul %convert_element_type3A_41, %get3A_44, %dot_general3A_45 {dimension_numbers = #tpu.dot_dimension_numbers<[1], [0], [0], [1], [0, 0, 1, 1], [], []>, transpose_lhs_hint = false} : vector<2560x128xbf16>, vector<128x128xbf16>, vector<2560x128xf32> -> vector<2560x128xf32>
    %get3A_47 = arith.constant 0 : index
    %get3A_48 = arith.constant 0 : index
    %get3A_49 = vector.load %arg9[%get3A_47, %get3A_48] : memref<1x128xf32, #tpu.memory_space<vmem>>, vector<1x128xf32>
    %add3A_50 = vector.broadcast %get3A_49 : vector<1x128xf32> to vector<2560x128xf32>
    %add3A_51 = arith.addf %dot_general3A_46, %add3A_50 : vector<2560x128xf32>
    %logistic3A_52 = arith.negf %add3A_51 : vector<2560x128xf32>
    %logistic3A_53 = math.exp %logistic3A_52 : vector<2560x128xf32>
    %logistic3A_54 = arith.constant 1.000000e+00 : f32
    %logistic3A_55 = vector.broadcast %logistic3A_54 : f32 to vector<2560x128xf32>
    %logistic3A_56 = arith.addf %logistic3A_55, %logistic3A_53 : vector<2560x128xf32>
    %logistic3A_57 = arith.divf %logistic3A_55, %logistic3A_56 : vector<2560x128xf32>
    %mul3A_58 = arith.mulf %add3A_51, %logistic3A_57 : vector<2560x128xf32>
    %get3A_59 = arith.constant 0 : index
    %get3A_60 = arith.constant 0 : index
    %get3A_61 = vector.load %arg10[%get3A_59, %get3A_60] : memref<1x128xf32, #tpu.memory_space<vmem>>, vector<1x128xf32>
    %mul3A_62 = vector.broadcast %get3A_61 : vector<1x128xf32> to vector<2560x128xf32>
    %mul3A_63 = arith.mulf %mul3A_58, %mul3A_62 : vector<2560x128xf32>
    %reduce_sum3A = arith.constant dense<0.000000e+00> : vector<2560xf32>
    %reduce_sum3A_64 = vector.multi_reduction <add>, %mul3A_63, %reduce_sum3A [1] : vector<2560x128xf32> to vector<2560xf32>
    %broadcast_in_dim3A = vector.shape_cast %reduce_sum3A_64 : vector<2560xf32> to vector<2560x1xf32>
    %get3A_65 = arith.constant 0 : index
    %get3A_66 = arith.constant 0 : index
    %get3A_67 = vector.load %arg11[%get3A_65, %get3A_66] : memref<1x1xf32, #tpu.memory_space<vmem>>, vector<1x1xf32>
    %add3A_68 = vector.broadcast %get3A_67 : vector<1x1xf32> to vector<2560x1xf32>
    %add3A_69 = arith.addf %broadcast_in_dim3A, %add3A_68 : vector<2560x1xf32>
    %tanh3A = math.tanh %add3A_69 : vector<2560x1xf32>
    %get3A_70 = arith.constant 0 : index
    %get3A_71 = arith.constant 0 : index
    %get3A_72 = vector.load %arg2[%get3A_70, %get3A_71] : memref<2560x16xf32, #tpu.memory_space<vmem>>, vector<2560x16xf32>
    %mul3A_73 = vector.broadcast %tanh3A : vector<2560x1xf32> to vector<2560x16xf32>
    %mul3A_74 = arith.mulf %get3A_72, %mul3A_73 : vector<2560x16xf32>
    %iota3A_75 = tpu.iota {dimensions = array<i32: 1>} : vector<2560x16xi32>
    %eq3A_76 = arith.constant 3 : i32
    %eq3A_77 = vector.broadcast %eq3A_76 : i32 to vector<2560x16xi32>
    %eq3A_78 = arith.cmpi eq, %iota3A_75, %eq3A_77 : vector<2560x16xi32>
    %jit3A = arith.constant 1.000000e+00 : f32
    %broadcast_in_dim3A_79 = vector.broadcast %jit3A : f32 to vector<2560x16xf32>
    %select_n3A_80 = arith.select %eq3A_78, %broadcast_in_dim3A_79, %mul3A_74 : vector<2560x16xi1>, vector<2560x16xf32>
    %swap3A_81 = arith.constant 0 : index
    %swap3A_82 = arith.constant 0 : index
    %swap3A_83 = vector.load %arg13[%swap3A_81, %swap3A_82] : memref<2560x16xf32, #tpu.memory_space<vmem>>, vector<2560x16xf32>
    tpu.vector_store %arg13[%swap3A_81, %swap3A_82], %select_n3A_80 {strides = array<i32>} : memref<2560x16xf32, #tpu.memory_space<vmem>>, vector<2560x16xf32>,
    return
  }
  func.func @transform_0(%arg0: i32) -> (i32, i32) {
    %c0_i32 = arith.constant 0 : i32
    %c0_i32_0 = arith.constant 0 : i32
    return %arg0, %c0_i32 : i32, i32
  }
  func.func @transform_1(%arg0: i32) -> (i32, i32) {
    %c0_i32 = arith.constant 0 : i32
    %c0_i32_0 = arith.constant 0 : i32
    return %arg0, %c0_i32 : i32, i32
  }
  func.func @transform_2(%arg0: i32) -> (i32, i32) {
    %c0_i32 = arith.constant 0 : i32
    %c0_i32_0 = arith.constant 0 : i32
    return %arg0, %c0_i32 : i32, i32
  }
  func.func @transform_3(%arg0: i32) -> (i32, i32) {
    %c0_i32 = arith.constant 0 : i32
    %c0_i32_0 = arith.constant 0 : i32
    %c0_i32_1 = arith.constant 0 : i32
    return %c0_i32, %c0_i32_0 : i32, i32
  }
  func.func @transform_4(%arg0: i32) -> (i32, i32) {
    %c0_i32 = arith.constant 0 : i32
    %c0_i32_0 = arith.constant 0 : i32
    %c0_i32_1 = arith.constant 0 : i32
    return %c0_i32, %c0_i32_0 : i32, i32
  }
  func.func @transform_5(%arg0: i32) -> (i32, i32) {
    %c0_i32 = arith.constant 0 : i32
    %c0_i32_0 = arith.constant 0 : i32
    %c0_i32_1 = arith.constant 0 : i32
    return %c0_i32, %c0_i32_0 : i32, i32
  }
  func.func @transform_6(%arg0: i32) -> (i32, i32) {
    %c0_i32 = arith.constant 0 : i32
    %c0_i32_0 = arith.constant 0 : i32
    %c0_i32_1 = arith.constant 0 : i32
    return %c0_i32, %c0_i32_0 : i32, i32
  }
  func.func @transform_7(%arg0: i32) -> (i32, i32) {
    %c0_i32 = arith.constant 0 : i32
    %c0_i32_0 = arith.constant 0 : i32
    %c0_i32_1 = arith.constant 0 : i32
    return %c0_i32, %c0_i32_0 : i32, i32
  }
  func.func @transform_8(%arg0: i32) -> (i32, i32) {
    %c0_i32 = arith.constant 0 : i32
    %c0_i32_0 = arith.constant 0 : i32
    %c0_i32_1 = arith.constant 0 : i32
    return %c0_i32, %c0_i32_0 : i32, i32
  }
  func.func @transform_9(%arg0: i32) -> (i32, i32) {
    %c0_i32 = arith.constant 0 : i32
    %c0_i32_0 = arith.constant 0 : i32
    %c0_i32_1 = arith.constant 0 : i32
    return %c0_i32, %c0_i32_0 : i32, i32
  }
  func.func @transform_10(%arg0: i32) -> (i32, i32) {
    %c0_i32 = arith.constant 0 : i32
    %c0_i32_0 = arith.constant 0 : i32
    %c0_i32_1 = arith.constant 0 : i32
    return %c0_i32, %c0_i32_0 : i32, i32
  }
  func.func @transform_11(%arg0: i32) -> (i32, i32) {
    %c0_i32 = arith.constant 0 : i32
    %c0_i32_0 = arith.constant 0 : i32
    return %arg0, %c0_i32 : i32, i32
  }
  func.func @transform_12(%arg0: i32) -> (i32, i32) {
    %c0_i32 = arith.constant 0 : i32
    %c0_i32_0 = arith.constant 0 : i32
    return %arg0, %c0_i32 : i32, i32
  }
}

module attributes {stable_mosaic.version = 14 : i64} {
  func.func @_psum_body(%arg0: i32, %arg1: memref<32x40000xf32, #tpu.memory_space<vmem>>, %arg2: memref<40000xf32, #tpu.memory_space<vmem>>) attributes {dimension_semantics = [#tpu.dimension_semantics<arbitrary>], iteration_bounds = array<i64: 1>, scalar_prefetch = 0 : i64, scratch_operands = 0 : i64, tpu.core_type = #tpu.core_type<tc>, window_params = [{pipeline_mode = #tpu.pipeline_mode<synchronous>, transform_indices = @transform_0, window_bounds = array<i64: 32, 40000>}, {pipeline_mode = #tpu.pipeline_mode<synchronous>, transform_indices = @transform_1, window_bounds = array<i64: 40000>}]} {
    %get3A = arith.constant 0 : index
    %get3A_0 = arith.constant 0 : index
    %get3A_1 = vector.load %arg1[%get3A, %get3A_0] : memref<32x40000xf32, #tpu.memory_space<vmem>>, vector<32x40000xf32>
    %reduce_sum3A = arith.constant dense<0.000000e+00> : vector<40000xf32>
    %reduce_sum3A_2 = vector.multi_reduction <add>, %get3A_1, %reduce_sum3A [0] : vector<32x40000xf32> to vector<40000xf32>
    %swap3A = arith.constant 0 : index
    %swap3A_3 = vector.load %arg2[%swap3A] : memref<40000xf32, #tpu.memory_space<vmem>>, vector<40000xf32>
    tpu.vector_store %arg2[%swap3A], %reduce_sum3A_2 {strides = array<i32>} : memref<40000xf32, #tpu.memory_space<vmem>>, vector<40000xf32>,
    return
  }
  func.func @transform_0(%arg0: i32) -> (i32, i32) {
    %c0_i32 = arith.constant 0 : i32
    %c0_i32_0 = arith.constant 0 : i32
    %c0_i32_1 = arith.constant 0 : i32
    return %c0_i32, %c0_i32_0 : i32, i32
  }
  func.func @transform_1(%arg0: i32) -> i32 {
    %c0_i32 = arith.constant 0 : i32
    %c0_i32_0 = arith.constant 0 : i32
    return %c0_i32 : i32
  }
}

module attributes {stable_mosaic.version = 14 : i64} {
  func.func @_node_body(%arg0: i32, %arg1: memref<2000x128xf32, #tpu.memory_space<vmem>>, %arg2: memref<2000x16xf32, #tpu.memory_space<vmem>>, %arg3: memref<2x2000x128xf32, #tpu.memory_space<vmem>>, %arg4: memref<2000x4xf32, #tpu.memory_space<vmem>>, %arg5: memref<128x128xf32, #tpu.memory_space<vmem>>, %arg6: memref<128x128xf32, #tpu.memory_space<vmem>>, %arg7: memref<1x128xf32, #tpu.memory_space<vmem>>, %arg8: memref<128x128xf32, #tpu.memory_space<vmem>>, %arg9: memref<1x128xf32, #tpu.memory_space<vmem>>, %arg10: memref<2000x128xf32, #tpu.memory_space<vmem>>, %arg11: memref<2000x16xf32, #tpu.memory_space<vmem>>) attributes {dimension_semantics = [#tpu.dimension_semantics<arbitrary>], iteration_bounds = array<i64: 5>, scalar_prefetch = 0 : i64, scratch_operands = 0 : i64, tpu.core_type = #tpu.core_type<tc>, window_params = [{transform_indices = @transform_0, window_bounds = array<i64: 2000, 128>}, {transform_indices = @transform_1, window_bounds = array<i64: 2000, 16>}, {transform_indices = @transform_2, window_bounds = array<i64: 2, 2000, 128>}, {transform_indices = @transform_3, window_bounds = array<i64: 2000, 4>}, {pipeline_mode = #tpu.pipeline_mode<synchronous>, transform_indices = @transform_4, window_bounds = array<i64: 128, 128>}, {pipeline_mode = #tpu.pipeline_mode<synchronous>, transform_indices = @transform_5, window_bounds = array<i64: 128, 128>}, {pipeline_mode = #tpu.pipeline_mode<synchronous>, transform_indices = @transform_6, window_bounds = array<i64: 1, 128>}, {pipeline_mode = #tpu.pipeline_mode<synchronous>, transform_indices = @transform_7, window_bounds = array<i64: 128, 128>}, {pipeline_mode = #tpu.pipeline_mode<synchronous>, transform_indices = @transform_8, window_bounds = array<i64: 1, 128>}, {transform_indices = @transform_9, window_bounds = array<i64: 2000, 128>}, {transform_indices = @transform_10, window_bounds = array<i64: 2000, 16>}]} {
    %get3A = arith.constant 0 : index
    %get3A_0 = arith.constant 0 : index
    %get3A_1 = arith.constant 0 : index
    %get3A_2 = vector.load %arg3[%get3A, %get3A_0, %get3A_1] : memref<2x2000x128xf32, #tpu.memory_space<vmem>>, vector<1x2000x128xf32>
    %get3A_3 = vector.shape_cast %get3A_2 : vector<1x2000x128xf32> to vector<2000x128xf32>
    %get3A_4 = arith.constant 1 : index
    %get3A_5 = arith.constant 0 : index
    %get3A_6 = arith.constant 0 : index
    %get3A_7 = vector.load %arg3[%get3A_4, %get3A_5, %get3A_6] : memref<2x2000x128xf32, #tpu.memory_space<vmem>>, vector<1x2000x128xf32>
    %get3A_8 = vector.shape_cast %get3A_7 : vector<1x2000x128xf32> to vector<2000x128xf32>
    %add3A = arith.addf %get3A_3, %get3A_8 : vector<2000x128xf32>
    %get3A_9 = arith.constant 0 : index
    %get3A_10 = arith.constant 0 : index
    %get3A_11 = vector.load %arg4[%get3A_9, %get3A_10] : memref<2000x4xf32, #tpu.memory_space<vmem>>, vector<2000x4xf32>
    %slice3A = vector.extract_strided_slice %get3A_11 {offsets = [0, 3], sizes = [2000, 1], strides = [1, 1]} : vector<2000x4xf32> to vector<2000x1xf32>
    %max3A = arith.constant 1.000000e+00 : f32
    %max3A_12 = vector.broadcast %max3A : f32 to vector<2000x1xf32>
    %max3A_13 = arith.maximumf %slice3A, %max3A_12 : vector<2000x1xf32>
    %div3A = vector.broadcast %max3A_13 : vector<2000x1xf32> to vector<2000x128xf32>
    %div3A_14 = arith.divf %add3A, %div3A : vector<2000x128xf32>
    %get3A_15 = arith.constant 0 : index
    %get3A_16 = arith.constant 0 : index
    %get3A_17 = vector.load %arg1[%get3A_15, %get3A_16] : memref<2000x128xf32, #tpu.memory_space<vmem>>, vector<2000x128xf32>
    %get3A_18 = arith.constant 0 : index
    %get3A_19 = arith.constant 0 : index
    %get3A_20 = vector.load %arg5[%get3A_18, %get3A_19] : memref<128x128xf32, #tpu.memory_space<vmem>>, vector<128x128xf32>
    %dot_general3A = arith.constant dense<0.000000e+00> : vector<2000x128xf32>
    %dot_general3A_21 = tpu.matmul %get3A_17, %get3A_20, %dot_general3A {dimension_numbers = #tpu.dot_dimension_numbers<[1], [0], [0], [1], [0, 0, 1, 1], [], []>, transpose_lhs_hint = false} : vector<2000x128xf32>, vector<128x128xf32>, vector<2000x128xf32> -> vector<2000x128xf32>
    %get3A_22 = arith.constant 0 : index
    %get3A_23 = arith.constant 0 : index
    %get3A_24 = vector.load %arg6[%get3A_22, %get3A_23] : memref<128x128xf32, #tpu.memory_space<vmem>>, vector<128x128xf32>
    %dot_general3A_25 = arith.constant dense<0.000000e+00> : vector<2000x128xf32>
    %dot_general3A_26 = tpu.matmul %div3A_14, %get3A_24, %dot_general3A_25 {dimension_numbers = #tpu.dot_dimension_numbers<[1], [0], [0], [1], [0, 0, 1, 1], [], []>, transpose_lhs_hint = false} : vector<2000x128xf32>, vector<128x128xf32>, vector<2000x128xf32> -> vector<2000x128xf32>
    %add3A_27 = arith.addf %dot_general3A_21, %dot_general3A_26 : vector<2000x128xf32>
    %get3A_28 = arith.constant 0 : index
    %get3A_29 = arith.constant 0 : index
    %get3A_30 = vector.load %arg7[%get3A_28, %get3A_29] : memref<1x128xf32, #tpu.memory_space<vmem>>, vector<1x128xf32>
    %add3A_31 = vector.broadcast %get3A_30 : vector<1x128xf32> to vector<2000x128xf32>
    %add3A_32 = arith.addf %add3A_27, %add3A_31 : vector<2000x128xf32>
    %logistic3A = arith.negf %add3A_32 : vector<2000x128xf32>
    %logistic3A_33 = math.exp %logistic3A : vector<2000x128xf32>
    %logistic3A_34 = arith.constant 1.000000e+00 : f32
    %logistic3A_35 = vector.broadcast %logistic3A_34 : f32 to vector<2000x128xf32>
    %logistic3A_36 = arith.addf %logistic3A_35, %logistic3A_33 : vector<2000x128xf32>
    %logistic3A_37 = arith.divf %logistic3A_35, %logistic3A_36 : vector<2000x128xf32>
    %mul3A = arith.mulf %add3A_32, %logistic3A_37 : vector<2000x128xf32>
    %get3A_38 = arith.constant 0 : index
    %get3A_39 = arith.constant 0 : index
    %get3A_40 = vector.load %arg8[%get3A_38, %get3A_39] : memref<128x128xf32, #tpu.memory_space<vmem>>, vector<128x128xf32>
    %dot_general3A_41 = arith.constant dense<0.000000e+00> : vector<2000x128xf32>
    %dot_general3A_42 = tpu.matmul %mul3A, %get3A_40, %dot_general3A_41 {dimension_numbers = #tpu.dot_dimension_numbers<[1], [0], [0], [1], [0, 0, 1, 1], [], []>, transpose_lhs_hint = false} : vector<2000x128xf32>, vector<128x128xf32>, vector<2000x128xf32> -> vector<2000x128xf32>
    %add3A_43 = arith.addf %get3A_17, %dot_general3A_42 : vector<2000x128xf32>
    %get3A_44 = arith.constant 0 : index
    %get3A_45 = arith.constant 0 : index
    %get3A_46 = vector.load %arg9[%get3A_44, %get3A_45] : memref<1x128xf32, #tpu.memory_space<vmem>>, vector<1x128xf32>
    %add3A_47 = vector.broadcast %get3A_46 : vector<1x128xf32> to vector<2000x128xf32>
    %add3A_48 = arith.addf %add3A_43, %add3A_47 : vector<2000x128xf32>
    %swap3A = arith.constant 0 : index
    %swap3A_49 = arith.constant 0 : index
    %swap3A_50 = vector.load %arg10[%swap3A, %swap3A_49] : memref<2000x128xf32, #tpu.memory_space<vmem>>, vector<2000x128xf32>
    tpu.vector_store %arg10[%swap3A, %swap3A_49], %add3A_48 {strides = array<i32>} : memref<2000x128xf32, #tpu.memory_space<vmem>>, vector<2000x128xf32>,
    %broadcast_in_dim3A = arith.constant 0.000000e+00 : f32
    %broadcast_in_dim3A_51 = vector.broadcast %broadcast_in_dim3A : f32 to vector<2000x12xf32>
    %get3A_52 = arith.constant 0 : index
    %get3A_53 = arith.constant 0 : index
    %get3A_54 = vector.load %arg2[%get3A_52, %get3A_53] : memref<2000x16xf32, #tpu.memory_space<vmem>>, vector<2000x16xf32>
    %div3A_55 = vector.broadcast %max3A_13 : vector<2000x1xf32> to vector<2000x4xf32>
    %div3A_56 = arith.divf %get3A_11, %div3A_55 : vector<2000x4xf32>
    %concatenate3A = tpu.concatenate %div3A_56, %broadcast_in_dim3A_51 in 1 : vector<2000x4xf32>, vector<2000x12xf32> -> vector<2000x16xf32>
    %add3A_57 = arith.addf %get3A_54, %concatenate3A : vector<2000x16xf32>
    %swap3A_58 = arith.constant 0 : index
    %swap3A_59 = arith.constant 0 : index
    %swap3A_60 = vector.load %arg11[%swap3A_58, %swap3A_59] : memref<2000x16xf32, #tpu.memory_space<vmem>>, vector<2000x16xf32>
    tpu.vector_store %arg11[%swap3A_58, %swap3A_59], %add3A_57 {strides = array<i32>} : memref<2000x16xf32, #tpu.memory_space<vmem>>, vector<2000x16xf32>,
    return
  }
  func.func @transform_0(%arg0: i32) -> (i32, i32) {
    %c0_i32 = arith.constant 0 : i32
    %c0_i32_0 = arith.constant 0 : i32
    return %arg0, %c0_i32 : i32, i32
  }
  func.func @transform_1(%arg0: i32) -> (i32, i32) {
    %c0_i32 = arith.constant 0 : i32
    %c0_i32_0 = arith.constant 0 : i32
    return %arg0, %c0_i32 : i32, i32
  }
  func.func @transform_2(%arg0: i32) -> (i32, i32, i32) {
    %c0_i32 = arith.constant 0 : i32
    %c0_i32_0 = arith.constant 0 : i32
    %c0_i32_1 = arith.constant 0 : i32
    return %c0_i32, %arg0, %c0_i32_0 : i32, i32, i32
  }
  func.func @transform_3(%arg0: i32) -> (i32, i32) {
    %c0_i32 = arith.constant 0 : i32
    %c0_i32_0 = arith.constant 0 : i32
    return %arg0, %c0_i32 : i32, i32
  }
  func.func @transform_4(%arg0: i32) -> (i32, i32) {
    %c0_i32 = arith.constant 0 : i32
    %c0_i32_0 = arith.constant 0 : i32
    %c0_i32_1 = arith.constant 0 : i32
    return %c0_i32, %c0_i32_0 : i32, i32
  }
  func.func @transform_5(%arg0: i32) -> (i32, i32) {
    %c0_i32 = arith.constant 0 : i32
    %c0_i32_0 = arith.constant 0 : i32
    %c0_i32_1 = arith.constant 0 : i32
    return %c0_i32, %c0_i32_0 : i32, i32
  }
  func.func @transform_6(%arg0: i32) -> (i32, i32) {
    %c0_i32 = arith.constant 0 : i32
    %c0_i32_0 = arith.constant 0 : i32
    %c0_i32_1 = arith.constant 0 : i32
    return %c0_i32, %c0_i32_0 : i32, i32
  }
  func.func @transform_7(%arg0: i32) -> (i32, i32) {
    %c0_i32 = arith.constant 0 : i32
    %c0_i32_0 = arith.constant 0 : i32
    %c0_i32_1 = arith.constant 0 : i32
    return %c0_i32, %c0_i32_0 : i32, i32
  }
  func.func @transform_8(%arg0: i32) -> (i32, i32) {
    %c0_i32 = arith.constant 0 : i32
    %c0_i32_0 = arith.constant 0 : i32
    %c0_i32_1 = arith.constant 0 : i32
    return %c0_i32, %c0_i32_0 : i32, i32
  }
  func.func @transform_9(%arg0: i32) -> (i32, i32) {
    %c0_i32 = arith.constant 0 : i32
    %c0_i32_0 = arith.constant 0 : i32
    return %arg0, %c0_i32 : i32, i32
  }
  func.func @transform_10(%arg0: i32) -> (i32, i32) {
    %c0_i32 = arith.constant 0 : i32
    %c0_i32_0 = arith.constant 0 : i32
    return %arg0, %c0_i32 : i32, i32
  }
}

</mosaic_0001>

<sc_bundles>
// kernel: kernel.12.cloned.1.call-start
scs
__scs_entry_jumppad:
0x0: {  	(pc) =	sbr.rel $0x88, $3  }
0x1: {  	(tag) =	ssettag $0x0;
	lr =	simm.s32 $0x1  }
0x2: {  	[smem:$0x3F8B] =	sst lr;
	_ =	strace $0xD0000000  }
0x3: {  	_ = 	snop  }
0x4: {  	_ = 	snop  }
0x5: {  	_ = 	snop  }
0x6: {  	_ = 	snop  }
0x7: {  	_ = 	snop  }
__scs_overlays_trampoline_lowered:
0x8: {  	[smem:$0x3F9A] =	sst s0  }
0x9: {  	[smem:$0x3F9B] =	sst s1  }
0xa: {  	[smem:$0x3F9C] =	sst s2  }
0xb: {  	[smem:$0x3F9D] =	sst s3  }
0xc: {  	[smem:$0x3F9E] =	sst s4  }
0xd: {  	[smem:$0x3F9F] =	sst s5  }
0xe: {  	[smem:$0x3FA0] =	sst s6  }
0xf: {  	[smem:$0x3FA1] =	sst s7  }
0x10: {  	[smem:$0x3FA2] =	sst s8  }
0x11: {  	[smem:$0x3FA3] =	sst s9;
	s0 =	simm.s32 @!p0 $0x0  }
0x12: {  	s1 =	sld [smem:$0x3F89];
	s0 =	simm.s32 @p0 $0x1  }
0x13: {  	[smem:$0x3FA4] =	sst s0;
	s0 =	simm.s32 @!p1 $0x0  }
0x14: {  	s2 =	sld [smem:$0x3F88];
	s0 =	simm.s32 @p1 $0x1  }
0x15: {  	[smem:$0x3FA5] =	sst s0;
	s0 =	simm.s32 @!p2 $0x0  }
0x16: {  	s3 =	sld [smem:$0x3FDB];
	s0 =	simm.s32 @p2 $0x1  }
0x17: {  	s4 =	simm.s32 $0x1BF5;
	[smem:$0x3FA7] =	sst s0  }
0x18: {  	s0 =	sld [smem:$0x3F8A];
	_ =	swait.ge [sflag:s4], $0x0  }
0x19: {  	s7 =	sld [smem:$0x3F8B]  }
0x1a: {  	s8 =	sadd.s32 $0xFFFFE003, lr  }
0x1b: {  	s9 =	sadd.s32 $0xFFFFFEF7, lr;
	s5 =	simm.s32 $0xFFFFFFFF;
	p2 =	slt.u32 s8, $0xFFFFF086  }
0x1c: {  	p1 =	slt.u32 s9, $0xF7A;
	s5 =	simm.s32 @!p2 $0x0  }
0x1d: {  	s5 =	simm.s32 @p1 $0x1;
	p0 =	seq.s32 s7, s2  }
0x1e: {  	s7 =	smul.u32 @!p0 $0xF7A, s2;
	p2 =	seq.s32 @!p0 s5, $0x0  }
0x1f: {  	s9 =	smul.u32 $0xF7A, s1;
	s8 =	simm.s32 @!p0 $0x1BF5;
	p2 =	por !p2, p0  }
0x20: {  	[sflag:s8] =	ssyncset.s32 @!p0 $0xFFFFF086;
	s6 =	sadd.s32 @!p0 s3, s7;
	s7 =	simm.s32 @!p0 $0x108  }
0x21: {  	s3 =	sadd.s32 s3, s9;
	s6 =	sadd.s32 @!p0 $0x88, s6;
	s7 =	simm.s32 @p2 $0x1082  }
0x22: {  	[simem:s7], [sflag:s8] =	dma.local @!p0 [hbm:s6], $0xF7A  }
0x23: {  	s9 =	sor.u32 $0xD0000000, s2;
	s6 =	simm.s32 $0x108;
	_ =	swait.ge @!p0 [sflag:s8], $0x0  }
0x24: {  	s3 =	sadd.s32 $0x88, s3;
	s6 =	simm.s32 @!p1 $0x1082;
	[sflag:s4] =	ssyncset.s32 $0xFFFFF086  }
0x25: {  	[simem:s6], [sflag:s4] =	dma.local [hbm:s3], $0xF7A  }
0x26: {  	[smem:$0x3F8B] =	sst s1;
	(tag) =	ssettag s2;
	_ =	strace s9  }
0x27: {  	s1 =	sld [smem:$0x3F9B]  }
0x28: {  	s2 =	sld [smem:$0x3F9C]  }
0x29: {  	s4 =	sld [smem:$0x3F9E]  }
0x2a: {  	p0 =	seq.s32 s5, $0x0;
	s5 =	sld [smem:$0x3F9F]  }
0x2b: {  	s6 =	sld [smem:$0x3FA0]  }
0x2c: {  	s7 =	sld [smem:$0x3FA1]  }
0x2d: {  	s3 =	simm.s32 $0x108;
	s8 =	sld [smem:$0x3FA2]  }
0x2e: {  	s3 =	simm.s32 @!p0 $0x1082;
	s9 =	sld [smem:$0x3FA3]  }
0x2f: {  	lr =	sadd.s32 s0, s3;
	s0 =	sld [smem:$0x3F9A]  }
0x30: {  	s3 =	sld [smem:$0x3F9D]  }
0x31: {  	[smem:$0x3FA6] =	sst s10  }
0x32: {  	s10 =	sld [smem:$0x3FA4];
	_ =	sdelay $0x3  }
0x33: {  	p0 =	seq.s32 s10, $0x1;
	s10 =	sld [smem:$0x3FA6];
	_ =	sdelay $0x3  }
0x34: {  	[smem:$0x3FA6] =	sst s10  }
0x35: {  	s10 =	sld [smem:$0x3FA5];
	_ =	sdelay $0x3  }
0x36: {  	p1 =	seq.s32 s10, $0x1;
	s10 =	sld [smem:$0x3FA6];
	_ =	sdelay $0x3  }
0x37: {  	[smem:$0x3FA6] =	sst s10  }
0x38: {  	s10 =	sld [smem:$0x3FA7]  }
0x39: {  	_ = 	snop;
	(pc) =	sbr.ind lr, $3  }
0x3a: {  	_ = 	snop  }
0x3b: {  	_ = 	snop  }
0x3c: {  	p2 =	seq.s32 s10, $0x1;
	s10 =	sld [smem:$0x3FA6]  }
0x3d: {  	_ =	shalt  }
0x3e: {  	_ =	shalt  }
0x3f: {  	_ =	shalt  }
0x40: {  	_ =	shalt  }
0x41: {  	_ =	shalt  }
0x42: {  	_ =	shalt  }
0x43: {  	_ =	shalt  }
0x44: {  	_ =	shalt  }
0x45: {  	_ =	shalt  }
0x46: {  	_ =	shalt  }
0x47: {  	_ =	shalt  }
0x48: {  	_ =	shalt  }
0x49: {  	_ =	shalt  }
0x4a: {  	_ =	shalt  }
0x4b: {  	_ =	shalt  }
0x4c: {  	_ =	shalt  }
0x4d: {  	_ =	shalt  }
0x4e: {  	_ =	shalt  }
0x4f: {  	_ =	shalt  }
0x50: {  	_ =	shalt  }
0x51: {  	_ =	shalt  }
0x52: {  	_ =	shalt  }
0x53: {  	_ =	shalt  }
0x54: {  	_ =	shalt  }
0x55: {  	_ =	shalt  }
0x56: {  	_ =	shalt  }
0x57: {  	_ =	shalt  }
0x58: {  	_ =	shalt  }
0x59: {  	_ =	shalt  }
0x5a: {  	_ =	shalt  }
0x5b: {  	_ =	shalt  }
0x5c: {  	_ =	shalt  }
0x5d: {  	_ =	shalt  }
0x5e: {  	_ =	shalt  }
0x5f: {  	_ =	shalt  }
0x60: {  	_ =	shalt  }
0x61: {  	_ =	shalt  }
0x62: {  	_ =	shalt  }
0x63: {  	_ =	shalt  }
0x64: {  	_ =	shalt  }
0x65: {  	_ =	shalt  }
0x66: {  	_ =	shalt  }
0x67: {  	_ =	shalt  }
0x68: {  	_ =	shalt  }
0x69: {  	_ =	shalt  }
0x6a: {  	_ =	shalt  }
0x6b: {  	_ =	shalt  }
0x6c: {  	_ =	shalt  }
0x6d: {  	_ =	shalt  }
0x6e: {  	_ =	shalt  }
0x6f: {  	_ =	shalt  }
0x70: {  	_ =	shalt  }
0x71: {  	_ =	shalt  }
0x72: {  	_ =	shalt  }
0x73: {  	_ =	shalt  }
0x74: {  	_ =	shalt  }
0x75: {  	_ =	shalt  }
0x76: {  	_ =	shalt  }
0x77: {  	_ =	shalt  }
0x78: {  	_ =	shalt  }
0x79: {  	_ =	shalt  }
0x7a: {  	_ =	shalt  }
0x7b: {  	_ =	shalt  }
0x7c: {  	_ =	shalt  }
0x7d: {  	_ =	shalt  }
0x7e: {  	_ =	shalt  }
0x7f: {  	_ =	shalt  }
0x80: {  	_ =	shalt  }
0x81: {  	_ =	shalt  }
0x82: {  	_ =	shalt  }
0x83: {  	_ =	shalt  }
0x84: {  	_ =	shalt  }
0x85: {  	_ =	shalt  }
0x86: {  	_ =	shalt  }
0x87: {  	_ =	shalt  }
.Lfunc_end0:
.L_simem_size_0:
called_computation.1_lowered:
.L_overlay_start_0:
0x88: {  	s2 =	sld [smem:$0x3FD9]  }
0x89: {  	s3 =	sld [smem:$0x3FFE];
	_ =	sdelay $0x1  }
0x8a: {  	s1 =	srdreg.scid  }
0x8b: {  	s0 =	sand.u32 $0x1, s1  }
0x8c: {  	s15 =	sshll.u32 s0, $0xA;
	s2 =	sadd.s32 s3, s2  }
0x8d: {  	s2 =	sadd.s32 s2, s15  }
0x8e: {  	[smem:$0x3FB2] =	sst s2  }
0x8f: {  	_ = 	snop  }
0x90: {  	s2 =	sld [smem:$0x3FD0];
	_ =	sdelay $0x2  }
0x91: {  	s16 =	simm.s32 $0xB;
	s4 =	simm.s32 $0x10  }
0x92: {  	[smem:s4], [sflag:s16] =	dma.local [hbm:s2], $0x1  }
0x93: {  	_ =	swait.eq [sflag:s16], $0x1  }
0x94: {  	[sflag:s16] =	ssyncset.done $0x0  }
0x95: {  	[sflag:s16] =	ssyncadd.s32 $0xFFFFFFFF  }
0x96: {  	s17 =	sld [smem:$0x10];
	(tm) =	ssettm $0x1  }
0x97: {  	s18 =	sld [smem:$0x3FFB];
	_ =	sdelay $0x3  }
0x98: {  	_ =	strace s18  }
0x99: {  	s2 =	sld [smem:$0x3FFC];
	_ =	sdelay $0x3  }
0x9a: {  	_ =	strace s2  }
0x9b: {  	s2 =	sld [smem:$0x3FFD];
	_ =	sdelay $0x3  }
0x9c: {  	_ =	strace s2  }
0x9d: {  	_ =	strace $0x8FFFFFFF  }
0x9e: {  	s19 =	sld [smem:$0x3FDB];
	_ =	sdelay $0x1  }
0x9f: {  	s20 =	simm.s32 $_scs_section_size  }
0xa0: {  	s5 =	simm.s32 $_size__tile_overlayer_lowered;
	s6 =	simm.s32 $_tile_overlayer_lowered  }
0xa1: {  	s7 =	simm.s32 $0x1BFF;
	s21 =	sshll.u32 s6, $0x1;
	s4 =	sadd.s32 s20, s19  }
0xa2: {  	s22 =	simm.s32 $0x0;
	s5 =	sshll.u32 s5, $0x1;
	s6 =	sadd.s32 s21, s4  }
0xa3: {  	[timem:s22], [sflag:s7] =	dma.local [hbm:s6], s5  }
0xa4: {  	_ =	swait.ge [sflag:s7], s5  }
0xa5: {  	s5 =	ssub.s32 $0x0, s5;
	[sflag:s7] =	ssyncset.done $0x0  }
0xa6: {  	[sflag:s7] =	ssyncadd.s32 s5;
	_ =	sdelay $0x1  }
0xa7: {  	s23 =	simm.s32 $0x1B8B  }
0xa8: {  	_ =	swait.ge [sflag:s23], $0x1  }
0xa9: {  	[sflag:s23] =	ssyncset.done $0x0  }
0xaa: {  	[sflag:s23] =	ssyncadd.s32 $0xFFFFFFFF  }
0xab: {  	s5 =	sld [smem:$0x0]  }
0xac: {  	s6 =	sand.u32 $0xFFFFFFFE, s1  }
0xad: {  	p0 =	sne.s32 s1, s6  }
0xae: {  	s6 =	sshll.u32 @p0 s6, $0xE  }
0xaf: {  	s6 =	sadd.s32 @p0 $0x11B8D, s6;
	s7 =	sshll.u32 @p0 s5, $0x11  }
0xb0: {  	s6 =	sor.u32 @p0 s7, s6  }
0xb1: {  	[sflag:s6] =	ssyncadd.remote.s32 @p0 $0x1;
	_ =	sdelay $0x1  }
0xb2: {  	s6 =	simm.s32 @p0 $0x1B8D  }
0xb3: {  	_ =	swait.eq @p0 [sflag:s6], $0x1  }
0xb4: {  	[sflag:s6] =	ssyncadd.s32 @p0 $0xFFFFFFFF  }
0xb5: {  	s7 =	sshll.u32 @!p0 s1, $0xE  }
0xb6: {  	s7 =	sor.u32 @!p0 $0x4000, s7;
	s6 =	simm.s32 @!p0 $0x1B8D  }
0xb7: {  	s5 =	sshll.u32 @!p0 s5, $0x11;
	s7 =	sadd.s32 @!p0 $0x11B8D, s7;
	_ =	swait.eq @!p0 [sflag:s6], $0x1  }
0xb8: {  	s5 =	sor.u32 @!p0 s5, s7;
	[sflag:s6] =	ssyncadd.s32 @!p0 $0xFFFFFFFF  }
0xb9: {  	s25 =	simm.s32 $0x1B8E;
	s24 =	sld [smem:$0x3FFE];
	[sflag:s5] =	ssyncadd.remote.s32 @!p0 $0x1  }
0xba: {  	s26 =	simm.s32 $execute0_lowered;
	[smem:$0x3FD2] =	sst s25  }
0xbb: {  	s6 =	sshll.u32 s26, $0x1;
	_ =	strace $0x8000004C;
	[dreg:$0x1] =	wrdreg $0xFFFFFFFF  }
0xbc: {  	s28 =	simm.s32 $_size_execute0_lowered;
	s4 =	sadd.s32 s4, s6;
	[dreg:$0x0] =	wrdreg $0x0  }
0xbd: {  	s6 =	sshll.u32 s28, $0x1;
	[dreg:$0x2] =	wrdreg s4  }
0xbe: {  	[dreg:$0x3] =	wrdreg s6  }
0xbf: {  	[dreg:$0x4] =	wrdreg $0xC0  }
0xc0: {  	_ =	task [dreg:s22], $0x5FFFF  }
0xc1: {  	[dreg:$0x1] =	wrdreg $0xFFFFFFFF  }
0xc2: {  	[dreg:$0x0] =	wrdreg $0x60  }
0xc3: {  	[dreg:$0x2] =	wrdreg s24  }
0xc4: {  	[dreg:$0x3] =	wrdreg s17  }
0xc5: {  	[dreg:$0x4] =	wrdreg $0x90000  }
0xc6: {  	[dreg:$0x5] =	wrdreg $0x9  }
0xc7: {  	_ =	task.clear_ibuf [dreg:s22], $0x6FFFF;
	_ =	strace $0x9000004C  }
0xc8: {  	s29 =	simm.s32 $0x9;
	_ =	strace $0x8000004E  }
0xc9: {  	_ =	swait.ge [sflag:s29], $0x1  }
0xca: {  	[sflag:s29] =	ssyncadd.s32 $0xFFFFFFFF  }
0xcb: {  	_ =	strace $0x9000004E  }
0xcc: {  	_ =	sfence  }
0xcd: {  	s30 =	sld [smem:$0x0];
	_ =	sdelay $0x2  }
0xce: {  	s31 =	sshll.u32 s1, $0xD;
	s1 =	sshrl.u32 s1, $0x2  }
0xcf: {  	s4 =	sand.u32 $0x4000, s31;
	s1 =	sadd.s32 s1, s30  }
0xd0: {  	s0 =	sor.u32 s4, s0;
	s1 =	sshll.u32 s1, $0x11  }
0xd1: {  	s0 =	sor.u32 s1, s0  }
0xd2: {  	s0 =	sadd.s32 $0x8F2B, s0  }
0xd3: {  	[sflag:s0] =	ssyncadd.remote.s32 $0x1  }
0xd4: {  	_ =	sfence.sel $0xFFFF  }
0xd5: {  	[dreg:$0x0] =	wrdreg $0xFFFFFFFF;
	(pc) =	sbr.abs _section_cstart, $3  }
0xd6: {  	[dreg:$0x1] =	wrdreg $0xFFFFFFFF  }
0xd7: {  	_ =	task.clear_ibuf [dreg:s22], $0x2FFFF;
	_ =	strace $0x9FFFFFFF  }
0xd8: {  	(tm) =	ssettm $0x7FFFFFFF  }
0xd9: {  	_ =	shalt  }
tec
execute0_lowered:
.L_overlay_start_1:
0x0: {  	(tag) =	ssettag $0x1  }
0x1: {  	s0 =	rddreg [dreg:$0x0]  }
0x2: {  	s3 =	rddreg [dreg:$0x1]  }
0x3: {  	s1 =	rddreg [dreg:$0x2]  }
0x4: {  	s2 =	simm.s32 $0x0;
	s4 =	srdreg.scid;
	s30 =	stileid.u32  }
0x5: {  	s31 =	simm.s32 $0x50;
	[smem:$0x7FF] =	sst s2;
	s10 =	smul.u32 $0x270, s30  }
0x6: {  	s4 =	sand.u32 $0x1, s4;
	s13 =	sadd.s32 $0x13B5A00, s0;
	s7 =	smul.u32 $0x4E000, s30  }
0x7: {  	s26 =	sshll.u32 s30, $0x1;
	s24 =	smul.u32 $0x4E200, s30;
	p0 =	sne.s32 s30, $0x0  }
0x8: {  	s11 =	smul.u32 $0x27100, s4;
	_ =	strace $0x8000004D;
	s5 =	ssub.s32 $0x2, s4  }
0x9: {  	s12 =	sor.u32 s4, s26;
	s6 =	sshrl.u32 s5, $0x1;
	s17 =	sadd.s32 $0x50, s10  }
0xa: {  	s18 =	sadd.s32 $0xA0, s10;
	s19 =	sadd.s32 $0xF0, s10;
	s20 =	sadd.s32 $0x140, s10  }
0xb: {  	s21 =	sadd.s32 $0x190, s10;
	s22 =	sadd.s32 $0x1E0, s10;
	s15 =	smul.u32 $0x27100, s12  }
0xc: {  	s23 =	sadd.s32 $0x230, s10;
	s12 =	sshll.u32 s12, $0xB;
	s26 =	sadd.s32 s24, s13  }
0xd: {  	s0 =	sadd.s32 s11, s0;
	s16 =	ssub.s32 s5, s6;
	s6 =	sshrl.u32 s7, $0x2  }
0xe: {  	s7 =	sshll.u32 s17, $0x7;
	s8 =	sshll.u32 s18, $0x7;
	s9 =	sshll.u32 s19, $0x7  }
0xf: {  	s14 =	sshll.u32 s22, $0x7;
	s3 =	sadd.s32 s3, s12;
	s17 =	sshll.u32 s17, $0x4  }
0x10: {  	s24 =	sshll.u32 s18, $0x4;
	s18 =	sshll.u32 s19, $0x4;
	s28 =	sshll.u32 s22, $0x4  }
0x11: {  	s29 =	sshll.u32 s23, $0x4;
	s4 =	sadd.s32 s6, s1;
	s5 =	sadd.s32 s7, s1  }
0x12: {  	s6 =	sadd.s32 s8, s1;
	s7 =	sadd.s32 s9, s1;
	s8 =	sshll.u32 s20, $0x7  }
0x13: {  	s9 =	sshll.u32 s21, $0x7;
	s10 =	sadd.s32 s14, s1;
	[dreg:$0x4] =	wrdreg s3  }
0x14: {  	s14 =	sshll.u32 s23, $0x7;
	s25 =	sadd.s32 s13, s15;
	s15 =	sadd.s32 $0x2C600, s0  }
0x15: {  	s3 =	sadd.s32 s11, s26;
	s11 =	smul.u32 $0x2700, s30;
	s26 =	sshll.u32 s21, $0x4  }
0x16: {  	s22 =	smax.u32 s16, $0x1;
	s30 =	simm.s32 $0x1;
	s0 =	simm.s32 $0x2  }
0x17: {  	s8 =	sadd.s32 s8, s1;
	s9 =	sadd.s32 s9, s1;
	s12 =	sadd.s32 s14, s1  }
0x18: {  	[dreg:$0x5] =	wrdreg s25;
	s14 =	sadd.s32 $0x138000, s1;
	s25 =	sshll.u32 s20, $0x4  }
0x19: {  	[dreg:$0x6] =	wrdreg s22;
	s13 =	sadd.s32 $0x500, s3;
	s19 =	sadd.s32 s17, s15  }
0x1a: {  	s20 =	sadd.s32 s24, s15;
	s21 =	sadd.s32 s18, s15;
	s24 =	sadd.s32 s28, s15  }
0x1b: {  	s28 =	simm.s32 $0x3;
	s3 =	simm.s32 $0x0;
	s23 =	sadd.s32 s11, s15  }
0x1c: {  	s22 =	sadd.s32 s25, s15;
	s25 =	sadd.s32 s29, s15;
	s29 =	simm.s32 $0x6800  }
0x1d: {  	v0 =	vimm.f32 $0.0e+00;
	[dreg:$0x7] =	wrdreg s23;
	s23 =	sadd.s32 s26, s15;
	s26 =	simm.s32 $0x4000  }
.LBB2_1:
0x1e: {  	s11 =	sand.u32 $0xFE00, s2  }
0x1f: {  	s16 =	sand.u32 $0x70, s2;
	s17 =	sshrl.u32 s11, $0x2  }
0x20: {  	s11 =	simm.s32 $0x40;
	s16 =	sor.u32 s16, s17;
	s17 =	simm.s32 $0x0  }
.LBB2_2:
0x21: {  	p1 =	sne.s32 s11, $0x9FC0  }
0x22: {  	[tilespmem:s16+$0x4000] =	vst v0;
	s17 =	sadd.s32 $0x10, s17;
	s16 =	smov.u32 s11;
	s11 =	sadd.s32 $0x40, s11  }
.Ltmp0:
0x23: {  	(pc) =	sbr.rel @p1 .LBB2_2-.Ltmp0, $4  }
0x24: {  	_ = 	snop  }
0x25: {  	s16 =	sand.u32 $0xFE00, s16  }
0x26: {  	s18 =	sand.u32 $0x70, s17;
	s16 =	sshrl.u32 s16, $0x2  }
0x27: {  	s16 =	sor.u32 s18, s16  }
0x28: {  	[tilespmem:s16+$0x4000] =	vst v0  }
0x29: {  	[spmem:s4] =	stream.linear.scatter [tilespmem:s26], [sflag:$0x3], $0x2800, $0x38;
	[tilespmem:$0x1C880] =	vst v63  }
0x2a: {  	_ =	swait.ge [sflag:s28], $0x2800  }
0x2b: {  	[sflag:s28] =	ssyncset.done $0x0  }
0x2c: {  	[sflag:s28] =	ssyncadd.s32 $0xFFFFD800  }
0x2d: {  	[spmem:s5] =	stream.linear.scatter [tilespmem:s26], [sflag:$0x3], $0x2800, $0x38;
	[tilespmem:$0x1C880] =	vst v63  }
0x2e: {  	_ =	swait.ge [sflag:s28], $0x2800  }
0x2f: {  	[sflag:s28] =	ssyncset.done $0x0  }
0x30: {  	[sflag:s28] =	ssyncadd.s32 $0xFFFFD800  }
0x31: {  	[spmem:s6] =	stream.linear.scatter [tilespmem:s26], [sflag:$0x3], $0x2800, $0x38;
	[tilespmem:$0x1C880] =	vst v63  }
0x32: {  	_ =	swait.ge [sflag:s28], $0x2800  }
0x33: {  	[sflag:s28] =	ssyncset.done $0x0  }
0x34: {  	[sflag:s28] =	ssyncadd.s32 $0xFFFFD800  }
0x35: {  	[spmem:s7] =	stream.linear.scatter [tilespmem:s26], [sflag:$0x3], $0x2800, $0x38;
	[tilespmem:$0x1C880] =	vst v63  }
0x36: {  	_ =	swait.ge [sflag:s28], $0x2800  }
0x37: {  	[sflag:s28] =	ssyncset.done $0x0  }
0x38: {  	[sflag:s28] =	ssyncadd.s32 $0xFFFFD800  }
0x39: {  	[spmem:s8] =	stream.linear.scatter [tilespmem:s26], [sflag:$0x3], $0x2800, $0x38;
	[tilespmem:$0x1C880] =	vst v63  }
0x3a: {  	_ =	swait.ge [sflag:s28], $0x2800  }
0x3b: {  	[sflag:s28] =	ssyncset.done $0x0  }
0x3c: {  	[sflag:s28] =	ssyncadd.s32 $0xFFFFD800  }
0x3d: {  	[spmem:s9] =	stream.linear.scatter [tilespmem:s26], [sflag:$0x3], $0x2800, $0x38;
	[tilespmem:$0x1C880] =	vst v63  }
0x3e: {  	_ =	swait.ge [sflag:s28], $0x2800  }
0x3f: {  	[sflag:s28] =	ssyncset.done $0x0  }
0x40: {  	[sflag:s28] =	ssyncadd.s32 $0xFFFFD800  }
0x41: {  	[spmem:s10] =	stream.linear.scatter [tilespmem:s26], [sflag:$0x3], $0x2800, $0x38;
	[tilespmem:$0x1C880] =	vst v63  }
0x42: {  	_ =	swait.ge [sflag:s28], $0x2800  }
0x43: {  	[sflag:s28] =	ssyncset.done $0x0  }
0x44: {  	[sflag:s28] =	ssyncadd.s32 $0xFFFFD800  }
0x45: {  	[spmem:s12] =	stream.linear.scatter [tilespmem:s26], [sflag:$0x3], $0x2000, $0x38;
	[tilespmem:$0x1C880] =	vst v63  }
0x46: {  	_ =	swait.ge [sflag:s28], $0x2000  }
0x47: {  	[sflag:s28] =	ssyncset.done $0x0  }
0x48: {  	s11 =	simm.s32 @!p0 $0x4000;
	[sflag:s28] =	ssyncadd.s32 $0xFFFFE000  }
0x49: {  	[spmem:s14] =	stream.linear.scatter @!p0 [tilespmem:s11], [sflag:$0x3], $0x800, $0x38;
	[tilespmem:$0x1C880] =	vst v63  }
0x4a: {  	s11 =	simm.s32 @!p0 $0x3  }
0x4b: {  	_ =	swait.ge @!p0 [sflag:s11], $0x800  }
0x4c: {  	[sflag:s11] =	ssyncset.done @!p0 $0x0  }
0x4d: {  	[sflag:s11] =	ssyncadd.s32 @!p0 $0xFFFFF800  }
0x4e: {  	[bflag:$0x0] =	sbarrier.arrive $0xFFFF  }
0x4f: {  	s11 =	simm.s32 $0x0;
	s17 =	rddreg [dreg:$0x4]  }
0x50: {  	[tilespmem:s11], [sflag:$0x3] =	stream.linear.gather [hbm4b:s17+s11], $0x3E80, $0x38;
	[tilespmem:$0x1C880] =	vst v63  }
0x51: {  	_ =	swait.ge [sflag:s28], $0x3E80  }
0x52: {  	[sflag:s28] =	ssyncset.done $0x0  }
0x53: {  	s18 =	rddreg [dreg:$0x5];
	[sflag:s28] =	ssyncadd.s32 $0xFFFFC180  }
0x54: {  	[tilespmem:s26], [sflag:$0x1] =	stream.linear.gather [hbm4b:s18+s11], $0x2800, $0x38;
	[tilespmem:$0x1C880] =	vst v63  }
0x55: {  	_ = 	snop  }
0x56: {  	[tilespmem:s29], [sflag:$0x2] =	stream.linear.gather [hbm4b:s13+s2], $0x2800, $0x38;
	[tilespmem:$0x1C880] =	vst v63  }
0x57: {  	_ =	swait.ge [sflag:s30], $0x2800  }
0x58: {  	[sflag:s30] =	ssyncset.done $0x0  }
0x59: {  	s16 =	simm.s32 $0x0;
	[sflag:s30] =	ssyncadd.s32 $0xFFFFD800  }
0x5a: {  	[spmem:s1] =	stream.indirect.scatter.add.f32 [tilespmem:s26], [sflag:$0x3], $0x80, s16, s31, $0xb8;
	[tilespmem:$0x1C880] =	vst v63  }
0x5b: {  	_ =	swait.ge [sflag:s28], $0x2800  }
0x5c: {  	[sflag:s28] =	ssyncset.done $0x0  }
0x5d: {  	s17 =	sadd.s32 $0x500, s13;
	[sflag:s28] =	ssyncadd.s32 $0xFFFFD800  }
0x5e: {  	[tilespmem:s26], [sflag:$0x1] =	stream.linear.gather [hbm4b:s17+s2], $0x2800, $0x38;
	[tilespmem:$0x1C880] =	vst v63  }
0x5f: {  	_ =	swait.ge [sflag:s0], $0x2800  }
0x60: {  	[sflag:s0] =	ssyncset.done $0x0  }
0x61: {  	s18 =	simm.s32 $0x80;
	[sflag:s0] =	ssyncadd.s32 $0xFFFFD800  }
0x62: {  	[spmem:s1] =	stream.indirect.scatter.add.f32 [tilespmem:s29], [sflag:$0x3], $0x80, s18, s31, $0xb8;
	[tilespmem:$0x1C880] =	vst v63  }
0x63: {  	_ =	swait.ge [sflag:s28], $0x2800  }
0x64: {  	s11 =	simm.s32 $0x400;
	s17 =	smov.u32 s13;
	[sflag:s28] =	ssyncset.done $0x0  }
.LBB2_4:
0x65: {  	p1 =	sne.s32 s11, $0xF400;
	[sflag:s28] =	ssyncadd.s32 $0xFFFFD800;
	s17 =	sadd.s32 $0xA00, s17  }
0x66: {  	[tilespmem:s29], [sflag:$0x2] =	stream.linear.gather [hbm4b:s17+s2], $0x2800, $0x38;
	[tilespmem:$0x1C880] =	vst v63  }
0x67: {  	s16 =	smov.u32 s11;
	s11 =	sadd.s32 $0x400, s11;
	_ =	swait.ge [sflag:s30], $0x2800  }
0x68: {  	[sflag:s30] =	ssyncset.done $0x0  }
0x69: {  	s16 =	sshra.s32 s16, $0x2;
	[sflag:s30] =	ssyncadd.s32 $0xFFFFD800  }
0x6a: {  	[spmem:s1] =	stream.indirect.scatter.add.f32 [tilespmem:s26], [sflag:$0x3], $0x80, s16, s31, $0xb8;
	[tilespmem:$0x1C880] =	vst v63  }
0x6b: {  	_ =	swait.ge [sflag:s28], $0x2800  }
0x6c: {  	[sflag:s28] =	ssyncset.done $0x0  }
0x6d: {  	s18 =	sadd.s32 $0x500, s17;
	[sflag:s28] =	ssyncadd.s32 $0xFFFFD800  }
0x6e: {  	[tilespmem:s26], [sflag:$0x1] =	stream.linear.gather [hbm4b:s18+s2], $0x2800, $0x38;
	[tilespmem:$0x1C880] =	vst v63  }
0x6f: {  	_ =	swait.ge [sflag:s0], $0x2800  }
.Ltmp1:
0x70: {  	[sflag:s0] =	ssyncset.done $0x0;
	(pc) =	sbr.rel @p1 .LBB2_4-.Ltmp1, $4  }
0x71: {  	s16 =	sadd.s32 $0x80, s16;
	[sflag:s0] =	ssyncadd.s32 $0xFFFFD800  }
0x72: {  	[spmem:s1] =	stream.indirect.scatter.add.f32 [tilespmem:s29], [sflag:$0x3], $0x80, s16, s31, $0xb8;
	[tilespmem:$0x1C880] =	vst v63  }
0x73: {  	_ =	swait.ge [sflag:s28], $0x2800  }
0x74: {  	[sflag:s28] =	ssyncset.done $0x0  }
0x75: {  	[sflag:s28] =	ssyncadd.s32 $0xFFFFD800  }
0x76: {  	_ =	swait.ge [sflag:s30], $0x2800  }
0x77: {  	[sflag:s30] =	ssyncset.done $0x0  }
0x78: {  	s11 =	simm.s32 $0x3E00;
	[sflag:s30] =	ssyncadd.s32 $0xFFFFD800  }
0x79: {  	[spmem:s1] =	stream.indirect.scatter.add.f32 [tilespmem:s26], [sflag:$0x3], $0x80, s11, s31, $0xb8;
	[tilespmem:$0x1C880] =	vst v63  }
0x7a: {  	_ =	swait.ge [sflag:s28], $0x2800  }
0x7b: {  	[sflag:s28] =	ssyncset.done $0x0  }
0x7c: {  	s16 =	stileid.u32;
	[sflag:s28] =	ssyncadd.s32 $0xFFFFD800  }
0x7d: {  	s11 =	sshll.u32 s16, $0x6;
	[bflag:$0x0] =	sbarrier.arrive $0xFFFF  }
0x7e: {  	s16 =	sshrl.u32 s4, $0x3;
	s11 =	sor.u32 $0x1C03, s11;
	s17 =	rddreg [dreg:$0x7]  }
0x7f: {  	[hbm:s17], [sflag:s11] =	dma.local [spmem:s16], $0x500  }
0x80: {  	_ =	swait.ge [sflag:s28], $0x500  }
0x81: {  	[sflag:s28] =	ssyncset.done $0x0  }
0x82: {  	s17 =	sshrl.u32 s5, $0x3;
	[sflag:s28] =	ssyncadd.s32 $0xFFFFFB00  }
0x83: {  	[hbm:s19], [sflag:s11] =	dma.local [spmem:s17], $0x500  }
0x84: {  	_ =	swait.ge [sflag:s28], $0x500  }
0x85: {  	[sflag:s28] =	ssyncset.done $0x0  }
0x86: {  	s18 =	sshrl.u32 s6, $0x3;
	[sflag:s28] =	ssyncadd.s32 $0xFFFFFB00  }
0x87: {  	[hbm:s20], [sflag:s11] =	dma.local [spmem:s18], $0x500  }
0x88: {  	_ =	swait.ge [sflag:s28], $0x500  }
0x89: {  	[sflag:s28] =	ssyncset.done $0x0  }
0x8a: {  	s17 =	sshrl.u32 s7, $0x3;
	[sflag:s28] =	ssyncadd.s32 $0xFFFFFB00  }
0x8b: {  	[hbm:s21], [sflag:s11] =	dma.local [spmem:s17], $0x500  }
0x8c: {  	_ =	swait.ge [sflag:s28], $0x500  }
0x8d: {  	[sflag:s28] =	ssyncset.done $0x0  }
0x8e: {  	s18 =	sshrl.u32 s8, $0x3;
	[sflag:s28] =	ssyncadd.s32 $0xFFFFFB00  }
0x8f: {  	[hbm:s22], [sflag:s11] =	dma.local [spmem:s18], $0x500  }
0x90: {  	_ =	swait.ge [sflag:s28], $0x500  }
0x91: {  	[sflag:s28] =	ssyncset.done $0x0  }
0x92: {  	s17 =	sshrl.u32 s9, $0x3;
	[sflag:s28] =	ssyncadd.s32 $0xFFFFFB00  }
0x93: {  	[hbm:s23], [sflag:s11] =	dma.local [spmem:s17], $0x500  }
0x94: {  	_ =	swait.ge [sflag:s28], $0x500  }
0x95: {  	[sflag:s28] =	ssyncset.done $0x0  }
0x96: {  	s18 =	sshrl.u32 s10, $0x3;
	[sflag:s28] =	ssyncadd.s32 $0xFFFFFB00  }
0x97: {  	[hbm:s24], [sflag:s11] =	dma.local [spmem:s18], $0x500  }
0x98: {  	_ =	swait.ge [sflag:s28], $0x500  }
0x99: {  	[sflag:s28] =	ssyncset.done $0x0  }
0x9a: {  	s17 =	sshrl.u32 s12, $0x3;
	[sflag:s28] =	ssyncadd.s32 $0xFFFFFB00  }
0x9b: {  	[hbm:s25], [sflag:s11] =	dma.local [spmem:s17], $0x400  }
0x9c: {  	_ =	swait.ge [sflag:s28], $0x400  }
0x9d: {  	[sflag:s28] =	ssyncset.done $0x0  }
0x9e: {  	s16 =	sadd.s32 @!p0 $0x27000, s15;
	s17 =	sshrl.u32 @!p0 s14, $0x3;
	[sflag:s28] =	ssyncadd.s32 $0xFFFFFC00  }
0x9f: {  	[hbm:s16], [sflag:s11] =	dma.local @!p0 [spmem:s17], $0x100  }
0xa0: {  	s11 =	simm.s32 @!p0 $0x3  }
0xa1: {  	_ =	swait.ge @!p0 [sflag:s11], $0x100  }
0xa2: {  	s3 =	sadd.s32 $0x1, s3;
	s18 =	rddreg [dreg:$0x6]  }
0xa3: {  	p1 =	sne.s32 s3, s18  }
.Ltmp2:
0xa4: {  	_ = 	snop;
	(pc) =	sbr.rel @p1 .LBB2_1-.Ltmp2, $3  }
0xa5: {  	_ =	sdelay $0x1  }
0xa6: {  	[sflag:s11] =	ssyncset.done @!p0 $0x0  }
0xa7: {  	[sflag:s11] =	ssyncadd.s32 @!p0 $0xFFFFFF00  }
0xa8: {  	_ =	sfence.sel $0x180000  }
0xa9: {  	[bflag:$0x0] =	sbarrier.arrive $0xFFFF  }
0xaa: {  	_ =	strace $0x9000004D  }
0xab: {  	[bflag:$0x2] =	sbarrier.arrive $0xFFFF  }
0xac: {  	s0 =	rddreg [dreg:$0x3]  }
0xad: {  	s0 =	sadd.s32 @!p0 $0x100000, s0  }
0xae: {  	[sflag:s0] =	ssyncadd.tile.s32 @!p0 $0x1;
	_ =	shalt  }
.Lfunc_end2:
_tile_overlayer_lowered:
.L_overlay_start_2:
0xaf: {  	(tag) =	ssettag $0x2  }
0xb0: {  	s0 =	rddreg [dreg:$0x0];
	s2 =	stileid.u32  }
0xb1: {  	s1 =	rddreg [dreg:$0x1];
	p0 =	sne.s32 s2, $0x0  }
0xb2: {  	s3 =	rddreg [dreg:$0x2];
	[bflag:$0x3] =	sbarrier.arrive $0xFFFF;
	s2 =	simm.s32 @!p0 $0x1C03  }
0xb3: {  	[timem:s3], [sflag:s2] =	dma.local @!p0 [hbm:s0], s1  }
0xb4: {  	s0 =	simm.s32 @!p0 $0x3  }
0xb5: {  	_ =	swait.ge @!p0 [sflag:s0], s1  }
0xb6: {  	s1 =	ssub.s32 @!p0 $0x0, s1;
	[sflag:s0] =	ssyncset.done @!p0 $0x0  }
0xb7: {  	[sflag:s0] =	ssyncadd.s32 @!p0 s1  }
0xb8: {  	[bflag:$0x3] =	sbarrier.arrive $0xFFFF  }
0xb9: {  	_ =	shalt  }

// kernel: kernel.15.cloned.1.call-start
scs
__scs_entry_jumppad:
0x0: {  	(pc) =	sbr.rel $0x88, $3  }
0x1: {  	(tag) =	ssettag $0x0;
	lr =	simm.s32 $0x1  }
0x2: {  	[smem:$0x3F8B] =	sst lr;
	_ =	strace $0xD0000000  }
0x3: {  	_ = 	snop  }
0x4: {  	_ = 	snop  }
0x5: {  	_ = 	snop  }
0x6: {  	_ = 	snop  }
0x7: {  	_ = 	snop  }
__scs_overlays_trampoline_lowered:
0x8: {  	[smem:$0x3F9A] =	sst s0  }
0x9: {  	[smem:$0x3F9B] =	sst s1  }
0xa: {  	[smem:$0x3F9C] =	sst s2  }
0xb: {  	[smem:$0x3F9D] =	sst s3  }
0xc: {  	[smem:$0x3F9E] =	sst s4  }
0xd: {  	[smem:$0x3F9F] =	sst s5  }
0xe: {  	[smem:$0x3FA0] =	sst s6  }
0xf: {  	[smem:$0x3FA1] =	sst s7  }
0x10: {  	[smem:$0x3FA2] =	sst s8  }
0x11: {  	[smem:$0x3FA3] =	sst s9;
	s0 =	simm.s32 @!p0 $0x0  }
0x12: {  	s1 =	sld [smem:$0x3F89];
	s0 =	simm.s32 @p0 $0x1  }
0x13: {  	[smem:$0x3FA4] =	sst s0;
	s0 =	simm.s32 @!p1 $0x0  }
0x14: {  	s2 =	sld [smem:$0x3F88];
	s0 =	simm.s32 @p1 $0x1  }
0x15: {  	[smem:$0x3FA5] =	sst s0;
	s0 =	simm.s32 @!p2 $0x0  }
0x16: {  	s3 =	sld [smem:$0x3FDB];
	s0 =	simm.s32 @p2 $0x1  }
0x17: {  	s4 =	simm.s32 $0x1BF5;
	[smem:$0x3FA7] =	sst s0  }
0x18: {  	s0 =	sld [smem:$0x3F8A];
	_ =	swait.ge [sflag:s4], $0x0  }
0x19: {  	s7 =	sld [smem:$0x3F8B]  }
0x1a: {  	s8 =	sadd.s32 $0xFFFFE003, lr  }
0x1b: {  	s9 =	sadd.s32 $0xFFFFFEF7, lr;
	s5 =	simm.s32 $0xFFFFFFFF;
	p2 =	slt.u32 s8, $0xFFFFF086  }
0x1c: {  	p1 =	slt.u32 s9, $0xF7A;
	s5 =	simm.s32 @!p2 $0x0  }
0x1d: {  	s5 =	simm.s32 @p1 $0x1;
	p0 =	seq.s32 s7, s2  }
0x1e: {  	s7 =	smul.u32 @!p0 $0xF7A, s2;
	p2 =	seq.s32 @!p0 s5, $0x0  }
0x1f: {  	s9 =	smul.u32 $0xF7A, s1;
	s8 =	simm.s32 @!p0 $0x1BF5;
	p2 =	por !p2, p0  }
0x20: {  	[sflag:s8] =	ssyncset.s32 @!p0 $0xFFFFF086;
	s6 =	sadd.s32 @!p0 s3, s7;
	s7 =	simm.s32 @!p0 $0x108  }
0x21: {  	s3 =	sadd.s32 s3, s9;
	s6 =	sadd.s32 @!p0 $0x88, s6;
	s7 =	simm.s32 @p2 $0x1082  }
0x22: {  	[simem:s7], [sflag:s8] =	dma.local @!p0 [hbm:s6], $0xF7A  }
0x23: {  	s9 =	sor.u32 $0xD0000000, s2;
	s6 =	simm.s32 $0x108;
	_ =	swait.ge @!p0 [sflag:s8], $0x0  }
0x24: {  	s3 =	sadd.s32 $0x88, s3;
	s6 =	simm.s32 @!p1 $0x1082;
	[sflag:s4] =	ssyncset.s32 $0xFFFFF086  }
0x25: {  	[simem:s6], [sflag:s4] =	dma.local [hbm:s3], $0xF7A  }
0x26: {  	[smem:$0x3F8B] =	sst s1;
	(tag) =	ssettag s2;
	_ =	strace s9  }
0x27: {  	s1 =	sld [smem:$0x3F9B]  }
0x28: {  	s2 =	sld [smem:$0x3F9C]  }
0x29: {  	s4 =	sld [smem:$0x3F9E]  }
0x2a: {  	p0 =	seq.s32 s5, $0x0;
	s5 =	sld [smem:$0x3F9F]  }
0x2b: {  	s6 =	sld [smem:$0x3FA0]  }
0x2c: {  	s7 =	sld [smem:$0x3FA1]  }
0x2d: {  	s3 =	simm.s32 $0x108;
	s8 =	sld [smem:$0x3FA2]  }
0x2e: {  	s3 =	simm.s32 @!p0 $0x1082;
	s9 =	sld [smem:$0x3FA3]  }
0x2f: {  	lr =	sadd.s32 s0, s3;
	s0 =	sld [smem:$0x3F9A]  }
0x30: {  	s3 =	sld [smem:$0x3F9D]  }
0x31: {  	[smem:$0x3FA6] =	sst s10  }
0x32: {  	s10 =	sld [smem:$0x3FA4];
	_ =	sdelay $0x3  }
0x33: {  	p0 =	seq.s32 s10, $0x1;
	s10 =	sld [smem:$0x3FA6];
	_ =	sdelay $0x3  }
0x34: {  	[smem:$0x3FA6] =	sst s10  }
0x35: {  	s10 =	sld [smem:$0x3FA5];
	_ =	sdelay $0x3  }
0x36: {  	p1 =	seq.s32 s10, $0x1;
	s10 =	sld [smem:$0x3FA6];
	_ =	sdelay $0x3  }
0x37: {  	[smem:$0x3FA6] =	sst s10  }
0x38: {  	s10 =	sld [smem:$0x3FA7]  }
0x39: {  	_ = 	snop;
	(pc) =	sbr.ind lr, $3  }
0x3a: {  	_ = 	snop  }
0x3b: {  	_ = 	snop  }
0x3c: {  	p2 =	seq.s32 s10, $0x1;
	s10 =	sld [smem:$0x3FA6]  }
0x3d: {  	_ =	shalt  }
0x3e: {  	_ =	shalt  }
0x3f: {  	_ =	shalt  }
0x40: {  	_ =	shalt  }
0x41: {  	_ =	shalt  }
0x42: {  	_ =	shalt  }
0x43: {  	_ =	shalt  }
0x44: {  	_ =	shalt  }
0x45: {  	_ =	shalt  }
0x46: {  	_ =	shalt  }
0x47: {  	_ =	shalt  }
0x48: {  	_ =	shalt  }
0x49: {  	_ =	shalt  }
0x4a: {  	_ =	shalt  }
0x4b: {  	_ =	shalt  }
0x4c: {  	_ =	shalt  }
0x4d: {  	_ =	shalt  }
0x4e: {  	_ =	shalt  }
0x4f: {  	_ =	shalt  }
0x50: {  	_ =	shalt  }
0x51: {  	_ =	shalt  }
0x52: {  	_ =	shalt  }
0x53: {  	_ =	shalt  }
0x54: {  	_ =	shalt  }
0x55: {  	_ =	shalt  }
0x56: {  	_ =	shalt  }
0x57: {  	_ =	shalt  }
0x58: {  	_ =	shalt  }
0x59: {  	_ =	shalt  }
0x5a: {  	_ =	shalt  }
0x5b: {  	_ =	shalt  }
0x5c: {  	_ =	shalt  }
0x5d: {  	_ =	shalt  }
0x5e: {  	_ =	shalt  }
0x5f: {  	_ =	shalt  }
0x60: {  	_ =	shalt  }
0x61: {  	_ =	shalt  }
0x62: {  	_ =	shalt  }
0x63: {  	_ =	shalt  }
0x64: {  	_ =	shalt  }
0x65: {  	_ =	shalt  }
0x66: {  	_ =	shalt  }
0x67: {  	_ =	shalt  }
0x68: {  	_ =	shalt  }
0x69: {  	_ =	shalt  }
0x6a: {  	_ =	shalt  }
0x6b: {  	_ =	shalt  }
0x6c: {  	_ =	shalt  }
0x6d: {  	_ =	shalt  }
0x6e: {  	_ =	shalt  }
0x6f: {  	_ =	shalt  }
0x70: {  	_ =	shalt  }
0x71: {  	_ =	shalt  }
0x72: {  	_ =	shalt  }
0x73: {  	_ =	shalt  }
0x74: {  	_ =	shalt  }
0x75: {  	_ =	shalt  }
0x76: {  	_ =	shalt  }
0x77: {  	_ =	shalt  }
0x78: {  	_ =	shalt  }
0x79: {  	_ =	shalt  }
0x7a: {  	_ =	shalt  }
0x7b: {  	_ =	shalt  }
0x7c: {  	_ =	shalt  }
0x7d: {  	_ =	shalt  }
0x7e: {  	_ =	shalt  }
0x7f: {  	_ =	shalt  }
0x80: {  	_ =	shalt  }
0x81: {  	_ =	shalt  }
0x82: {  	_ =	shalt  }
0x83: {  	_ =	shalt  }
0x84: {  	_ =	shalt  }
0x85: {  	_ =	shalt  }
0x86: {  	_ =	shalt  }
0x87: {  	_ =	shalt  }
.Lfunc_end0:
.L_simem_size_0:
called_computation.2_lowered:
.L_overlay_start_0:
0x88: {  	s2 =	sld [smem:$0x3FD9]  }
0x89: {  	s3 =	sld [smem:$0x3FFE];
	_ =	sdelay $0x1  }
0x8a: {  	s1 =	srdreg.scid  }
0x8b: {  	s0 =	sand.u32 $0x1, s1  }
0x8c: {  	s17 =	sshll.u32 s0, $0xA;
	s2 =	sadd.s32 s3, s2  }
0x8d: {  	s2 =	sadd.s32 s2, s17  }
0x8e: {  	[smem:$0x3FB2] =	sst s2  }
0x8f: {  	_ = 	snop  }
0x90: {  	s2 =	sld [smem:$0x3FC7];
	(tm) =	ssettm $0x1  }
0x91: {  	s18 =	sld [smem:$0x3FFB];
	_ =	sdelay $0x3  }
0x92: {  	_ =	strace s18  }
0x93: {  	s3 =	sld [smem:$0x3FFC];
	_ =	sdelay $0x3  }
0x94: {  	_ =	strace s3  }
0x95: {  	s3 =	sld [smem:$0x3FFD];
	_ =	sdelay $0x3  }
0x96: {  	_ =	strace s3  }
0x97: {  	_ =	strace $0x8FFFFFFF  }
0x98: {  	s19 =	sld [smem:$0x3FDB];
	_ =	sdelay $0x1  }
0x99: {  	s4 =	simm.s32 $_scs_section_size  }
0x9a: {  	s5 =	simm.s32 $_size__tile_overlayer_lowered;
	s6 =	simm.s32 $_tile_overlayer_lowered  }
0x9b: {  	s22 =	simm.s32 $0x1BFF;
	s21 =	sshll.u32 s6, $0x1;
	s3 =	sadd.s32 s4, s19  }
0x9c: {  	s7 =	simm.s32 $0x0;
	s20 =	sshll.u32 s5, $0x1;
	s5 =	sadd.s32 s21, s3  }
0x9d: {  	[timem:s7], [sflag:s22] =	dma.local [hbm:s5], s20  }
0x9e: {  	_ =	swait.ge [sflag:s22], s20  }
0x9f: {  	s4 =	ssub.s32 $0x0, s20;
	[sflag:s22] =	ssyncset.done $0x0  }
0xa0: {  	[sflag:s22] =	ssyncadd.s32 s4;
	_ =	sdelay $0x1  }
0xa1: {  	s23 =	simm.s32 $0x1B8B  }
0xa2: {  	_ =	swait.ge [sflag:s23], $0x1  }
0xa3: {  	[sflag:s23] =	ssyncset.done $0x0  }
0xa4: {  	s25 =	simm.s32 $0x1B8E;
	s24 =	sld [smem:$0x3FFE];
	[sflag:s23] =	ssyncadd.s32 $0xFFFFFFFF  }
0xa5: {  	s26 =	simm.s32 $execute0_lowered;
	[smem:$0x3FD2] =	sst s25  }
0xa6: {  	s5 =	sshll.u32 s26, $0x1;
	_ =	strace $0x80000049;
	[dreg:$0x1] =	wrdreg $0xFFFFFFFF  }
0xa7: {  	s28 =	simm.s32 $_size_execute0_lowered;
	s3 =	sadd.s32 s3, s5;
	[dreg:$0x0] =	wrdreg $0x0  }
0xa8: {  	s5 =	sshll.u32 s28, $0x1;
	[dreg:$0x2] =	wrdreg s3  }
0xa9: {  	[dreg:$0x3] =	wrdreg s5  }
0xaa: {  	[dreg:$0x4] =	wrdreg $0xC0  }
0xab: {  	_ =	task [dreg:s7], $0x5FFFF  }
0xac: {  	[dreg:$0x1] =	wrdreg $0xFFFFFFFF  }
0xad: {  	[dreg:$0x0] =	wrdreg $0x60  }
0xae: {  	[dreg:$0x2] =	wrdreg s24  }
0xaf: {  	[dreg:$0x3] =	wrdreg s2  }
0xb0: {  	[dreg:$0x4] =	wrdreg $0xA  }
0xb1: {  	_ =	task.clear_ibuf [dreg:s7], $0x5FFFF;
	_ =	strace $0x90000049  }
0xb2: {  	s29 =	simm.s32 $0xA;
	_ =	strace $0x8000004B  }
0xb3: {  	_ =	swait.ge [sflag:s29], $0x1  }
0xb4: {  	[sflag:s29] =	ssyncadd.s32 $0xFFFFFFFF  }
0xb5: {  	_ =	strace $0x9000004B  }
0xb6: {  	_ =	sfence  }
0xb7: {  	s30 =	sld [smem:$0x0];
	_ =	sdelay $0x2  }
0xb8: {  	s31 =	sshll.u32 s1, $0xD;
	s1 =	sshrl.u32 s1, $0x2  }
0xb9: {  	s3 =	sand.u32 $0x4000, s31;
	s1 =	sadd.s32 s1, s30  }
0xba: {  	s0 =	sor.u32 s3, s0;
	s1 =	sshll.u32 s1, $0x11  }
0xbb: {  	s0 =	sor.u32 s1, s0  }
0xbc: {  	s0 =	sadd.s32 $0x8F2B, s0  }
0xbd: {  	[sflag:s0] =	ssyncadd.remote.s32 $0x1  }
0xbe: {  	_ =	sfence.sel $0xFFFF  }
0xbf: {  	[dreg:$0x0] =	wrdreg $0xFFFFFFFF;
	(pc) =	sbr.abs _section_cstart, $3  }
0xc0: {  	[dreg:$0x1] =	wrdreg $0xFFFFFFFF  }
0xc1: {  	_ =	task.clear_ibuf [dreg:s7], $0x2FFFF;
	_ =	strace $0x9FFFFFFF  }
0xc2: {  	(tm) =	ssettm $0x7FFFFFFF  }
0xc3: {  	_ =	shalt  }
tec
execute0_lowered:
.L_overlay_start_1:
0x0: {  	(tag) =	ssettag $0x1  }
0x1: {  	s3 =	rddreg [dreg:$0x0]  }
0x2: {  	s4 =	rddreg [dreg:$0x1]  }
0x3: {  	s2 =	srdreg.scid;
	s1 =	stileid.u32  }
0x4: {  	s0 =	rddreg [dreg:$0x2];
	s12 =	simm.s32 $0x7780;
	s13 =	simm.s32 $0x2  }
0x5: {  	s14 =	simm.s32 $0x80;
	s15 =	simm.s32 $0x400;
	s16 =	simm.s32 $0x0  }
0x6: {  	s5 =	sand.u32 $0x1, s2;
	s7 =	sshrl.u32 s1, $0x2;
	s11 =	smul.u32 $0x4E200, s1  }
0x7: {  	v0 =	vlaneseq.u32;
	s6 =	sshll.u32 s1, $0x1;
	s2 =	simm.s32 $0x0;
	s7 =	smul.u32 $0x4E400, s7  }
0x8: {  	v0 =	vmul.u32 $0x80, v0;
	s6 =	sor.u32 s5, s6;
	s28 =	ssub.s32 $0x2, s5;
	s5 =	smul.u32 $0x27100, s5  }
0x9: {  	s10 =	sadd.s32 $0xED3A00, s3;
	[smem:$0x7FF] =	sst s2;
	s9 =	smul.u32 $0x2710, s6  }
0xa: {  	v1 =	vimm.f32 $0.0e+00;
	s8 =	sshll.u32 s6, $0x7;
	_ =	strace $0x8000004A;
	s6 =	smul.u32 $0x27100, s6;
	v2 =	vor.u32 $0x1, v0  }
0xb: {  	s29 =	sshrl.u32 s28, $0x1;
	s31 =	sadd.s32 s11, s10;
	v3 =	vor.u32 $0x2, v0;
	v4 =	vor.u32 $0x3, v0;
	v5 =	vor.u32 $0x800, v0;
	s8 =	sand.u32 $0x380, s8  }
0xc: {  	v6 =	vor.u32 $0x801, v0;
	v7 =	vor.u32 $0x802, v0;
	v8 =	vor.u32 $0x803, v0;
	s11 =	simm.s32 $0x1;
	s7 =	sor.u32 s7, s8;
	s8 =	ssub.s32 s28, s29  }
0xd: {  	v9 =	vor.u32 $0x1000, v0;
	v10 =	vor.u32 $0x1001, v0;
	v11 =	vor.u32 $0x1002, v0;
	s30 =	sshrl.u32 s9, $0x3;
	s9 =	sadd.s32 s5, s31;
	s7 =	sshrl.u32 s7, $0x3  }
0xe: {  	v12 =	vor.u32 $0x1003, v0;
	v13 =	vor.u32 $0x1800, v0;
	v14 =	vor.u32 $0x1801, v0;
	s7 =	sadd.s32 s7, s3;
	s3 =	sadd.s32 s4, s30;
	s4 =	sadd.s32 s10, s6  }
0xf: {  	v15 =	vor.u32 $0x1802, v0;
	v16 =	vor.u32 $0x1803, v0;
	v17 =	vor.u32 $0x2000, v0;
	s6 =	smax.u32 s8, $0x1;
	s8 =	simm.s32 $0x3;
	s10 =	simm.s32 $0x4F80  }
0x10: {  	v18 =	vor.u32 $0x2001, v0;
	v19 =	vor.u32 $0x2002, v0;
	v20 =	vor.u32 $0x2003, v0;
	s5 =	sadd.s32 $0x5400, s7;
	s7 =	sadd.s32 $0xA00, s9;
	s9 =	simm.s32 $0x2780  }
.LBB2_1:
0x11: {  	s17 =	simm.s32 $0x40;
	s18 =	simm.s32 $0x0  }
.LBB2_2:
0x12: {  	p0 =	sne.s32 s17, $0x270C0;
	[tilespmem:s18+$0x7780] =	vst v1;
	s18 =	smov.u32 s17;
	s17 =	sadd.s32 $0x40, s17  }
.Ltmp0:
0x13: {  	(pc) =	sbr.rel @p0 .LBB2_2-.Ltmp0, $2  }
0x14: {  	_ =	sdelay $0x2  }
0x15: {  	s18 =	sshra.s32 s18, $0x2  }
0x16: {  	[tilespmem:s18+$0x7780] =	vst v1;
	s17 =	simm.s32 $0x0  }
0x17: {  	[tilespmem:s17], [sflag:$0x3] =	stream.linear.gather [hbm4b:s3+s17], $0x2710, $0x38;
	[tilespmem:$0x11400] =	vst v63  }
0x18: {  	_ =	swait.ge [sflag:s8], $0x2710  }
0x19: {  	[sflag:s8] =	ssyncset.done $0x0  }
0x1a: {  	s18 =	simm.s32 $0x50;
	s19 =	smov.u32 s7;
	[sflag:s8] =	ssyncadd.s32 $0xFFFFD8F0  }
0x1b: {  	[tilespmem:s9], [sflag:$0x1] =	stream.linear.gather [hbm4b:s4+s17], $0x2800, $0x38;
	[tilespmem:$0x11400] =	vst v63  }
.LBB2_4:
0x1c: {  	s20 =	sadd.s32 $0xFFFFFB00, s19  }
0x1d: {  	[tilespmem:s10], [sflag:$0x2] =	stream.linear.gather [hbm4b:s20+s2], $0x2800, $0x38;
	[tilespmem:$0x11400] =	vst v63  }
0x1e: {  	_ =	swait.ge [sflag:s11], $0x2800  }
0x1f: {  	[sflag:s11] =	ssyncset.done $0x0  }
0x20: {  	[sflag:s11] =	ssyncadd.s32 $0xFFFFD800  }
0x21: {  	v21 =	vld [tilespmem:s18+$0xFFFFFFB0];
	_ =	sdelay $0x4  }
0x22: {  	v22 =	vld.idx.msk [tilespmem:v0+s9+$0x0], $0xffff;
	v21 =	vshll.u32 v21, $0x2;
	_ =	sdelay $0x4  }
0x23: {  	[tilespmem:v21+s12+$0x0] =	vst.idx.add.f32.msk $0xffff, v22  }
0x24: {  	v23 =	vor.u32 $0x1, v21;
	v22 =	vld.idx.msk [tilespmem:v2+s9+$0x0], $0xffff;
	_ =	sdelay $0x4  }
0x25: {  	[tilespmem:v23+s12+$0x0] =	vst.idx.add.f32.msk $0xffff, v22  }
0x26: {  	v23 =	vor.u32 $0x2, v21;
	v22 =	vld.idx.msk [tilespmem:v3+s9+$0x0], $0xffff;
	_ =	sdelay $0x4  }
0x27: {  	[tilespmem:v23+s12+$0x0] =	vst.idx.add.f32.msk $0xffff, v22  }
0x28: {  	v21 =	vor.u32 $0x3, v21;
	v22 =	vld.idx.msk [tilespmem:v4+s9+$0x0], $0xffff;
	_ =	sdelay $0x4  }
0x29: {  	[tilespmem:v21+s12+$0x0] =	vst.idx.add.f32.msk $0xffff, v22  }
0x2a: {  	v21 =	vld [tilespmem:s18+$0xFFFFFFC0];
	_ =	sdelay $0x4  }
0x2b: {  	v22 =	vld.idx.msk [tilespmem:v5+s9+$0x0], $0xffff;
	v21 =	vshll.u32 v21, $0x2;
	_ =	sdelay $0x4  }
0x2c: {  	[tilespmem:v21+s12+$0x0] =	vst.idx.add.f32.msk $0xffff, v22  }
0x2d: {  	v23 =	vor.u32 $0x1, v21;
	v22 =	vld.idx.msk [tilespmem:v6+s9+$0x0], $0xffff;
	_ =	sdelay $0x4  }
0x2e: {  	[tilespmem:v23+s12+$0x0] =	vst.idx.add.f32.msk $0xffff, v22  }
0x2f: {  	v23 =	vor.u32 $0x2, v21;
	v22 =	vld.idx.msk [tilespmem:v7+s9+$0x0], $0xffff;
	_ =	sdelay $0x4  }
0x30: {  	[tilespmem:v23+s12+$0x0] =	vst.idx.add.f32.msk $0xffff, v22  }
0x31: {  	v21 =	vor.u32 $0x3, v21;
	v22 =	vld.idx.msk [tilespmem:v8+s9+$0x0], $0xffff;
	_ =	sdelay $0x4  }
0x32: {  	[tilespmem:v21+s12+$0x0] =	vst.idx.add.f32.msk $0xffff, v22  }
0x33: {  	v21 =	vld [tilespmem:s18+$0xFFFFFFD0];
	_ =	sdelay $0x4  }
0x34: {  	v22 =	vld.idx.msk [tilespmem:v9+s9+$0x0], $0xffff;
	v21 =	vshll.u32 v21, $0x2;
	_ =	sdelay $0x4  }
0x35: {  	[tilespmem:v21+s12+$0x0] =	vst.idx.add.f32.msk $0xffff, v22  }
0x36: {  	v23 =	vor.u32 $0x1, v21;
	v22 =	vld.idx.msk [tilespmem:v10+s9+$0x0], $0xffff;
	_ =	sdelay $0x4  }
0x37: {  	[tilespmem:v23+s12+$0x0] =	vst.idx.add.f32.msk $0xffff, v22  }
0x38: {  	v23 =	vor.u32 $0x2, v21;
	v22 =	vld.idx.msk [tilespmem:v11+s9+$0x0], $0xffff;
	_ =	sdelay $0x4  }
0x39: {  	[tilespmem:v23+s12+$0x0] =	vst.idx.add.f32.msk $0xffff, v22  }
0x3a: {  	v21 =	vor.u32 $0x3, v21;
	v22 =	vld.idx.msk [tilespmem:v12+s9+$0x0], $0xffff;
	_ =	sdelay $0x4  }
0x3b: {  	[tilespmem:v21+s12+$0x0] =	vst.idx.add.f32.msk $0xffff, v22  }
0x3c: {  	v21 =	vld [tilespmem:s18+$0xFFFFFFE0];
	_ =	sdelay $0x4  }
0x3d: {  	v22 =	vld.idx.msk [tilespmem:v13+s9+$0x0], $0xffff;
	v21 =	vshll.u32 v21, $0x2;
	_ =	sdelay $0x4  }
0x3e: {  	[tilespmem:v21+s12+$0x0] =	vst.idx.add.f32.msk $0xffff, v22  }
0x3f: {  	v23 =	vor.u32 $0x1, v21;
	v22 =	vld.idx.msk [tilespmem:v14+s9+$0x0], $0xffff;
	_ =	sdelay $0x4  }
0x40: {  	[tilespmem:v23+s12+$0x0] =	vst.idx.add.f32.msk $0xffff, v22  }
0x41: {  	v23 =	vor.u32 $0x2, v21;
	v22 =	vld.idx.msk [tilespmem:v15+s9+$0x0], $0xffff;
	_ =	sdelay $0x4  }
0x42: {  	[tilespmem:v23+s12+$0x0] =	vst.idx.add.f32.msk $0xffff, v22  }
0x43: {  	v21 =	vor.u32 $0x3, v21;
	v22 =	vld.idx.msk [tilespmem:v16+s9+$0x0], $0xffff;
	_ =	sdelay $0x4  }
0x44: {  	[tilespmem:v21+s12+$0x0] =	vst.idx.add.f32.msk $0xffff, v22  }
0x45: {  	v21 =	vld [tilespmem:s18+$0xFFFFFFF0];
	_ =	sdelay $0x4  }
0x46: {  	v22 =	vld.idx.msk [tilespmem:v17+s9+$0x0], $0xffff;
	v21 =	vshll.u32 v21, $0x2;
	_ =	sdelay $0x4  }
0x47: {  	[tilespmem:v21+s12+$0x0] =	vst.idx.add.f32.msk $0xffff, v22  }
0x48: {  	v23 =	vor.u32 $0x1, v21;
	v22 =	vld.idx.msk [tilespmem:v18+s9+$0x0], $0xffff;
	_ =	sdelay $0x4  }
0x49: {  	[tilespmem:v23+s12+$0x0] =	vst.idx.add.f32.msk $0xffff, v22  }
0x4a: {  	v23 =	vor.u32 $0x2, v21;
	v22 =	vld.idx.msk [tilespmem:v19+s9+$0x0], $0xffff;
	_ =	sdelay $0x4  }
0x4b: {  	[tilespmem:v23+s12+$0x0] =	vst.idx.add.f32.msk $0xffff, v22  }
0x4c: {  	v21 =	vor.u32 $0x3, v21;
	v22 =	vld.idx.msk [tilespmem:v20+s9+$0x0], $0xffff;
	_ =	sdelay $0x4  }
0x4d: {  	[tilespmem:v21+s12+$0x0] =	vst.idx.add.f32.msk $0xffff, v22  }
0x4e: {  	[tilespmem:s9], [sflag:$0x1] =	stream.linear.gather [hbm4b:s19+s2], $0x2800, $0x38;
	[tilespmem:$0x11400] =	vst v63  }
0x4f: {  	_ =	swait.ge [sflag:s13], $0x2800  }
0x50: {  	[sflag:s13] =	ssyncset.done $0x0  }
0x51: {  	[sflag:s13] =	ssyncadd.s32 $0xFFFFD800  }
0x52: {  	v21 =	vld [tilespmem:s18+$0x0];
	_ =	sdelay $0x4  }
0x53: {  	v22 =	vld.idx.msk [tilespmem:v0+s10+$0x0], $0xffff;
	v21 =	vshll.u32 v21, $0x2;
	_ =	sdelay $0x4  }
0x54: {  	[tilespmem:v21+s12+$0x0] =	vst.idx.add.f32.msk $0xffff, v22  }
0x55: {  	v23 =	vor.u32 $0x1, v21;
	v22 =	vld.idx.msk [tilespmem:v2+s10+$0x0], $0xffff;
	_ =	sdelay $0x4  }
0x56: {  	[tilespmem:v23+s12+$0x0] =	vst.idx.add.f32.msk $0xffff, v22  }
0x57: {  	v23 =	vor.u32 $0x2, v21;
	v22 =	vld.idx.msk [tilespmem:v3+s10+$0x0], $0xffff;
	_ =	sdelay $0x4  }
0x58: {  	[tilespmem:v23+s12+$0x0] =	vst.idx.add.f32.msk $0xffff, v22  }
0x59: {  	v21 =	vor.u32 $0x3, v21;
	v22 =	vld.idx.msk [tilespmem:v4+s10+$0x0], $0xffff;
	_ =	sdelay $0x4  }
0x5a: {  	[tilespmem:v21+s12+$0x0] =	vst.idx.add.f32.msk $0xffff, v22  }
0x5b: {  	v21 =	vld [tilespmem:s18+$0x10];
	_ =	sdelay $0x4  }
0x5c: {  	v22 =	vld.idx.msk [tilespmem:v5+s10+$0x0], $0xffff;
	v21 =	vshll.u32 v21, $0x2;
	_ =	sdelay $0x4  }
0x5d: {  	[tilespmem:v21+s12+$0x0] =	vst.idx.add.f32.msk $0xffff, v22  }
0x5e: {  	v23 =	vor.u32 $0x1, v21;
	v22 =	vld.idx.msk [tilespmem:v6+s10+$0x0], $0xffff;
	_ =	sdelay $0x4  }
0x5f: {  	[tilespmem:v23+s12+$0x0] =	vst.idx.add.f32.msk $0xffff, v22  }
0x60: {  	v23 =	vor.u32 $0x2, v21;
	v22 =	vld.idx.msk [tilespmem:v7+s10+$0x0], $0xffff;
	_ =	sdelay $0x4  }
0x61: {  	[tilespmem:v23+s12+$0x0] =	vst.idx.add.f32.msk $0xffff, v22  }
0x62: {  	v21 =	vor.u32 $0x3, v21;
	v22 =	vld.idx.msk [tilespmem:v8+s10+$0x0], $0xffff;
	_ =	sdelay $0x4  }
0x63: {  	[tilespmem:v21+s12+$0x0] =	vst.idx.add.f32.msk $0xffff, v22  }
0x64: {  	v21 =	vld [tilespmem:s18+$0x20];
	_ =	sdelay $0x4  }
0x65: {  	v22 =	vld.idx.msk [tilespmem:v9+s10+$0x0], $0xffff;
	v21 =	vshll.u32 v21, $0x2;
	_ =	sdelay $0x4  }
0x66: {  	[tilespmem:v21+s12+$0x0] =	vst.idx.add.f32.msk $0xffff, v22  }
0x67: {  	v23 =	vor.u32 $0x1, v21;
	v22 =	vld.idx.msk [tilespmem:v10+s10+$0x0], $0xffff;
	_ =	sdelay $0x4  }
0x68: {  	[tilespmem:v23+s12+$0x0] =	vst.idx.add.f32.msk $0xffff, v22  }
0x69: {  	v23 =	vor.u32 $0x2, v21;
	v22 =	vld.idx.msk [tilespmem:v11+s10+$0x0], $0xffff;
	_ =	sdelay $0x4  }
0x6a: {  	[tilespmem:v23+s12+$0x0] =	vst.idx.add.f32.msk $0xffff, v22  }
0x6b: {  	v21 =	vor.u32 $0x3, v21;
	v22 =	vld.idx.msk [tilespmem:v12+s10+$0x0], $0xffff;
	_ =	sdelay $0x4  }
0x6c: {  	s31 =	sand.u32 $0x3FE0, s17;
	[tilespmem:v21+s12+$0x0] =	vst.idx.add.f32.msk $0xffff, v22  }
0x6d: {  	v21 =	vld [tilespmem:s31+$0x80];
	_ =	sdelay $0x4  }
0x6e: {  	v22 =	vld.idx.msk [tilespmem:v13+s10+$0x0], $0xffff;
	v21 =	vshll.u32 v21, $0x2;
	_ =	sdelay $0x4  }
0x6f: {  	[tilespmem:v21+s12+$0x0] =	vst.idx.add.f32.msk $0xffff, v22  }
0x70: {  	v23 =	vor.u32 $0x1, v21;
	v22 =	vld.idx.msk [tilespmem:v14+s10+$0x0], $0xffff;
	_ =	sdelay $0x4  }
0x71: {  	[tilespmem:v23+s12+$0x0] =	vst.idx.add.f32.msk $0xffff, v22  }
0x72: {  	v23 =	vor.u32 $0x2, v21;
	v22 =	vld.idx.msk [tilespmem:v15+s10+$0x0], $0xffff;
	_ =	sdelay $0x4  }
0x73: {  	[tilespmem:v23+s12+$0x0] =	vst.idx.add.f32.msk $0xffff, v22  }
0x74: {  	v21 =	vor.u32 $0x3, v21;
	v22 =	vld.idx.msk [tilespmem:v16+s10+$0x0], $0xffff;
	_ =	sdelay $0x4  }
0x75: {  	[tilespmem:v21+s12+$0x0] =	vst.idx.add.f32.msk $0xffff, v22  }
0x76: {  	v21 =	vld [tilespmem:s18+$0x40];
	_ =	sdelay $0x4  }
0x77: {  	v22 =	vld.idx.msk [tilespmem:v17+s10+$0x0], $0xffff;
	v21 =	vshll.u32 v21, $0x2;
	_ =	sdelay $0x4  }
0x78: {  	[tilespmem:v21+s12+$0x0] =	vst.idx.add.f32.msk $0xffff, v22  }
0x79: {  	v23 =	vor.u32 $0x1, v21;
	v22 =	vld.idx.msk [tilespmem:v18+s10+$0x0], $0xffff;
	_ =	sdelay $0x4  }
0x7a: {  	[tilespmem:v23+s12+$0x0] =	vst.idx.add.f32.msk $0xffff, v22  }
0x7b: {  	v23 =	vor.u32 $0x2, v21;
	v22 =	vld.idx.msk [tilespmem:v19+s10+$0x0], $0xffff;
	_ =	sdelay $0x4  }
0x7c: {  	[tilespmem:v23+s12+$0x0] =	vst.idx.add.f32.msk $0xffff, v22  }
0x7d: {  	p0 =	sne.s32 s17, $0x2620;
	v21 =	vor.u32 $0x3, v21;
	v22 =	vld.idx.msk [tilespmem:v20+s10+$0x0], $0xffff  }
.Ltmp1:
0x7e: {  	_ = 	snop;
	(pc) =	sbr.rel @p0 .LBB2_4-.Ltmp1, $2  }
0x7f: {  	_ =	sdelay $0x2  }
0x80: {  	s17 =	sadd.s32 $0xA0, s17;
	s19 =	sadd.s32 $0xA00, s19;
	s18 =	sadd.s32 $0xA0, s18;
	[tilespmem:v21+s12+$0x0] =	vst.idx.add.f32.msk $0xffff, v22  }
0x81: {  	_ =	swait.ge [sflag:s11], $0x2800  }
0x82: {  	[sflag:s11] =	ssyncset.done $0x0  }
0x83: {  	[sflag:s11] =	ssyncadd.s32 $0xFFFFD800  }
0x84: {  	v21 =	vld [tilespmem:$0x26C0];
	_ =	sdelay $0x4  }
0x85: {  	v22 =	vld.idx.msk [tilespmem:v0+s9+$0x0], $0xffff;
	v21 =	vshll.u32 v21, $0x2;
	_ =	sdelay $0x4  }
0x86: {  	[tilespmem:v21+s12+$0x0] =	vst.idx.add.f32.msk $0xffff, v22  }
0x87: {  	v23 =	vor.u32 $0x1, v21;
	v22 =	vld.idx.msk [tilespmem:v2+s9+$0x0], $0xffff;
	_ =	sdelay $0x4  }
0x88: {  	[tilespmem:v23+s12+$0x0] =	vst.idx.add.f32.msk $0xffff, v22  }
0x89: {  	v23 =	vor.u32 $0x2, v21;
	v22 =	vld.idx.msk [tilespmem:v3+s9+$0x0], $0xffff;
	_ =	sdelay $0x4  }
0x8a: {  	[tilespmem:v23+s12+$0x0] =	vst.idx.add.f32.msk $0xffff, v22  }
0x8b: {  	v21 =	vor.u32 $0x3, v21;
	v22 =	vld.idx.msk [tilespmem:v4+s9+$0x0], $0xffff;
	_ =	sdelay $0x4  }
0x8c: {  	[tilespmem:v21+s12+$0x0] =	vst.idx.add.f32.msk $0xffff, v22  }
0x8d: {  	v21 =	vld [tilespmem:$0x26D0];
	_ =	sdelay $0x4  }
0x8e: {  	v22 =	vld.idx.msk [tilespmem:v5+s9+$0x0], $0xffff;
	v21 =	vshll.u32 v21, $0x2;
	_ =	sdelay $0x4  }
0x8f: {  	[tilespmem:v21+s12+$0x0] =	vst.idx.add.f32.msk $0xffff, v22  }
0x90: {  	v23 =	vor.u32 $0x1, v21;
	v22 =	vld.idx.msk [tilespmem:v6+s9+$0x0], $0xffff;
	_ =	sdelay $0x4  }
0x91: {  	[tilespmem:v23+s12+$0x0] =	vst.idx.add.f32.msk $0xffff, v22  }
0x92: {  	v23 =	vor.u32 $0x2, v21;
	v22 =	vld.idx.msk [tilespmem:v7+s9+$0x0], $0xffff;
	_ =	sdelay $0x4  }
0x93: {  	[tilespmem:v23+s12+$0x0] =	vst.idx.add.f32.msk $0xffff, v22  }
0x94: {  	v21 =	vor.u32 $0x3, v21;
	v22 =	vld.idx.msk [tilespmem:v8+s9+$0x0], $0xffff;
	_ =	sdelay $0x4  }
0x95: {  	[tilespmem:v21+s12+$0x0] =	vst.idx.add.f32.msk $0xffff, v22  }
0x96: {  	v21 =	vld [tilespmem:$0x26E0];
	_ =	sdelay $0x4  }
0x97: {  	v22 =	vld.idx.msk [tilespmem:v9+s9+$0x0], $0xffff;
	v21 =	vshll.u32 v21, $0x2;
	_ =	sdelay $0x4  }
0x98: {  	[tilespmem:v21+s12+$0x0] =	vst.idx.add.f32.msk $0xffff, v22  }
0x99: {  	v23 =	vor.u32 $0x1, v21;
	v22 =	vld.idx.msk [tilespmem:v10+s9+$0x0], $0xffff;
	_ =	sdelay $0x4  }
0x9a: {  	[tilespmem:v23+s12+$0x0] =	vst.idx.add.f32.msk $0xffff, v22  }
0x9b: {  	v23 =	vor.u32 $0x2, v21;
	v22 =	vld.idx.msk [tilespmem:v11+s9+$0x0], $0xffff;
	_ =	sdelay $0x4  }
0x9c: {  	[tilespmem:v23+s12+$0x0] =	vst.idx.add.f32.msk $0xffff, v22  }
0x9d: {  	v21 =	vor.u32 $0x3, v21;
	v22 =	vld.idx.msk [tilespmem:v12+s9+$0x0], $0xffff;
	_ =	sdelay $0x4  }
0x9e: {  	[tilespmem:v21+s12+$0x0] =	vst.idx.add.f32.msk $0xffff, v22  }
0x9f: {  	v21 =	vld [tilespmem:$0x26F0];
	_ =	sdelay $0x4  }
0xa0: {  	v22 =	vld.idx.msk [tilespmem:v13+s9+$0x0], $0xffff;
	v21 =	vshll.u32 v21, $0x2;
	_ =	sdelay $0x4  }
0xa1: {  	[tilespmem:v21+s12+$0x0] =	vst.idx.add.f32.msk $0xffff, v22  }
0xa2: {  	v23 =	vor.u32 $0x1, v21;
	v22 =	vld.idx.msk [tilespmem:v14+s9+$0x0], $0xffff;
	_ =	sdelay $0x4  }
0xa3: {  	[tilespmem:v23+s12+$0x0] =	vst.idx.add.f32.msk $0xffff, v22  }
0xa4: {  	v23 =	vor.u32 $0x2, v21;
	v22 =	vld.idx.msk [tilespmem:v15+s9+$0x0], $0xffff;
	_ =	sdelay $0x4  }
0xa5: {  	[tilespmem:v23+s12+$0x0] =	vst.idx.add.f32.msk $0xffff, v22  }
0xa6: {  	v21 =	vor.u32 $0x3, v21;
	v22 =	vld.idx.msk [tilespmem:v16+s9+$0x0], $0xffff;
	_ =	sdelay $0x4  }
0xa7: {  	[tilespmem:v21+s12+$0x0] =	vst.idx.add.f32.msk $0xffff, v22  }
0xa8: {  	v21 =	vld [tilespmem:$0x2700];
	_ =	sdelay $0x4  }
0xa9: {  	v22 =	vld.idx.msk [tilespmem:v17+s9+$0x0], $0xffff;
	v21 =	vshll.u32 v21, $0x2;
	_ =	sdelay $0x4  }
0xaa: {  	[tilespmem:v21+s12+$0x0] =	vst.idx.add.f32.msk $0xffff, v22  }
0xab: {  	v23 =	vor.u32 $0x1, v21;
	v22 =	vld.idx.msk [tilespmem:v18+s9+$0x0], $0xffff;
	_ =	sdelay $0x4  }
0xac: {  	[tilespmem:v23+s12+$0x0] =	vst.idx.add.f32.msk $0xffff, v22  }
0xad: {  	v23 =	vor.u32 $0x2, v21;
	v22 =	vld.idx.msk [tilespmem:v19+s9+$0x0], $0xffff;
	_ =	sdelay $0x4  }
0xae: {  	[tilespmem:v23+s12+$0x0] =	vst.idx.add.f32.msk $0xffff, v22  }
0xaf: {  	v21 =	vor.u32 $0x3, v21;
	v22 =	vld.idx.msk [tilespmem:v20+s9+$0x0], $0xffff;
	_ =	sdelay $0x2  }
0xb0: {  	s16 =	sadd.s32 $0x1, s16  }
0xb1: {  	p0 =	sne.s32 s16, s6  }
.Ltmp2:
0xb2: {  	[tilespmem:v21+s12+$0x0] =	vst.idx.add.f32.msk $0xffff, v22;
	(pc) =	sbr.rel @p0 .LBB2_1-.Ltmp2, $4  }
0xb3: {  	[hbm4b:s5+s14] =	stream.strided.scatter [tilespmem:s12], [sflag:$0x3], $0x9C80, s15, s14, $0x38;
	[tilespmem:$0x11400] =	vst v63  }
0xb4: {  	_ =	swait.ge [sflag:s8], $0x9C80  }
0xb5: {  	[sflag:s8] =	ssyncset.done $0x0  }
0xb6: {  	[sflag:s8] =	ssyncadd.s32 $0xFFFF6380  }
0xb7: {  	_ =	sfence.sel $0x180000  }
0xb8: {  	[bflag:$0x0] =	sbarrier.arrive $0xFFFF  }
0xb9: {  	p0 =	sne.s32 s1, $0x0;
	_ =	strace $0x9000004A  }
0xba: {  	s0 =	sadd.s32 @!p0 $0x100000, s0;
	[bflag:$0x2] =	sbarrier.arrive $0xFFFF  }
0xbb: {  	[sflag:s0] =	ssyncadd.tile.s32 @!p0 $0x1;
	_ =	shalt  }
.Lfunc_end2:
_tile_overlayer_lowered:
.L_overlay_start_2:
0xbc: {  	(tag) =	ssettag $0x2  }
0xbd: {  	s0 =	rddreg [dreg:$0x0];
	s2 =	stileid.u32  }
0xbe: {  	s1 =	rddreg [dreg:$0x1];
	p0 =	sne.s32 s2, $0x0  }
0xbf: {  	s3 =	rddreg [dreg:$0x2];
	[bflag:$0x3] =	sbarrier.arrive $0xFFFF;
	s2 =	simm.s32 @!p0 $0x1C03  }
0xc0: {  	[timem:s3], [sflag:s2] =	dma.local @!p0 [hbm:s0], s1  }
0xc1: {  	s0 =	simm.s32 @!p0 $0x3  }
0xc2: {  	_ =	swait.ge @!p0 [sflag:s0], s1  }
0xc3: {  	s1 =	ssub.s32 @!p0 $0x0, s1;
	[sflag:s0] =	ssyncset.done @!p0 $0x0  }
0xc4: {  	[sflag:s0] =	ssyncadd.s32 @!p0 s1  }
0xc5: {  	[bflag:$0x3] =	sbarrier.arrive $0xFFFF  }
0xc6: {  	_ =	shalt  }

// kernel: kernel.9.cloned.1.call-start
scs
__scs_entry_jumppad:
0x0: {  	(pc) =	sbr.rel $0x88, $3  }
0x1: {  	(tag) =	ssettag $0x0;
	lr =	simm.s32 $0x1  }
0x2: {  	[smem:$0x3F8B] =	sst lr;
	_ =	strace $0xD0000000  }
0x3: {  	_ = 	snop  }
0x4: {  	_ = 	snop  }
0x5: {  	_ = 	snop  }
0x6: {  	_ = 	snop  }
0x7: {  	_ = 	snop  }
__scs_overlays_trampoline_lowered:
0x8: {  	[smem:$0x3F9A] =	sst s0  }
0x9: {  	[smem:$0x3F9B] =	sst s1  }
0xa: {  	[smem:$0x3F9C] =	sst s2  }
0xb: {  	[smem:$0x3F9D] =	sst s3  }
0xc: {  	[smem:$0x3F9E] =	sst s4  }
0xd: {  	[smem:$0x3F9F] =	sst s5  }
0xe: {  	[smem:$0x3FA0] =	sst s6  }
0xf: {  	[smem:$0x3FA1] =	sst s7  }
0x10: {  	[smem:$0x3FA2] =	sst s8  }
0x11: {  	[smem:$0x3FA3] =	sst s9;
	s0 =	simm.s32 @!p0 $0x0  }
0x12: {  	s1 =	sld [smem:$0x3F89];
	s0 =	simm.s32 @p0 $0x1  }
0x13: {  	[smem:$0x3FA4] =	sst s0;
	s0 =	simm.s32 @!p1 $0x0  }
0x14: {  	s2 =	sld [smem:$0x3F88];
	s0 =	simm.s32 @p1 $0x1  }
0x15: {  	[smem:$0x3FA5] =	sst s0;
	s0 =	simm.s32 @!p2 $0x0  }
0x16: {  	s3 =	sld [smem:$0x3FDB];
	s0 =	simm.s32 @p2 $0x1  }
0x17: {  	s4 =	simm.s32 $0x1BF5;
	[smem:$0x3FA7] =	sst s0  }
0x18: {  	s0 =	sld [smem:$0x3F8A];
	_ =	swait.ge [sflag:s4], $0x0  }
0x19: {  	s7 =	sld [smem:$0x3F8B]  }
0x1a: {  	s8 =	sadd.s32 $0xFFFFE003, lr  }
0x1b: {  	s9 =	sadd.s32 $0xFFFFFEF7, lr;
	s5 =	simm.s32 $0xFFFFFFFF;
	p2 =	slt.u32 s8, $0xFFFFF086  }
0x1c: {  	p1 =	slt.u32 s9, $0xF7A;
	s5 =	simm.s32 @!p2 $0x0  }
0x1d: {  	s5 =	simm.s32 @p1 $0x1;
	p0 =	seq.s32 s7, s2  }
0x1e: {  	s7 =	smul.u32 @!p0 $0xF7A, s2;
	p2 =	seq.s32 @!p0 s5, $0x0  }
0x1f: {  	s9 =	smul.u32 $0xF7A, s1;
	s8 =	simm.s32 @!p0 $0x1BF5;
	p2 =	por !p2, p0  }
0x20: {  	[sflag:s8] =	ssyncset.s32 @!p0 $0xFFFFF086;
	s6 =	sadd.s32 @!p0 s3, s7;
	s7 =	simm.s32 @!p0 $0x108  }
0x21: {  	s3 =	sadd.s32 s3, s9;
	s6 =	sadd.s32 @!p0 $0x88, s6;
	s7 =	simm.s32 @p2 $0x1082  }
0x22: {  	[simem:s7], [sflag:s8] =	dma.local @!p0 [hbm:s6], $0xF7A  }
0x23: {  	s9 =	sor.u32 $0xD0000000, s2;
	s6 =	simm.s32 $0x108;
	_ =	swait.ge @!p0 [sflag:s8], $0x0  }
0x24: {  	s3 =	sadd.s32 $0x88, s3;
	s6 =	simm.s32 @!p1 $0x1082;
	[sflag:s4] =	ssyncset.s32 $0xFFFFF086  }
0x25: {  	[simem:s6], [sflag:s4] =	dma.local [hbm:s3], $0xF7A  }
0x26: {  	[smem:$0x3F8B] =	sst s1;
	(tag) =	ssettag s2;
	_ =	strace s9  }
0x27: {  	s1 =	sld [smem:$0x3F9B]  }
0x28: {  	s2 =	sld [smem:$0x3F9C]  }
0x29: {  	s4 =	sld [smem:$0x3F9E]  }
0x2a: {  	p0 =	seq.s32 s5, $0x0;
	s5 =	sld [smem:$0x3F9F]  }
0x2b: {  	s6 =	sld [smem:$0x3FA0]  }
0x2c: {  	s7 =	sld [smem:$0x3FA1]  }
0x2d: {  	s3 =	simm.s32 $0x108;
	s8 =	sld [smem:$0x3FA2]  }
0x2e: {  	s3 =	simm.s32 @!p0 $0x1082;
	s9 =	sld [smem:$0x3FA3]  }
0x2f: {  	lr =	sadd.s32 s0, s3;
	s0 =	sld [smem:$0x3F9A]  }
0x30: {  	s3 =	sld [smem:$0x3F9D]  }
0x31: {  	[smem:$0x3FA6] =	sst s10  }
0x32: {  	s10 =	sld [smem:$0x3FA4];
	_ =	sdelay $0x3  }
0x33: {  	p0 =	seq.s32 s10, $0x1;
	s10 =	sld [smem:$0x3FA6];
	_ =	sdelay $0x3  }
0x34: {  	[smem:$0x3FA6] =	sst s10  }
0x35: {  	s10 =	sld [smem:$0x3FA5];
	_ =	sdelay $0x3  }
0x36: {  	p1 =	seq.s32 s10, $0x1;
	s10 =	sld [smem:$0x3FA6];
	_ =	sdelay $0x3  }
0x37: {  	[smem:$0x3FA6] =	sst s10  }
0x38: {  	s10 =	sld [smem:$0x3FA7]  }
0x39: {  	_ = 	snop;
	(pc) =	sbr.ind lr, $3  }
0x3a: {  	_ = 	snop  }
0x3b: {  	_ = 	snop  }
0x3c: {  	p2 =	seq.s32 s10, $0x1;
	s10 =	sld [smem:$0x3FA6]  }
0x3d: {  	_ =	shalt  }
0x3e: {  	_ =	shalt  }
0x3f: {  	_ =	shalt  }
0x40: {  	_ =	shalt  }
0x41: {  	_ =	shalt  }
0x42: {  	_ =	shalt  }
0x43: {  	_ =	shalt  }
0x44: {  	_ =	shalt  }
0x45: {  	_ =	shalt  }
0x46: {  	_ =	shalt  }
0x47: {  	_ =	shalt  }
0x48: {  	_ =	shalt  }
0x49: {  	_ =	shalt  }
0x4a: {  	_ =	shalt  }
0x4b: {  	_ =	shalt  }
0x4c: {  	_ =	shalt  }
0x4d: {  	_ =	shalt  }
0x4e: {  	_ =	shalt  }
0x4f: {  	_ =	shalt  }
0x50: {  	_ =	shalt  }
0x51: {  	_ =	shalt  }
0x52: {  	_ =	shalt  }
0x53: {  	_ =	shalt  }
0x54: {  	_ =	shalt  }
0x55: {  	_ =	shalt  }
0x56: {  	_ =	shalt  }
0x57: {  	_ =	shalt  }
0x58: {  	_ =	shalt  }
0x59: {  	_ =	shalt  }
0x5a: {  	_ =	shalt  }
0x5b: {  	_ =	shalt  }
0x5c: {  	_ =	shalt  }
0x5d: {  	_ =	shalt  }
0x5e: {  	_ =	shalt  }
0x5f: {  	_ =	shalt  }
0x60: {  	_ =	shalt  }
0x61: {  	_ =	shalt  }
0x62: {  	_ =	shalt  }
0x63: {  	_ =	shalt  }
0x64: {  	_ =	shalt  }
0x65: {  	_ =	shalt  }
0x66: {  	_ =	shalt  }
0x67: {  	_ =	shalt  }
0x68: {  	_ =	shalt  }
0x69: {  	_ =	shalt  }
0x6a: {  	_ =	shalt  }
0x6b: {  	_ =	shalt  }
0x6c: {  	_ =	shalt  }
0x6d: {  	_ =	shalt  }
0x6e: {  	_ =	shalt  }
0x6f: {  	_ =	shalt  }
0x70: {  	_ =	shalt  }
0x71: {  	_ =	shalt  }
0x72: {  	_ =	shalt  }
0x73: {  	_ =	shalt  }
0x74: {  	_ =	shalt  }
0x75: {  	_ =	shalt  }
0x76: {  	_ =	shalt  }
0x77: {  	_ =	shalt  }
0x78: {  	_ =	shalt  }
0x79: {  	_ =	shalt  }
0x7a: {  	_ =	shalt  }
0x7b: {  	_ =	shalt  }
0x7c: {  	_ =	shalt  }
0x7d: {  	_ =	shalt  }
0x7e: {  	_ =	shalt  }
0x7f: {  	_ =	shalt  }
0x80: {  	_ =	shalt  }
0x81: {  	_ =	shalt  }
0x82: {  	_ =	shalt  }
0x83: {  	_ =	shalt  }
0x84: {  	_ =	shalt  }
0x85: {  	_ =	shalt  }
0x86: {  	_ =	shalt  }
0x87: {  	_ =	shalt  }
.Lfunc_end0:
.L_simem_size_0:
called_computation_lowered:
.L_overlay_start_0:
0x88: {  	s2 =	sld [smem:$0x3FD9]  }
0x89: {  	s3 =	sld [smem:$0x3FFE];
	_ =	sdelay $0x1  }
0x8a: {  	s1 =	srdreg.scid  }
0x8b: {  	s0 =	sand.u32 $0x1, s1  }
0x8c: {  	s14 =	sshll.u32 s0, $0xA;
	s2 =	sadd.s32 s3, s2  }
0x8d: {  	s2 =	sadd.s32 s2, s14  }
0x8e: {  	[smem:$0x3FB2] =	sst s2  }
0x8f: {  	_ = 	snop  }
0x90: {  	s2 =	sld [smem:$0x3FD0];
	_ =	sdelay $0x1  }
0x91: {  	s15 =	sld [smem:$0x3FC7]  }
0x92: {  	s5 =	simm.s32 $0xB;
	s6 =	simm.s32 $0x10;
	s4 =	sld [smem:$0x3FC6]  }
0x93: {  	[smem:s6], [sflag:s5] =	dma.local [hbm:s2], $0x1  }
0x94: {  	_ =	swait.eq [sflag:s5], $0x1  }
0x95: {  	[sflag:s5] =	ssyncset.done $0x0  }
0x96: {  	[sflag:s5] =	ssyncadd.s32 $0xFFFFFFFF  }
0x97: {  	s16 =	sld [smem:$0x10];
	(tm) =	ssettm $0x1  }
0x98: {  	s17 =	sld [smem:$0x3FFB];
	_ =	sdelay $0x3  }
0x99: {  	_ =	strace s17  }
0x9a: {  	s5 =	sld [smem:$0x3FFC];
	_ =	sdelay $0x3  }
0x9b: {  	_ =	strace s5  }
0x9c: {  	s5 =	sld [smem:$0x3FFD];
	_ =	sdelay $0x3  }
0x9d: {  	_ =	strace s5  }
0x9e: {  	_ =	strace $0x8FFFFFFF  }
0x9f: {  	s18 =	sld [smem:$0x3FDB];
	_ =	sdelay $0x1  }
0xa0: {  	s19 =	simm.s32 $_scs_section_size  }
0xa1: {  	s7 =	simm.s32 $_size__tile_overlayer_lowered;
	s8 =	simm.s32 $_tile_overlayer_lowered  }
0xa2: {  	s22 =	simm.s32 $0x1BFF;
	s21 =	sshll.u32 s8, $0x1;
	s5 =	sadd.s32 s19, s18  }
0xa3: {  	s9 =	simm.s32 $0x0;
	s20 =	sshll.u32 s7, $0x1;
	s7 =	sadd.s32 s21, s5  }
0xa4: {  	[timem:s9], [sflag:s22] =	dma.local [hbm:s7], s20  }
0xa5: {  	_ =	swait.ge [sflag:s22], s20  }
0xa6: {  	s6 =	ssub.s32 $0x0, s20;
	[sflag:s22] =	ssyncset.done $0x0  }
0xa7: {  	[sflag:s22] =	ssyncadd.s32 s6;
	_ =	sdelay $0x1  }
0xa8: {  	s23 =	simm.s32 $0x1B8B  }
0xa9: {  	_ =	swait.ge [sflag:s23], $0x1  }
0xaa: {  	[sflag:s23] =	ssyncset.done $0x0  }
0xab: {  	s25 =	simm.s32 $0x1B8E;
	s24 =	sld [smem:$0x3FFE];
	[sflag:s23] =	ssyncadd.s32 $0xFFFFFFFF  }
0xac: {  	s26 =	simm.s32 $execute0_lowered;
	[smem:$0x3FD2] =	sst s25  }
0xad: {  	s7 =	sshll.u32 s26, $0x1;
	_ =	strace $0x80000046;
	[dreg:$0x1] =	wrdreg $0xFFFFFFFF  }
0xae: {  	s28 =	simm.s32 $_size_execute0_lowered;
	s5 =	sadd.s32 s5, s7;
	[dreg:$0x0] =	wrdreg $0x0  }
0xaf: {  	s7 =	sshll.u32 s28, $0x1;
	[dreg:$0x2] =	wrdreg s5  }
0xb0: {  	[dreg:$0x3] =	wrdreg s7  }
0xb1: {  	[dreg:$0x4] =	wrdreg $0xC0  }
0xb2: {  	_ =	task [dreg:s9], $0x5FFFF  }
0xb3: {  	[dreg:$0x1] =	wrdreg $0xFFFFFFFF  }
0xb4: {  	[dreg:$0x0] =	wrdreg $0x60  }
0xb5: {  	[dreg:$0x2] =	wrdreg s16  }
0xb6: {  	[dreg:$0x3] =	wrdreg s24  }
0xb7: {  	[dreg:$0x4] =	wrdreg s15  }
0xb8: {  	[dreg:$0x5] =	wrdreg s4  }
0xb9: {  	[dreg:$0x6] =	wrdreg $0x9  }
0xba: {  	_ =	task.clear_ibuf [dreg:s9], $0x7FFFF;
	_ =	strace $0x90000046  }
0xbb: {  	s29 =	simm.s32 $0x9;
	_ =	strace $0x80000048  }
0xbc: {  	_ =	swait.ge [sflag:s29], $0x1  }
0xbd: {  	[sflag:s29] =	ssyncadd.s32 $0xFFFFFFFF  }
0xbe: {  	_ =	strace $0x90000048  }
0xbf: {  	_ =	sfence  }
0xc0: {  	s30 =	sld [smem:$0x0];
	_ =	sdelay $0x2  }
0xc1: {  	s31 =	sshll.u32 s1, $0xD;
	s1 =	sshrl.u32 s1, $0x2  }
0xc2: {  	s3 =	sand.u32 $0x4000, s31;
	s1 =	sadd.s32 s1, s30  }
0xc3: {  	s0 =	sor.u32 s3, s0;
	s1 =	sshll.u32 s1, $0x11  }
0xc4: {  	s0 =	sor.u32 s1, s0  }
0xc5: {  	s0 =	sadd.s32 $0x8F2B, s0  }
0xc6: {  	[sflag:s0] =	ssyncadd.remote.s32 $0x1  }
0xc7: {  	_ =	sfence.sel $0xFFFF  }
0xc8: {  	[dreg:$0x0] =	wrdreg $0xFFFFFFFF;
	(pc) =	sbr.abs _section_cstart, $3  }
0xc9: {  	[dreg:$0x1] =	wrdreg $0xFFFFFFFF  }
0xca: {  	_ =	task.clear_ibuf [dreg:s9], $0x2FFFF;
	_ =	strace $0x9FFFFFFF  }
0xcb: {  	(tm) =	ssettm $0x7FFFFFFF  }
tec
execute0_lowered:
.L_overlay_start_1:
0x0: {  	(tag) =	ssettag $0x1  }
0x1: {  	s1 =	rddreg [dreg:$0x0]  }
0x2: {  	s0 =	rddreg [dreg:$0x1]  }
0x3: {  	s2 =	rddreg [dreg:$0x2]  }
0x4: {  	s10 =	rddreg [dreg:$0x3];
	s4 =	srdreg.scid  }
0x5: {  	s5 =	stileid.u32;
	s3 =	simm.s32 $0x0;
	s14 =	simm.s32 $0x5  }
0x6: {  	s15 =	simm.s32 $0x2780;
	s16 =	simm.s32 $0x4F00;
	s17 =	simm.s32 $0x50  }
0x7: {  	s18 =	simm.s32 $0xEB80;
	s19 =	simm.s32 $0x11380;
	s20 =	simm.s32 $0x13B80  }
0x8: {  	s21 =	simm.s32 $0x16380;
	s22 =	simm.s32 $0x1;
	s23 =	simm.s32 $0x2  }
0x9: {  	s24 =	simm.s32 $0x18B80;
	s25 =	simm.s32 $0x3;
	s26 =	simm.s32 $0x4  }
0xa: {  	v0 =	vlaneseq.u32;
	s28 =	simm.s32 $0x0;
	s9 =	sand.u32 $0x1, s4;
	s29 =	sshll.u32 s5, $0x1  }
0xb: {  	[smem:$0x7FF] =	sst s3;
	s5 =	sadd.s32 $0x6800, s0;
	v0 =	vmul.u32 $0x80, v0;
	s7 =	sor.u32 s9, s29  }
0xc: {  	s6 =	sadd.s32 $0x5400, s0;
	s8 =	sadd.s32 $0x50FA00, s0;
	s4 =	smul.u32 $0x2710, s7  }
0xd: {  	v1 =	vimm.f32 $0.0e+00;
	_ =	strace $0x80000047;
	s30 =	ssub.s32 $0x2, s9;
	s11 =	smul.u32 $0x138800, s7;
	v2 =	vor.u32 $0x1, v0;
	v3 =	vor.u32 $0x2, v0  }
0xe: {  	[dreg:$0x5] =	wrdreg s6;
	s7 =	sadd.s32 $0x2DA00, s0;
	s9 =	sshrl.u32 s30, $0x1;
	v4 =	vor.u32 $0x800, v0;
	v5 =	vor.u32 $0x801, v0;
	v6 =	vor.u32 $0x802, v0  }
0xf: {  	v7 =	vor.u32 $0x1000, v0;
	v8 =	vor.u32 $0x1001, v0;
	v9 =	vor.u32 $0x1002, v0;
	s0 =	ssub.s32 s30, s9;
	s12 =	sshrl.u32 s4, $0x3;
	s11 =	sshrl.u32 s11, $0x3  }
0x10: {  	v10 =	vor.u32 $0x1800, v0;
	v11 =	vor.u32 $0x1801, v0;
	v12 =	vor.u32 $0x1802, v0;
	s13 =	smax.u32 s0, $0x1;
	s9 =	sadd.s32 s2, s12;
	s31 =	sadd.s32 $0x26C00, s11  }
0x11: {  	v13 =	vor.u32 $0x2000, v0;
	v14 =	vor.u32 $0x2001, v0;
	v15 =	vor.u32 $0x2002, v0;
	s10 =	sadd.s32 s10, s12;
	s11 =	sadd.s32 s7, s31;
	s12 =	sadd.s32 s8, s31  }
.LBB2_1:
0x12: {  	[tilespmem:s3], [sflag:$0x5] =	stream.linear.gather [hbm4b:s9+s3], $0x2710, $0x38;
	[tilespmem:$0x1B380] =	vst v63  }
0x13: {  	_ =	swait.ge [sflag:s14], $0x2710  }
0x14: {  	[sflag:s14] =	ssyncset.done $0x0  }
0x15: {  	[sflag:s14] =	ssyncadd.s32 $0xFFFFD8F0  }
0x16: {  	[tilespmem:s15], [sflag:$0x5] =	stream.linear.gather [hbm4b:s10+s3], $0x2710, $0x38;
	[tilespmem:$0x1B380] =	vst v63  }
0x17: {  	_ =	swait.ge [sflag:s14], $0x2710  }
0x18: {  	[sflag:s14] =	ssyncset.done $0x0  }
0x19: {  	s0 =	rddreg [dreg:$0x5];
	[sflag:s14] =	ssyncadd.s32 $0xFFFFD8F0  }
0x1a: {  	[tilespmem:s16], [sflag:$0x5] =	stream.linear.gather [hbm4b:s0+s3], $0x9C80, $0x38;
	[tilespmem:$0x1B380] =	vst v63  }
0x1b: {  	_ =	swait.ge [sflag:s14], $0x9C80  }
0x1c: {  	[sflag:s14] =	ssyncset.done $0x0  }
0x1d: {  	s2 =	simm.s32 $0x0;
	s0 =	simm.s32 $0x200;
	[sflag:s14] =	ssyncadd.s32 $0xFFFF6380  }
.LBB2_2:
0x1e: {  	p0 =	sne.s32 s0, $0x9E00;
	[tilespmem:s2+$0x18B80] =	vst v1;
	s2 =	smov.u32 s0;
	s0 =	sadd.s32 $0x200, s0  }
.Ltmp0:
0x1f: {  	(pc) =	sbr.rel @p0 .LBB2_2-.Ltmp0, $2  }
0x20: {  	_ =	sdelay $0x2  }
0x21: {  	s2 =	sshra.s32 s2, $0x2  }
0x22: {  	[tilespmem:s2+$0x18B80] =	vst v1;
	s29 =	simm.s32 $0x0  }
0x23: {  	[tilespmem:s18], [sflag:$0x1] =	stream.indirect.gather [hbm4b:s1+s17], $0x80, s29, s17, $0xb8;
	[tilespmem:$0x1B380] =	vst v63  }
0x24: {  	_ = 	snop  }
0x25: {  	[tilespmem:s19], [sflag:$0x2] =	stream.indirect.gather [hbm4b:s5+s17], $0x80, s15, s17, $0xb8;
	[tilespmem:$0x1B380] =	vst v63  }
.LBB2_4:
0x26: {  	s31 =	smul.u32 $0xA0, s29;
	_ =	sdelay $0x1  }
0x27: {  	s30 =	sadd.s32 $0x50, s31  }
0x28: {  	[tilespmem:s20], [sflag:$0x3] =	stream.indirect.gather [hbm4b:s1+s17], $0x80, s30, s17, $0xb8;
	[tilespmem:$0x1B380] =	vst v63  }
0x29: {  	s0 =	sadd.s32 $0x27D0, s31  }
0x2a: {  	[tilespmem:s21], [sflag:$0x4] =	stream.indirect.gather [hbm4b:s5+s17], $0x80, s0, s17, $0xb8;
	[tilespmem:$0x1B380] =	vst v63  }
0x2b: {  	_ =	swait.ge [sflag:s22], $0x2800  }
0x2c: {  	[sflag:s22] =	ssyncset.done $0x0  }
0x2d: {  	[sflag:s22] =	ssyncadd.s32 $0xFFFFD800  }
0x2e: {  	_ =	swait.ge [sflag:s23], $0x2800  }
0x2f: {  	[sflag:s23] =	ssyncset.done $0x0  }
0x30: {  	[sflag:s23] =	ssyncadd.s32 $0xFFFFD800  }
0x31: {  	v16 =	vld [tilespmem:s31+$0x0]  }
0x32: {  	v17 =	vld [tilespmem:s31+$0x2780];
	_ =	sdelay $0x3  }
0x33: {  	v16 =	vshll.u32 v16, $0x2  }
0x34: {  	v17 =	vshll.u32 v17, $0x2;
	_ =	sdelay $0x3  }
0x35: {  	v18 =	vld.idx.msk [tilespmem:v16+s16+$0x0], $0xffff  }
0x36: {  	v19 =	vld.idx.msk [tilespmem:v17+s16+$0x0], $0xffff;
	_ =	sdelay $0x2  }
0x37: {  	v20 =	vor.u32 $0x1, v16  }
0x38: {  	v21 =	vor.u32 $0x1, v17  }
0x39: {  	v18 =	vsub.f32 v18, v19;
	_ =	sdelay $0x1  }
0x3a: {  	[tilespmem:v0+s24+$0x0] =	vst.idx.msk $0xffff, v18  }
0x3b: {  	v18 =	vld.idx.msk [tilespmem:v20+s16+$0x0], $0xffff  }
0x3c: {  	v19 =	vld.idx.msk [tilespmem:v21+s16+$0x0], $0xffff;
	_ =	sdelay $0x2  }
0x3d: {  	v16 =	vor.u32 $0x2, v16  }
0x3e: {  	v17 =	vor.u32 $0x2, v17  }
0x3f: {  	v18 =	vsub.f32 v18, v19;
	_ =	sdelay $0x1  }
0x40: {  	[tilespmem:v2+s24+$0x0] =	vst.idx.msk $0xffff, v18  }
0x41: {  	v16 =	vld.idx.msk [tilespmem:v16+s16+$0x0], $0xffff  }
0x42: {  	v17 =	vld.idx.msk [tilespmem:v17+s16+$0x0], $0xffff;
	_ =	sdelay $0x4  }
0x43: {  	v16 =	vsub.f32 v16, v17;
	_ =	sdelay $0x1  }
0x44: {  	[tilespmem:v3+s24+$0x0] =	vst.idx.msk $0xffff, v16  }
0x45: {  	v16 =	vld [tilespmem:s31+$0x10]  }
0x46: {  	v17 =	vld [tilespmem:s31+$0x2790];
	_ =	sdelay $0x3  }
0x47: {  	v16 =	vshll.u32 v16, $0x2  }
0x48: {  	v17 =	vshll.u32 v17, $0x2;
	_ =	sdelay $0x3  }
0x49: {  	v18 =	vld.idx.msk [tilespmem:v16+s16+$0x0], $0xffff  }
0x4a: {  	v19 =	vld.idx.msk [tilespmem:v17+s16+$0x0], $0xffff;
	_ =	sdelay $0x2  }
0x4b: {  	v20 =	vor.u32 $0x1, v16  }
0x4c: {  	v21 =	vor.u32 $0x1, v17  }
0x4d: {  	v18 =	vsub.f32 v18, v19;
	_ =	sdelay $0x1  }
0x4e: {  	[tilespmem:v4+s24+$0x0] =	vst.idx.msk $0xffff, v18  }
0x4f: {  	v18 =	vld.idx.msk [tilespmem:v20+s16+$0x0], $0xffff  }
0x50: {  	v19 =	vld.idx.msk [tilespmem:v21+s16+$0x0], $0xffff;
	_ =	sdelay $0x2  }
0x51: {  	v16 =	vor.u32 $0x2, v16  }
0x52: {  	v17 =	vor.u32 $0x2, v17  }
0x53: {  	v18 =	vsub.f32 v18, v19;
	_ =	sdelay $0x1  }
0x54: {  	[tilespmem:v5+s24+$0x0] =	vst.idx.msk $0xffff, v18  }
0x55: {  	v16 =	vld.idx.msk [tilespmem:v16+s16+$0x0], $0xffff  }
0x56: {  	v17 =	vld.idx.msk [tilespmem:v17+s16+$0x0], $0xffff;
	_ =	sdelay $0x4  }
0x57: {  	v16 =	vsub.f32 v16, v17;
	_ =	sdelay $0x1  }
0x58: {  	[tilespmem:v6+s24+$0x0] =	vst.idx.msk $0xffff, v16  }
0x59: {  	v16 =	vld [tilespmem:s31+$0x20]  }
0x5a: {  	v17 =	vld [tilespmem:s31+$0x27A0];
	_ =	sdelay $0x3  }
0x5b: {  	v16 =	vshll.u32 v16, $0x2  }
0x5c: {  	v17 =	vshll.u32 v17, $0x2;
	_ =	sdelay $0x3  }
0x5d: {  	v18 =	vld.idx.msk [tilespmem:v16+s16+$0x0], $0xffff  }
0x5e: {  	v19 =	vld.idx.msk [tilespmem:v17+s16+$0x0], $0xffff;
	_ =	sdelay $0x2  }
0x5f: {  	v20 =	vor.u32 $0x1, v16  }
0x60: {  	v21 =	vor.u32 $0x1, v17  }
0x61: {  	v18 =	vsub.f32 v18, v19;
	_ =	sdelay $0x1  }
0x62: {  	[tilespmem:v7+s24+$0x0] =	vst.idx.msk $0xffff, v18  }
0x63: {  	v18 =	vld.idx.msk [tilespmem:v20+s16+$0x0], $0xffff  }
0x64: {  	v19 =	vld.idx.msk [tilespmem:v21+s16+$0x0], $0xffff;
	_ =	sdelay $0x2  }
0x65: {  	v16 =	vor.u32 $0x2, v16  }
0x66: {  	v17 =	vor.u32 $0x2, v17  }
0x67: {  	v18 =	vsub.f32 v18, v19;
	_ =	sdelay $0x1  }
0x68: {  	[tilespmem:v8+s24+$0x0] =	vst.idx.msk $0xffff, v18  }
0x69: {  	v16 =	vld.idx.msk [tilespmem:v16+s16+$0x0], $0xffff  }
0x6a: {  	v17 =	vld.idx.msk [tilespmem:v17+s16+$0x0], $0xffff;
	_ =	sdelay $0x4  }
0x6b: {  	v16 =	vsub.f32 v16, v17;
	_ =	sdelay $0x1  }
0x6c: {  	[tilespmem:v9+s24+$0x0] =	vst.idx.msk $0xffff, v16  }
0x6d: {  	v16 =	vld [tilespmem:s31+$0x30]  }
0x6e: {  	v17 =	vld [tilespmem:s31+$0x27B0];
	_ =	sdelay $0x3  }
0x6f: {  	v16 =	vshll.u32 v16, $0x2  }
0x70: {  	v17 =	vshll.u32 v17, $0x2;
	_ =	sdelay $0x3  }
0x71: {  	v18 =	vld.idx.msk [tilespmem:v16+s16+$0x0], $0xffff  }
0x72: {  	v19 =	vld.idx.msk [tilespmem:v17+s16+$0x0], $0xffff;
	_ =	sdelay $0x2  }
0x73: {  	v20 =	vor.u32 $0x1, v16  }
0x74: {  	v21 =	vor.u32 $0x1, v17  }
0x75: {  	v18 =	vsub.f32 v18, v19;
	_ =	sdelay $0x1  }
0x76: {  	[tilespmem:v10+s24+$0x0] =	vst.idx.msk $0xffff, v18  }
0x77: {  	v18 =	vld.idx.msk [tilespmem:v20+s16+$0x0], $0xffff  }
0x78: {  	v19 =	vld.idx.msk [tilespmem:v21+s16+$0x0], $0xffff;
	_ =	sdelay $0x2  }
0x79: {  	v16 =	vor.u32 $0x2, v16  }
0x7a: {  	v17 =	vor.u32 $0x2, v17  }
0x7b: {  	v18 =	vsub.f32 v18, v19;
	_ =	sdelay $0x1  }
0x7c: {  	[tilespmem:v11+s24+$0x0] =	vst.idx.msk $0xffff, v18  }
0x7d: {  	v16 =	vld.idx.msk [tilespmem:v16+s16+$0x0], $0xffff  }
0x7e: {  	v17 =	vld.idx.msk [tilespmem:v17+s16+$0x0], $0xffff;
	_ =	sdelay $0x4  }
0x7f: {  	v16 =	vsub.f32 v16, v17;
	_ =	sdelay $0x1  }
0x80: {  	[tilespmem:v12+s24+$0x0] =	vst.idx.msk $0xffff, v16  }
0x81: {  	v16 =	vld [tilespmem:s31+$0x40]  }
0x82: {  	v17 =	vld [tilespmem:s31+$0x27C0];
	_ =	sdelay $0x3  }
0x83: {  	v16 =	vshll.u32 v16, $0x2  }
0x84: {  	v17 =	vshll.u32 v17, $0x2;
	_ =	sdelay $0x3  }
0x85: {  	v18 =	vld.idx.msk [tilespmem:v16+s16+$0x0], $0xffff  }
0x86: {  	v19 =	vld.idx.msk [tilespmem:v17+s16+$0x0], $0xffff;
	_ =	sdelay $0x2  }
0x87: {  	v20 =	vor.u32 $0x1, v16  }
0x88: {  	v21 =	vor.u32 $0x1, v17  }
0x89: {  	v18 =	vsub.f32 v18, v19;
	_ =	sdelay $0x1  }
0x8a: {  	[tilespmem:v13+s24+$0x0] =	vst.idx.msk $0xffff, v18  }
0x8b: {  	v18 =	vld.idx.msk [tilespmem:v20+s16+$0x0], $0xffff  }
0x8c: {  	v19 =	vld.idx.msk [tilespmem:v21+s16+$0x0], $0xffff;
	_ =	sdelay $0x2  }
0x8d: {  	v16 =	vor.u32 $0x2, v16  }
0x8e: {  	v17 =	vor.u32 $0x2, v17  }
0x8f: {  	v18 =	vsub.f32 v18, v19;
	_ =	sdelay $0x1  }
0x90: {  	[tilespmem:v14+s24+$0x0] =	vst.idx.msk $0xffff, v18  }
0x91: {  	v16 =	vld.idx.msk [tilespmem:v16+s16+$0x0], $0xffff  }
0x92: {  	v17 =	vld.idx.msk [tilespmem:v17+s16+$0x0], $0xffff;
	_ =	sdelay $0x4  }
0x93: {  	v16 =	vsub.f32 v16, v17;
	_ =	sdelay $0x1  }
0x94: {  	s0 =	simm.s32 $0x0;
	[tilespmem:v15+s24+$0x0] =	vst.idx.msk $0xffff, v16  }
0x95: {  	v23 =	vld [tilespmem:s0+$0x11380]  }
0x96: {  	v27 =	vld [tilespmem:s0+$0x11390]  }
0x97: {  	v21 =	vld [tilespmem:s0+$0x113A0]  }
0x98: {  	v20 =	vld [tilespmem:s0+$0x113B0]  }
0x99: {  	v19 =	vld [tilespmem:s0+$0x113C0]  }
0x9a: {  	v18 =	vld [tilespmem:s0+$0x113D0]  }
0x9b: {  	v17 =	vld [tilespmem:s0+$0x113E0]  }
0x9c: {  	v16 =	vld [tilespmem:s0+$0x113F0]  }
0x9d: {  	v28 =	vld [tilespmem:s0+$0xEB80]  }
0x9e: {  	v29 =	vld [tilespmem:s0+$0xEB90]  }
0x9f: {  	v26 =	vld [tilespmem:s0+$0xEBA0]  }
0xa0: {  	v25 =	vld [tilespmem:s0+$0xEBB0]  }
0xa1: {  	v24 =	vld [tilespmem:s0+$0xEBC0]  }
0xa2: {  	v22 =	vld [tilespmem:s0+$0xEBD0];
	v28 =	vadd.f32 v23, v28  }
0xa3: {  	s2 =	simm.s32 $0x200;
	v27 =	vadd.f32 v27, v29;
	v23 =	vld [tilespmem:s0+$0xEBE0]  }
.LBB2_5:
0xa4: {  	s6 =	sshra.s32 s2, $0x2;
	p0 =	sne.s32 s2, $0x9E00;
	[tilespmem:s0+$0xEB80] =	vst v28;
	v21 =	vadd.f32 v21, v26;
	v26 =	vld [tilespmem:s0+$0xEBF0]  }
0xa5: {  	v28 =	vld [tilespmem:s6+$0x11380];
	[tilespmem:s0+$0xEB90] =	vst v27;
	v20 =	vadd.f32 v20, v25  }
0xa6: {  	v27 =	vld [tilespmem:s6+$0x11390];
	[tilespmem:s0+$0xEBA0] =	vst v21;
	v19 =	vadd.f32 v19, v24  }
0xa7: {  	v21 =	vld [tilespmem:s6+$0x113A0];
	[tilespmem:s0+$0xEBB0] =	vst v20;
	v18 =	vadd.f32 v18, v22  }
0xa8: {  	v20 =	vld [tilespmem:s6+$0x113B0];
	[tilespmem:s0+$0xEBC0] =	vst v19;
	v17 =	vadd.f32 v17, v23  }
0xa9: {  	v19 =	vld [tilespmem:s6+$0x113C0];
	[tilespmem:s0+$0xEBD0] =	vst v18;
	v16 =	vadd.f32 v16, v26  }
0xaa: {  	v18 =	vld [tilespmem:s6+$0x113D0];
	[tilespmem:s0+$0xEBE0] =	vst v17  }
0xab: {  	v17 =	vld [tilespmem:s6+$0x113E0];
	[tilespmem:s0+$0xEBF0] =	vst v16;
	s0 =	smov.u32 s6  }
0xac: {  	v16 =	vld [tilespmem:s0+$0x113F0]  }
0xad: {  	v22 =	vld [tilespmem:s0+$0xEB80]  }
0xae: {  	v23 =	vld [tilespmem:s0+$0xEB90]  }
.Ltmp1:
0xaf: {  	v26 =	vld [tilespmem:s0+$0xEBA0];
	(pc) =	sbr.rel @p0 .LBB2_5-.Ltmp1, $4  }
0xb0: {  	v25 =	vld [tilespmem:s0+$0xEBB0]  }
0xb1: {  	v24 =	vld [tilespmem:s0+$0xEBC0]  }
0xb2: {  	v28 =	vadd.f32 v28, v22;
	v22 =	vld [tilespmem:s0+$0xEBD0]  }
0xb3: {  	s2 =	sadd.s32 $0x200, s2;
	v27 =	vadd.f32 v27, v23;
	v23 =	vld [tilespmem:s0+$0xEBE0]  }
0xb4: {  	[tilespmem:s0+$0xEB80] =	vst v28;
	v21 =	vadd.f32 v21, v26;
	v26 =	vld [tilespmem:s0+$0xEBF0]  }
0xb5: {  	[tilespmem:s0+$0xEB90] =	vst v27;
	v20 =	vadd.f32 v20, v25  }
0xb6: {  	[tilespmem:s0+$0xEBA0] =	vst v21;
	v19 =	vadd.f32 v19, v24  }
0xb7: {  	[tilespmem:s0+$0xEBB0] =	vst v20;
	v18 =	vadd.f32 v18, v22  }
0xb8: {  	[tilespmem:s0+$0xEBC0] =	vst v19;
	v17 =	vadd.f32 v17, v23  }
0xb9: {  	s2 =	sadd.s32 s4, s31;
	[tilespmem:s0+$0xEBD0] =	vst v18;
	v16 =	vadd.f32 v16, v26  }
0xba: {  	s2 =	sshll.u32 s2, $0x4;
	[tilespmem:s0+$0xEBE0] =	vst v17  }
0xbb: {  	s6 =	simm.s32 $0x0;
	[tilespmem:s0+$0xEBF0] =	vst v16;
	s0 =	sadd.s32 s7, s2  }
0xbc: {  	[hbm4b:s0+s6] =	stream.linear.scatter [tilespmem:s18], [sflag:$0x5], $0x2800, $0x38;
	[tilespmem:$0x1B380] =	vst v63  }
0xbd: {  	_ =	swait.ge [sflag:s14], $0x2800  }
0xbe: {  	[sflag:s14] =	ssyncset.done $0x0  }
0xbf: {  	s2 =	sadd.s32 s8, s2;
	[sflag:s14] =	ssyncadd.s32 $0xFFFFD800  }
0xc0: {  	[hbm4b:s2+s6] =	stream.linear.scatter [tilespmem:s24], [sflag:$0x5], $0x2800, $0x38;
	[tilespmem:$0x1B380] =	vst v63  }
0xc1: {  	_ =	swait.ge [sflag:s14], $0x2800  }
0xc2: {  	[sflag:s14] =	ssyncset.done $0x0  }
0xc3: {  	s6 =	sadd.s32 $0xA0, s31;
	[sflag:s14] =	ssyncadd.s32 $0xFFFFD800  }
0xc4: {  	[tilespmem:s18], [sflag:$0x1] =	stream.indirect.gather [hbm4b:s1+s17], $0x80, s6, s17, $0xb8;
	[tilespmem:$0x1B380] =	vst v63  }
0xc5: {  	s2 =	sadd.s32 $0x2820, s31  }
0xc6: {  	[tilespmem:s19], [sflag:$0x2] =	stream.indirect.gather [hbm4b:s5+s17], $0x80, s2, s17, $0xb8;
	[tilespmem:$0x1B380] =	vst v63  }
0xc7: {  	_ =	swait.ge [sflag:s25], $0x2800  }
0xc8: {  	[sflag:s25] =	ssyncset.done $0x0  }
0xc9: {  	[sflag:s25] =	ssyncadd.s32 $0xFFFFD800  }
0xca: {  	_ =	swait.ge [sflag:s26], $0x2800  }
0xcb: {  	[sflag:s26] =	ssyncset.done $0x0  }
0xcc: {  	[sflag:s26] =	ssyncadd.s32 $0xFFFFD800  }
0xcd: {  	v16 =	vld [tilespmem:s31+$0x50]  }
0xce: {  	v17 =	vld [tilespmem:s30+$0x2780];
	_ =	sdelay $0x3  }
0xcf: {  	v16 =	vshll.u32 v16, $0x2  }
0xd0: {  	v17 =	vshll.u32 v17, $0x2;
	_ =	sdelay $0x3  }
0xd1: {  	v18 =	vld.idx.msk [tilespmem:v16+s16+$0x0], $0xffff  }
0xd2: {  	v19 =	vld.idx.msk [tilespmem:v17+s16+$0x0], $0xffff;
	_ =	sdelay $0x2  }
0xd3: {  	v20 =	vor.u32 $0x1, v16  }
0xd4: {  	v21 =	vor.u32 $0x1, v17  }
0xd5: {  	v18 =	vsub.f32 v18, v19;
	_ =	sdelay $0x1  }
0xd6: {  	[tilespmem:v0+s24+$0x0] =	vst.idx.msk $0xffff, v18  }
0xd7: {  	v18 =	vld.idx.msk [tilespmem:v20+s16+$0x0], $0xffff  }
0xd8: {  	v19 =	vld.idx.msk [tilespmem:v21+s16+$0x0], $0xffff;
	_ =	sdelay $0x2  }
0xd9: {  	v16 =	vor.u32 $0x2, v16  }
0xda: {  	v17 =	vor.u32 $0x2, v17  }
0xdb: {  	v18 =	vsub.f32 v18, v19;
	_ =	sdelay $0x1  }
0xdc: {  	[tilespmem:v2+s24+$0x0] =	vst.idx.msk $0xffff, v18  }
0xdd: {  	v16 =	vld.idx.msk [tilespmem:v16+s16+$0x0], $0xffff  }
0xde: {  	v17 =	vld.idx.msk [tilespmem:v17+s16+$0x0], $0xffff;
	_ =	sdelay $0x4  }
0xdf: {  	v16 =	vsub.f32 v16, v17;
	_ =	sdelay $0x1  }
0xe0: {  	[tilespmem:v3+s24+$0x0] =	vst.idx.msk $0xffff, v16  }
0xe1: {  	v16 =	vld [tilespmem:s31+$0x60]  }
0xe2: {  	v17 =	vld [tilespmem:s31+$0x27E0];
	_ =	sdelay $0x3  }
0xe3: {  	v16 =	vshll.u32 v16, $0x2  }
0xe4: {  	v17 =	vshll.u32 v17, $0x2;
	_ =	sdelay $0x3  }
0xe5: {  	v18 =	vld.idx.msk [tilespmem:v16+s16+$0x0], $0xffff  }
0xe6: {  	v19 =	vld.idx.msk [tilespmem:v17+s16+$0x0], $0xffff;
	_ =	sdelay $0x2  }
0xe7: {  	v20 =	vor.u32 $0x1, v16  }
0xe8: {  	v21 =	vor.u32 $0x1, v17  }
0xe9: {  	v18 =	vsub.f32 v18, v19;
	_ =	sdelay $0x1  }
0xea: {  	[tilespmem:v4+s24+$0x0] =	vst.idx.msk $0xffff, v18  }
0xeb: {  	v18 =	vld.idx.msk [tilespmem:v20+s16+$0x0], $0xffff  }
0xec: {  	v19 =	vld.idx.msk [tilespmem:v21+s16+$0x0], $0xffff;
	_ =	sdelay $0x2  }
0xed: {  	v16 =	vor.u32 $0x2, v16  }
0xee: {  	v17 =	vor.u32 $0x2, v17  }
0xef: {  	v18 =	vsub.f32 v18, v19;
	_ =	sdelay $0x1  }
0xf0: {  	[tilespmem:v5+s24+$0x0] =	vst.idx.msk $0xffff, v18  }
0xf1: {  	v16 =	vld.idx.msk [tilespmem:v16+s16+$0x0], $0xffff  }
0xf2: {  	v17 =	vld.idx.msk [tilespmem:v17+s16+$0x0], $0xffff;
	_ =	sdelay $0x4  }
0xf3: {  	v16 =	vsub.f32 v16, v17;
	_ =	sdelay $0x1  }
0xf4: {  	[tilespmem:v6+s24+$0x0] =	vst.idx.msk $0xffff, v16  }
0xf5: {  	v16 =	vld [tilespmem:s31+$0x70]  }
0xf6: {  	v17 =	vld [tilespmem:s31+$0x27F0];
	_ =	sdelay $0x3  }
0xf7: {  	v16 =	vshll.u32 v16, $0x2  }
0xf8: {  	v17 =	vshll.u32 v17, $0x2;
	_ =	sdelay $0x3  }
0xf9: {  	v18 =	vld.idx.msk [tilespmem:v16+s16+$0x0], $0xffff  }
0xfa: {  	v19 =	vld.idx.msk [tilespmem:v17+s16+$0x0], $0xffff;
	_ =	sdelay $0x2  }
0xfb: {  	v20 =	vor.u32 $0x1, v16  }
0xfc: {  	v21 =	vor.u32 $0x1, v17  }
0xfd: {  	v18 =	vsub.f32 v18, v19;
	_ =	sdelay $0x1  }
0xfe: {  	[tilespmem:v7+s24+$0x0] =	vst.idx.msk $0xffff, v18  }
0xff: {  	v18 =	vld.idx.msk [tilespmem:v20+s16+$0x0], $0xffff  }
0x100: {  	v19 =	vld.idx.msk [tilespmem:v21+s16+$0x0], $0xffff;
	_ =	sdelay $0x2  }
0x101: {  	v16 =	vor.u32 $0x2, v16  }
0x102: {  	v17 =	vor.u32 $0x2, v17  }
0x103: {  	v18 =	vsub.f32 v18, v19;
	_ =	sdelay $0x1  }
0x104: {  	[tilespmem:v8+s24+$0x0] =	vst.idx.msk $0xffff, v18  }
0x105: {  	v16 =	vld.idx.msk [tilespmem:v16+s16+$0x0], $0xffff  }
0x106: {  	v17 =	vld.idx.msk [tilespmem:v17+s16+$0x0], $0xffff;
	_ =	sdelay $0x4  }
0x107: {  	v16 =	vsub.f32 v16, v17;
	_ =	sdelay $0x1  }
0x108: {  	s6 =	sand.u32 $0x3FE0, s31;
	[tilespmem:v9+s24+$0x0] =	vst.idx.msk $0xffff, v16  }
0x109: {  	v16 =	vld [tilespmem:s6+$0x80]  }
0x10a: {  	v17 =	vld [tilespmem:s6+$0x2800];
	_ =	sdelay $0x3  }
0x10b: {  	v16 =	vshll.u32 v16, $0x2  }
0x10c: {  	v17 =	vshll.u32 v17, $0x2;
	_ =	sdelay $0x3  }
0x10d: {  	v18 =	vld.idx.msk [tilespmem:v16+s16+$0x0], $0xffff  }
0x10e: {  	v19 =	vld.idx.msk [tilespmem:v17+s16+$0x0], $0xffff;
	_ =	sdelay $0x2  }
0x10f: {  	v20 =	vor.u32 $0x1, v16  }
0x110: {  	v21 =	vor.u32 $0x1, v17  }
0x111: {  	v18 =	vsub.f32 v18, v19;
	_ =	sdelay $0x1  }
0x112: {  	[tilespmem:v10+s24+$0x0] =	vst.idx.msk $0xffff, v18  }
0x113: {  	v18 =	vld.idx.msk [tilespmem:v20+s16+$0x0], $0xffff  }
0x114: {  	v19 =	vld.idx.msk [tilespmem:v21+s16+$0x0], $0xffff;
	_ =	sdelay $0x2  }
0x115: {  	v16 =	vor.u32 $0x2, v16  }
0x116: {  	v17 =	vor.u32 $0x2, v17  }
0x117: {  	v18 =	vsub.f32 v18, v19;
	_ =	sdelay $0x1  }
0x118: {  	[tilespmem:v11+s24+$0x0] =	vst.idx.msk $0xffff, v18  }
0x119: {  	v16 =	vld.idx.msk [tilespmem:v16+s16+$0x0], $0xffff  }
0x11a: {  	v17 =	vld.idx.msk [tilespmem:v17+s16+$0x0], $0xffff;
	_ =	sdelay $0x4  }
0x11b: {  	v16 =	vsub.f32 v16, v17;
	_ =	sdelay $0x1  }
0x11c: {  	[tilespmem:v12+s24+$0x0] =	vst.idx.msk $0xffff, v16  }
0x11d: {  	v16 =	vld [tilespmem:s31+$0x90]  }
0x11e: {  	v17 =	vld [tilespmem:s31+$0x2810];
	_ =	sdelay $0x3  }
0x11f: {  	v16 =	vshll.u32 v16, $0x2  }
0x120: {  	v17 =	vshll.u32 v17, $0x2;
	_ =	sdelay $0x3  }
0x121: {  	v18 =	vld.idx.msk [tilespmem:v16+s16+$0x0], $0xffff  }
0x122: {  	v19 =	vld.idx.msk [tilespmem:v17+s16+$0x0], $0xffff;
	_ =	sdelay $0x2  }
0x123: {  	v20 =	vor.u32 $0x1, v16  }
0x124: {  	v21 =	vor.u32 $0x1, v17  }
0x125: {  	v18 =	vsub.f32 v18, v19;
	_ =	sdelay $0x1  }
0x126: {  	[tilespmem:v13+s24+$0x0] =	vst.idx.msk $0xffff, v18  }
0x127: {  	v18 =	vld.idx.msk [tilespmem:v20+s16+$0x0], $0xffff  }
0x128: {  	v19 =	vld.idx.msk [tilespmem:v21+s16+$0x0], $0xffff;
	_ =	sdelay $0x2  }
0x129: {  	v16 =	vor.u32 $0x2, v16  }
0x12a: {  	v17 =	vor.u32 $0x2, v17  }
0x12b: {  	v18 =	vsub.f32 v18, v19;
	_ =	sdelay $0x1  }
0x12c: {  	[tilespmem:v14+s24+$0x0] =	vst.idx.msk $0xffff, v18  }
0x12d: {  	v16 =	vld.idx.msk [tilespmem:v16+s16+$0x0], $0xffff  }
0x12e: {  	v17 =	vld.idx.msk [tilespmem:v17+s16+$0x0], $0xffff;
	_ =	sdelay $0x4  }
0x12f: {  	v16 =	vsub.f32 v16, v17;
	_ =	sdelay $0x1  }
0x130: {  	s0 =	simm.s32 $0x0;
	[tilespmem:v15+s24+$0x0] =	vst.idx.msk $0xffff, v16  }
0x131: {  	v23 =	vld [tilespmem:s0+$0x16380]  }
0x132: {  	v27 =	vld [tilespmem:s0+$0x16390]  }
0x133: {  	v21 =	vld [tilespmem:s0+$0x163A0]  }
0x134: {  	v20 =	vld [tilespmem:s0+$0x163B0]  }
0x135: {  	v19 =	vld [tilespmem:s0+$0x163C0]  }
0x136: {  	v18 =	vld [tilespmem:s0+$0x163D0]  }
0x137: {  	v17 =	vld [tilespmem:s0+$0x163E0]  }
0x138: {  	v16 =	vld [tilespmem:s0+$0x163F0]  }
0x139: {  	v28 =	vld [tilespmem:s0+$0x13B80]  }
0x13a: {  	v29 =	vld [tilespmem:s0+$0x13B90]  }
0x13b: {  	v26 =	vld [tilespmem:s0+$0x13BA0]  }
0x13c: {  	v25 =	vld [tilespmem:s0+$0x13BB0]  }
0x13d: {  	v24 =	vld [tilespmem:s0+$0x13BC0]  }
0x13e: {  	v22 =	vld [tilespmem:s0+$0x13BD0];
	v28 =	vadd.f32 v23, v28  }
0x13f: {  	s2 =	simm.s32 $0x200;
	v27 =	vadd.f32 v27, v29;
	v23 =	vld [tilespmem:s0+$0x13BE0]  }
.LBB2_7:
0x140: {  	s6 =	sshra.s32 s2, $0x2;
	p0 =	sne.s32 s2, $0x9E00;
	[tilespmem:s0+$0x13B80] =	vst v28;
	v21 =	vadd.f32 v21, v26;
	v26 =	vld [tilespmem:s0+$0x13BF0]  }
0x141: {  	v28 =	vld [tilespmem:s6+$0x16380];
	[tilespmem:s0+$0x13B90] =	vst v27;
	v20 =	vadd.f32 v20, v25  }
0x142: {  	v27 =	vld [tilespmem:s6+$0x16390];
	[tilespmem:s0+$0x13BA0] =	vst v21;
	v19 =	vadd.f32 v19, v24  }
0x143: {  	v21 =	vld [tilespmem:s6+$0x163A0];
	[tilespmem:s0+$0x13BB0] =	vst v20;
	v18 =	vadd.f32 v18, v22  }
0x144: {  	v20 =	vld [tilespmem:s6+$0x163B0];
	[tilespmem:s0+$0x13BC0] =	vst v19;
	v17 =	vadd.f32 v17, v23  }
0x145: {  	v19 =	vld [tilespmem:s6+$0x163C0];
	[tilespmem:s0+$0x13BD0] =	vst v18;
	v16 =	vadd.f32 v16, v26  }
0x146: {  	v18 =	vld [tilespmem:s6+$0x163D0];
	[tilespmem:s0+$0x13BE0] =	vst v17  }
0x147: {  	v17 =	vld [tilespmem:s6+$0x163E0];
	[tilespmem:s0+$0x13BF0] =	vst v16;
	s0 =	smov.u32 s6  }
0x148: {  	v16 =	vld [tilespmem:s0+$0x163F0]  }
0x149: {  	v22 =	vld [tilespmem:s0+$0x13B80]  }
0x14a: {  	v23 =	vld [tilespmem:s0+$0x13B90]  }
.Ltmp2:
0x14b: {  	v26 =	vld [tilespmem:s0+$0x13BA0];
	(pc) =	sbr.rel @p0 .LBB2_7-.Ltmp2, $4  }
0x14c: {  	v25 =	vld [tilespmem:s0+$0x13BB0]  }
0x14d: {  	v24 =	vld [tilespmem:s0+$0x13BC0]  }
0x14e: {  	v28 =	vadd.f32 v28, v22;
	v22 =	vld [tilespmem:s0+$0x13BD0]  }
0x14f: {  	s2 =	sadd.s32 $0x200, s2;
	v27 =	vadd.f32 v27, v23;
	v23 =	vld [tilespmem:s0+$0x13BE0]  }
0x150: {  	[tilespmem:s0+$0x13B80] =	vst v28;
	v21 =	vadd.f32 v21, v26;
	v63 =	vld [tilespmem:s0+$0x13BF0]  }
0x151: {  	[tilespmem:s0+$0x13B90] =	vst v27;
	v20 =	vadd.f32 v20, v25  }
0x152: {  	[tilespmem:s0+$0x13BA0] =	vst v21;
	v19 =	vadd.f32 v19, v24  }
0x153: {  	[tilespmem:s0+$0x13BB0] =	vst v20;
	v18 =	vadd.f32 v18, v22  }
0x154: {  	[tilespmem:s0+$0x13BC0] =	vst v19;
	v17 =	vadd.f32 v17, v23  }
0x155: {  	s2 =	sadd.s32 s4, s30;
	[tilespmem:s0+$0x13BD0] =	vst v18;
	v16 =	vadd.f32 v16, v63  }
0x156: {  	s2 =	sshll.u32 s2, $0x4;
	[tilespmem:s0+$0x13BE0] =	vst v17  }
0x157: {  	s30 =	sadd.s32 s7, s2;
	[tilespmem:s0+$0x13BF0] =	vst v16  }
0x158: {  	[hbm4b:s30+s3] =	stream.linear.scatter [tilespmem:s20], [sflag:$0x5], $0x2800, $0x38;
	[tilespmem:$0x1B380] =	vst v63  }
0x159: {  	s29 =	sadd.s32 $0x1, s29;
	_ =	swait.ge [sflag:s14], $0x2800  }
0x15a: {  	p0 =	sne.s32 s29, $0x3E;
	[sflag:s14] =	ssyncset.done $0x0  }
.Ltmp3:
0x15b: {  	s31 =	sadd.s32 s8, s2;
	[sflag:s14] =	ssyncadd.s32 $0xFFFFD800;
	(pc) =	sbr.rel @p0 .LBB2_4-.Ltmp3, $4  }
0x15c: {  	[hbm4b:s31+s3] =	stream.linear.scatter [tilespmem:s24], [sflag:$0x5], $0x2800, $0x38;
	[tilespmem:$0x1B380] =	vst v63  }
0x15d: {  	_ =	swait.ge [sflag:s14], $0x2800  }
0x15e: {  	[sflag:s14] =	ssyncset.done $0x0  }
0x15f: {  	[sflag:s14] =	ssyncadd.s32 $0xFFFFD800  }
0x160: {  	_ =	swait.ge [sflag:s22], $0x2800  }
0x161: {  	[sflag:s22] =	ssyncset.done $0x0  }
0x162: {  	[sflag:s22] =	ssyncadd.s32 $0xFFFFD800  }
0x163: {  	_ =	swait.ge [sflag:s23], $0x2800  }
0x164: {  	[sflag:s23] =	ssyncset.done $0x0  }
0x165: {  	[sflag:s23] =	ssyncadd.s32 $0xFFFFD800  }
0x166: {  	v16 =	vld [tilespmem:$0x26C0]  }
0x167: {  	v17 =	vld [tilespmem:$0x4E40];
	_ =	sdelay $0x3  }
0x168: {  	v16 =	vshll.u32 v16, $0x2  }
0x169: {  	v17 =	vshll.u32 v17, $0x2;
	_ =	sdelay $0x3  }
0x16a: {  	v18 =	vld.idx.msk [tilespmem:v16+s16+$0x0], $0xffff  }
0x16b: {  	v19 =	vld.idx.msk [tilespmem:v17+s16+$0x0], $0xffff;
	_ =	sdelay $0x2  }
0x16c: {  	v20 =	vor.u32 $0x1, v16  }
0x16d: {  	v21 =	vor.u32 $0x1, v17  }
0x16e: {  	v18 =	vsub.f32 v18, v19;
	_ =	sdelay $0x1  }
0x16f: {  	[tilespmem:v0+s24+$0x0] =	vst.idx.msk $0xffff, v18  }
0x170: {  	v18 =	vld.idx.msk [tilespmem:v20+s16+$0x0], $0xffff  }
0x171: {  	v19 =	vld.idx.msk [tilespmem:v21+s16+$0x0], $0xffff;
	_ =	sdelay $0x2  }
0x172: {  	v16 =	vor.u32 $0x2, v16  }
0x173: {  	v17 =	vor.u32 $0x2, v17  }
0x174: {  	v18 =	vsub.f32 v18, v19;
	_ =	sdelay $0x1  }
0x175: {  	[tilespmem:v2+s24+$0x0] =	vst.idx.msk $0xffff, v18  }
0x176: {  	v16 =	vld.idx.msk [tilespmem:v16+s16+$0x0], $0xffff  }
0x177: {  	v17 =	vld.idx.msk [tilespmem:v17+s16+$0x0], $0xffff;
	_ =	sdelay $0x4  }
0x178: {  	v16 =	vsub.f32 v16, v17;
	_ =	sdelay $0x1  }
0x179: {  	[tilespmem:v3+s24+$0x0] =	vst.idx.msk $0xffff, v16  }
0x17a: {  	v16 =	vld [tilespmem:$0x26D0]  }
0x17b: {  	v17 =	vld [tilespmem:$0x4E50];
	_ =	sdelay $0x3  }
0x17c: {  	v16 =	vshll.u32 v16, $0x2  }
0x17d: {  	v17 =	vshll.u32 v17, $0x2;
	_ =	sdelay $0x3  }
0x17e: {  	v18 =	vld.idx.msk [tilespmem:v16+s16+$0x0], $0xffff  }
0x17f: {  	v19 =	vld.idx.msk [tilespmem:v17+s16+$0x0], $0xffff;
	_ =	sdelay $0x2  }
0x180: {  	v20 =	vor.u32 $0x1, v16  }
0x181: {  	v21 =	vor.u32 $0x1, v17  }
0x182: {  	v18 =	vsub.f32 v18, v19;
	_ =	sdelay $0x1  }
0x183: {  	[tilespmem:v4+s24+$0x0] =	vst.idx.msk $0xffff, v18  }
0x184: {  	v18 =	vld.idx.msk [tilespmem:v20+s16+$0x0], $0xffff  }
0x185: {  	v19 =	vld.idx.msk [tilespmem:v21+s16+$0x0], $0xffff;
	_ =	sdelay $0x2  }
0x186: {  	v16 =	vor.u32 $0x2, v16  }
0x187: {  	v17 =	vor.u32 $0x2, v17  }
0x188: {  	v18 =	vsub.f32 v18, v19;
	_ =	sdelay $0x1  }
0x189: {  	[tilespmem:v5+s24+$0x0] =	vst.idx.msk $0xffff, v18  }
0x18a: {  	v16 =	vld.idx.msk [tilespmem:v16+s16+$0x0], $0xffff  }
0x18b: {  	v17 =	vld.idx.msk [tilespmem:v17+s16+$0x0], $0xffff;
	_ =	sdelay $0x4  }
0x18c: {  	v16 =	vsub.f32 v16, v17;
	_ =	sdelay $0x1  }
0x18d: {  	[tilespmem:v6+s24+$0x0] =	vst.idx.msk $0xffff, v16  }
0x18e: {  	v16 =	vld [tilespmem:$0x26E0]  }
0x18f: {  	v17 =	vld [tilespmem:$0x4E60];
	_ =	sdelay $0x3  }
0x190: {  	v16 =	vshll.u32 v16, $0x2  }
0x191: {  	v17 =	vshll.u32 v17, $0x2;
	_ =	sdelay $0x3  }
0x192: {  	v18 =	vld.idx.msk [tilespmem:v16+s16+$0x0], $0xffff  }
0x193: {  	v19 =	vld.idx.msk [tilespmem:v17+s16+$0x0], $0xffff;
	_ =	sdelay $0x2  }
0x194: {  	v20 =	vor.u32 $0x1, v16  }
0x195: {  	v21 =	vor.u32 $0x1, v17  }
0x196: {  	v18 =	vsub.f32 v18, v19;
	_ =	sdelay $0x1  }
0x197: {  	[tilespmem:v7+s24+$0x0] =	vst.idx.msk $0xffff, v18  }
0x198: {  	v18 =	vld.idx.msk [tilespmem:v20+s16+$0x0], $0xffff  }
0x199: {  	v19 =	vld.idx.msk [tilespmem:v21+s16+$0x0], $0xffff;
	_ =	sdelay $0x2  }
0x19a: {  	v16 =	vor.u32 $0x2, v16  }
0x19b: {  	v17 =	vor.u32 $0x2, v17  }
0x19c: {  	v18 =	vsub.f32 v18, v19;
	_ =	sdelay $0x1  }
0x19d: {  	[tilespmem:v8+s24+$0x0] =	vst.idx.msk $0xffff, v18  }
0x19e: {  	v16 =	vld.idx.msk [tilespmem:v16+s16+$0x0], $0xffff  }
0x19f: {  	v17 =	vld.idx.msk [tilespmem:v17+s16+$0x0], $0xffff;
	_ =	sdelay $0x4  }
0x1a0: {  	v16 =	vsub.f32 v16, v17;
	_ =	sdelay $0x1  }
0x1a1: {  	[tilespmem:v9+s24+$0x0] =	vst.idx.msk $0xffff, v16  }
0x1a2: {  	v16 =	vld [tilespmem:$0x26F0]  }
0x1a3: {  	v17 =	vld [tilespmem:$0x4E70];
	_ =	sdelay $0x3  }
0x1a4: {  	v16 =	vshll.u32 v16, $0x2  }
0x1a5: {  	v17 =	vshll.u32 v17, $0x2;
	_ =	sdelay $0x3  }
0x1a6: {  	v18 =	vld.idx.msk [tilespmem:v16+s16+$0x0], $0xffff  }
0x1a7: {  	v19 =	vld.idx.msk [tilespmem:v17+s16+$0x0], $0xffff;
	_ =	sdelay $0x2  }
0x1a8: {  	v20 =	vor.u32 $0x1, v16  }
0x1a9: {  	v21 =	vor.u32 $0x1, v17  }
0x1aa: {  	v18 =	vsub.f32 v18, v19;
	_ =	sdelay $0x1  }
0x1ab: {  	[tilespmem:v10+s24+$0x0] =	vst.idx.msk $0xffff, v18  }
0x1ac: {  	v18 =	vld.idx.msk [tilespmem:v20+s16+$0x0], $0xffff  }
0x1ad: {  	v19 =	vld.idx.msk [tilespmem:v21+s16+$0x0], $0xffff;
	_ =	sdelay $0x2  }
0x1ae: {  	v16 =	vor.u32 $0x2, v16  }
0x1af: {  	v17 =	vor.u32 $0x2, v17  }
0x1b0: {  	v18 =	vsub.f32 v18, v19;
	_ =	sdelay $0x1  }
0x1b1: {  	[tilespmem:v11+s24+$0x0] =	vst.idx.msk $0xffff, v18  }
0x1b2: {  	v16 =	vld.idx.msk [tilespmem:v16+s16+$0x0], $0xffff  }
0x1b3: {  	v17 =	vld.idx.msk [tilespmem:v17+s16+$0x0], $0xffff;
	_ =	sdelay $0x4  }
0x1b4: {  	v16 =	vsub.f32 v16, v17;
	_ =	sdelay $0x1  }
0x1b5: {  	[tilespmem:v12+s24+$0x0] =	vst.idx.msk $0xffff, v16  }
0x1b6: {  	v16 =	vld [tilespmem:$0x2700]  }
0x1b7: {  	v17 =	vld [tilespmem:$0x4E80];
	_ =	sdelay $0x3  }
0x1b8: {  	v16 =	vshll.u32 v16, $0x2  }
0x1b9: {  	v17 =	vshll.u32 v17, $0x2;
	_ =	sdelay $0x3  }
0x1ba: {  	v18 =	vld.idx.msk [tilespmem:v16+s16+$0x0], $0xffff  }
0x1bb: {  	v19 =	vld.idx.msk [tilespmem:v17+s16+$0x0], $0xffff;
	_ =	sdelay $0x2  }
0x1bc: {  	v20 =	vor.u32 $0x1, v16  }
0x1bd: {  	v21 =	vor.u32 $0x1, v17  }
0x1be: {  	v18 =	vsub.f32 v18, v19;
	_ =	sdelay $0x1  }
0x1bf: {  	[tilespmem:v13+s24+$0x0] =	vst.idx.msk $0xffff, v18  }
0x1c0: {  	v18 =	vld.idx.msk [tilespmem:v20+s16+$0x0], $0xffff  }
0x1c1: {  	v19 =	vld.idx.msk [tilespmem:v21+s16+$0x0], $0xffff;
	_ =	sdelay $0x2  }
0x1c2: {  	v16 =	vor.u32 $0x2, v16  }
0x1c3: {  	v17 =	vor.u32 $0x2, v17  }
0x1c4: {  	v18 =	vsub.f32 v18, v19;
	_ =	sdelay $0x1  }
0x1c5: {  	[tilespmem:v14+s24+$0x0] =	vst.idx.msk $0xffff, v18  }
0x1c6: {  	v16 =	vld.idx.msk [tilespmem:v16+s16+$0x0], $0xffff  }
0x1c7: {  	v17 =	vld.idx.msk [tilespmem:v17+s16+$0x0], $0xffff;
	_ =	sdelay $0x4  }
0x1c8: {  	v16 =	vsub.f32 v16, v17;
	_ =	sdelay $0x1  }
0x1c9: {  	s0 =	simm.s32 $0x0;
	[tilespmem:v15+s24+$0x0] =	vst.idx.msk $0xffff, v16  }
0x1ca: {  	v23 =	vld [tilespmem:s0+$0x11380]  }
0x1cb: {  	v27 =	vld [tilespmem:s0+$0x11390]  }
0x1cc: {  	v21 =	vld [tilespmem:s0+$0x113A0]  }
0x1cd: {  	v20 =	vld [tilespmem:s0+$0x113B0]  }
0x1ce: {  	v19 =	vld [tilespmem:s0+$0x113C0]  }
0x1cf: {  	v18 =	vld [tilespmem:s0+$0x113D0]  }
0x1d0: {  	v17 =	vld [tilespmem:s0+$0x113E0]  }
0x1d1: {  	v16 =	vld [tilespmem:s0+$0x113F0]  }
0x1d2: {  	v28 =	vld [tilespmem:s0+$0xEB80]  }
0x1d3: {  	v29 =	vld [tilespmem:s0+$0xEB90]  }
0x1d4: {  	v26 =	vld [tilespmem:s0+$0xEBA0]  }
0x1d5: {  	v25 =	vld [tilespmem:s0+$0xEBB0]  }
0x1d6: {  	v24 =	vld [tilespmem:s0+$0xEBC0]  }
0x1d7: {  	v22 =	vld [tilespmem:s0+$0xEBD0];
	v28 =	vadd.f32 v23, v28  }
0x1d8: {  	s2 =	simm.s32 $0x200;
	v27 =	vadd.f32 v27, v29;
	v23 =	vld [tilespmem:s0+$0xEBE0]  }
.LBB2_10:
0x1d9: {  	s6 =	sshra.s32 s2, $0x2;
	p0 =	sne.s32 s2, $0x9E00;
	[tilespmem:s0+$0xEB80] =	vst v28;
	v21 =	vadd.f32 v21, v26;
	v26 =	vld [tilespmem:s0+$0xEBF0]  }
0x1da: {  	v28 =	vld [tilespmem:s6+$0x11380];
	[tilespmem:s0+$0xEB90] =	vst v27;
	v20 =	vadd.f32 v20, v25  }
0x1db: {  	v27 =	vld [tilespmem:s6+$0x11390];
	[tilespmem:s0+$0xEBA0] =	vst v21;
	v19 =	vadd.f32 v19, v24  }
0x1dc: {  	v21 =	vld [tilespmem:s6+$0x113A0];
	[tilespmem:s0+$0xEBB0] =	vst v20;
	v18 =	vadd.f32 v18, v22  }
0x1dd: {  	v20 =	vld [tilespmem:s6+$0x113B0];
	[tilespmem:s0+$0xEBC0] =	vst v19;
	v17 =	vadd.f32 v17, v23  }
0x1de: {  	v19 =	vld [tilespmem:s6+$0x113C0];
	[tilespmem:s0+$0xEBD0] =	vst v18;
	v16 =	vadd.f32 v16, v26  }
0x1df: {  	v18 =	vld [tilespmem:s6+$0x113D0];
	[tilespmem:s0+$0xEBE0] =	vst v17  }
0x1e0: {  	v17 =	vld [tilespmem:s6+$0x113E0];
	[tilespmem:s0+$0xEBF0] =	vst v16;
	s0 =	smov.u32 s6  }
0x1e1: {  	v16 =	vld [tilespmem:s0+$0x113F0]  }
0x1e2: {  	v22 =	vld [tilespmem:s0+$0xEB80]  }
0x1e3: {  	v23 =	vld [tilespmem:s0+$0xEB90]  }
.Ltmp4:
0x1e4: {  	v26 =	vld [tilespmem:s0+$0xEBA0];
	(pc) =	sbr.rel @p0 .LBB2_10-.Ltmp4, $4  }
0x1e5: {  	v25 =	vld [tilespmem:s0+$0xEBB0]  }
0x1e6: {  	v24 =	vld [tilespmem:s0+$0xEBC0]  }
0x1e7: {  	v28 =	vadd.f32 v28, v22;
	v22 =	vld [tilespmem:s0+$0xEBD0]  }
0x1e8: {  	s2 =	sadd.s32 $0x200, s2;
	v27 =	vadd.f32 v27, v23;
	v23 =	vld [tilespmem:s0+$0xEBE0]  }
0x1e9: {  	[tilespmem:s0+$0xEB80] =	vst v28;
	v21 =	vadd.f32 v21, v26;
	v63 =	vld [tilespmem:s0+$0xEBF0]  }
0x1ea: {  	[tilespmem:s0+$0xEB90] =	vst v27;
	v20 =	vadd.f32 v20, v25  }
0x1eb: {  	[tilespmem:s0+$0xEBA0] =	vst v21;
	v19 =	vadd.f32 v19, v24  }
0x1ec: {  	[tilespmem:s0+$0xEBB0] =	vst v20;
	v18 =	vadd.f32 v18, v22  }
0x1ed: {  	[tilespmem:s0+$0xEBC0] =	vst v19;
	v17 =	vadd.f32 v17, v23  }
0x1ee: {  	[tilespmem:s0+$0xEBD0] =	vst v18;
	v16 =	vadd.f32 v16, v63  }
0x1ef: {  	[tilespmem:s0+$0xEBE0] =	vst v17  }
0x1f0: {  	[tilespmem:s0+$0xEBF0] =	vst v16  }
0x1f1: {  	[hbm4b:s11+s3] =	stream.linear.scatter [tilespmem:s18], [sflag:$0x5], $0x2800, $0x38;
	[tilespmem:$0x1B380] =	vst v63  }
0x1f2: {  	s28 =	sadd.s32 $0x1, s28;
	_ =	swait.ge [sflag:s14], $0x2800  }
0x1f3: {  	p0 =	sne.s32 s28, s13;
	[sflag:s14] =	ssyncset.done $0x0  }
.Ltmp5:
0x1f4: {  	[sflag:s14] =	ssyncadd.s32 $0xFFFFD800;
	(pc) =	sbr.rel @p0 .LBB2_1-.Ltmp5, $4  }
0x1f5: {  	[hbm4b:s12+s3] =	stream.linear.scatter [tilespmem:s24], [sflag:$0x5], $0x2800, $0x38;
	[tilespmem:$0x1B380] =	vst v63  }
0x1f6: {  	_ =	swait.ge [sflag:s14], $0x2800  }
0x1f7: {  	[sflag:s14] =	ssyncset.done $0x0  }
0x1f8: {  	[sflag:s14] =	ssyncadd.s32 $0xFFFFD800  }
0x1f9: {  	_ =	sfence.sel $0x180000  }
0x1fa: {  	[bflag:$0x0] =	sbarrier.arrive $0xFFFF  }
0x1fb: {  	_ =	strace $0x90000047  }
0x1fc: {  	s0 =	stileid.u32;
	[bflag:$0x2] =	sbarrier.arrive $0xFFFF  }
0x1fd: {  	p0 =	sne.s32 s0, $0x0;
	s0 =	rddreg [dreg:$0x4]  }
0x1fe: {  	s0 =	sadd.s32 @!p0 $0x100000, s0  }
0x1ff: {  	[sflag:s0] =	ssyncadd.tile.s32 @!p0 $0x1;
	_ =	shalt  }
.Lfunc_end2:
_tile_overlayer_lowered:
.L_overlay_start_2:
0x200: {  	(tag) =	ssettag $0x2  }
0x201: {  	s0 =	rddreg [dreg:$0x0];
	s2 =	stileid.u32  }
0x202: {  	s1 =	rddreg [dreg:$0x1];
	p0 =	sne.s32 s2, $0x0  }
0x203: {  	s3 =	rddreg [dreg:$0x2];
	[bflag:$0x3] =	sbarrier.arrive $0xFFFF;
	s2 =	simm.s32 @!p0 $0x1C05  }
0x204: {  	[timem:s3], [sflag:s2] =	dma.local @!p0 [hbm:s0], s1  }
0x205: {  	s0 =	simm.s32 @!p0 $0x5  }
0x206: {  	_ =	swait.ge @!p0 [sflag:s0], s1  }
0x207: {  	s1 =	ssub.s32 @!p0 $0x0, s1;
	[sflag:s0] =	ssyncset.done @!p0 $0x0  }
0x208: {  	[sflag:s0] =	ssyncadd.s32 @!p0 s1  }
0x209: {  	[bflag:$0x3] =	sbarrier.arrive $0xFFFF  }
0x20a: {  	_ =	shalt  }

</sc_bundles>
